<compile_context>
chip_gen: v7x
topology: tpu7x:2x2x1
jax: 0.10.2.dev20260603
libtpu: 0.0.44.dev20260713+nightly
codegen_flags: <defaults>
</compile_context>

<pallas_src>
import functools
import math

import jax
import jax.numpy as jnp
from jax import lax
from jax.experimental import pallas as pl
from jax.experimental.pallas import tpu as pltpu
from jax.experimental.pallas import tpu_sc as plsc

D_MODEL = 1024
SCALE = math.sqrt(D_MODEL)
NC = 2
NS = 16
L = 16
NW = NC * NS

N_ROWS = 16384
BATCH = 4
B_PER_W = N_ROWS // NW
CHUNK = 16
N_CHUNKS = B_PER_W // CHUNK
RING = 4
N_OUTER = N_CHUNKS // RING
PE_PER_CHUNK = CHUNK // BATCH


def _sc_embed(x_flat, pe_flat, emb_table):
    mesh = plsc.VectorSubcoreMesh(core_axis_name="c", subcore_axis_name="s")

    @functools.partial(
        pl.kernel,
        out_type=jax.ShapeDtypeStruct((N_ROWS // BATCH, BATCH, D_MODEL),
                                      jnp.float32),
        mesh=mesh,
        scratch_types=[
            pltpu.VMEM((B_PER_W,), jnp.int32),
            pltpu.VMEM((RING, CHUNK, D_MODEL), jnp.float32),
            pltpu.VMEM((RING, PE_PER_CHUNK * D_MODEL), jnp.float32),
        ]
        + [pltpu.SemaphoreType.DMA] * (3 * RING),
    )
    def k(idx_hbm, pe_hbm, table_hbm, out_hbm, idx_v, rows_v, pe_v, *sems):
        gsem = sems[0:RING]
        psem = sems[RING:2 * RING]
        wsem = sems[2 * RING:3 * RING]

        wid = lax.axis_index("c") * NS + lax.axis_index("s")
        base = pl.multiple_of(wid * B_PER_W, B_PER_W)
        pe_base = pl.multiple_of(wid * (B_PER_W // BATCH) * D_MODEL,
                                 (B_PER_W // BATCH) * D_MODEL)

        pltpu.sync_copy(idx_hbm.at[pl.ds(base, B_PER_W)], idx_v)

        def issue_gather(kk, b):
            off = pl.multiple_of(kk * CHUNK, CHUNK)
            pltpu.async_copy(
                table_hbm.at[idx_v.at[pl.ds(off, CHUNK)]],
                rows_v.at[b], gsem[b])

        def wait_gather(kk, b):
            off = pl.multiple_of(kk * CHUNK, CHUNK)
            pltpu.make_async_copy(
                table_hbm.at[idx_v.at[pl.ds(off, CHUNK)]],
                rows_v.at[b], gsem[b]).wait()

        def issue_pe(kk, b):
            off = pl.multiple_of(pe_base + kk * PE_PER_CHUNK * D_MODEL,
                                 PE_PER_CHUNK * D_MODEL)
            pltpu.async_copy(
                pe_hbm.at[pl.ds(off, PE_PER_CHUNK * D_MODEL)],
                pe_v.at[b], psem[b])

        def wait_pe(kk, b):
            off = pl.multiple_of(pe_base + kk * PE_PER_CHUNK * D_MODEL,
                                 PE_PER_CHUNK * D_MODEL)
            pltpu.make_async_copy(
                pe_hbm.at[pl.ds(off, PE_PER_CHUNK * D_MODEL)],
                pe_v.at[b], psem[b]).wait()

        def issue_write(kk, b):
            s0 = pl.multiple_of((base + kk * CHUNK) // BATCH, PE_PER_CHUNK)
            for i in range(PE_PER_CHUNK):
                pltpu.async_copy(rows_v.at[b].at[pl.ds(i * BATCH, BATCH)],
                                 out_hbm.at[s0 + i], wsem[b])

        def wait_write(kk, b):
            s0 = pl.multiple_of((base + kk * CHUNK) // BATCH, PE_PER_CHUNK)
            for i in range(PE_PER_CHUNK):
                pltpu.make_async_copy(rows_v.at[b].at[pl.ds(i * BATCH, BATCH)],
                                      out_hbm.at[s0 + i], wsem[b]).wait()

        def compute_chunk(b):
            rv = rows_v.at[b]
            pv = pe_v.at[b]

            @plsc.parallel_loop(0, D_MODEL, step=L, unroll=4)
            def _(j):
                sl = pl.ds(j, L)
                for p in range(PE_PER_CHUNK):
                    v = pv[pl.ds(p * D_MODEL + j, L)]
                    for r4 in range(BATCH):
                        r = p * BATCH + r4
                        rv[r, sl] = rv[r, sl] * SCALE + v

        for b in range(2):
            issue_gather(b, b)
            issue_pe(b, b)

        @pl.loop(0, N_OUTER)
        def _(j):
            for b in range(RING):
                kk = j * RING + b
                b2 = (b + 2) % RING
                if b < 2:
                    @pl.when(j >= 1)
                    def _():
                        wait_write(kk - 2, b2)
                    issue_gather(kk + 2, b2)
                    issue_pe(kk + 2, b2)
                else:
                    wait_write(kk - 2, b2)

                    @pl.when(j < N_OUTER - 1)
                    def _():
                        issue_gather(kk + 2, b2)
                        issue_pe(kk + 2, b2)
                wait_gather(kk, b)
                wait_pe(kk, b)
                compute_chunk(b)
                issue_write(kk, b)

        for b in (2, 3):
            wait_write(N_CHUNKS - 4 + b, b)

    return k(x_flat, pe_flat, emb_table)


def kernel(x, emb_table, pos_enc):
    x_flat = x.reshape(-1)
    pe_flat = pos_enc.reshape(-1)
    return _sc_embed(x_flat, pe_flat, emb_table)

# --- scband reference (transcript-rebuilt; emitter-appended) ---
"""Pipeline reference for scband-embeddings-with-learned-positional-encoding-62105227100909 (READ-ONLY COPY).

The authoritative reference and input builder live on the scoring server;
editing this copy changes nothing except your own understanding.
"""

import math
import jax, jax.numpy as jnp
import numpy as np

D_MODEL = 1024
N_VOCAB = 100000
MAX_LEN = 8192
SEQ_LEN = 4096
BATCH = 4

def setup_inputs(seed: int = 0) -> dict:
    key = jax.random.key(seed)
    k1, k2, k3 = jax.random.split(key, 3)
    x = jax.random.randint(k1, (SEQ_LEN, BATCH), 0, N_VOCAB, dtype=jnp.int64 if jax.config.jax_enable_x64 else jnp.int32).astype(jnp.int32)
    emb_table = jax.random.normal(k2, (N_VOCAB, D_MODEL), dtype=jnp.float32)
    # nn.Parameter(torch.zeros(...)) -> zeros init
    pos_enc = jnp.zeros((MAX_LEN, 1, D_MODEL), dtype=jnp.float32)
    return {"x": x, "emb_table": emb_table, "pos_enc": pos_enc}

def reference(x, emb_table, pos_enc):
    # pe = self.positional_encoding[:x.shape[0]]
    pe = pos_enc[: x.shape[0]]  # [S, 1, D]
    # x = self.embeddings(x) * sqrt(d_model)
    emb = jnp.take(emb_table, x, axis=0) * math.sqrt(D_MODEL)  # [S, B, D]
    out = emb + pe  # broadcast over batch dim
    return out

if __name__ == "__main__":
    import jax
    _d = setup_inputs()
    print(jax.jit(kernel)(*tuple(_d.values())))

</pallas_src>

<mosaic_0001>
#map = affine_map<(d0, d1) -> (0)>
#map1 = affine_map<(d0, d1) -> (0, 0)>
#map2 = affine_map<(d0, d1) -> (0, 0, 0)>
module attributes {stable_mosaic.version = 14 : i64} {
  func.func @k(%arg0: i32, %arg1: i32, %arg2: memref<16384xi32, #tpu.memory_space<hbm>>, %arg3: memref<8388608xf32, #tpu.memory_space<hbm>>, %arg4: memref<100000x1024xf32, #tpu.memory_space<hbm>>, %arg5: memref<4096x4x1024xf32, #tpu.memory_space<hbm>>, %arg6: memref<512xi32, #tpu.memory_space<vmem>>, %arg7: memref<4x16x1024xf32, #tpu.memory_space<vmem>>, %arg8: memref<4x4096xf32, #tpu.memory_space<vmem>>, %arg9: memref<!tpu.dma_semaphore, #tpu.memory_space<semaphore_mem>>, %arg10: memref<!tpu.dma_semaphore, #tpu.memory_space<semaphore_mem>>, %arg11: memref<!tpu.dma_semaphore, #tpu.memory_space<semaphore_mem>>, %arg12: memref<!tpu.dma_semaphore, #tpu.memory_space<semaphore_mem>>, %arg13: memref<!tpu.dma_semaphore, #tpu.memory_space<semaphore_mem>>, %arg14: memref<!tpu.dma_semaphore, #tpu.memory_space<semaphore_mem>>, %arg15: memref<!tpu.dma_semaphore, #tpu.memory_space<semaphore_mem>>, %arg16: memref<!tpu.dma_semaphore, #tpu.memory_space<semaphore_mem>>, %arg17: memref<!tpu.dma_semaphore, #tpu.memory_space<semaphore_mem>>, %arg18: memref<!tpu.dma_semaphore, #tpu.memory_space<semaphore_mem>>, %arg19: memref<!tpu.dma_semaphore, #tpu.memory_space<semaphore_mem>>, %arg20: memref<!tpu.dma_semaphore, #tpu.memory_space<semaphore_mem>>) attributes {dimension_semantics = [#tpu.dimension_semantics<core_parallel>, #tpu.dimension_semantics<subcore_parallel>], iteration_bounds = array<i64: 2, 16>, scalar_prefetch = 0 : i64, scratch_operands = 15 : i64, tpu.core_type = #tpu.core_type<sc_vector_subcore>, window_params = [{transform_indices = #map}, {transform_indices = #map}, {transform_indices = #map1}, {transform_indices = #map2}]} {
    %mul3A = arith.constant 16 : i32
    %mul3A_0 = arith.muli %arg0, %mul3A : i32
    %add3A = arith.addi %mul3A_0, %arg1 : i32
    %mul3A_1 = arith.constant 512 : i32
    %mul3A_2 = arith.muli %add3A, %mul3A_1 : i32
    %multiple_of3A = tpu.assume_multiple %mul3A_2, 512 : i32
    %mul3A_3 = arith.constant 128 : i32
    %mul3A_4 = arith.muli %add3A, %mul3A_3 : i32
    %mul3A_5 = arith.constant 1024 : i32
    %mul3A_6 = arith.muli %mul3A_4, %mul3A_5 : i32
    %multiple_of3A_7 = tpu.assume_multiple %mul3A_6, 131072 : i32
    "tpu.region"() ({
      %run_scoped3A = tpu.sem_alloc : memref<!tpu.dma_semaphore, #tpu.memory_space<semaphore_mem>>
      %dma_start3A_302 = tpu.memref_slice %arg2[%multiple_of3A] : memref<16384xi32, #tpu.memory_space<hbm>> -> memref<512xi32, #tpu.memory_space<hbm>>
      %dma_start3A_303 = tpu.memref_slice %arg2[%multiple_of3A] : memref<16384xi32, #tpu.memory_space<hbm>> -> memref<512xi32, #tpu.memory_space<hbm>>
      tpu.enqueue_dma source(%dma_start3A_303 : memref<512xi32, #tpu.memory_space<hbm>>) target(%arg6 : memref<512xi32, #tpu.memory_space<vmem>>) target_semaphore(%run_scoped3A : memref<!tpu.dma_semaphore, #tpu.memory_space<semaphore_mem>>)
      %dma_wait3A_304 = tpu.memref_slice %arg2[%multiple_of3A] : memref<16384xi32, #tpu.memory_space<hbm>> -> memref<512xi32, #tpu.memory_space<hbm>>
      %dma_wait3A_305 = tpu.memref_slice %arg2[%multiple_of3A] : memref<16384xi32, #tpu.memory_space<hbm>> -> memref<512xi32, #tpu.memory_space<hbm>>
      tpu.wait_dma2 semaphore(%run_scoped3A : memref<!tpu.dma_semaphore, #tpu.memory_space<semaphore_mem>>) src(%dma_wait3A_305 : memref<512xi32, #tpu.memory_space<hbm>>) dst(%arg6 : memref<512xi32, #tpu.memory_space<vmem>>)
      tpu.yield
    }) : () -> ()
    %multiple_of3A_8 = arith.constant 0 : i32
    %multiple_of3A_9 = tpu.assume_multiple %multiple_of3A_8, 16 : i32
    %dma_start3A = arith.constant 0 : i32
    %dma_start3A_10 = arith.constant 0 : i32
    %dma_start3A_11 = arith.constant 0 : i32
    %dma_start3A_12 = tpu.memref_slice %arg7[%dma_start3A, %dma_start3A_10, %dma_start3A_11] : memref<4x16x1024xf32, #tpu.memory_space<vmem>> -> memref<1x16x1024xf32, #tpu.memory_space<vmem>>
    %dma_start3A_13 = tpu.memref_squeeze %dma_start3A_12 : memref<1x16x1024xf32, #tpu.memory_space<vmem>> -> memref<16x1024xf32, #tpu.memory_space<vmem>>
    %dma_start3A_14 = tpu.memref_slice %arg6[%multiple_of3A_9] : memref<512xi32, #tpu.memory_space<vmem>> -> memref<16xi32, #tpu.memory_space<vmem>>
    %dma_start3A_15 = arith.constant 0 : i32
    %dma_start3A_16 = arith.constant 0 : i32
    %dma_start3A_17 = tpu.memref_slice %arg4[%dma_start3A_15, %dma_start3A_16] : memref<100000x1024xf32, #tpu.memory_space<hbm>> -> memref<100000x1024xf32, #tpu.memory_space<hbm>>
    tpu.enqueue_indirect_dma source(%dma_start3A_17 : memref<100000x1024xf32, #tpu.memory_space<hbm>>) target(%dma_start3A_13 : memref<16x1024xf32, #tpu.memory_space<vmem>>) offsets(%dma_start3A_14 : memref<16xi32, #tpu.memory_space<vmem>>) semaphore(%arg9 : memref<!tpu.dma_semaphore, #tpu.memory_space<semaphore_mem>>)
    %add3A_18 = arith.constant 0 : i32
    %add3A_19 = arith.addi %multiple_of3A_7, %add3A_18 : i32
    %multiple_of3A_20 = tpu.assume_multiple %add3A_19, 4096 : i32
    %dma_start3A_21 = arith.constant 0 : i32
    %dma_start3A_22 = arith.constant 0 : i32
    %dma_start3A_23 = tpu.memref_slice %arg8[%dma_start3A_21, %dma_start3A_22] : memref<4x4096xf32, #tpu.memory_space<vmem>> -> memref<1x4096xf32, #tpu.memory_space<vmem>>
    %dma_start3A_24 = tpu.memref_squeeze %dma_start3A_23 : memref<1x4096xf32, #tpu.memory_space<vmem>> -> memref<4096xf32, #tpu.memory_space<vmem>>
    %dma_start3A_25 = tpu.memref_slice %arg3[%multiple_of3A_20] : memref<8388608xf32, #tpu.memory_space<hbm>> -> memref<4096xf32, #tpu.memory_space<hbm>>
    %dma_start3A_26 = arith.constant 0 : i32
    %dma_start3A_27 = tpu.memref_slice %arg8[%dma_start3A_21, %dma_start3A_26] : memref<4x4096xf32, #tpu.memory_space<vmem>> -> memref<1x4096xf32, #tpu.memory_space<vmem>>
    %dma_start3A_28 = tpu.memref_squeeze %dma_start3A_27 : memref<1x4096xf32, #tpu.memory_space<vmem>> -> memref<4096xf32, #tpu.memory_space<vmem>>
    %dma_start3A_29 = tpu.memref_slice %arg3[%multiple_of3A_20] : memref<8388608xf32, #tpu.memory_space<hbm>> -> memref<4096xf32, #tpu.memory_space<hbm>>
    tpu.enqueue_dma source(%dma_start3A_29 : memref<4096xf32, #tpu.memory_space<hbm>>) target(%dma_start3A_28 : memref<4096xf32, #tpu.memory_space<vmem>>) target_semaphore(%arg13 : memref<!tpu.dma_semaphore, #tpu.memory_space<semaphore_mem>>)
    %multiple_of3A_30 = arith.constant 16 : i32
    %multiple_of3A_31 = tpu.assume_multiple %multiple_of3A_30, 16 : i32
    %dma_start3A_32 = arith.constant 1 : i32
    %dma_start3A_33 = arith.constant 0 : i32
    %dma_start3A_34 = arith.constant 0 : i32
    %dma_start3A_35 = tpu.memref_slice %arg7[%dma_start3A_32, %dma_start3A_33, %dma_start3A_34] : memref<4x16x1024xf32, #tpu.memory_space<vmem>> -> memref<1x16x1024xf32, #tpu.memory_space<vmem>>
    %dma_start3A_36 = tpu.memref_squeeze %dma_start3A_35 : memref<1x16x1024xf32, #tpu.memory_space<vmem>> -> memref<16x1024xf32, #tpu.memory_space<vmem>>
    %dma_start3A_37 = tpu.memref_slice %arg6[%multiple_of3A_31] : memref<512xi32, #tpu.memory_space<vmem>> -> memref<16xi32, #tpu.memory_space<vmem>>
    %dma_start3A_38 = arith.constant 0 : i32
    %dma_start3A_39 = arith.constant 0 : i32
    %dma_start3A_40 = tpu.memref_slice %arg4[%dma_start3A_38, %dma_start3A_39] : memref<100000x1024xf32, #tpu.memory_space<hbm>> -> memref<100000x1024xf32, #tpu.memory_space<hbm>>
    tpu.enqueue_indirect_dma source(%dma_start3A_40 : memref<100000x1024xf32, #tpu.memory_space<hbm>>) target(%dma_start3A_36 : memref<16x1024xf32, #tpu.memory_space<vmem>>) offsets(%dma_start3A_37 : memref<16xi32, #tpu.memory_space<vmem>>) semaphore(%arg10 : memref<!tpu.dma_semaphore, #tpu.memory_space<semaphore_mem>>)
    %add3A_41 = arith.constant 4096 : i32
    %add3A_42 = arith.addi %multiple_of3A_7, %add3A_41 : i32
    %multiple_of3A_43 = tpu.assume_multiple %add3A_42, 4096 : i32
    %dma_start3A_44 = arith.constant 1 : i32
    %dma_start3A_45 = arith.constant 0 : i32
    %dma_start3A_46 = tpu.memref_slice %arg8[%dma_start3A_44, %dma_start3A_45] : memref<4x4096xf32, #tpu.memory_space<vmem>> -> memref<1x4096xf32, #tpu.memory_space<vmem>>
    %dma_start3A_47 = tpu.memref_squeeze %dma_start3A_46 : memref<1x4096xf32, #tpu.memory_space<vmem>> -> memref<4096xf32, #tpu.memory_space<vmem>>
    %dma_start3A_48 = tpu.memref_slice %arg3[%multiple_of3A_43] : memref<8388608xf32, #tpu.memory_space<hbm>> -> memref<4096xf32, #tpu.memory_space<hbm>>
    %dma_start3A_49 = arith.constant 0 : i32
    %dma_start3A_50 = tpu.memref_slice %arg8[%dma_start3A_44, %dma_start3A_49] : memref<4x4096xf32, #tpu.memory_space<vmem>> -> memref<1x4096xf32, #tpu.memory_space<vmem>>
    %dma_start3A_51 = tpu.memref_squeeze %dma_start3A_50 : memref<1x4096xf32, #tpu.memory_space<vmem>> -> memref<4096xf32, #tpu.memory_space<vmem>>
    %dma_start3A_52 = tpu.memref_slice %arg3[%multiple_of3A_43] : memref<8388608xf32, #tpu.memory_space<hbm>> -> memref<4096xf32, #tpu.memory_space<hbm>>
    tpu.enqueue_dma source(%dma_start3A_52 : memref<4096xf32, #tpu.memory_space<hbm>>) target(%dma_start3A_51 : memref<4096xf32, #tpu.memory_space<vmem>>) target_semaphore(%arg14 : memref<!tpu.dma_semaphore, #tpu.memory_space<semaphore_mem>>)
    %scan3A = arith.constant 0 : i32
    %scan3A_53 = arith.constant 8 : i32
    %scan3A_54 = arith.addi %scan3A, %scan3A_53 : i32
    %scan3A_55 = arith.constant 1 : i32
    scf.for %scan3A_302 = %scan3A to %scan3A_54 step %scan3A_55  : i32 {
      %mul3A_303 = arith.constant 1 : i32
      %mul3A_304 = arith.muli %scan3A_302, %mul3A_303 : i32
      %add3A_305 = arith.constant 0 : i32
      %add3A_306 = arith.addi %add3A_305, %mul3A_304 : i32
      %mul3A_307 = arith.constant 4 : i32
      %mul3A_308 = arith.muli %add3A_306, %mul3A_307 : i32
      %add3A_309 = arith.constant 0 : i32
      %add3A_310 = arith.addi %mul3A_308, %add3A_309 : i32
      %ge3A = arith.constant 1 : i32
      %ge3A_311 = arith.cmpi sge, %add3A_306, %ge3A : i32
      %convert_element_type3A = arith.extui %ge3A_311 : i1 to i32
      %cond3A = arith.constant 0 : i32
      %cond3A_312 = arith.cmpi ne, %convert_element_type3A, %cond3A : i32
      scf.if %cond3A_312 {
        %sub3A_1300 = arith.constant 2 : i32
        %sub3A_1301 = arith.subi %add3A_310, %sub3A_1300 : i32
        %mul3A_1302 = arith.constant 16 : i32
        %mul3A_1303 = arith.muli %sub3A_1301, %mul3A_1302 : i32
        %add3A_1304 = arith.addi %multiple_of3A, %mul3A_1303 : i32
        %jit3A_1305 = arith.constant 4 : i32
        %div3A_1306 = arith.divsi %add3A_1304, %jit3A_1305 : i32
        %sign3A_1307 = arith.constant 0 : i32
        %sign3A_1308 = arith.cmpi sgt, %add3A_1304, %sign3A_1307 : i32
        %sign3A_1309 = arith.extui %sign3A_1308 : i1 to i32
        %sign3A_1310 = arith.constant 0 : i32
        %sign3A_1311 = arith.cmpi slt, %add3A_1304, %sign3A_1310 : i32
        %sign3A_1312 = arith.extui %sign3A_1311 : i1 to i32
        %sign3A_1313 = arith.subi %sign3A_1309, %sign3A_1312 : i32
        %sign3A_1314 = arith.constant 0 : i32
        %sign3A_1315 = arith.cmpi sgt, %jit3A_1305, %sign3A_1314 : i32
        %sign3A_1316 = arith.extui %sign3A_1315 : i1 to i32
        %sign3A_1317 = arith.constant 0 : i32
        %sign3A_1318 = arith.cmpi slt, %jit3A_1305, %sign3A_1317 : i32
        %sign3A_1319 = arith.extui %sign3A_1318 : i1 to i32
        %sign3A_1320 = arith.subi %sign3A_1316, %sign3A_1319 : i32
        %ne3A_1321 = arith.cmpi ne, %sign3A_1313, %sign3A_1320 : i32
        %rem3A_1322 = arith.remsi %add3A_1304, %jit3A_1305 : i32
        %ne3A_1323 = arith.constant 0 : i32
        %ne3A_1324 = arith.cmpi ne, %rem3A_1322, %ne3A_1323 : i32
        %and3A_1325 = arith.andi %ne3A_1321, %ne3A_1324 : i1
        %sub3A_1326 = arith.constant 1 : i32
        %sub3A_1327 = arith.subi %div3A_1306, %sub3A_1326 : i32
        %select_n3A_1328 = arith.select %and3A_1325, %sub3A_1327, %div3A_1306 : i32
        %multiple_of3A_1329 = tpu.assume_multiple %select_n3A_1328, 4 : i32
        %add3A_1330 = arith.constant 0 : i32
        %add3A_1331 = arith.addi %multiple_of3A_1329, %add3A_1330 : i32
        %dma_wait3A_1332 = arith.constant 2 : i32
        %dma_wait3A_1333 = arith.constant 0 : i32
        %dma_wait3A_1334 = arith.constant 0 : i32
        %dma_wait3A_1335 = tpu.memref_slice %arg7[%dma_wait3A_1332, %dma_wait3A_1333, %dma_wait3A_1334] : memref<4x16x1024xf32, #tpu.memory_space<vmem>> -> memref<1x16x1024xf32, #tpu.memory_space<vmem>>
        %dma_wait3A_1336 = tpu.memref_squeeze %dma_wait3A_1335 : memref<1x16x1024xf32, #tpu.memory_space<vmem>> -> memref<16x1024xf32, #tpu.memory_space<vmem>>
        %dma_wait3A_1337 = arith.constant 0 : i32
        %dma_wait3A_1338 = arith.constant 0 : i32
        %dma_wait3A_1339 = tpu.memref_slice %dma_wait3A_1336[%dma_wait3A_1337, %dma_wait3A_1338] : memref<16x1024xf32, #tpu.memory_space<vmem>> -> memref<4x1024xf32, #tpu.memory_space<vmem>>
        %dma_wait3A_1340 = arith.constant 0 : i32
        %dma_wait3A_1341 = arith.constant 0 : i32
        %dma_wait3A_1342 = tpu.memref_slice %arg5[%add3A_1331, %dma_wait3A_1340, %dma_wait3A_1341] : memref<4096x4x1024xf32, #tpu.memory_space<hbm>> -> memref<1x4x1024xf32, #tpu.memory_space<hbm>>
        %dma_wait3A_1343 = tpu.memref_squeeze %dma_wait3A_1342 : memref<1x4x1024xf32, #tpu.memory_space<hbm>> -> memref<4x1024xf32, #tpu.memory_space<hbm>>
        %dma_wait3A_1344 = arith.constant 0 : i32
        %dma_wait3A_1345 = arith.constant 0 : i32
        %dma_wait3A_1346 = tpu.memref_slice %arg5[%add3A_1331, %dma_wait3A_1344, %dma_wait3A_1345] : memref<4096x4x1024xf32, #tpu.memory_space<hbm>> -> memref<1x4x1024xf32, #tpu.memory_space<hbm>>
        %dma_wait3A_1347 = tpu.memref_squeeze %dma_wait3A_1346 : memref<1x4x1024xf32, #tpu.memory_space<hbm>> -> memref<4x1024xf32, #tpu.memory_space<hbm>>
        %dma_wait3A_1348 = arith.constant 0 : i32
        %dma_wait3A_1349 = arith.constant 0 : i32
        %dma_wait3A_1350 = tpu.memref_slice %arg7[%dma_wait3A_1332, %dma_wait3A_1348, %dma_wait3A_1349] : memref<4x16x1024xf32, #tpu.memory_space<vmem>> -> memref<1x16x1024xf32, #tpu.memory_space<vmem>>
        %dma_wait3A_1351 = tpu.memref_squeeze %dma_wait3A_1350 : memref<1x16x1024xf32, #tpu.memory_space<vmem>> -> memref<16x1024xf32, #tpu.memory_space<vmem>>
        %dma_wait3A_1352 = arith.constant 0 : i32
        %dma_wait3A_1353 = arith.constant 0 : i32
        %dma_wait3A_1354 = tpu.memref_slice %dma_wait3A_1351[%dma_wait3A_1352, %dma_wait3A_1353] : memref<16x1024xf32, #tpu.memory_space<vmem>> -> memref<4x1024xf32, #tpu.memory_space<vmem>>
        tpu.wait_dma2 semaphore(%arg19 : memref<!tpu.dma_semaphore, #tpu.memory_space<semaphore_mem>>) src(%dma_wait3A_1354 : memref<4x1024xf32, #tpu.memory_space<vmem>>) dst(%dma_wait3A_1347 : memref<4x1024xf32, #tpu.memory_space<hbm>>)
        %add3A_1355 = arith.constant 1 : i32
        %add3A_1356 = arith.addi %multiple_of3A_1329, %add3A_1355 : i32
        %dma_wait3A_1357 = arith.constant 2 : i32
        %dma_wait3A_1358 = arith.constant 0 : i32
        %dma_wait3A_1359 = arith.constant 0 : i32
        %dma_wait3A_1360 = tpu.memref_slice %arg7[%dma_wait3A_1357, %dma_wait3A_1358, %dma_wait3A_1359] : memref<4x16x1024xf32, #tpu.memory_space<vmem>> -> memref<1x16x1024xf32, #tpu.memory_space<vmem>>
        %dma_wait3A_1361 = tpu.memref_squeeze %dma_wait3A_1360 : memref<1x16x1024xf32, #tpu.memory_space<vmem>> -> memref<16x1024xf32, #tpu.memory_space<vmem>>
        %dma_wait3A_1362 = arith.constant 4 : i32
        %dma_wait3A_1363 = arith.constant 0 : i32
        %dma_wait3A_1364 = tpu.memref_slice %dma_wait3A_1361[%dma_wait3A_1362, %dma_wait3A_1363] : memref<16x1024xf32, #tpu.memory_space<vmem>> -> memref<4x1024xf32, #tpu.memory_space<vmem>>
        %dma_wait3A_1365 = arith.constant 0 : i32
        %dma_wait3A_1366 = arith.constant 0 : i32
        %dma_wait3A_1367 = tpu.memref_slice %arg5[%add3A_1356, %dma_wait3A_1365, %dma_wait3A_1366] : memref<4096x4x1024xf32, #tpu.memory_space<hbm>> -> memref<1x4x1024xf32, #tpu.memory_space<hbm>>
        %dma_wait3A_1368 = tpu.memref_squeeze %dma_wait3A_1367 : memref<1x4x1024xf32, #tpu.memory_space<hbm>> -> memref<4x1024xf32, #tpu.memory_space<hbm>>
        %dma_wait3A_1369 = arith.constant 0 : i32
        %dma_wait3A_1370 = arith.constant 0 : i32
        %dma_wait3A_1371 = tpu.memref_slice %arg5[%add3A_1356, %dma_wait3A_1369, %dma_wait3A_1370] : memref<4096x4x1024xf32, #tpu.memory_space<hbm>> -> memref<1x4x1024xf32, #tpu.memory_space<hbm>>
        %dma_wait3A_1372 = tpu.memref_squeeze %dma_wait3A_1371 : memref<1x4x1024xf32, #tpu.memory_space<hbm>> -> memref<4x1024xf32, #tpu.memory_space<hbm>>
        %dma_wait3A_1373 = arith.constant 0 : i32
        %dma_wait3A_1374 = arith.constant 0 : i32
        %dma_wait3A_1375 = tpu.memref_slice %arg7[%dma_wait3A_1357, %dma_wait3A_1373, %dma_wait3A_1374] : memref<4x16x1024xf32, #tpu.memory_space<vmem>> -> memref<1x16x1024xf32, #tpu.memory_space<vmem>>
        %dma_wait3A_1376 = tpu.memref_squeeze %dma_wait3A_1375 : memref<1x16x1024xf32, #tpu.memory_space<vmem>> -> memref<16x1024xf32, #tpu.memory_space<vmem>>
        %dma_wait3A_1377 = arith.constant 4 : i32
        %dma_wait3A_1378 = arith.constant 0 : i32
        %dma_wait3A_1379 = tpu.memref_slice %dma_wait3A_1376[%dma_wait3A_1377, %dma_wait3A_1378] : memref<16x1024xf32, #tpu.memory_space<vmem>> -> memref<4x1024xf32, #tpu.memory_space<vmem>>
        tpu.wait_dma2 semaphore(%arg19 : memref<!tpu.dma_semaphore, #tpu.memory_space<semaphore_mem>>) src(%dma_wait3A_1379 : memref<4x1024xf32, #tpu.memory_space<vmem>>) dst(%dma_wait3A_1372 : memref<4x1024xf32, #tpu.memory_space<hbm>>)
        %add3A_1380 = arith.constant 2 : i32
        %add3A_1381 = arith.addi %multiple_of3A_1329, %add3A_1380 : i32
        %dma_wait3A_1382 = arith.constant 2 : i32
        %dma_wait3A_1383 = arith.constant 0 : i32
        %dma_wait3A_1384 = arith.constant 0 : i32
        %dma_wait3A_1385 = tpu.memref_slice %arg7[%dma_wait3A_1382, %dma_wait3A_1383, %dma_wait3A_1384] : memref<4x16x1024xf32, #tpu.memory_space<vmem>> -> memref<1x16x1024xf32, #tpu.memory_space<vmem>>
        %dma_wait3A_1386 = tpu.memref_squeeze %dma_wait3A_1385 : memref<1x16x1024xf32, #tpu.memory_space<vmem>> -> memref<16x1024xf32, #tpu.memory_space<vmem>>
        %dma_wait3A_1387 = arith.constant 8 : i32
        %dma_wait3A_1388 = arith.constant 0 : i32
        %dma_wait3A_1389 = tpu.memref_slice %dma_wait3A_1386[%dma_wait3A_1387, %dma_wait3A_1388] : memref<16x1024xf32, #tpu.memory_space<vmem>> -> memref<4x1024xf32, #tpu.memory_space<vmem>>
        %dma_wait3A_1390 = arith.constant 0 : i32
        %dma_wait3A_1391 = arith.constant 0 : i32
        %dma_wait3A_1392 = tpu.memref_slice %arg5[%add3A_1381, %dma_wait3A_1390, %dma_wait3A_1391] : memref<4096x4x1024xf32, #tpu.memory_space<hbm>> -> memref<1x4x1024xf32, #tpu.memory_space<hbm>>
        %dma_wait3A_1393 = tpu.memref_squeeze %dma_wait3A_1392 : memref<1x4x1024xf32, #tpu.memory_space<hbm>> -> memref<4x1024xf32, #tpu.memory_space<hbm>>
        %dma_wait3A_1394 = arith.constant 0 : i32
        %dma_wait3A_1395 = arith.constant 0 : i32
        %dma_wait3A_1396 = tpu.memref_slice %arg5[%add3A_1381, %dma_wait3A_1394, %dma_wait3A_1395] : memref<4096x4x1024xf32, #tpu.memory_space<hbm>> -> memref<1x4x1024xf32, #tpu.memory_space<hbm>>
        %dma_wait3A_1397 = tpu.memref_squeeze %dma_wait3A_1396 : memref<1x4x1024xf32, #tpu.memory_space<hbm>> -> memref<4x1024xf32, #tpu.memory_space<hbm>>
        %dma_wait3A_1398 = arith.constant 0 : i32
        %dma_wait3A_1399 = arith.constant 0 : i32
        %dma_wait3A_1400 = tpu.memref_slice %arg7[%dma_wait3A_1382, %dma_wait3A_1398, %dma_wait3A_1399] : memref<4x16x1024xf32, #tpu.memory_space<vmem>> -> memref<1x16x1024xf32, #tpu.memory_space<vmem>>
        %dma_wait3A_1401 = tpu.memref_squeeze %dma_wait3A_1400 : memref<1x16x1024xf32, #tpu.memory_space<vmem>> -> memref<16x1024xf32, #tpu.memory_space<vmem>>
        %dma_wait3A_1402 = arith.constant 8 : i32
        %dma_wait3A_1403 = arith.constant 0 : i32
        %dma_wait3A_1404 = tpu.memref_slice %dma_wait3A_1401[%dma_wait3A_1402, %dma_wait3A_1403] : memref<16x1024xf32, #tpu.memory_space<vmem>> -> memref<4x1024xf32, #tpu.memory_space<vmem>>
        tpu.wait_dma2 semaphore(%arg19 : memref<!tpu.dma_semaphore, #tpu.memory_space<semaphore_mem>>) src(%dma_wait3A_1404 : memref<4x1024xf32, #tpu.memory_space<vmem>>) dst(%dma_wait3A_1397 : memref<4x1024xf32, #tpu.memory_space<hbm>>)
        %add3A_1405 = arith.constant 3 : i32
        %add3A_1406 = arith.addi %multiple_of3A_1329, %add3A_1405 : i32
        %dma_wait3A_1407 = arith.constant 2 : i32
        %dma_wait3A_1408 = arith.constant 0 : i32
        %dma_wait3A_1409 = arith.constant 0 : i32
        %dma_wait3A_1410 = tpu.memref_slice %arg7[%dma_wait3A_1407, %dma_wait3A_1408, %dma_wait3A_1409] : memref<4x16x1024xf32, #tpu.memory_space<vmem>> -> memref<1x16x1024xf32, #tpu.memory_space<vmem>>
        %dma_wait3A_1411 = tpu.memref_squeeze %dma_wait3A_1410 : memref<1x16x1024xf32, #tpu.memory_space<vmem>> -> memref<16x1024xf32, #tpu.memory_space<vmem>>
        %dma_wait3A_1412 = arith.constant 12 : i32
        %dma_wait3A_1413 = arith.constant 0 : i32
        %dma_wait3A_1414 = tpu.memref_slice %dma_wait3A_1411[%dma_wait3A_1412, %dma_wait3A_1413] : memref<16x1024xf32, #tpu.memory_space<vmem>> -> memref<4x1024xf32, #tpu.memory_space<vmem>>
        %dma_wait3A_1415 = arith.constant 0 : i32
        %dma_wait3A_1416 = arith.constant 0 : i32
        %dma_wait3A_1417 = tpu.memref_slice %arg5[%add3A_1406, %dma_wait3A_1415, %dma_wait3A_1416] : memref<4096x4x1024xf32, #tpu.memory_space<hbm>> -> memref<1x4x1024xf32, #tpu.memory_space<hbm>>
        %dma_wait3A_1418 = tpu.memref_squeeze %dma_wait3A_1417 : memref<1x4x1024xf32, #tpu.memory_space<hbm>> -> memref<4x1024xf32, #tpu.memory_space<hbm>>
        %dma_wait3A_1419 = arith.constant 0 : i32
        %dma_wait3A_1420 = arith.constant 0 : i32
        %dma_wait3A_1421 = tpu.memref_slice %arg5[%add3A_1406, %dma_wait3A_1419, %dma_wait3A_1420] : memref<4096x4x1024xf32, #tpu.memory_space<hbm>> -> memref<1x4x1024xf32, #tpu.memory_space<hbm>>
        %dma_wait3A_1422 = tpu.memref_squeeze %dma_wait3A_1421 : memref<1x4x1024xf32, #tpu.memory_space<hbm>> -> memref<4x1024xf32, #tpu.memory_space<hbm>>
        %dma_wait3A_1423 = arith.constant 0 : i32
        %dma_wait3A_1424 = arith.constant 0 : i32
        %dma_wait3A_1425 = tpu.memref_slice %arg7[%dma_wait3A_1407, %dma_wait3A_1423, %dma_wait3A_1424] : memref<4x16x1024xf32, #tpu.memory_space<vmem>> -> memref<1x16x1024xf32, #tpu.memory_space<vmem>>
        %dma_wait3A_1426 = tpu.memref_squeeze %dma_wait3A_1425 : memref<1x16x1024xf32, #tpu.memory_space<vmem>> -> memref<16x1024xf32, #tpu.memory_space<vmem>>
        %dma_wait3A_1427 = arith.constant 12 : i32
        %dma_wait3A_1428 = arith.constant 0 : i32
        %dma_wait3A_1429 = tpu.memref_slice %dma_wait3A_1426[%dma_wait3A_1427, %dma_wait3A_1428] : memref<16x1024xf32, #tpu.memory_space<vmem>> -> memref<4x1024xf32, #tpu.memory_space<vmem>>
        tpu.wait_dma2 semaphore(%arg19 : memref<!tpu.dma_semaphore, #tpu.memory_space<semaphore_mem>>) src(%dma_wait3A_1429 : memref<4x1024xf32, #tpu.memory_space<vmem>>) dst(%dma_wait3A_1422 : memref<4x1024xf32, #tpu.memory_space<hbm>>)
      } else {
      }
      %add3A_313 = arith.constant 2 : i32
      %add3A_314 = arith.addi %add3A_310, %add3A_313 : i32
      %mul3A_315 = arith.constant 16 : i32
      %mul3A_316 = arith.muli %add3A_314, %mul3A_315 : i32
      %multiple_of3A_317 = tpu.assume_multiple %mul3A_316, 16 : i32
      %dma_start3A_318 = arith.constant 2 : i32
      %dma_start3A_319 = arith.constant 0 : i32
      %dma_start3A_320 = arith.constant 0 : i32
      %dma_start3A_321 = tpu.memref_slice %arg7[%dma_start3A_318, %dma_start3A_319, %dma_start3A_320] : memref<4x16x1024xf32, #tpu.memory_space<vmem>> -> memref<1x16x1024xf32, #tpu.memory_space<vmem>>
      %dma_start3A_322 = tpu.memref_squeeze %dma_start3A_321 : memref<1x16x1024xf32, #tpu.memory_space<vmem>> -> memref<16x1024xf32, #tpu.memory_space<vmem>>
      %dma_start3A_323 = tpu.memref_slice %arg6[%multiple_of3A_317] : memref<512xi32, #tpu.memory_space<vmem>> -> memref<16xi32, #tpu.memory_space<vmem>>
      %dma_start3A_324 = arith.constant 0 : i32
      %dma_start3A_325 = arith.constant 0 : i32
      %dma_start3A_326 = tpu.memref_slice %arg4[%dma_start3A_324, %dma_start3A_325] : memref<100000x1024xf32, #tpu.memory_space<hbm>> -> memref<100000x1024xf32, #tpu.memory_space<hbm>>
      tpu.enqueue_indirect_dma source(%dma_start3A_326 : memref<100000x1024xf32, #tpu.memory_space<hbm>>) target(%dma_start3A_322 : memref<16x1024xf32, #tpu.memory_space<vmem>>) offsets(%dma_start3A_323 : memref<16xi32, #tpu.memory_space<vmem>>) semaphore(%arg11 : memref<!tpu.dma_semaphore, #tpu.memory_space<semaphore_mem>>)
      %add3A_327 = arith.constant 2 : i32
      %add3A_328 = arith.addi %add3A_310, %add3A_327 : i32
      %mul3A_329 = arith.constant 4 : i32
      %mul3A_330 = arith.muli %add3A_328, %mul3A_329 : i32
      %mul3A_331 = arith.constant 1024 : i32
      %mul3A_332 = arith.muli %mul3A_330, %mul3A_331 : i32
      %add3A_333 = arith.addi %multiple_of3A_7, %mul3A_332 : i32
      %multiple_of3A_334 = tpu.assume_multiple %add3A_333, 4096 : i32
      %dma_start3A_335 = arith.constant 2 : i32
      %dma_start3A_336 = arith.constant 0 : i32
      %dma_start3A_337 = tpu.memref_slice %arg8[%dma_start3A_335, %dma_start3A_336] : memref<4x4096xf32, #tpu.memory_space<vmem>> -> memref<1x4096xf32, #tpu.memory_space<vmem>>
      %dma_start3A_338 = tpu.memref_squeeze %dma_start3A_337 : memref<1x4096xf32, #tpu.memory_space<vmem>> -> memref<4096xf32, #tpu.memory_space<vmem>>
      %dma_start3A_339 = tpu.memref_slice %arg3[%multiple_of3A_334] : memref<8388608xf32, #tpu.memory_space<hbm>> -> memref<4096xf32, #tpu.memory_space<hbm>>
      %dma_start3A_340 = arith.constant 0 : i32
      %dma_start3A_341 = tpu.memref_slice %arg8[%dma_start3A_335, %dma_start3A_340] : memref<4x4096xf32, #tpu.memory_space<vmem>> -> memref<1x4096xf32, #tpu.memory_space<vmem>>
      %dma_start3A_342 = tpu.memref_squeeze %dma_start3A_341 : memref<1x4096xf32, #tpu.memory_space<vmem>> -> memref<4096xf32, #tpu.memory_space<vmem>>
      %dma_start3A_343 = tpu.memref_slice %arg3[%multiple_of3A_334] : memref<8388608xf32, #tpu.memory_space<hbm>> -> memref<4096xf32, #tpu.memory_space<hbm>>
      tpu.enqueue_dma source(%dma_start3A_343 : memref<4096xf32, #tpu.memory_space<hbm>>) target(%dma_start3A_342 : memref<4096xf32, #tpu.memory_space<vmem>>) target_semaphore(%arg15 : memref<!tpu.dma_semaphore, #tpu.memory_space<semaphore_mem>>)
      %mul3A_344 = arith.constant 16 : i32
      %mul3A_345 = arith.muli %add3A_310, %mul3A_344 : i32
      %multiple_of3A_346 = tpu.assume_multiple %mul3A_345, 16 : i32
      %dma_wait3A_347 = arith.constant 0 : i32
      %dma_wait3A_348 = arith.constant 0 : i32
      %dma_wait3A_349 = arith.constant 0 : i32
      %dma_wait3A_350 = tpu.memref_slice %arg7[%dma_wait3A_347, %dma_wait3A_348, %dma_wait3A_349] : memref<4x16x1024xf32, #tpu.memory_space<vmem>> -> memref<1x16x1024xf32, #tpu.memory_space<vmem>>
      %dma_wait3A_351 = tpu.memref_squeeze %dma_wait3A_350 : memref<1x16x1024xf32, #tpu.memory_space<vmem>> -> memref<16x1024xf32, #tpu.memory_space<vmem>>
      %dma_wait3A_352 = tpu.memref_slice %arg6[%multiple_of3A_346] : memref<512xi32, #tpu.memory_space<vmem>> -> memref<16xi32, #tpu.memory_space<vmem>>
      %dma_wait3A_353 = arith.constant 0 : i32
      %dma_wait3A_354 = arith.constant 0 : i32
      %dma_wait3A_355 = tpu.memref_slice %arg4[%dma_wait3A_353, %dma_wait3A_354] : memref<100000x1024xf32, #tpu.memory_space<hbm>> -> memref<100000x1024xf32, #tpu.memory_space<hbm>>
      tpu.wait_indirect_dma semaphore(%arg9 : memref<!tpu.dma_semaphore, #tpu.memory_space<semaphore_mem>>) src(%dma_wait3A_355 : memref<100000x1024xf32, #tpu.memory_space<hbm>>) dst(%dma_wait3A_351 : memref<16x1024xf32, #tpu.memory_space<vmem>>)
      %mul3A_356 = arith.constant 4 : i32
      %mul3A_357 = arith.muli %add3A_310, %mul3A_356 : i32
      %mul3A_358 = arith.constant 1024 : i32
      %mul3A_359 = arith.muli %mul3A_357, %mul3A_358 : i32
      %add3A_360 = arith.addi %multiple_of3A_7, %mul3A_359 : i32
      %multiple_of3A_361 = tpu.assume_multiple %add3A_360, 4096 : i32
      %dma_wait3A_362 = arith.constant 0 : i32
      %dma_wait3A_363 = arith.constant 0 : i32
      %dma_wait3A_364 = tpu.memref_slice %arg8[%dma_wait3A_362, %dma_wait3A_363] : memref<4x4096xf32, #tpu.memory_space<vmem>> -> memref<1x4096xf32, #tpu.memory_space<vmem>>
      %dma_wait3A_365 = tpu.memref_squeeze %dma_wait3A_364 : memref<1x4096xf32, #tpu.memory_space<vmem>> -> memref<4096xf32, #tpu.memory_space<vmem>>
      %dma_wait3A_366 = tpu.memref_slice %arg3[%multiple_of3A_361] : memref<8388608xf32, #tpu.memory_space<hbm>> -> memref<4096xf32, #tpu.memory_space<hbm>>
      %dma_wait3A_367 = arith.constant 0 : i32
      %dma_wait3A_368 = tpu.memref_slice %arg8[%dma_wait3A_362, %dma_wait3A_367] : memref<4x4096xf32, #tpu.memory_space<vmem>> -> memref<1x4096xf32, #tpu.memory_space<vmem>>
      %dma_wait3A_369 = tpu.memref_squeeze %dma_wait3A_368 : memref<1x4096xf32, #tpu.memory_space<vmem>> -> memref<4096xf32, #tpu.memory_space<vmem>>
      %dma_wait3A_370 = tpu.memref_slice %arg3[%multiple_of3A_361] : memref<8388608xf32, #tpu.memory_space<hbm>> -> memref<4096xf32, #tpu.memory_space<hbm>>
      tpu.wait_dma2 semaphore(%arg13 : memref<!tpu.dma_semaphore, #tpu.memory_space<semaphore_mem>>) src(%dma_wait3A_370 : memref<4096xf32, #tpu.memory_space<hbm>>) dst(%dma_wait3A_369 : memref<4096xf32, #tpu.memory_space<vmem>>)
      %parallel_loop3A = arith.constant 0 : i32
      %parallel_loop3A_371 = arith.constant 1024 : i32
      %parallel_loop3A_372 = arith.constant 16 : i32
      %parallel_loop3A_373 = arith.constant 0 : i32
      %parallel_loop3A_374 = arith.constant 0 : i32
      scf.for %parallel_loop3A_1300 = %parallel_loop3A to %parallel_loop3A_371 step %parallel_loop3A_372  : i32 {
        %parallel_loop3A_1301 = arith.constant 0 : i32
        %parallel_loop3A_1302 = arith.addi %parallel_loop3A_1301, %parallel_loop3A_1300 : i32
        %parallel_loop3A_1303 = arith.constant 0 : i32
        %parallel_loop3A_1304 = tpu.memref_slice %arg8[%parallel_loop3A_373, %parallel_loop3A_1303] : memref<4x4096xf32, #tpu.memory_space<vmem>> -> memref<1x4096xf32, #tpu.memory_space<vmem>>
        %parallel_loop3A_1305 = tpu.memref_squeeze %parallel_loop3A_1304 : memref<1x4096xf32, #tpu.memory_space<vmem>> -> memref<4096xf32, #tpu.memory_space<vmem>>
        %parallel_loop3A_1306 = arith.index_cast %parallel_loop3A_1302 : i32 to index
        %parallel_loop3A_1307 = tpu.vector_load %parallel_loop3A_1305[%parallel_loop3A_1306] {strides = array<i32>} : memref<4096xf32, #tpu.memory_space<vmem>>, vector<16xf32>,
        %parallel_loop3A_1308 = vector.shape_cast %parallel_loop3A_1307 : vector<16xf32> to vector<16xf32>
        %parallel_loop3A_1309 = arith.constant 0 : i32
        %parallel_loop3A_1310 = arith.constant 0 : i32
        %parallel_loop3A_1311 = arith.constant 0 : i32
        %parallel_loop3A_1312 = tpu.memref_slice %arg7[%parallel_loop3A_374, %parallel_loop3A_1310, %parallel_loop3A_1311] : memref<4x16x1024xf32, #tpu.memory_space<vmem>> -> memref<1x16x1024xf32, #tpu.memory_space<vmem>>
        %parallel_loop3A_1313 = tpu.memref_squeeze %parallel_loop3A_1312 : memref<1x16x1024xf32, #tpu.memory_space<vmem>> -> memref<16x1024xf32, #tpu.memory_space<vmem>>
        %parallel_loop3A_1314 = arith.index_cast %parallel_loop3A_1309 : i32 to index
        %parallel_loop3A_1315 = arith.index_cast %parallel_loop3A_1300 : i32 to index
        %parallel_loop3A_1316 = tpu.vector_load %parallel_loop3A_1313[%parallel_loop3A_1314, %parallel_loop3A_1315] {strides = array<i32>} : memref<16x1024xf32, #tpu.memory_space<vmem>>, vector<1x16xf32>,
        %parallel_loop3A_1317 = vector.shape_cast %parallel_loop3A_1316 : vector<1x16xf32> to vector<16xf32>
        %parallel_loop3A_1318 = arith.constant 3.200000e+01 : f32
        %parallel_loop3A_1319 = vector.broadcast %parallel_loop3A_1318 : f32 to vector<16xf32>
        %parallel_loop3A_1320 = arith.mulf %parallel_loop3A_1317, %parallel_loop3A_1319 : vector<16xf32>
        %parallel_loop3A_1321 = arith.addf %parallel_loop3A_1320, %parallel_loop3A_1308 : vector<16xf32>
        %parallel_loop3A_1322 = arith.constant 0 : i32
        %parallel_loop3A_1323 = arith.constant 0 : i32
        %parallel_loop3A_1324 = arith.constant 0 : i32
        %parallel_loop3A_1325 = tpu.memref_slice %arg7[%parallel_loop3A_374, %parallel_loop3A_1323, %parallel_loop3A_1324] : memref<4x16x1024xf32, #tpu.memory_space<vmem>> -> memref<1x16x1024xf32, #tpu.memory_space<vmem>>
        %parallel_loop3A_1326 = tpu.memref_squeeze %parallel_loop3A_1325 : memref<1x16x1024xf32, #tpu.memory_space<vmem>> -> memref<16x1024xf32, #tpu.memory_space<vmem>>
        %parallel_loop3A_1327 = arith.index_cast %parallel_loop3A_1322 : i32 to index
        %parallel_loop3A_1328 = arith.index_cast %parallel_loop3A_1300 : i32 to index
        %parallel_loop3A_1329 = tpu.vector_load %parallel_loop3A_1326[%parallel_loop3A_1327, %parallel_loop3A_1328] {strides = array<i32>} : memref<16x1024xf32, #tpu.memory_space<vmem>>, vector<1x16xf32>,
        %parallel_loop3A_1330 = vector.shape_cast %parallel_loop3A_1329 : vector<1x16xf32> to vector<16xf32>
        %parallel_loop3A_1331 = vector.shape_cast %parallel_loop3A_1321 : vector<16xf32> to vector<1x16xf32>
        tpu.vector_store %parallel_loop3A_1326[%parallel_loop3A_1327, %parallel_loop3A_1328], %parallel_loop3A_1331 {strides = array<i32>} : memref<16x1024xf32, #tpu.memory_space<vmem>>, vector<1x16xf32>,
        %parallel_loop3A_1332 = arith.constant 1 : i32
        %parallel_loop3A_1333 = arith.constant 0 : i32
        %parallel_loop3A_1334 = arith.constant 0 : i32
        %parallel_loop3A_1335 = tpu.memref_slice %arg7[%parallel_loop3A_374, %parallel_loop3A_1333, %parallel_loop3A_1334] : memref<4x16x1024xf32, #tpu.memory_space<vmem>> -> memref<1x16x1024xf32, #tpu.memory_space<vmem>>
        %parallel_loop3A_1336 = tpu.memref_squeeze %parallel_loop3A_1335 : memref<1x16x1024xf32, #tpu.memory_space<vmem>> -> memref<16x1024xf32, #tpu.memory_space<vmem>>
        %parallel_loop3A_1337 = arith.index_cast %parallel_loop3A_1332 : i32 to index
        %parallel_loop3A_1338 = arith.index_cast %parallel_loop3A_1300 : i32 to index
        %parallel_loop3A_1339 = tpu.vector_load %parallel_loop3A_1336[%parallel_loop3A_1337, %parallel_loop3A_1338] {strides = array<i32>} : memref<16x1024xf32, #tpu.memory_space<vmem>>, vector<1x16xf32>,
        %parallel_loop3A_1340 = vector.shape_cast %parallel_loop3A_1339 : vector<1x16xf32> to vector<16xf32>
        %parallel_loop3A_1341 = arith.constant 3.200000e+01 : f32
        %parallel_loop3A_1342 = vector.broadcast %parallel_loop3A_1341 : f32 to vector<16xf32>
        %parallel_loop3A_1343 = arith.mulf %parallel_loop3A_1340, %parallel_loop3A_1342 : vector<16xf32>
        %parallel_loop3A_1344 = arith.addf %parallel_loop3A_1343, %parallel_loop3A_1308 : vector<16xf32>
        %parallel_loop3A_1345 = arith.constant 1 : i32
        %parallel_loop3A_1346 = arith.constant 0 : i32
        %parallel_loop3A_1347 = arith.constant 0 : i32
        %parallel_loop3A_1348 = tpu.memref_slice %arg7[%parallel_loop3A_374, %parallel_loop3A_1346, %parallel_loop3A_1347] : memref<4x16x1024xf32, #tpu.memory_space<vmem>> -> memref<1x16x1024xf32, #tpu.memory_space<vmem>>
        %parallel_loop3A_1349 = tpu.memref_squeeze %parallel_loop3A_1348 : memref<1x16x1024xf32, #tpu.memory_space<vmem>> -> memref<16x1024xf32, #tpu.memory_space<vmem>>
        %parallel_loop3A_1350 = arith.index_cast %parallel_loop3A_1345 : i32 to index
        %parallel_loop3A_1351 = arith.index_cast %parallel_loop3A_1300 : i32 to index
        %parallel_loop3A_1352 = tpu.vector_load %parallel_loop3A_1349[%parallel_loop3A_1350, %parallel_loop3A_1351] {strides = array<i32>} : memref<16x1024xf32, #tpu.memory_space<vmem>>, vector<1x16xf32>,
        %parallel_loop3A_1353 = vector.shape_cast %parallel_loop3A_1352 : vector<1x16xf32> to vector<16xf32>
        %parallel_loop3A_1354 = vector.shape_cast %parallel_loop3A_1344 : vector<16xf32> to vector<1x16xf32>
        tpu.vector_store %parallel_loop3A_1349[%parallel_loop3A_1350, %parallel_loop3A_1351], %parallel_loop3A_1354 {strides = array<i32>} : memref<16x1024xf32, #tpu.memory_space<vmem>>, vector<1x16xf32>,
        %parallel_loop3A_1355 = arith.constant 2 : i32
        %parallel_loop3A_1356 = arith.constant 0 : i32
        %parallel_loop3A_1357 = arith.constant 0 : i32
        %parallel_loop3A_1358 = tpu.memref_slice %arg7[%parallel_loop3A_374, %parallel_loop3A_1356, %parallel_loop3A_1357] : memref<4x16x1024xf32, #tpu.memory_space<vmem>> -> memref<1x16x1024xf32, #tpu.memory_space<vmem>>
        %parallel_loop3A_1359 = tpu.memref_squeeze %parallel_loop3A_1358 : memref<1x16x1024xf32, #tpu.memory_space<vmem>> -> memref<16x1024xf32, #tpu.memory_space<vmem>>
        %parallel_loop3A_1360 = arith.index_cast %parallel_loop3A_1355 : i32 to index
        %parallel_loop3A_1361 = arith.index_cast %parallel_loop3A_1300 : i32 to index
        %parallel_loop3A_1362 = tpu.vector_load %parallel_loop3A_1359[%parallel_loop3A_1360, %parallel_loop3A_1361] {strides = array<i32>} : memref<16x1024xf32, #tpu.memory_space<vmem>>, vector<1x16xf32>,
        %parallel_loop3A_1363 = vector.shape_cast %parallel_loop3A_1362 : vector<1x16xf32> to vector<16xf32>
        %parallel_loop3A_1364 = arith.constant 3.200000e+01 : f32
        %parallel_loop3A_1365 = vector.broadcast %parallel_loop3A_1364 : f32 to vector<16xf32>
        %parallel_loop3A_1366 = arith.mulf %parallel_loop3A_1363, %parallel_loop3A_1365 : vector<16xf32>
        %parallel_loop3A_1367 = arith.addf %parallel_loop3A_1366, %parallel_loop3A_1308 : vector<16xf32>
        %parallel_loop3A_1368 = arith.constant 2 : i32
        %parallel_loop3A_1369 = arith.constant 0 : i32
        %parallel_loop3A_1370 = arith.constant 0 : i32
        %parallel_loop3A_1371 = tpu.memref_slice %arg7[%parallel_loop3A_374, %parallel_loop3A_1369, %parallel_loop3A_1370] : memref<4x16x1024xf32, #tpu.memory_space<vmem>> -> memref<1x16x1024xf32, #tpu.memory_space<vmem>>
        %parallel_loop3A_1372 = tpu.memref_squeeze %parallel_loop3A_1371 : memref<1x16x1024xf32, #tpu.memory_space<vmem>> -> memref<16x1024xf32, #tpu.memory_space<vmem>>
        %parallel_loop3A_1373 = arith.index_cast %parallel_loop3A_1368 : i32 to index
        %parallel_loop3A_1374 = arith.index_cast %parallel_loop3A_1300 : i32 to index
        %parallel_loop3A_1375 = tpu.vector_load %parallel_loop3A_1372[%parallel_loop3A_1373, %parallel_loop3A_1374] {strides = array<i32>} : memref<16x1024xf32, #tpu.memory_space<vmem>>, vector<1x16xf32>,
        %parallel_loop3A_1376 = vector.shape_cast %parallel_loop3A_1375 : vector<1x16xf32> to vector<16xf32>
        %parallel_loop3A_1377 = vector.shape_cast %parallel_loop3A_1367 : vector<16xf32> to vector<1x16xf32>
        tpu.vector_store %parallel_loop3A_1372[%parallel_loop3A_1373, %parallel_loop3A_1374], %parallel_loop3A_1377 {strides = array<i32>} : memref<16x1024xf32, #tpu.memory_space<vmem>>, vector<1x16xf32>,
        %parallel_loop3A_1378 = arith.constant 3 : i32
        %parallel_loop3A_1379 = arith.constant 0 : i32
        %parallel_loop3A_1380 = arith.constant 0 : i32
        %parallel_loop3A_1381 = tpu.memref_slice %arg7[%parallel_loop3A_374, %parallel_loop3A_1379, %parallel_loop3A_1380] : memref<4x16x1024xf32, #tpu.memory_space<vmem>> -> memref<1x16x1024xf32, #tpu.memory_space<vmem>>
        %parallel_loop3A_1382 = tpu.memref_squeeze %parallel_loop3A_1381 : memref<1x16x1024xf32, #tpu.memory_space<vmem>> -> memref<16x1024xf32, #tpu.memory_space<vmem>>
        %parallel_loop3A_1383 = arith.index_cast %parallel_loop3A_1378 : i32 to index
        %parallel_loop3A_1384 = arith.index_cast %parallel_loop3A_1300 : i32 to index
        %parallel_loop3A_1385 = tpu.vector_load %parallel_loop3A_1382[%parallel_loop3A_1383, %parallel_loop3A_1384] {strides = array<i32>} : memref<16x1024xf32, #tpu.memory_space<vmem>>, vector<1x16xf32>,
        %parallel_loop3A_1386 = vector.shape_cast %parallel_loop3A_1385 : vector<1x16xf32> to vector<16xf32>
        %parallel_loop3A_1387 = arith.constant 3.200000e+01 : f32
        %parallel_loop3A_1388 = vector.broadcast %parallel_loop3A_1387 : f32 to vector<16xf32>
        %parallel_loop3A_1389 = arith.mulf %parallel_loop3A_1386, %parallel_loop3A_1388 : vector<16xf32>
        %parallel_loop3A_1390 = arith.addf %parallel_loop3A_1389, %parallel_loop3A_1308 : vector<16xf32>
        %parallel_loop3A_1391 = arith.constant 3 : i32
        %parallel_loop3A_1392 = arith.constant 0 : i32
        %parallel_loop3A_1393 = arith.constant 0 : i32
        %parallel_loop3A_1394 = tpu.memref_slice %arg7[%parallel_loop3A_374, %parallel_loop3A_1392, %parallel_loop3A_1393] : memref<4x16x1024xf32, #tpu.memory_space<vmem>> -> memref<1x16x1024xf32, #tpu.memory_space<vmem>>
        %parallel_loop3A_1395 = tpu.memref_squeeze %parallel_loop3A_1394 : memref<1x16x1024xf32, #tpu.memory_space<vmem>> -> memref<16x1024xf32, #tpu.memory_space<vmem>>
        %parallel_loop3A_1396 = arith.index_cast %parallel_loop3A_1391 : i32 to index
        %parallel_loop3A_1397 = arith.index_cast %parallel_loop3A_1300 : i32 to index
        %parallel_loop3A_1398 = tpu.vector_load %parallel_loop3A_1395[%parallel_loop3A_1396, %parallel_loop3A_1397] {strides = array<i32>} : memref<16x1024xf32, #tpu.memory_space<vmem>>, vector<1x16xf32>,
        %parallel_loop3A_1399 = vector.shape_cast %parallel_loop3A_1398 : vector<1x16xf32> to vector<16xf32>
        %parallel_loop3A_1400 = vector.shape_cast %parallel_loop3A_1390 : vector<16xf32> to vector<1x16xf32>
        tpu.vector_store %parallel_loop3A_1395[%parallel_loop3A_1396, %parallel_loop3A_1397], %parallel_loop3A_1400 {strides = array<i32>} : memref<16x1024xf32, #tpu.memory_space<vmem>>, vector<1x16xf32>,
        %parallel_loop3A_1401 = arith.constant 1024 : i32
        %parallel_loop3A_1402 = arith.addi %parallel_loop3A_1401, %parallel_loop3A_1300 : i32
        %parallel_loop3A_1403 = arith.constant 0 : i32
        %parallel_loop3A_1404 = tpu.memref_slice %arg8[%parallel_loop3A_373, %parallel_loop3A_1403] : memref<4x4096xf32, #tpu.memory_space<vmem>> -> memref<1x4096xf32, #tpu.memory_space<vmem>>
        %parallel_loop3A_1405 = tpu.memref_squeeze %parallel_loop3A_1404 : memref<1x4096xf32, #tpu.memory_space<vmem>> -> memref<4096xf32, #tpu.memory_space<vmem>>
        %parallel_loop3A_1406 = arith.index_cast %parallel_loop3A_1402 : i32 to index
        %parallel_loop3A_1407 = tpu.vector_load %parallel_loop3A_1405[%parallel_loop3A_1406] {strides = array<i32>} : memref<4096xf32, #tpu.memory_space<vmem>>, vector<16xf32>,
        %parallel_loop3A_1408 = vector.shape_cast %parallel_loop3A_1407 : vector<16xf32> to vector<16xf32>
        %parallel_loop3A_1409 = arith.constant 4 : i32
        %parallel_loop3A_1410 = arith.constant 0 : i32
        %parallel_loop3A_1411 = arith.constant 0 : i32
        %parallel_loop3A_1412 = tpu.memref_slice %arg7[%parallel_loop3A_374, %parallel_loop3A_1410, %parallel_loop3A_1411] : memref<4x16x1024xf32, #tpu.memory_space<vmem>> -> memref<1x16x1024xf32, #tpu.memory_space<vmem>>
        %parallel_loop3A_1413 = tpu.memref_squeeze %parallel_loop3A_1412 : memref<1x16x1024xf32, #tpu.memory_space<vmem>> -> memref<16x1024xf32, #tpu.memory_space<vmem>>
        %parallel_loop3A_1414 = arith.index_cast %parallel_loop3A_1409 : i32 to index
        %parallel_loop3A_1415 = arith.index_cast %parallel_loop3A_1300 : i32 to index
        %parallel_loop3A_1416 = tpu.vector_load %parallel_loop3A_1413[%parallel_loop3A_1414, %parallel_loop3A_1415] {strides = array<i32>} : memref<16x1024xf32, #tpu.memory_space<vmem>>, vector<1x16xf32>,
        %parallel_loop3A_1417 = vector.shape_cast %parallel_loop3A_1416 : vector<1x16xf32> to vector<16xf32>
        %parallel_loop3A_1418 = arith.constant 3.200000e+01 : f32
        %parallel_loop3A_1419 = vector.broadcast %parallel_loop3A_1418 : f32 to vector<16xf32>
        %parallel_loop3A_1420 = arith.mulf %parallel_loop3A_1417, %parallel_loop3A_1419 : vector<16xf32>
        %parallel_loop3A_1421 = arith.addf %parallel_loop3A_1420, %parallel_loop3A_1408 : vector<16xf32>
        %parallel_loop3A_1422 = arith.constant 4 : i32
        %parallel_loop3A_1423 = arith.constant 0 : i32
        %parallel_loop3A_1424 = arith.constant 0 : i32
        %parallel_loop3A_1425 = tpu.memref_slice %arg7[%parallel_loop3A_374, %parallel_loop3A_1423, %parallel_loop3A_1424] : memref<4x16x1024xf32, #tpu.memory_space<vmem>> -> memref<1x16x1024xf32, #tpu.memory_space<vmem>>
        %parallel_loop3A_1426 = tpu.memref_squeeze %parallel_loop3A_1425 : memref<1x16x1024xf32, #tpu.memory_space<vmem>> -> memref<16x1024xf32, #tpu.memory_space<vmem>>
        %parallel_loop3A_1427 = arith.index_cast %parallel_loop3A_1422 : i32 to index
        %parallel_loop3A_1428 = arith.index_cast %parallel_loop3A_1300 : i32 to index
        %parallel_loop3A_1429 = tpu.vector_load %parallel_loop3A_1426[%parallel_loop3A_1427, %parallel_loop3A_1428] {strides = array<i32>} : memref<16x1024xf32, #tpu.memory_space<vmem>>, vector<1x16xf32>,
        %parallel_loop3A_1430 = vector.shape_cast %parallel_loop3A_1429 : vector<1x16xf32> to vector<16xf32>
        %parallel_loop3A_1431 = vector.shape_cast %parallel_loop3A_1421 : vector<16xf32> to vector<1x16xf32>
        tpu.vector_store %parallel_loop3A_1426[%parallel_loop3A_1427, %parallel_loop3A_1428], %parallel_loop3A_1431 {strides = array<i32>} : memref<16x1024xf32, #tpu.memory_space<vmem>>, vector<1x16xf32>,
        %parallel_loop3A_1432 = arith.constant 5 : i32
        %parallel_loop3A_1433 = arith.constant 0 : i32
        %parallel_loop3A_1434 = arith.constant 0 : i32
        %parallel_loop3A_1435 = tpu.memref_slice %arg7[%parallel_loop3A_374, %parallel_loop3A_1433, %parallel_loop3A_1434] : memref<4x16x1024xf32, #tpu.memory_space<vmem>> -> memref<1x16x1024xf32, #tpu.memory_space<vmem>>
        %parallel_loop3A_1436 = tpu.memref_squeeze %parallel_loop3A_1435 : memref<1x16x1024xf32, #tpu.memory_space<vmem>> -> memref<16x1024xf32, #tpu.memory_space<vmem>>
        %parallel_loop3A_1437 = arith.index_cast %parallel_loop3A_1432 : i32 to index
        %parallel_loop3A_1438 = arith.index_cast %parallel_loop3A_1300 : i32 to index
        %parallel_loop3A_1439 = tpu.vector_load %parallel_loop3A_1436[%parallel_loop3A_1437, %parallel_loop3A_1438] {strides = array<i32>} : memref<16x1024xf32, #tpu.memory_space<vmem>>, vector<1x16xf32>,
        %parallel_loop3A_1440 = vector.shape_cast %parallel_loop3A_1439 : vector<1x16xf32> to vector<16xf32>
        %parallel_loop3A_1441 = arith.constant 3.200000e+01 : f32
        %parallel_loop3A_1442 = vector.broadcast %parallel_loop3A_1441 : f32 to vector<16xf32>
        %parallel_loop3A_1443 = arith.mulf %parallel_loop3A_1440, %parallel_loop3A_1442 : vector<16xf32>
        %parallel_loop3A_1444 = arith.addf %parallel_loop3A_1443, %parallel_loop3A_1408 : vector<16xf32>
        %parallel_loop3A_1445 = arith.constant 5 : i32
        %parallel_loop3A_1446 = arith.constant 0 : i32
        %parallel_loop3A_1447 = arith.constant 0 : i32
        %parallel_loop3A_1448 = tpu.memref_slice %arg7[%parallel_loop3A_374, %parallel_loop3A_1446, %parallel_loop3A_1447] : memref<4x16x1024xf32, #tpu.memory_space<vmem>> -> memref<1x16x1024xf32, #tpu.memory_space<vmem>>
        %parallel_loop3A_1449 = tpu.memref_squeeze %parallel_loop3A_1448 : memref<1x16x1024xf32, #tpu.memory_space<vmem>> -> memref<16x1024xf32, #tpu.memory_space<vmem>>
        %parallel_loop3A_1450 = arith.index_cast %parallel_loop3A_1445 : i32 to index
        %parallel_loop3A_1451 = arith.index_cast %parallel_loop3A_1300 : i32 to index
        %parallel_loop3A_1452 = tpu.vector_load %parallel_loop3A_1449[%parallel_loop3A_1450, %parallel_loop3A_1451] {strides = array<i32>} : memref<16x1024xf32, #tpu.memory_space<vmem>>, vector<1x16xf32>,
        %parallel_loop3A_1453 = vector.shape_cast %parallel_loop3A_1452 : vector<1x16xf32> to vector<16xf32>
        %parallel_loop3A_1454 = vector.shape_cast %parallel_loop3A_1444 : vector<16xf32> to vector<1x16xf32>
        tpu.vector_store %parallel_loop3A_1449[%parallel_loop3A_1450, %parallel_loop3A_1451], %parallel_loop3A_1454 {strides = array<i32>} : memref<16x1024xf32, #tpu.memory_space<vmem>>, vector<1x16xf32>,
        %parallel_loop3A_1455 = arith.constant 6 : i32
        %parallel_loop3A_1456 = arith.constant 0 : i32
        %parallel_loop3A_1457 = arith.constant 0 : i32
        %parallel_loop3A_1458 = tpu.memref_slice %arg7[%parallel_loop3A_374, %parallel_loop3A_1456, %parallel_loop3A_1457] : memref<4x16x1024xf32, #tpu.memory_space<vmem>> -> memref<1x16x1024xf32, #tpu.memory_space<vmem>>
        %parallel_loop3A_1459 = tpu.memref_squeeze %parallel_loop3A_1458 : memref<1x16x1024xf32, #tpu.memory_space<vmem>> -> memref<16x1024xf32, #tpu.memory_space<vmem>>
        %parallel_loop3A_1460 = arith.index_cast %parallel_loop3A_1455 : i32 to index
        %parallel_loop3A_1461 = arith.index_cast %parallel_loop3A_1300 : i32 to index
        %parallel_loop3A_1462 = tpu.vector_load %parallel_loop3A_1459[%parallel_loop3A_1460, %parallel_loop3A_1461] {strides = array<i32>} : memref<16x1024xf32, #tpu.memory_space<vmem>>, vector<1x16xf32>,
        %parallel_loop3A_1463 = vector.shape_cast %parallel_loop3A_1462 : vector<1x16xf32> to vector<16xf32>
        %parallel_loop3A_1464 = arith.constant 3.200000e+01 : f32
        %parallel_loop3A_1465 = vector.broadcast %parallel_loop3A_1464 : f32 to vector<16xf32>
        %parallel_loop3A_1466 = arith.mulf %parallel_loop3A_1463, %parallel_loop3A_1465 : vector<16xf32>
        %parallel_loop3A_1467 = arith.addf %parallel_loop3A_1466, %parallel_loop3A_1408 : vector<16xf32>
        %parallel_loop3A_1468 = arith.constant 6 : i32
        %parallel_loop3A_1469 = arith.constant 0 : i32
        %parallel_loop3A_1470 = arith.constant 0 : i32
        %parallel_loop3A_1471 = tpu.memref_slice %arg7[%parallel_loop3A_374, %parallel_loop3A_1469, %parallel_loop3A_1470] : memref<4x16x1024xf32, #tpu.memory_space<vmem>> -> memref<1x16x1024xf32, #tpu.memory_space<vmem>>
        %parallel_loop3A_1472 = tpu.memref_squeeze %parallel_loop3A_1471 : memref<1x16x1024xf32, #tpu.memory_space<vmem>> -> memref<16x1024xf32, #tpu.memory_space<vmem>>
        %parallel_loop3A_1473 = arith.index_cast %parallel_loop3A_1468 : i32 to index
        %parallel_loop3A_1474 = arith.index_cast %parallel_loop3A_1300 : i32 to index
        %parallel_loop3A_1475 = tpu.vector_load %parallel_loop3A_1472[%parallel_loop3A_1473, %parallel_loop3A_1474] {strides = array<i32>} : memref<16x1024xf32, #tpu.memory_space<vmem>>, vector<1x16xf32>,
        %parallel_loop3A_1476 = vector.shape_cast %parallel_loop3A_1475 : vector<1x16xf32> to vector<16xf32>
        %parallel_loop3A_1477 = vector.shape_cast %parallel_loop3A_1467 : vector<16xf32> to vector<1x16xf32>
        tpu.vector_store %parallel_loop3A_1472[%parallel_loop3A_1473, %parallel_loop3A_1474], %parallel_loop3A_1477 {strides = array<i32>} : memref<16x1024xf32, #tpu.memory_space<vmem>>, vector<1x16xf32>,
        %parallel_loop3A_1478 = arith.constant 7 : i32
        %parallel_loop3A_1479 = arith.constant 0 : i32
        %parallel_loop3A_1480 = arith.constant 0 : i32
        %parallel_loop3A_1481 = tpu.memref_slice %arg7[%parallel_loop3A_374, %parallel_loop3A_1479, %parallel_loop3A_1480] : memref<4x16x1024xf32, #tpu.memory_space<vmem>> -> memref<1x16x1024xf32, #tpu.memory_space<vmem>>
        %parallel_loop3A_1482 = tpu.memref_squeeze %parallel_loop3A_1481 : memref<1x16x1024xf32, #tpu.memory_space<vmem>> -> memref<16x1024xf32, #tpu.memory_space<vmem>>
        %parallel_loop3A_1483 = arith.index_cast %parallel_loop3A_1478 : i32 to index
        %parallel_loop3A_1484 = arith.index_cast %parallel_loop3A_1300 : i32 to index
        %parallel_loop3A_1485 = tpu.vector_load %parallel_loop3A_1482[%parallel_loop3A_1483, %parallel_loop3A_1484] {strides = array<i32>} : memref<16x1024xf32, #tpu.memory_space<vmem>>, vector<1x16xf32>,
        %parallel_loop3A_1486 = vector.shape_cast %parallel_loop3A_1485 : vector<1x16xf32> to vector<16xf32>
        %parallel_loop3A_1487 = arith.constant 3.200000e+01 : f32
        %parallel_loop3A_1488 = vector.broadcast %parallel_loop3A_1487 : f32 to vector<16xf32>
        %parallel_loop3A_1489 = arith.mulf %parallel_loop3A_1486, %parallel_loop3A_1488 : vector<16xf32>
        %parallel_loop3A_1490 = arith.addf %parallel_loop3A_1489, %parallel_loop3A_1408 : vector<16xf32>
        %parallel_loop3A_1491 = arith.constant 7 : i32
        %parallel_loop3A_1492 = arith.constant 0 : i32
        %parallel_loop3A_1493 = arith.constant 0 : i32
        %parallel_loop3A_1494 = tpu.memref_slice %arg7[%parallel_loop3A_374, %parallel_loop3A_1492, %parallel_loop3A_1493] : memref<4x16x1024xf32, #tpu.memory_space<vmem>> -> memref<1x16x1024xf32, #tpu.memory_space<vmem>>
        %parallel_loop3A_1495 = tpu.memref_squeeze %parallel_loop3A_1494 : memref<1x16x1024xf32, #tpu.memory_space<vmem>> -> memref<16x1024xf32, #tpu.memory_space<vmem>>
        %parallel_loop3A_1496 = arith.index_cast %parallel_loop3A_1491 : i32 to index
        %parallel_loop3A_1497 = arith.index_cast %parallel_loop3A_1300 : i32 to index
        %parallel_loop3A_1498 = tpu.vector_load %parallel_loop3A_1495[%parallel_loop3A_1496, %parallel_loop3A_1497] {strides = array<i32>} : memref<16x1024xf32, #tpu.memory_space<vmem>>, vector<1x16xf32>,
        %parallel_loop3A_1499 = vector.shape_cast %parallel_loop3A_1498 : vector<1x16xf32> to vector<16xf32>
        %parallel_loop3A_1500 = vector.shape_cast %parallel_loop3A_1490 : vector<16xf32> to vector<1x16xf32>
        tpu.vector_store %parallel_loop3A_1495[%parallel_loop3A_1496, %parallel_loop3A_1497], %parallel_loop3A_1500 {strides = array<i32>} : memref<16x1024xf32, #tpu.memory_space<vmem>>, vector<1x16xf32>,
        %parallel_loop3A_1501 = arith.constant 2048 : i32
        %parallel_loop3A_1502 = arith.addi %parallel_loop3A_1501, %parallel_loop3A_1300 : i32
        %parallel_loop3A_1503 = arith.constant 0 : i32
        %parallel_loop3A_1504 = tpu.memref_slice %arg8[%parallel_loop3A_373, %parallel_loop3A_1503] : memref<4x4096xf32, #tpu.memory_space<vmem>> -> memref<1x4096xf32, #tpu.memory_space<vmem>>
        %parallel_loop3A_1505 = tpu.memref_squeeze %parallel_loop3A_1504 : memref<1x4096xf32, #tpu.memory_space<vmem>> -> memref<4096xf32, #tpu.memory_space<vmem>>
        %parallel_loop3A_1506 = arith.index_cast %parallel_loop3A_1502 : i32 to index
        %parallel_loop3A_1507 = tpu.vector_load %parallel_loop3A_1505[%parallel_loop3A_1506] {strides = array<i32>} : memref<4096xf32, #tpu.memory_space<vmem>>, vector<16xf32>,
        %parallel_loop3A_1508 = vector.shape_cast %parallel_loop3A_1507 : vector<16xf32> to vector<16xf32>
        %parallel_loop3A_1509 = arith.constant 8 : i32
        %parallel_loop3A_1510 = arith.constant 0 : i32
        %parallel_loop3A_1511 = arith.constant 0 : i32
        %parallel_loop3A_1512 = tpu.memref_slice %arg7[%parallel_loop3A_374, %parallel_loop3A_1510, %parallel_loop3A_1511] : memref<4x16x1024xf32, #tpu.memory_space<vmem>> -> memref<1x16x1024xf32, #tpu.memory_space<vmem>>
        %parallel_loop3A_1513 = tpu.memref_squeeze %parallel_loop3A_1512 : memref<1x16x1024xf32, #tpu.memory_space<vmem>> -> memref<16x1024xf32, #tpu.memory_space<vmem>>
        %parallel_loop3A_1514 = arith.index_cast %parallel_loop3A_1509 : i32 to index
        %parallel_loop3A_1515 = arith.index_cast %parallel_loop3A_1300 : i32 to index
        %parallel_loop3A_1516 = tpu.vector_load %parallel_loop3A_1513[%parallel_loop3A_1514, %parallel_loop3A_1515] {strides = array<i32>} : memref<16x1024xf32, #tpu.memory_space<vmem>>, vector<1x16xf32>,
        %parallel_loop3A_1517 = vector.shape_cast %parallel_loop3A_1516 : vector<1x16xf32> to vector<16xf32>
        %parallel_loop3A_1518 = arith.constant 3.200000e+01 : f32
        %parallel_loop3A_1519 = vector.broadcast %parallel_loop3A_1518 : f32 to vector<16xf32>
        %parallel_loop3A_1520 = arith.mulf %parallel_loop3A_1517, %parallel_loop3A_1519 : vector<16xf32>
        %parallel_loop3A_1521 = arith.addf %parallel_loop3A_1520, %parallel_loop3A_1508 : vector<16xf32>
        %parallel_loop3A_1522 = arith.constant 8 : i32
        %parallel_loop3A_1523 = arith.constant 0 : i32
        %parallel_loop3A_1524 = arith.constant 0 : i32
        %parallel_loop3A_1525 = tpu.memref_slice %arg7[%parallel_loop3A_374, %parallel_loop3A_1523, %parallel_loop3A_1524] : memref<4x16x1024xf32, #tpu.memory_space<vmem>> -> memref<1x16x1024xf32, #tpu.memory_space<vmem>>
        %parallel_loop3A_1526 = tpu.memref_squeeze %parallel_loop3A_1525 : memref<1x16x1024xf32, #tpu.memory_space<vmem>> -> memref<16x1024xf32, #tpu.memory_space<vmem>>
        %parallel_loop3A_1527 = arith.index_cast %parallel_loop3A_1522 : i32 to index
        %parallel_loop3A_1528 = arith.index_cast %parallel_loop3A_1300 : i32 to index
        %parallel_loop3A_1529 = tpu.vector_load %parallel_loop3A_1526[%parallel_loop3A_1527, %parallel_loop3A_1528] {strides = array<i32>} : memref<16x1024xf32, #tpu.memory_space<vmem>>, vector<1x16xf32>,
        %parallel_loop3A_1530 = vector.shape_cast %parallel_loop3A_1529 : vector<1x16xf32> to vector<16xf32>
        %parallel_loop3A_1531 = vector.shape_cast %parallel_loop3A_1521 : vector<16xf32> to vector<1x16xf32>
        tpu.vector_store %parallel_loop3A_1526[%parallel_loop3A_1527, %parallel_loop3A_1528], %parallel_loop3A_1531 {strides = array<i32>} : memref<16x1024xf32, #tpu.memory_space<vmem>>, vector<1x16xf32>,
        %parallel_loop3A_1532 = arith.constant 9 : i32
        %parallel_loop3A_1533 = arith.constant 0 : i32
        %parallel_loop3A_1534 = arith.constant 0 : i32
        %parallel_loop3A_1535 = tpu.memref_slice %arg7[%parallel_loop3A_374, %parallel_loop3A_1533, %parallel_loop3A_1534] : memref<4x16x1024xf32, #tpu.memory_space<vmem>> -> memref<1x16x1024xf32, #tpu.memory_space<vmem>>
        %parallel_loop3A_1536 = tpu.memref_squeeze %parallel_loop3A_1535 : memref<1x16x1024xf32, #tpu.memory_space<vmem>> -> memref<16x1024xf32, #tpu.memory_space<vmem>>
        %parallel_loop3A_1537 = arith.index_cast %parallel_loop3A_1532 : i32 to index
        %parallel_loop3A_1538 = arith.index_cast %parallel_loop3A_1300 : i32 to index
        %parallel_loop3A_1539 = tpu.vector_load %parallel_loop3A_1536[%parallel_loop3A_1537, %parallel_loop3A_1538] {strides = array<i32>} : memref<16x1024xf32, #tpu.memory_space<vmem>>, vector<1x16xf32>,
        %parallel_loop3A_1540 = vector.shape_cast %parallel_loop3A_1539 : vector<1x16xf32> to vector<16xf32>
        %parallel_loop3A_1541 = arith.constant 3.200000e+01 : f32
        %parallel_loop3A_1542 = vector.broadcast %parallel_loop3A_1541 : f32 to vector<16xf32>
        %parallel_loop3A_1543 = arith.mulf %parallel_loop3A_1540, %parallel_loop3A_1542 : vector<16xf32>
        %parallel_loop3A_1544 = arith.addf %parallel_loop3A_1543, %parallel_loop3A_1508 : vector<16xf32>
        %parallel_loop3A_1545 = arith.constant 9 : i32
        %parallel_loop3A_1546 = arith.constant 0 : i32
        %parallel_loop3A_1547 = arith.constant 0 : i32
        %parallel_loop3A_1548 = tpu.memref_slice %arg7[%parallel_loop3A_374, %parallel_loop3A_1546, %parallel_loop3A_1547] : memref<4x16x1024xf32, #tpu.memory_space<vmem>> -> memref<1x16x1024xf32, #tpu.memory_space<vmem>>
        %parallel_loop3A_1549 = tpu.memref_squeeze %parallel_loop3A_1548 : memref<1x16x1024xf32, #tpu.memory_space<vmem>> -> memref<16x1024xf32, #tpu.memory_space<vmem>>
        %parallel_loop3A_1550 = arith.index_cast %parallel_loop3A_1545 : i32 to index
        %parallel_loop3A_1551 = arith.index_cast %parallel_loop3A_1300 : i32 to index
        %parallel_loop3A_1552 = tpu.vector_load %parallel_loop3A_1549[%parallel_loop3A_1550, %parallel_loop3A_1551] {strides = array<i32>} : memref<16x1024xf32, #tpu.memory_space<vmem>>, vector<1x16xf32>,
        %parallel_loop3A_1553 = vector.shape_cast %parallel_loop3A_1552 : vector<1x16xf32> to vector<16xf32>
        %parallel_loop3A_1554 = vector.shape_cast %parallel_loop3A_1544 : vector<16xf32> to vector<1x16xf32>
        tpu.vector_store %parallel_loop3A_1549[%parallel_loop3A_1550, %parallel_loop3A_1551], %parallel_loop3A_1554 {strides = array<i32>} : memref<16x1024xf32, #tpu.memory_space<vmem>>, vector<1x16xf32>,
        %parallel_loop3A_1555 = arith.constant 10 : i32
        %parallel_loop3A_1556 = arith.constant 0 : i32
        %parallel_loop3A_1557 = arith.constant 0 : i32
        %parallel_loop3A_1558 = tpu.memref_slice %arg7[%parallel_loop3A_374, %parallel_loop3A_1556, %parallel_loop3A_1557] : memref<4x16x1024xf32, #tpu.memory_space<vmem>> -> memref<1x16x1024xf32, #tpu.memory_space<vmem>>
        %parallel_loop3A_1559 = tpu.memref_squeeze %parallel_loop3A_1558 : memref<1x16x1024xf32, #tpu.memory_space<vmem>> -> memref<16x1024xf32, #tpu.memory_space<vmem>>
        %parallel_loop3A_1560 = arith.index_cast %parallel_loop3A_1555 : i32 to index
        %parallel_loop3A_1561 = arith.index_cast %parallel_loop3A_1300 : i32 to index
        %parallel_loop3A_1562 = tpu.vector_load %parallel_loop3A_1559[%parallel_loop3A_1560, %parallel_loop3A_1561] {strides = array<i32>} : memref<16x1024xf32, #tpu.memory_space<vmem>>, vector<1x16xf32>,
        %parallel_loop3A_1563 = vector.shape_cast %parallel_loop3A_1562 : vector<1x16xf32> to vector<16xf32>
        %parallel_loop3A_1564 = arith.constant 3.200000e+01 : f32
        %parallel_loop3A_1565 = vector.broadcast %parallel_loop3A_1564 : f32 to vector<16xf32>
        %parallel_loop3A_1566 = arith.mulf %parallel_loop3A_1563, %parallel_loop3A_1565 : vector<16xf32>
        %parallel_loop3A_1567 = arith.addf %parallel_loop3A_1566, %parallel_loop3A_1508 : vector<16xf32>
        %parallel_loop3A_1568 = arith.constant 10 : i32
        %parallel_loop3A_1569 = arith.constant 0 : i32
        %parallel_loop3A_1570 = arith.constant 0 : i32
        %parallel_loop3A_1571 = tpu.memref_slice %arg7[%parallel_loop3A_374, %parallel_loop3A_1569, %parallel_loop3A_1570] : memref<4x16x1024xf32, #tpu.memory_space<vmem>> -> memref<1x16x1024xf32, #tpu.memory_space<vmem>>
        %parallel_loop3A_1572 = tpu.memref_squeeze %parallel_loop3A_1571 : memref<1x16x1024xf32, #tpu.memory_space<vmem>> -> memref<16x1024xf32, #tpu.memory_space<vmem>>
        %parallel_loop3A_1573 = arith.index_cast %parallel_loop3A_1568 : i32 to index
        %parallel_loop3A_1574 = arith.index_cast %parallel_loop3A_1300 : i32 to index
        %parallel_loop3A_1575 = tpu.vector_load %parallel_loop3A_1572[%parallel_loop3A_1573, %parallel_loop3A_1574] {strides = array<i32>} : memref<16x1024xf32, #tpu.memory_space<vmem>>, vector<1x16xf32>,
        %parallel_loop3A_1576 = vector.shape_cast %parallel_loop3A_1575 : vector<1x16xf32> to vector<16xf32>
        %parallel_loop3A_1577 = vector.shape_cast %parallel_loop3A_1567 : vector<16xf32> to vector<1x16xf32>
        tpu.vector_store %parallel_loop3A_1572[%parallel_loop3A_1573, %parallel_loop3A_1574], %parallel_loop3A_1577 {strides = array<i32>} : memref<16x1024xf32, #tpu.memory_space<vmem>>, vector<1x16xf32>,
        %parallel_loop3A_1578 = arith.constant 11 : i32
        %parallel_loop3A_1579 = arith.constant 0 : i32
        %parallel_loop3A_1580 = arith.constant 0 : i32
        %parallel_loop3A_1581 = tpu.memref_slice %arg7[%parallel_loop3A_374, %parallel_loop3A_1579, %parallel_loop3A_1580] : memref<4x16x1024xf32, #tpu.memory_space<vmem>> -> memref<1x16x1024xf32, #tpu.memory_space<vmem>>
        %parallel_loop3A_1582 = tpu.memref_squeeze %parallel_loop3A_1581 : memref<1x16x1024xf32, #tpu.memory_space<vmem>> -> memref<16x1024xf32, #tpu.memory_space<vmem>>
        %parallel_loop3A_1583 = arith.index_cast %parallel_loop3A_1578 : i32 to index
        %parallel_loop3A_1584 = arith.index_cast %parallel_loop3A_1300 : i32 to index
        %parallel_loop3A_1585 = tpu.vector_load %parallel_loop3A_1582[%parallel_loop3A_1583, %parallel_loop3A_1584] {strides = array<i32>} : memref<16x1024xf32, #tpu.memory_space<vmem>>, vector<1x16xf32>,
        %parallel_loop3A_1586 = vector.shape_cast %parallel_loop3A_1585 : vector<1x16xf32> to vector<16xf32>
        %parallel_loop3A_1587 = arith.constant 3.200000e+01 : f32
        %parallel_loop3A_1588 = vector.broadcast %parallel_loop3A_1587 : f32 to vector<16xf32>
        %parallel_loop3A_1589 = arith.mulf %parallel_loop3A_1586, %parallel_loop3A_1588 : vector<16xf32>
        %parallel_loop3A_1590 = arith.addf %parallel_loop3A_1589, %parallel_loop3A_1508 : vector<16xf32>
        %parallel_loop3A_1591 = arith.constant 11 : i32
        %parallel_loop3A_1592 = arith.constant 0 : i32
        %parallel_loop3A_1593 = arith.constant 0 : i32
        %parallel_loop3A_1594 = tpu.memref_slice %arg7[%parallel_loop3A_374, %parallel_loop3A_1592, %parallel_loop3A_1593] : memref<4x16x1024xf32, #tpu.memory_space<vmem>> -> memref<1x16x1024xf32, #tpu.memory_space<vmem>>
        %parallel_loop3A_1595 = tpu.memref_squeeze %parallel_loop3A_1594 : memref<1x16x1024xf32, #tpu.memory_space<vmem>> -> memref<16x1024xf32, #tpu.memory_space<vmem>>
        %parallel_loop3A_1596 = arith.index_cast %parallel_loop3A_1591 : i32 to index
        %parallel_loop3A_1597 = arith.index_cast %parallel_loop3A_1300 : i32 to index
        %parallel_loop3A_1598 = tpu.vector_load %parallel_loop3A_1595[%parallel_loop3A_1596, %parallel_loop3A_1597] {strides = array<i32>} : memref<16x1024xf32, #tpu.memory_space<vmem>>, vector<1x16xf32>,
        %parallel_loop3A_1599 = vector.shape_cast %parallel_loop3A_1598 : vector<1x16xf32> to vector<16xf32>
        %parallel_loop3A_1600 = vector.shape_cast %parallel_loop3A_1590 : vector<16xf32> to vector<1x16xf32>
        tpu.vector_store %parallel_loop3A_1595[%parallel_loop3A_1596, %parallel_loop3A_1597], %parallel_loop3A_1600 {strides = array<i32>} : memref<16x1024xf32, #tpu.memory_space<vmem>>, vector<1x16xf32>,
        %parallel_loop3A_1601 = arith.constant 3072 : i32
        %parallel_loop3A_1602 = arith.addi %parallel_loop3A_1601, %parallel_loop3A_1300 : i32
        %parallel_loop3A_1603 = arith.constant 0 : i32
        %parallel_loop3A_1604 = tpu.memref_slice %arg8[%parallel_loop3A_373, %parallel_loop3A_1603] : memref<4x4096xf32, #tpu.memory_space<vmem>> -> memref<1x4096xf32, #tpu.memory_space<vmem>>
        %parallel_loop3A_1605 = tpu.memref_squeeze %parallel_loop3A_1604 : memref<1x4096xf32, #tpu.memory_space<vmem>> -> memref<4096xf32, #tpu.memory_space<vmem>>
        %parallel_loop3A_1606 = arith.index_cast %parallel_loop3A_1602 : i32 to index
        %parallel_loop3A_1607 = tpu.vector_load %parallel_loop3A_1605[%parallel_loop3A_1606] {strides = array<i32>} : memref<4096xf32, #tpu.memory_space<vmem>>, vector<16xf32>,
        %parallel_loop3A_1608 = vector.shape_cast %parallel_loop3A_1607 : vector<16xf32> to vector<16xf32>
        %parallel_loop3A_1609 = arith.constant 12 : i32
        %parallel_loop3A_1610 = arith.constant 0 : i32
        %parallel_loop3A_1611 = arith.constant 0 : i32
        %parallel_loop3A_1612 = tpu.memref_slice %arg7[%parallel_loop3A_374, %parallel_loop3A_1610, %parallel_loop3A_1611] : memref<4x16x1024xf32, #tpu.memory_space<vmem>> -> memref<1x16x1024xf32, #tpu.memory_space<vmem>>
        %parallel_loop3A_1613 = tpu.memref_squeeze %parallel_loop3A_1612 : memref<1x16x1024xf32, #tpu.memory_space<vmem>> -> memref<16x1024xf32, #tpu.memory_space<vmem>>
        %parallel_loop3A_1614 = arith.index_cast %parallel_loop3A_1609 : i32 to index
        %parallel_loop3A_1615 = arith.index_cast %parallel_loop3A_1300 : i32 to index
        %parallel_loop3A_1616 = tpu.vector_load %parallel_loop3A_1613[%parallel_loop3A_1614, %parallel_loop3A_1615] {strides = array<i32>} : memref<16x1024xf32, #tpu.memory_space<vmem>>, vector<1x16xf32>,
        %parallel_loop3A_1617 = vector.shape_cast %parallel_loop3A_1616 : vector<1x16xf32> to vector<16xf32>
        %parallel_loop3A_1618 = arith.constant 3.200000e+01 : f32
        %parallel_loop3A_1619 = vector.broadcast %parallel_loop3A_1618 : f32 to vector<16xf32>
        %parallel_loop3A_1620 = arith.mulf %parallel_loop3A_1617, %parallel_loop3A_1619 : vector<16xf32>
        %parallel_loop3A_1621 = arith.addf %parallel_loop3A_1620, %parallel_loop3A_1608 : vector<16xf32>
        %parallel_loop3A_1622 = arith.constant 12 : i32
        %parallel_loop3A_1623 = arith.constant 0 : i32
        %parallel_loop3A_1624 = arith.constant 0 : i32
        %parallel_loop3A_1625 = tpu.memref_slice %arg7[%parallel_loop3A_374, %parallel_loop3A_1623, %parallel_loop3A_1624] : memref<4x16x1024xf32, #tpu.memory_space<vmem>> -> memref<1x16x1024xf32, #tpu.memory_space<vmem>>
        %parallel_loop3A_1626 = tpu.memref_squeeze %parallel_loop3A_1625 : memref<1x16x1024xf32, #tpu.memory_space<vmem>> -> memref<16x1024xf32, #tpu.memory_space<vmem>>
        %parallel_loop3A_1627 = arith.index_cast %parallel_loop3A_1622 : i32 to index
        %parallel_loop3A_1628 = arith.index_cast %parallel_loop3A_1300 : i32 to index
        %parallel_loop3A_1629 = tpu.vector_load %parallel_loop3A_1626[%parallel_loop3A_1627, %parallel_loop3A_1628] {strides = array<i32>} : memref<16x1024xf32, #tpu.memory_space<vmem>>, vector<1x16xf32>,
        %parallel_loop3A_1630 = vector.shape_cast %parallel_loop3A_1629 : vector<1x16xf32> to vector<16xf32>
        %parallel_loop3A_1631 = vector.shape_cast %parallel_loop3A_1621 : vector<16xf32> to vector<1x16xf32>
        tpu.vector_store %parallel_loop3A_1626[%parallel_loop3A_1627, %parallel_loop3A_1628], %parallel_loop3A_1631 {strides = array<i32>} : memref<16x1024xf32, #tpu.memory_space<vmem>>, vector<1x16xf32>,
        %parallel_loop3A_1632 = arith.constant 13 : i32
        %parallel_loop3A_1633 = arith.constant 0 : i32
        %parallel_loop3A_1634 = arith.constant 0 : i32
        %parallel_loop3A_1635 = tpu.memref_slice %arg7[%parallel_loop3A_374, %parallel_loop3A_1633, %parallel_loop3A_1634] : memref<4x16x1024xf32, #tpu.memory_space<vmem>> -> memref<1x16x1024xf32, #tpu.memory_space<vmem>>
        %parallel_loop3A_1636 = tpu.memref_squeeze %parallel_loop3A_1635 : memref<1x16x1024xf32, #tpu.memory_space<vmem>> -> memref<16x1024xf32, #tpu.memory_space<vmem>>
        %parallel_loop3A_1637 = arith.index_cast %parallel_loop3A_1632 : i32 to index
        %parallel_loop3A_1638 = arith.index_cast %parallel_loop3A_1300 : i32 to index
        %parallel_loop3A_1639 = tpu.vector_load %parallel_loop3A_1636[%parallel_loop3A_1637, %parallel_loop3A_1638] {strides = array<i32>} : memref<16x1024xf32, #tpu.memory_space<vmem>>, vector<1x16xf32>,
        %parallel_loop3A_1640 = vector.shape_cast %parallel_loop3A_1639 : vector<1x16xf32> to vector<16xf32>
        %parallel_loop3A_1641 = arith.constant 3.200000e+01 : f32
        %parallel_loop3A_1642 = vector.broadcast %parallel_loop3A_1641 : f32 to vector<16xf32>
        %parallel_loop3A_1643 = arith.mulf %parallel_loop3A_1640, %parallel_loop3A_1642 : vector<16xf32>
        %parallel_loop3A_1644 = arith.addf %parallel_loop3A_1643, %parallel_loop3A_1608 : vector<16xf32>
        %parallel_loop3A_1645 = arith.constant 13 : i32
        %parallel_loop3A_1646 = arith.constant 0 : i32
        %parallel_loop3A_1647 = arith.constant 0 : i32
        %parallel_loop3A_1648 = tpu.memref_slice %arg7[%parallel_loop3A_374, %parallel_loop3A_1646, %parallel_loop3A_1647] : memref<4x16x1024xf32, #tpu.memory_space<vmem>> -> memref<1x16x1024xf32, #tpu.memory_space<vmem>>
        %parallel_loop3A_1649 = tpu.memref_squeeze %parallel_loop3A_1648 : memref<1x16x1024xf32, #tpu.memory_space<vmem>> -> memref<16x1024xf32, #tpu.memory_space<vmem>>
        %parallel_loop3A_1650 = arith.index_cast %parallel_loop3A_1645 : i32 to index
        %parallel_loop3A_1651 = arith.index_cast %parallel_loop3A_1300 : i32 to index
        %parallel_loop3A_1652 = tpu.vector_load %parallel_loop3A_1649[%parallel_loop3A_1650, %parallel_loop3A_1651] {strides = array<i32>} : memref<16x1024xf32, #tpu.memory_space<vmem>>, vector<1x16xf32>,
        %parallel_loop3A_1653 = vector.shape_cast %parallel_loop3A_1652 : vector<1x16xf32> to vector<16xf32>
        %parallel_loop3A_1654 = vector.shape_cast %parallel_loop3A_1644 : vector<16xf32> to vector<1x16xf32>
        tpu.vector_store %parallel_loop3A_1649[%parallel_loop3A_1650, %parallel_loop3A_1651], %parallel_loop3A_1654 {strides = array<i32>} : memref<16x1024xf32, #tpu.memory_space<vmem>>, vector<1x16xf32>,
        %parallel_loop3A_1655 = arith.constant 14 : i32
        %parallel_loop3A_1656 = arith.constant 0 : i32
        %parallel_loop3A_1657 = arith.constant 0 : i32
        %parallel_loop3A_1658 = tpu.memref_slice %arg7[%parallel_loop3A_374, %parallel_loop3A_1656, %parallel_loop3A_1657] : memref<4x16x1024xf32, #tpu.memory_space<vmem>> -> memref<1x16x1024xf32, #tpu.memory_space<vmem>>
        %parallel_loop3A_1659 = tpu.memref_squeeze %parallel_loop3A_1658 : memref<1x16x1024xf32, #tpu.memory_space<vmem>> -> memref<16x1024xf32, #tpu.memory_space<vmem>>
        %parallel_loop3A_1660 = arith.index_cast %parallel_loop3A_1655 : i32 to index
        %parallel_loop3A_1661 = arith.index_cast %parallel_loop3A_1300 : i32 to index
        %parallel_loop3A_1662 = tpu.vector_load %parallel_loop3A_1659[%parallel_loop3A_1660, %parallel_loop3A_1661] {strides = array<i32>} : memref<16x1024xf32, #tpu.memory_space<vmem>>, vector<1x16xf32>,
        %parallel_loop3A_1663 = vector.shape_cast %parallel_loop3A_1662 : vector<1x16xf32> to vector<16xf32>
        %parallel_loop3A_1664 = arith.constant 3.200000e+01 : f32
        %parallel_loop3A_1665 = vector.broadcast %parallel_loop3A_1664 : f32 to vector<16xf32>
        %parallel_loop3A_1666 = arith.mulf %parallel_loop3A_1663, %parallel_loop3A_1665 : vector<16xf32>
        %parallel_loop3A_1667 = arith.addf %parallel_loop3A_1666, %parallel_loop3A_1608 : vector<16xf32>
        %parallel_loop3A_1668 = arith.constant 14 : i32
        %parallel_loop3A_1669 = arith.constant 0 : i32
        %parallel_loop3A_1670 = arith.constant 0 : i32
        %parallel_loop3A_1671 = tpu.memref_slice %arg7[%parallel_loop3A_374, %parallel_loop3A_1669, %parallel_loop3A_1670] : memref<4x16x1024xf32, #tpu.memory_space<vmem>> -> memref<1x16x1024xf32, #tpu.memory_space<vmem>>
        %parallel_loop3A_1672 = tpu.memref_squeeze %parallel_loop3A_1671 : memref<1x16x1024xf32, #tpu.memory_space<vmem>> -> memref<16x1024xf32, #tpu.memory_space<vmem>>
        %parallel_loop3A_1673 = arith.index_cast %parallel_loop3A_1668 : i32 to index
        %parallel_loop3A_1674 = arith.index_cast %parallel_loop3A_1300 : i32 to index
        %parallel_loop3A_1675 = tpu.vector_load %parallel_loop3A_1672[%parallel_loop3A_1673, %parallel_loop3A_1674] {strides = array<i32>} : memref<16x1024xf32, #tpu.memory_space<vmem>>, vector<1x16xf32>,
        %parallel_loop3A_1676 = vector.shape_cast %parallel_loop3A_1675 : vector<1x16xf32> to vector<16xf32>
        %parallel_loop3A_1677 = vector.shape_cast %parallel_loop3A_1667 : vector<16xf32> to vector<1x16xf32>
        tpu.vector_store %parallel_loop3A_1672[%parallel_loop3A_1673, %parallel_loop3A_1674], %parallel_loop3A_1677 {strides = array<i32>} : memref<16x1024xf32, #tpu.memory_space<vmem>>, vector<1x16xf32>,
        %parallel_loop3A_1678 = arith.constant 15 : i32
        %parallel_loop3A_1679 = arith.constant 0 : i32
        %parallel_loop3A_1680 = arith.constant 0 : i32
        %parallel_loop3A_1681 = tpu.memref_slice %arg7[%parallel_loop3A_374, %parallel_loop3A_1679, %parallel_loop3A_1680] : memref<4x16x1024xf32, #tpu.memory_space<vmem>> -> memref<1x16x1024xf32, #tpu.memory_space<vmem>>
        %parallel_loop3A_1682 = tpu.memref_squeeze %parallel_loop3A_1681 : memref<1x16x1024xf32, #tpu.memory_space<vmem>> -> memref<16x1024xf32, #tpu.memory_space<vmem>>
        %parallel_loop3A_1683 = arith.index_cast %parallel_loop3A_1678 : i32 to index
        %parallel_loop3A_1684 = arith.index_cast %parallel_loop3A_1300 : i32 to index
        %parallel_loop3A_1685 = tpu.vector_load %parallel_loop3A_1682[%parallel_loop3A_1683, %parallel_loop3A_1684] {strides = array<i32>} : memref<16x1024xf32, #tpu.memory_space<vmem>>, vector<1x16xf32>,
        %parallel_loop3A_1686 = vector.shape_cast %parallel_loop3A_1685 : vector<1x16xf32> to vector<16xf32>
        %parallel_loop3A_1687 = arith.constant 3.200000e+01 : f32
        %parallel_loop3A_1688 = vector.broadcast %parallel_loop3A_1687 : f32 to vector<16xf32>
        %parallel_loop3A_1689 = arith.mulf %parallel_loop3A_1686, %parallel_loop3A_1688 : vector<16xf32>
        %parallel_loop3A_1690 = arith.addf %parallel_loop3A_1689, %parallel_loop3A_1608 : vector<16xf32>
        %parallel_loop3A_1691 = arith.constant 15 : i32
        %parallel_loop3A_1692 = arith.constant 0 : i32
        %parallel_loop3A_1693 = arith.constant 0 : i32
        %parallel_loop3A_1694 = tpu.memref_slice %arg7[%parallel_loop3A_374, %parallel_loop3A_1692, %parallel_loop3A_1693] : memref<4x16x1024xf32, #tpu.memory_space<vmem>> -> memref<1x16x1024xf32, #tpu.memory_space<vmem>>
        %parallel_loop3A_1695 = tpu.memref_squeeze %parallel_loop3A_1694 : memref<1x16x1024xf32, #tpu.memory_space<vmem>> -> memref<16x1024xf32, #tpu.memory_space<vmem>>
        %parallel_loop3A_1696 = arith.index_cast %parallel_loop3A_1691 : i32 to index
        %parallel_loop3A_1697 = arith.index_cast %parallel_loop3A_1300 : i32 to index
        %parallel_loop3A_1698 = tpu.vector_load %parallel_loop3A_1695[%parallel_loop3A_1696, %parallel_loop3A_1697] {strides = array<i32>} : memref<16x1024xf32, #tpu.memory_space<vmem>>, vector<1x16xf32>,
        %parallel_loop3A_1699 = vector.shape_cast %parallel_loop3A_1698 : vector<1x16xf32> to vector<16xf32>
        %parallel_loop3A_1700 = vector.shape_cast %parallel_loop3A_1690 : vector<16xf32> to vector<1x16xf32>
        tpu.vector_store %parallel_loop3A_1695[%parallel_loop3A_1696, %parallel_loop3A_1697], %parallel_loop3A_1700 {strides = array<i32>} : memref<16x1024xf32, #tpu.memory_space<vmem>>, vector<1x16xf32>,
      } {sc.loop_unroll_factor = 4 : i64, sc.parallel_access}
      %mul3A_375 = arith.constant 16 : i32
      %mul3A_376 = arith.muli %add3A_310, %mul3A_375 : i32
      %add3A_377 = arith.addi %multiple_of3A, %mul3A_376 : i32
      %jit3A_378 = arith.constant 4 : i32
      %div3A_379 = arith.divsi %add3A_377, %jit3A_378 : i32
      %sign3A_380 = arith.constant 0 : i32
      %sign3A_381 = arith.cmpi sgt, %add3A_377, %sign3A_380 : i32
      %sign3A_382 = arith.extui %sign3A_381 : i1 to i32
      %sign3A_383 = arith.constant 0 : i32
      %sign3A_384 = arith.cmpi slt, %add3A_377, %sign3A_383 : i32
      %sign3A_385 = arith.extui %sign3A_384 : i1 to i32
      %sign3A_386 = arith.subi %sign3A_382, %sign3A_385 : i32
      %sign3A_387 = arith.constant 0 : i32
      %sign3A_388 = arith.cmpi sgt, %jit3A_378, %sign3A_387 : i32
      %sign3A_389 = arith.extui %sign3A_388 : i1 to i32
      %sign3A_390 = arith.constant 0 : i32
      %sign3A_391 = arith.cmpi slt, %jit3A_378, %sign3A_390 : i32
      %sign3A_392 = arith.extui %sign3A_391 : i1 to i32
      %sign3A_393 = arith.subi %sign3A_389, %sign3A_392 : i32
      %ne3A_394 = arith.cmpi ne, %sign3A_386, %sign3A_393 : i32
      %rem3A_395 = arith.remsi %add3A_377, %jit3A_378 : i32
      %ne3A_396 = arith.constant 0 : i32
      %ne3A_397 = arith.cmpi ne, %rem3A_395, %ne3A_396 : i32
      %and3A_398 = arith.andi %ne3A_394, %ne3A_397 : i1
      %sub3A_399 = arith.constant 1 : i32
      %sub3A_400 = arith.subi %div3A_379, %sub3A_399 : i32
      %select_n3A_401 = arith.select %and3A_398, %sub3A_400, %div3A_379 : i32
      %multiple_of3A_402 = tpu.assume_multiple %select_n3A_401, 4 : i32
      %add3A_403 = arith.constant 0 : i32
      %add3A_404 = arith.addi %multiple_of3A_402, %add3A_403 : i32
      %dma_start3A_405 = arith.constant 0 : i32
      %dma_start3A_406 = arith.constant 0 : i32
      %dma_start3A_407 = arith.constant 0 : i32
      %dma_start3A_408 = tpu.memref_slice %arg7[%dma_start3A_405, %dma_start3A_406, %dma_start3A_407] : memref<4x16x1024xf32, #tpu.memory_space<vmem>> -> memref<1x16x1024xf32, #tpu.memory_space<vmem>>
      %dma_start3A_409 = tpu.memref_squeeze %dma_start3A_408 : memref<1x16x1024xf32, #tpu.memory_space<vmem>> -> memref<16x1024xf32, #tpu.memory_space<vmem>>
      %dma_start3A_410 = arith.constant 0 : i32
      %dma_start3A_411 = arith.constant 0 : i32
      %dma_start3A_412 = tpu.memref_slice %dma_start3A_409[%dma_start3A_410, %dma_start3A_411] : memref<16x1024xf32, #tpu.memory_space<vmem>> -> memref<4x1024xf32, #tpu.memory_space<vmem>>
      %dma_start3A_413 = arith.constant 0 : i32
      %dma_start3A_414 = arith.constant 0 : i32
      %dma_start3A_415 = tpu.memref_slice %arg5[%add3A_404, %dma_start3A_413, %dma_start3A_414] : memref<4096x4x1024xf32, #tpu.memory_space<hbm>> -> memref<1x4x1024xf32, #tpu.memory_space<hbm>>
      %dma_start3A_416 = tpu.memref_squeeze %dma_start3A_415 : memref<1x4x1024xf32, #tpu.memory_space<hbm>> -> memref<4x1024xf32, #tpu.memory_space<hbm>>
      %dma_start3A_417 = arith.constant 0 : i32
      %dma_start3A_418 = arith.constant 0 : i32
      %dma_start3A_419 = tpu.memref_slice %arg5[%add3A_404, %dma_start3A_417, %dma_start3A_418] : memref<4096x4x1024xf32, #tpu.memory_space<hbm>> -> memref<1x4x1024xf32, #tpu.memory_space<hbm>>
      %dma_start3A_420 = tpu.memref_squeeze %dma_start3A_419 : memref<1x4x1024xf32, #tpu.memory_space<hbm>> -> memref<4x1024xf32, #tpu.memory_space<hbm>>
      %dma_start3A_421 = arith.constant 0 : i32
      %dma_start3A_422 = arith.constant 0 : i32
      %dma_start3A_423 = tpu.memref_slice %arg7[%dma_start3A_405, %dma_start3A_421, %dma_start3A_422] : memref<4x16x1024xf32, #tpu.memory_space<vmem>> -> memref<1x16x1024xf32, #tpu.memory_space<vmem>>
      %dma_start3A_424 = tpu.memref_squeeze %dma_start3A_423 : memref<1x16x1024xf32, #tpu.memory_space<vmem>> -> memref<16x1024xf32, #tpu.memory_space<vmem>>
      %dma_start3A_425 = arith.constant 0 : i32
      %dma_start3A_426 = arith.constant 0 : i32
      %dma_start3A_427 = tpu.memref_slice %dma_start3A_424[%dma_start3A_425, %dma_start3A_426] : memref<16x1024xf32, #tpu.memory_space<vmem>> -> memref<4x1024xf32, #tpu.memory_space<vmem>>
      tpu.enqueue_dma source(%dma_start3A_427 : memref<4x1024xf32, #tpu.memory_space<vmem>>) target(%dma_start3A_420 : memref<4x1024xf32, #tpu.memory_space<hbm>>) target_semaphore(%arg17 : memref<!tpu.dma_semaphore, #tpu.memory_space<semaphore_mem>>)
      %add3A_428 = arith.constant 1 : i32
      %add3A_429 = arith.addi %multiple_of3A_402, %add3A_428 : i32
      %dma_start3A_430 = arith.constant 0 : i32
      %dma_start3A_431 = arith.constant 0 : i32
      %dma_start3A_432 = arith.constant 0 : i32
      %dma_start3A_433 = tpu.memref_slice %arg7[%dma_start3A_430, %dma_start3A_431, %dma_start3A_432] : memref<4x16x1024xf32, #tpu.memory_space<vmem>> -> memref<1x16x1024xf32, #tpu.memory_space<vmem>>
      %dma_start3A_434 = tpu.memref_squeeze %dma_start3A_433 : memref<1x16x1024xf32, #tpu.memory_space<vmem>> -> memref<16x1024xf32, #tpu.memory_space<vmem>>
      %dma_start3A_435 = arith.constant 4 : i32
      %dma_start3A_436 = arith.constant 0 : i32
      %dma_start3A_437 = tpu.memref_slice %dma_start3A_434[%dma_start3A_435, %dma_start3A_436] : memref<16x1024xf32, #tpu.memory_space<vmem>> -> memref<4x1024xf32, #tpu.memory_space<vmem>>
      %dma_start3A_438 = arith.constant 0 : i32
      %dma_start3A_439 = arith.constant 0 : i32
      %dma_start3A_440 = tpu.memref_slice %arg5[%add3A_429, %dma_start3A_438, %dma_start3A_439] : memref<4096x4x1024xf32, #tpu.memory_space<hbm>> -> memref<1x4x1024xf32, #tpu.memory_space<hbm>>
      %dma_start3A_441 = tpu.memref_squeeze %dma_start3A_440 : memref<1x4x1024xf32, #tpu.memory_space<hbm>> -> memref<4x1024xf32, #tpu.memory_space<hbm>>
      %dma_start3A_442 = arith.constant 0 : i32
      %dma_start3A_443 = arith.constant 0 : i32
      %dma_start3A_444 = tpu.memref_slice %arg5[%add3A_429, %dma_start3A_442, %dma_start3A_443] : memref<4096x4x1024xf32, #tpu.memory_space<hbm>> -> memref<1x4x1024xf32, #tpu.memory_space<hbm>>
      %dma_start3A_445 = tpu.memref_squeeze %dma_start3A_444 : memref<1x4x1024xf32, #tpu.memory_space<hbm>> -> memref<4x1024xf32, #tpu.memory_space<hbm>>
      %dma_start3A_446 = arith.constant 0 : i32
      %dma_start3A_447 = arith.constant 0 : i32
      %dma_start3A_448 = tpu.memref_slice %arg7[%dma_start3A_430, %dma_start3A_446, %dma_start3A_447] : memref<4x16x1024xf32, #tpu.memory_space<vmem>> -> memref<1x16x1024xf32, #tpu.memory_space<vmem>>
      %dma_start3A_449 = tpu.memref_squeeze %dma_start3A_448 : memref<1x16x1024xf32, #tpu.memory_space<vmem>> -> memref<16x1024xf32, #tpu.memory_space<vmem>>
      %dma_start3A_450 = arith.constant 4 : i32
      %dma_start3A_451 = arith.constant 0 : i32
      %dma_start3A_452 = tpu.memref_slice %dma_start3A_449[%dma_start3A_450, %dma_start3A_451] : memref<16x1024xf32, #tpu.memory_space<vmem>> -> memref<4x1024xf32, #tpu.memory_space<vmem>>
      tpu.enqueue_dma source(%dma_start3A_452 : memref<4x1024xf32, #tpu.memory_space<vmem>>) target(%dma_start3A_445 : memref<4x1024xf32, #tpu.memory_space<hbm>>) target_semaphore(%arg17 : memref<!tpu.dma_semaphore, #tpu.memory_space<semaphore_mem>>)
      %add3A_453 = arith.constant 2 : i32
      %add3A_454 = arith.addi %multiple_of3A_402, %add3A_453 : i32
      %dma_start3A_455 = arith.constant 0 : i32
      %dma_start3A_456 = arith.constant 0 : i32
      %dma_start3A_457 = arith.constant 0 : i32
      %dma_start3A_458 = tpu.memref_slice %arg7[%dma_start3A_455, %dma_start3A_456, %dma_start3A_457] : memref<4x16x1024xf32, #tpu.memory_space<vmem>> -> memref<1x16x1024xf32, #tpu.memory_space<vmem>>
      %dma_start3A_459 = tpu.memref_squeeze %dma_start3A_458 : memref<1x16x1024xf32, #tpu.memory_space<vmem>> -> memref<16x1024xf32, #tpu.memory_space<vmem>>
      %dma_start3A_460 = arith.constant 8 : i32
      %dma_start3A_461 = arith.constant 0 : i32
      %dma_start3A_462 = tpu.memref_slice %dma_start3A_459[%dma_start3A_460, %dma_start3A_461] : memref<16x1024xf32, #tpu.memory_space<vmem>> -> memref<4x1024xf32, #tpu.memory_space<vmem>>
      %dma_start3A_463 = arith.constant 0 : i32
      %dma_start3A_464 = arith.constant 0 : i32
      %dma_start3A_465 = tpu.memref_slice %arg5[%add3A_454, %dma_start3A_463, %dma_start3A_464] : memref<4096x4x1024xf32, #tpu.memory_space<hbm>> -> memref<1x4x1024xf32, #tpu.memory_space<hbm>>
      %dma_start3A_466 = tpu.memref_squeeze %dma_start3A_465 : memref<1x4x1024xf32, #tpu.memory_space<hbm>> -> memref<4x1024xf32, #tpu.memory_space<hbm>>
      %dma_start3A_467 = arith.constant 0 : i32
      %dma_start3A_468 = arith.constant 0 : i32
      %dma_start3A_469 = tpu.memref_slice %arg5[%add3A_454, %dma_start3A_467, %dma_start3A_468] : memref<4096x4x1024xf32, #tpu.memory_space<hbm>> -> memref<1x4x1024xf32, #tpu.memory_space<hbm>>
      %dma_start3A_470 = tpu.memref_squeeze %dma_start3A_469 : memref<1x4x1024xf32, #tpu.memory_space<hbm>> -> memref<4x1024xf32, #tpu.memory_space<hbm>>
      %dma_start3A_471 = arith.constant 0 : i32
      %dma_start3A_472 = arith.constant 0 : i32
      %dma_start3A_473 = tpu.memref_slice %arg7[%dma_start3A_455, %dma_start3A_471, %dma_start3A_472] : memref<4x16x1024xf32, #tpu.memory_space<vmem>> -> memref<1x16x1024xf32, #tpu.memory_space<vmem>>
      %dma_start3A_474 = tpu.memref_squeeze %dma_start3A_473 : memref<1x16x1024xf32, #tpu.memory_space<vmem>> -> memref<16x1024xf32, #tpu.memory_space<vmem>>
      %dma_start3A_475 = arith.constant 8 : i32
      %dma_start3A_476 = arith.constant 0 : i32
      %dma_start3A_477 = tpu.memref_slice %dma_start3A_474[%dma_start3A_475, %dma_start3A_476] : memref<16x1024xf32, #tpu.memory_space<vmem>> -> memref<4x1024xf32, #tpu.memory_space<vmem>>
      tpu.enqueue_dma source(%dma_start3A_477 : memref<4x1024xf32, #tpu.memory_space<vmem>>) target(%dma_start3A_470 : memref<4x1024xf32, #tpu.memory_space<hbm>>) target_semaphore(%arg17 : memref<!tpu.dma_semaphore, #tpu.memory_space<semaphore_mem>>)
      %add3A_478 = arith.constant 3 : i32
      %add3A_479 = arith.addi %multiple_of3A_402, %add3A_478 : i32
      %dma_start3A_480 = arith.constant 0 : i32
      %dma_start3A_481 = arith.constant 0 : i32
      %dma_start3A_482 = arith.constant 0 : i32
      %dma_start3A_483 = tpu.memref_slice %arg7[%dma_start3A_480, %dma_start3A_481, %dma_start3A_482] : memref<4x16x1024xf32, #tpu.memory_space<vmem>> -> memref<1x16x1024xf32, #tpu.memory_space<vmem>>
      %dma_start3A_484 = tpu.memref_squeeze %dma_start3A_483 : memref<1x16x1024xf32, #tpu.memory_space<vmem>> -> memref<16x1024xf32, #tpu.memory_space<vmem>>
      %dma_start3A_485 = arith.constant 12 : i32
      %dma_start3A_486 = arith.constant 0 : i32
      %dma_start3A_487 = tpu.memref_slice %dma_start3A_484[%dma_start3A_485, %dma_start3A_486] : memref<16x1024xf32, #tpu.memory_space<vmem>> -> memref<4x1024xf32, #tpu.memory_space<vmem>>
      %dma_start3A_488 = arith.constant 0 : i32
      %dma_start3A_489 = arith.constant 0 : i32
      %dma_start3A_490 = tpu.memref_slice %arg5[%add3A_479, %dma_start3A_488, %dma_start3A_489] : memref<4096x4x1024xf32, #tpu.memory_space<hbm>> -> memref<1x4x1024xf32, #tpu.memory_space<hbm>>
      %dma_start3A_491 = tpu.memref_squeeze %dma_start3A_490 : memref<1x4x1024xf32, #tpu.memory_space<hbm>> -> memref<4x1024xf32, #tpu.memory_space<hbm>>
      %dma_start3A_492 = arith.constant 0 : i32
      %dma_start3A_493 = arith.constant 0 : i32
      %dma_start3A_494 = tpu.memref_slice %arg5[%add3A_479, %dma_start3A_492, %dma_start3A_493] : memref<4096x4x1024xf32, #tpu.memory_space<hbm>> -> memref<1x4x1024xf32, #tpu.memory_space<hbm>>
      %dma_start3A_495 = tpu.memref_squeeze %dma_start3A_494 : memref<1x4x1024xf32, #tpu.memory_space<hbm>> -> memref<4x1024xf32, #tpu.memory_space<hbm>>
      %dma_start3A_496 = arith.constant 0 : i32
      %dma_start3A_497 = arith.constant 0 : i32
      %dma_start3A_498 = tpu.memref_slice %arg7[%dma_start3A_480, %dma_start3A_496, %dma_start3A_497] : memref<4x16x1024xf32, #tpu.memory_space<vmem>> -> memref<1x16x1024xf32, #tpu.memory_space<vmem>>
      %dma_start3A_499 = tpu.memref_squeeze %dma_start3A_498 : memref<1x16x1024xf32, #tpu.memory_space<vmem>> -> memref<16x1024xf32, #tpu.memory_space<vmem>>
      %dma_start3A_500 = arith.constant 12 : i32
      %dma_start3A_501 = arith.constant 0 : i32
      %dma_start3A_502 = tpu.memref_slice %dma_start3A_499[%dma_start3A_500, %dma_start3A_501] : memref<16x1024xf32, #tpu.memory_space<vmem>> -> memref<4x1024xf32, #tpu.memory_space<vmem>>
      tpu.enqueue_dma source(%dma_start3A_502 : memref<4x1024xf32, #tpu.memory_space<vmem>>) target(%dma_start3A_495 : memref<4x1024xf32, #tpu.memory_space<hbm>>) target_semaphore(%arg17 : memref<!tpu.dma_semaphore, #tpu.memory_space<semaphore_mem>>)
      %mul3A_503 = arith.constant 4 : i32
      %mul3A_504 = arith.muli %add3A_306, %mul3A_503 : i32
      %add3A_505 = arith.constant 1 : i32
      %add3A_506 = arith.addi %mul3A_504, %add3A_505 : i32
      %ge3A_507 = arith.constant 1 : i32
      %ge3A_508 = arith.cmpi sge, %add3A_306, %ge3A_507 : i32
      %convert_element_type3A_509 = arith.extui %ge3A_508 : i1 to i32
      %cond3A_510 = arith.constant 0 : i32
      %cond3A_511 = arith.cmpi ne, %convert_element_type3A_509, %cond3A_510 : i32
      scf.if %cond3A_511 {
        %sub3A_1300 = arith.constant 2 : i32
        %sub3A_1301 = arith.subi %add3A_506, %sub3A_1300 : i32
        %mul3A_1302 = arith.constant 16 : i32
        %mul3A_1303 = arith.muli %sub3A_1301, %mul3A_1302 : i32
        %add3A_1304 = arith.addi %multiple_of3A, %mul3A_1303 : i32
        %jit3A_1305 = arith.constant 4 : i32
        %div3A_1306 = arith.divsi %add3A_1304, %jit3A_1305 : i32
        %sign3A_1307 = arith.constant 0 : i32
        %sign3A_1308 = arith.cmpi sgt, %add3A_1304, %sign3A_1307 : i32
        %sign3A_1309 = arith.extui %sign3A_1308 : i1 to i32
        %sign3A_1310 = arith.constant 0 : i32
        %sign3A_1311 = arith.cmpi slt, %add3A_1304, %sign3A_1310 : i32
        %sign3A_1312 = arith.extui %sign3A_1311 : i1 to i32
        %sign3A_1313 = arith.subi %sign3A_1309, %sign3A_1312 : i32
        %sign3A_1314 = arith.constant 0 : i32
        %sign3A_1315 = arith.cmpi sgt, %jit3A_1305, %sign3A_1314 : i32
        %sign3A_1316 = arith.extui %sign3A_1315 : i1 to i32
        %sign3A_1317 = arith.constant 0 : i32
        %sign3A_1318 = arith.cmpi slt, %jit3A_1305, %sign3A_1317 : i32
        %sign3A_1319 = arith.extui %sign3A_1318 : i1 to i32
        %sign3A_1320 = arith.subi %sign3A_1316, %sign3A_1319 : i32
        %ne3A_1321 = arith.cmpi ne, %sign3A_1313, %sign3A_1320 : i32
        %rem3A_1322 = arith.remsi %add3A_1304, %jit3A_1305 : i32
        %ne3A_1323 = arith.constant 0 : i32
        %ne3A_1324 = arith.cmpi ne, %rem3A_1322, %ne3A_1323 : i32
        %and3A_1325 = arith.andi %ne3A_1321, %ne3A_1324 : i1
        %sub3A_1326 = arith.constant 1 : i32
        %sub3A_1327 = arith.subi %div3A_1306, %sub3A_1326 : i32
        %select_n3A_1328 = arith.select %and3A_1325, %sub3A_1327, %div3A_1306 : i32
        %multiple_of3A_1329 = tpu.assume_multiple %select_n3A_1328, 4 : i32
        %add3A_1330 = arith.constant 0 : i32
        %add3A_1331 = arith.addi %multiple_of3A_1329, %add3A_1330 : i32
        %dma_wait3A_1332 = arith.constant 3 : i32
        %dma_wait3A_1333 = arith.constant 0 : i32
        %dma_wait3A_1334 = arith.constant 0 : i32
        %dma_wait3A_1335 = tpu.memref_slice %arg7[%dma_wait3A_1332, %dma_wait3A_1333, %dma_wait3A_1334] : memref<4x16x1024xf32, #tpu.memory_space<vmem>> -> memref<1x16x1024xf32, #tpu.memory_space<vmem>>
        %dma_wait3A_1336 = tpu.memref_squeeze %dma_wait3A_1335 : memref<1x16x1024xf32, #tpu.memory_space<vmem>> -> memref<16x1024xf32, #tpu.memory_space<vmem>>
        %dma_wait3A_1337 = arith.constant 0 : i32
        %dma_wait3A_1338 = arith.constant 0 : i32
        %dma_wait3A_1339 = tpu.memref_slice %dma_wait3A_1336[%dma_wait3A_1337, %dma_wait3A_1338] : memref<16x1024xf32, #tpu.memory_space<vmem>> -> memref<4x1024xf32, #tpu.memory_space<vmem>>
        %dma_wait3A_1340 = arith.constant 0 : i32
        %dma_wait3A_1341 = arith.constant 0 : i32
        %dma_wait3A_1342 = tpu.memref_slice %arg5[%add3A_1331, %dma_wait3A_1340, %dma_wait3A_1341] : memref<4096x4x1024xf32, #tpu.memory_space<hbm>> -> memref<1x4x1024xf32, #tpu.memory_space<hbm>>
        %dma_wait3A_1343 = tpu.memref_squeeze %dma_wait3A_1342 : memref<1x4x1024xf32, #tpu.memory_space<hbm>> -> memref<4x1024xf32, #tpu.memory_space<hbm>>
        %dma_wait3A_1344 = arith.constant 0 : i32
        %dma_wait3A_1345 = arith.constant 0 : i32
        %dma_wait3A_1346 = tpu.memref_slice %arg5[%add3A_1331, %dma_wait3A_1344, %dma_wait3A_1345] : memref<4096x4x1024xf32, #tpu.memory_space<hbm>> -> memref<1x4x1024xf32, #tpu.memory_space<hbm>>
        %dma_wait3A_1347 = tpu.memref_squeeze %dma_wait3A_1346 : memref<1x4x1024xf32, #tpu.memory_space<hbm>> -> memref<4x1024xf32, #tpu.memory_space<hbm>>
        %dma_wait3A_1348 = arith.constant 0 : i32
        %dma_wait3A_1349 = arith.constant 0 : i32
        %dma_wait3A_1350 = tpu.memref_slice %arg7[%dma_wait3A_1332, %dma_wait3A_1348, %dma_wait3A_1349] : memref<4x16x1024xf32, #tpu.memory_space<vmem>> -> memref<1x16x1024xf32, #tpu.memory_space<vmem>>
        %dma_wait3A_1351 = tpu.memref_squeeze %dma_wait3A_1350 : memref<1x16x1024xf32, #tpu.memory_space<vmem>> -> memref<16x1024xf32, #tpu.memory_space<vmem>>
        %dma_wait3A_1352 = arith.constant 0 : i32
        %dma_wait3A_1353 = arith.constant 0 : i32
        %dma_wait3A_1354 = tpu.memref_slice %dma_wait3A_1351[%dma_wait3A_1352, %dma_wait3A_1353] : memref<16x1024xf32, #tpu.memory_space<vmem>> -> memref<4x1024xf32, #tpu.memory_space<vmem>>
        tpu.wait_dma2 semaphore(%arg20 : memref<!tpu.dma_semaphore, #tpu.memory_space<semaphore_mem>>) src(%dma_wait3A_1354 : memref<4x1024xf32, #tpu.memory_space<vmem>>) dst(%dma_wait3A_1347 : memref<4x1024xf32, #tpu.memory_space<hbm>>)
        %add3A_1355 = arith.constant 1 : i32
        %add3A_1356 = arith.addi %multiple_of3A_1329, %add3A_1355 : i32
        %dma_wait3A_1357 = arith.constant 3 : i32
        %dma_wait3A_1358 = arith.constant 0 : i32
        %dma_wait3A_1359 = arith.constant 0 : i32
        %dma_wait3A_1360 = tpu.memref_slice %arg7[%dma_wait3A_1357, %dma_wait3A_1358, %dma_wait3A_1359] : memref<4x16x1024xf32, #tpu.memory_space<vmem>> -> memref<1x16x1024xf32, #tpu.memory_space<vmem>>
        %dma_wait3A_1361 = tpu.memref_squeeze %dma_wait3A_1360 : memref<1x16x1024xf32, #tpu.memory_space<vmem>> -> memref<16x1024xf32, #tpu.memory_space<vmem>>
        %dma_wait3A_1362 = arith.constant 4 : i32
        %dma_wait3A_1363 = arith.constant 0 : i32
        %dma_wait3A_1364 = tpu.memref_slice %dma_wait3A_1361[%dma_wait3A_1362, %dma_wait3A_1363] : memref<16x1024xf32, #tpu.memory_space<vmem>> -> memref<4x1024xf32, #tpu.memory_space<vmem>>
        %dma_wait3A_1365 = arith.constant 0 : i32
        %dma_wait3A_1366 = arith.constant 0 : i32
        %dma_wait3A_1367 = tpu.memref_slice %arg5[%add3A_1356, %dma_wait3A_1365, %dma_wait3A_1366] : memref<4096x4x1024xf32, #tpu.memory_space<hbm>> -> memref<1x4x1024xf32, #tpu.memory_space<hbm>>
        %dma_wait3A_1368 = tpu.memref_squeeze %dma_wait3A_1367 : memref<1x4x1024xf32, #tpu.memory_space<hbm>> -> memref<4x1024xf32, #tpu.memory_space<hbm>>
        %dma_wait3A_1369 = arith.constant 0 : i32
        %dma_wait3A_1370 = arith.constant 0 : i32
        %dma_wait3A_1371 = tpu.memref_slice %arg5[%add3A_1356, %dma_wait3A_1369, %dma_wait3A_1370] : memref<4096x4x1024xf32, #tpu.memory_space<hbm>> -> memref<1x4x1024xf32, #tpu.memory_space<hbm>>
        %dma_wait3A_1372 = tpu.memref_squeeze %dma_wait3A_1371 : memref<1x4x1024xf32, #tpu.memory_space<hbm>> -> memref<4x1024xf32, #tpu.memory_space<hbm>>
        %dma_wait3A_1373 = arith.constant 0 : i32
        %dma_wait3A_1374 = arith.constant 0 : i32
        %dma_wait3A_1375 = tpu.memref_slice %arg7[%dma_wait3A_1357, %dma_wait3A_1373, %dma_wait3A_1374] : memref<4x16x1024xf32, #tpu.memory_space<vmem>> -> memref<1x16x1024xf32, #tpu.memory_space<vmem>>
        %dma_wait3A_1376 = tpu.memref_squeeze %dma_wait3A_1375 : memref<1x16x1024xf32, #tpu.memory_space<vmem>> -> memref<16x1024xf32, #tpu.memory_space<vmem>>
        %dma_wait3A_1377 = arith.constant 4 : i32
        %dma_wait3A_1378 = arith.constant 0 : i32
        %dma_wait3A_1379 = tpu.memref_slice %dma_wait3A_1376[%dma_wait3A_1377, %dma_wait3A_1378] : memref<16x1024xf32, #tpu.memory_space<vmem>> -> memref<4x1024xf32, #tpu.memory_space<vmem>>
        tpu.wait_dma2 semaphore(%arg20 : memref<!tpu.dma_semaphore, #tpu.memory_space<semaphore_mem>>) src(%dma_wait3A_1379 : memref<4x1024xf32, #tpu.memory_space<vmem>>) dst(%dma_wait3A_1372 : memref<4x1024xf32, #tpu.memory_space<hbm>>)
        %add3A_1380 = arith.constant 2 : i32
        %add3A_1381 = arith.addi %multiple_of3A_1329, %add3A_1380 : i32
        %dma_wait3A_1382 = arith.constant 3 : i32
        %dma_wait3A_1383 = arith.constant 0 : i32
        %dma_wait3A_1384 = arith.constant 0 : i32
        %dma_wait3A_1385 = tpu.memref_slice %arg7[%dma_wait3A_1382, %dma_wait3A_1383, %dma_wait3A_1384] : memref<4x16x1024xf32, #tpu.memory_space<vmem>> -> memref<1x16x1024xf32, #tpu.memory_space<vmem>>
        %dma_wait3A_1386 = tpu.memref_squeeze %dma_wait3A_1385 : memref<1x16x1024xf32, #tpu.memory_space<vmem>> -> memref<16x1024xf32, #tpu.memory_space<vmem>>
        %dma_wait3A_1387 = arith.constant 8 : i32
        %dma_wait3A_1388 = arith.constant 0 : i32
        %dma_wait3A_1389 = tpu.memref_slice %dma_wait3A_1386[%dma_wait3A_1387, %dma_wait3A_1388] : memref<16x1024xf32, #tpu.memory_space<vmem>> -> memref<4x1024xf32, #tpu.memory_space<vmem>>
        %dma_wait3A_1390 = arith.constant 0 : i32
        %dma_wait3A_1391 = arith.constant 0 : i32
        %dma_wait3A_1392 = tpu.memref_slice %arg5[%add3A_1381, %dma_wait3A_1390, %dma_wait3A_1391] : memref<4096x4x1024xf32, #tpu.memory_space<hbm>> -> memref<1x4x1024xf32, #tpu.memory_space<hbm>>
        %dma_wait3A_1393 = tpu.memref_squeeze %dma_wait3A_1392 : memref<1x4x1024xf32, #tpu.memory_space<hbm>> -> memref<4x1024xf32, #tpu.memory_space<hbm>>
        %dma_wait3A_1394 = arith.constant 0 : i32
        %dma_wait3A_1395 = arith.constant 0 : i32
        %dma_wait3A_1396 = tpu.memref_slice %arg5[%add3A_1381, %dma_wait3A_1394, %dma_wait3A_1395] : memref<4096x4x1024xf32, #tpu.memory_space<hbm>> -> memref<1x4x1024xf32, #tpu.memory_space<hbm>>
        %dma_wait3A_1397 = tpu.memref_squeeze %dma_wait3A_1396 : memref<1x4x1024xf32, #tpu.memory_space<hbm>> -> memref<4x1024xf32, #tpu.memory_space<hbm>>
        %dma_wait3A_1398 = arith.constant 0 : i32
        %dma_wait3A_1399 = arith.constant 0 : i32
        %dma_wait3A_1400 = tpu.memref_slice %arg7[%dma_wait3A_1382, %dma_wait3A_1398, %dma_wait3A_1399] : memref<4x16x1024xf32, #tpu.memory_space<vmem>> -> memref<1x16x1024xf32, #tpu.memory_space<vmem>>
        %dma_wait3A_1401 = tpu.memref_squeeze %dma_wait3A_1400 : memref<1x16x1024xf32, #tpu.memory_space<vmem>> -> memref<16x1024xf32, #tpu.memory_space<vmem>>
        %dma_wait3A_1402 = arith.constant 8 : i32
        %dma_wait3A_1403 = arith.constant 0 : i32
        %dma_wait3A_1404 = tpu.memref_slice %dma_wait3A_1401[%dma_wait3A_1402, %dma_wait3A_1403] : memref<16x1024xf32, #tpu.memory_space<vmem>> -> memref<4x1024xf32, #tpu.memory_space<vmem>>
        tpu.wait_dma2 semaphore(%arg20 : memref<!tpu.dma_semaphore, #tpu.memory_space<semaphore_mem>>) src(%dma_wait3A_1404 : memref<4x1024xf32, #tpu.memory_space<vmem>>) dst(%dma_wait3A_1397 : memref<4x1024xf32, #tpu.memory_space<hbm>>)
        %add3A_1405 = arith.constant 3 : i32
        %add3A_1406 = arith.addi %multiple_of3A_1329, %add3A_1405 : i32
        %dma_wait3A_1407 = arith.constant 3 : i32
        %dma_wait3A_1408 = arith.constant 0 : i32
        %dma_wait3A_1409 = arith.constant 0 : i32
        %dma_wait3A_1410 = tpu.memref_slice %arg7[%dma_wait3A_1407, %dma_wait3A_1408, %dma_wait3A_1409] : memref<4x16x1024xf32, #tpu.memory_space<vmem>> -> memref<1x16x1024xf32, #tpu.memory_space<vmem>>
        %dma_wait3A_1411 = tpu.memref_squeeze %dma_wait3A_1410 : memref<1x16x1024xf32, #tpu.memory_space<vmem>> -> memref<16x1024xf32, #tpu.memory_space<vmem>>
        %dma_wait3A_1412 = arith.constant 12 : i32
        %dma_wait3A_1413 = arith.constant 0 : i32
        %dma_wait3A_1414 = tpu.memref_slice %dma_wait3A_1411[%dma_wait3A_1412, %dma_wait3A_1413] : memref<16x1024xf32, #tpu.memory_space<vmem>> -> memref<4x1024xf32, #tpu.memory_space<vmem>>
        %dma_wait3A_1415 = arith.constant 0 : i32
        %dma_wait3A_1416 = arith.constant 0 : i32
        %dma_wait3A_1417 = tpu.memref_slice %arg5[%add3A_1406, %dma_wait3A_1415, %dma_wait3A_1416] : memref<4096x4x1024xf32, #tpu.memory_space<hbm>> -> memref<1x4x1024xf32, #tpu.memory_space<hbm>>
        %dma_wait3A_1418 = tpu.memref_squeeze %dma_wait3A_1417 : memref<1x4x1024xf32, #tpu.memory_space<hbm>> -> memref<4x1024xf32, #tpu.memory_space<hbm>>
        %dma_wait3A_1419 = arith.constant 0 : i32
        %dma_wait3A_1420 = arith.constant 0 : i32
        %dma_wait3A_1421 = tpu.memref_slice %arg5[%add3A_1406, %dma_wait3A_1419, %dma_wait3A_1420] : memref<4096x4x1024xf32, #tpu.memory_space<hbm>> -> memref<1x4x1024xf32, #tpu.memory_space<hbm>>
        %dma_wait3A_1422 = tpu.memref_squeeze %dma_wait3A_1421 : memref<1x4x1024xf32, #tpu.memory_space<hbm>> -> memref<4x1024xf32, #tpu.memory_space<hbm>>
        %dma_wait3A_1423 = arith.constant 0 : i32
        %dma_wait3A_1424 = arith.constant 0 : i32
        %dma_wait3A_1425 = tpu.memref_slice %arg7[%dma_wait3A_1407, %dma_wait3A_1423, %dma_wait3A_1424] : memref<4x16x1024xf32, #tpu.memory_space<vmem>> -> memref<1x16x1024xf32, #tpu.memory_space<vmem>>
        %dma_wait3A_1426 = tpu.memref_squeeze %dma_wait3A_1425 : memref<1x16x1024xf32, #tpu.memory_space<vmem>> -> memref<16x1024xf32, #tpu.memory_space<vmem>>
        %dma_wait3A_1427 = arith.constant 12 : i32
        %dma_wait3A_1428 = arith.constant 0 : i32
        %dma_wait3A_1429 = tpu.memref_slice %dma_wait3A_1426[%dma_wait3A_1427, %dma_wait3A_1428] : memref<16x1024xf32, #tpu.memory_space<vmem>> -> memref<4x1024xf32, #tpu.memory_space<vmem>>
        tpu.wait_dma2 semaphore(%arg20 : memref<!tpu.dma_semaphore, #tpu.memory_space<semaphore_mem>>) src(%dma_wait3A_1429 : memref<4x1024xf32, #tpu.memory_space<vmem>>) dst(%dma_wait3A_1422 : memref<4x1024xf32, #tpu.memory_space<hbm>>)
      } else {
      }
      %add3A_512 = arith.constant 2 : i32
      %add3A_513 = arith.addi %add3A_506, %add3A_512 : i32
      %mul3A_514 = arith.constant 16 : i32
      %mul3A_515 = arith.muli %add3A_513, %mul3A_514 : i32
      %multiple_of3A_516 = tpu.assume_multiple %mul3A_515, 16 : i32
      %dma_start3A_517 = arith.constant 3 : i32
      %dma_start3A_518 = arith.constant 0 : i32
      %dma_start3A_519 = arith.constant 0 : i32
      %dma_start3A_520 = tpu.memref_slice %arg7[%dma_start3A_517, %dma_start3A_518, %dma_start3A_519] : memref<4x16x1024xf32, #tpu.memory_space<vmem>> -> memref<1x16x1024xf32, #tpu.memory_space<vmem>>
      %dma_start3A_521 = tpu.memref_squeeze %dma_start3A_520 : memref<1x16x1024xf32, #tpu.memory_space<vmem>> -> memref<16x1024xf32, #tpu.memory_space<vmem>>
      %dma_start3A_522 = tpu.memref_slice %arg6[%multiple_of3A_516] : memref<512xi32, #tpu.memory_space<vmem>> -> memref<16xi32, #tpu.memory_space<vmem>>
      %dma_start3A_523 = arith.constant 0 : i32
      %dma_start3A_524 = arith.constant 0 : i32
      %dma_start3A_525 = tpu.memref_slice %arg4[%dma_start3A_523, %dma_start3A_524] : memref<100000x1024xf32, #tpu.memory_space<hbm>> -> memref<100000x1024xf32, #tpu.memory_space<hbm>>
      tpu.enqueue_indirect_dma source(%dma_start3A_525 : memref<100000x1024xf32, #tpu.memory_space<hbm>>) target(%dma_start3A_521 : memref<16x1024xf32, #tpu.memory_space<vmem>>) offsets(%dma_start3A_522 : memref<16xi32, #tpu.memory_space<vmem>>) semaphore(%arg12 : memref<!tpu.dma_semaphore, #tpu.memory_space<semaphore_mem>>)
      %add3A_526 = arith.constant 2 : i32
      %add3A_527 = arith.addi %add3A_506, %add3A_526 : i32
      %mul3A_528 = arith.constant 4 : i32
      %mul3A_529 = arith.muli %add3A_527, %mul3A_528 : i32
      %mul3A_530 = arith.constant 1024 : i32
      %mul3A_531 = arith.muli %mul3A_529, %mul3A_530 : i32
      %add3A_532 = arith.addi %multiple_of3A_7, %mul3A_531 : i32
      %multiple_of3A_533 = tpu.assume_multiple %add3A_532, 4096 : i32
      %dma_start3A_534 = arith.constant 3 : i32
      %dma_start3A_535 = arith.constant 0 : i32
      %dma_start3A_536 = tpu.memref_slice %arg8[%dma_start3A_534, %dma_start3A_535] : memref<4x4096xf32, #tpu.memory_space<vmem>> -> memref<1x4096xf32, #tpu.memory_space<vmem>>
      %dma_start3A_537 = tpu.memref_squeeze %dma_start3A_536 : memref<1x4096xf32, #tpu.memory_space<vmem>> -> memref<4096xf32, #tpu.memory_space<vmem>>
      %dma_start3A_538 = tpu.memref_slice %arg3[%multiple_of3A_533] : memref<8388608xf32, #tpu.memory_space<hbm>> -> memref<4096xf32, #tpu.memory_space<hbm>>
      %dma_start3A_539 = arith.constant 0 : i32
      %dma_start3A_540 = tpu.memref_slice %arg8[%dma_start3A_534, %dma_start3A_539] : memref<4x4096xf32, #tpu.memory_space<vmem>> -> memref<1x4096xf32, #tpu.memory_space<vmem>>
      %dma_start3A_541 = tpu.memref_squeeze %dma_start3A_540 : memref<1x4096xf32, #tpu.memory_space<vmem>> -> memref<4096xf32, #tpu.memory_space<vmem>>
      %dma_start3A_542 = tpu.memref_slice %arg3[%multiple_of3A_533] : memref<8388608xf32, #tpu.memory_space<hbm>> -> memref<4096xf32, #tpu.memory_space<hbm>>
      tpu.enqueue_dma source(%dma_start3A_542 : memref<4096xf32, #tpu.memory_space<hbm>>) target(%dma_start3A_541 : memref<4096xf32, #tpu.memory_space<vmem>>) target_semaphore(%arg16 : memref<!tpu.dma_semaphore, #tpu.memory_space<semaphore_mem>>)
      %mul3A_543 = arith.constant 16 : i32
      %mul3A_544 = arith.muli %add3A_506, %mul3A_543 : i32
      %multiple_of3A_545 = tpu.assume_multiple %mul3A_544, 16 : i32
      %dma_wait3A_546 = arith.constant 1 : i32
      %dma_wait3A_547 = arith.constant 0 : i32
      %dma_wait3A_548 = arith.constant 0 : i32
      %dma_wait3A_549 = tpu.memref_slice %arg7[%dma_wait3A_546, %dma_wait3A_547, %dma_wait3A_548] : memref<4x16x1024xf32, #tpu.memory_space<vmem>> -> memref<1x16x1024xf32, #tpu.memory_space<vmem>>
      %dma_wait3A_550 = tpu.memref_squeeze %dma_wait3A_549 : memref<1x16x1024xf32, #tpu.memory_space<vmem>> -> memref<16x1024xf32, #tpu.memory_space<vmem>>
      %dma_wait3A_551 = tpu.memref_slice %arg6[%multiple_of3A_545] : memref<512xi32, #tpu.memory_space<vmem>> -> memref<16xi32, #tpu.memory_space<vmem>>
      %dma_wait3A_552 = arith.constant 0 : i32
      %dma_wait3A_553 = arith.constant 0 : i32
      %dma_wait3A_554 = tpu.memref_slice %arg4[%dma_wait3A_552, %dma_wait3A_553] : memref<100000x1024xf32, #tpu.memory_space<hbm>> -> memref<100000x1024xf32, #tpu.memory_space<hbm>>
      tpu.wait_indirect_dma semaphore(%arg10 : memref<!tpu.dma_semaphore, #tpu.memory_space<semaphore_mem>>) src(%dma_wait3A_554 : memref<100000x1024xf32, #tpu.memory_space<hbm>>) dst(%dma_wait3A_550 : memref<16x1024xf32, #tpu.memory_space<vmem>>)
      %mul3A_555 = arith.constant 4 : i32
      %mul3A_556 = arith.muli %add3A_506, %mul3A_555 : i32
      %mul3A_557 = arith.constant 1024 : i32
      %mul3A_558 = arith.muli %mul3A_556, %mul3A_557 : i32
      %add3A_559 = arith.addi %multiple_of3A_7, %mul3A_558 : i32
      %multiple_of3A_560 = tpu.assume_multiple %add3A_559, 4096 : i32
      %dma_wait3A_561 = arith.constant 1 : i32
      %dma_wait3A_562 = arith.constant 0 : i32
      %dma_wait3A_563 = tpu.memref_slice %arg8[%dma_wait3A_561, %dma_wait3A_562] : memref<4x4096xf32, #tpu.memory_space<vmem>> -> memref<1x4096xf32, #tpu.memory_space<vmem>>
      %dma_wait3A_564 = tpu.memref_squeeze %dma_wait3A_563 : memref<1x4096xf32, #tpu.memory_space<vmem>> -> memref<4096xf32, #tpu.memory_space<vmem>>
      %dma_wait3A_565 = tpu.memref_slice %arg3[%multiple_of3A_560] : memref<8388608xf32, #tpu.memory_space<hbm>> -> memref<4096xf32, #tpu.memory_space<hbm>>
      %dma_wait3A_566 = arith.constant 0 : i32
      %dma_wait3A_567 = tpu.memref_slice %arg8[%dma_wait3A_561, %dma_wait3A_566] : memref<4x4096xf32, #tpu.memory_space<vmem>> -> memref<1x4096xf32, #tpu.memory_space<vmem>>
      %dma_wait3A_568 = tpu.memref_squeeze %dma_wait3A_567 : memref<1x4096xf32, #tpu.memory_space<vmem>> -> memref<4096xf32, #tpu.memory_space<vmem>>
      %dma_wait3A_569 = tpu.memref_slice %arg3[%multiple_of3A_560] : memref<8388608xf32, #tpu.memory_space<hbm>> -> memref<4096xf32, #tpu.memory_space<hbm>>
      tpu.wait_dma2 semaphore(%arg14 : memref<!tpu.dma_semaphore, #tpu.memory_space<semaphore_mem>>) src(%dma_wait3A_569 : memref<4096xf32, #tpu.memory_space<hbm>>) dst(%dma_wait3A_568 : memref<4096xf32, #tpu.memory_space<vmem>>)
      %parallel_loop3A_570 = arith.constant 0 : i32
      %parallel_loop3A_571 = arith.constant 1024 : i32
      %parallel_loop3A_572 = arith.constant 16 : i32
      %parallel_loop3A_573 = arith.constant 1 : i32
      %parallel_loop3A_574 = arith.constant 1 : i32
      scf.for %parallel_loop3A_1300 = %parallel_loop3A_570 to %parallel_loop3A_571 step %parallel_loop3A_572  : i32 {
        %parallel_loop3A_1301 = arith.constant 0 : i32
        %parallel_loop3A_1302 = arith.addi %parallel_loop3A_1301, %parallel_loop3A_1300 : i32
        %parallel_loop3A_1303 = arith.constant 0 : i32
        %parallel_loop3A_1304 = tpu.memref_slice %arg8[%parallel_loop3A_573, %parallel_loop3A_1303] : memref<4x4096xf32, #tpu.memory_space<vmem>> -> memref<1x4096xf32, #tpu.memory_space<vmem>>
        %parallel_loop3A_1305 = tpu.memref_squeeze %parallel_loop3A_1304 : memref<1x4096xf32, #tpu.memory_space<vmem>> -> memref<4096xf32, #tpu.memory_space<vmem>>
        %parallel_loop3A_1306 = arith.index_cast %parallel_loop3A_1302 : i32 to index
        %parallel_loop3A_1307 = tpu.vector_load %parallel_loop3A_1305[%parallel_loop3A_1306] {strides = array<i32>} : memref<4096xf32, #tpu.memory_space<vmem>>, vector<16xf32>,
        %parallel_loop3A_1308 = vector.shape_cast %parallel_loop3A_1307 : vector<16xf32> to vector<16xf32>
        %parallel_loop3A_1309 = arith.constant 0 : i32
        %parallel_loop3A_1310 = arith.constant 0 : i32
        %parallel_loop3A_1311 = arith.constant 0 : i32
        %parallel_loop3A_1312 = tpu.memref_slice %arg7[%parallel_loop3A_574, %parallel_loop3A_1310, %parallel_loop3A_1311] : memref<4x16x1024xf32, #tpu.memory_space<vmem>> -> memref<1x16x1024xf32, #tpu.memory_space<vmem>>
        %parallel_loop3A_1313 = tpu.memref_squeeze %parallel_loop3A_1312 : memref<1x16x1024xf32, #tpu.memory_space<vmem>> -> memref<16x1024xf32, #tpu.memory_space<vmem>>
        %parallel_loop3A_1314 = arith.index_cast %parallel_loop3A_1309 : i32 to index
        %parallel_loop3A_1315 = arith.index_cast %parallel_loop3A_1300 : i32 to index
        %parallel_loop3A_1316 = tpu.vector_load %parallel_loop3A_1313[%parallel_loop3A_1314, %parallel_loop3A_1315] {strides = array<i32>} : memref<16x1024xf32, #tpu.memory_space<vmem>>, vector<1x16xf32>,
        %parallel_loop3A_1317 = vector.shape_cast %parallel_loop3A_1316 : vector<1x16xf32> to vector<16xf32>
        %parallel_loop3A_1318 = arith.constant 3.200000e+01 : f32
        %parallel_loop3A_1319 = vector.broadcast %parallel_loop3A_1318 : f32 to vector<16xf32>
        %parallel_loop3A_1320 = arith.mulf %parallel_loop3A_1317, %parallel_loop3A_1319 : vector<16xf32>
        %parallel_loop3A_1321 = arith.addf %parallel_loop3A_1320, %parallel_loop3A_1308 : vector<16xf32>
        %parallel_loop3A_1322 = arith.constant 0 : i32
        %parallel_loop3A_1323 = arith.constant 0 : i32
        %parallel_loop3A_1324 = arith.constant 0 : i32
        %parallel_loop3A_1325 = tpu.memref_slice %arg7[%parallel_loop3A_574, %parallel_loop3A_1323, %parallel_loop3A_1324] : memref<4x16x1024xf32, #tpu.memory_space<vmem>> -> memref<1x16x1024xf32, #tpu.memory_space<vmem>>
        %parallel_loop3A_1326 = tpu.memref_squeeze %parallel_loop3A_1325 : memref<1x16x1024xf32, #tpu.memory_space<vmem>> -> memref<16x1024xf32, #tpu.memory_space<vmem>>
        %parallel_loop3A_1327 = arith.index_cast %parallel_loop3A_1322 : i32 to index
        %parallel_loop3A_1328 = arith.index_cast %parallel_loop3A_1300 : i32 to index
        %parallel_loop3A_1329 = tpu.vector_load %parallel_loop3A_1326[%parallel_loop3A_1327, %parallel_loop3A_1328] {strides = array<i32>} : memref<16x1024xf32, #tpu.memory_space<vmem>>, vector<1x16xf32>,
        %parallel_loop3A_1330 = vector.shape_cast %parallel_loop3A_1329 : vector<1x16xf32> to vector<16xf32>
        %parallel_loop3A_1331 = vector.shape_cast %parallel_loop3A_1321 : vector<16xf32> to vector<1x16xf32>
        tpu.vector_store %parallel_loop3A_1326[%parallel_loop3A_1327, %parallel_loop3A_1328], %parallel_loop3A_1331 {strides = array<i32>} : memref<16x1024xf32, #tpu.memory_space<vmem>>, vector<1x16xf32>,
        %parallel_loop3A_1332 = arith.constant 1 : i32
        %parallel_loop3A_1333 = arith.constant 0 : i32
        %parallel_loop3A_1334 = arith.constant 0 : i32
        %parallel_loop3A_1335 = tpu.memref_slice %arg7[%parallel_loop3A_574, %parallel_loop3A_1333, %parallel_loop3A_1334] : memref<4x16x1024xf32, #tpu.memory_space<vmem>> -> memref<1x16x1024xf32, #tpu.memory_space<vmem>>
        %parallel_loop3A_1336 = tpu.memref_squeeze %parallel_loop3A_1335 : memref<1x16x1024xf32, #tpu.memory_space<vmem>> -> memref<16x1024xf32, #tpu.memory_space<vmem>>
        %parallel_loop3A_1337 = arith.index_cast %parallel_loop3A_1332 : i32 to index
        %parallel_loop3A_1338 = arith.index_cast %parallel_loop3A_1300 : i32 to index
        %parallel_loop3A_1339 = tpu.vector_load %parallel_loop3A_1336[%parallel_loop3A_1337, %parallel_loop3A_1338] {strides = array<i32>} : memref<16x1024xf32, #tpu.memory_space<vmem>>, vector<1x16xf32>,
        %parallel_loop3A_1340 = vector.shape_cast %parallel_loop3A_1339 : vector<1x16xf32> to vector<16xf32>
        %parallel_loop3A_1341 = arith.constant 3.200000e+01 : f32
        %parallel_loop3A_1342 = vector.broadcast %parallel_loop3A_1341 : f32 to vector<16xf32>
        %parallel_loop3A_1343 = arith.mulf %parallel_loop3A_1340, %parallel_loop3A_1342 : vector<16xf32>
        %parallel_loop3A_1344 = arith.addf %parallel_loop3A_1343, %parallel_loop3A_1308 : vector<16xf32>
        %parallel_loop3A_1345 = arith.constant 1 : i32
        %parallel_loop3A_1346 = arith.constant 0 : i32
        %parallel_loop3A_1347 = arith.constant 0 : i32
        %parallel_loop3A_1348 = tpu.memref_slice %arg7[%parallel_loop3A_574, %parallel_loop3A_1346, %parallel_loop3A_1347] : memref<4x16x1024xf32, #tpu.memory_space<vmem>> -> memref<1x16x1024xf32, #tpu.memory_space<vmem>>
        %parallel_loop3A_1349 = tpu.memref_squeeze %parallel_loop3A_1348 : memref<1x16x1024xf32, #tpu.memory_space<vmem>> -> memref<16x1024xf32, #tpu.memory_space<vmem>>
        %parallel_loop3A_1350 = arith.index_cast %parallel_loop3A_1345 : i32 to index
        %parallel_loop3A_1351 = arith.index_cast %parallel_loop3A_1300 : i32 to index
        %parallel_loop3A_1352 = tpu.vector_load %parallel_loop3A_1349[%parallel_loop3A_1350, %parallel_loop3A_1351] {strides = array<i32>} : memref<16x1024xf32, #tpu.memory_space<vmem>>, vector<1x16xf32>,
        %parallel_loop3A_1353 = vector.shape_cast %parallel_loop3A_1352 : vector<1x16xf32> to vector<16xf32>
        %parallel_loop3A_1354 = vector.shape_cast %parallel_loop3A_1344 : vector<16xf32> to vector<1x16xf32>
        tpu.vector_store %parallel_loop3A_1349[%parallel_loop3A_1350, %parallel_loop3A_1351], %parallel_loop3A_1354 {strides = array<i32>} : memref<16x1024xf32, #tpu.memory_space<vmem>>, vector<1x16xf32>,
        %parallel_loop3A_1355 = arith.constant 2 : i32
        %parallel_loop3A_1356 = arith.constant 0 : i32
        %parallel_loop3A_1357 = arith.constant 0 : i32
        %parallel_loop3A_1358 = tpu.memref_slice %arg7[%parallel_loop3A_574, %parallel_loop3A_1356, %parallel_loop3A_1357] : memref<4x16x1024xf32, #tpu.memory_space<vmem>> -> memref<1x16x1024xf32, #tpu.memory_space<vmem>>
        %parallel_loop3A_1359 = tpu.memref_squeeze %parallel_loop3A_1358 : memref<1x16x1024xf32, #tpu.memory_space<vmem>> -> memref<16x1024xf32, #tpu.memory_space<vmem>>
        %parallel_loop3A_1360 = arith.index_cast %parallel_loop3A_1355 : i32 to index
        %parallel_loop3A_1361 = arith.index_cast %parallel_loop3A_1300 : i32 to index
        %parallel_loop3A_1362 = tpu.vector_load %parallel_loop3A_1359[%parallel_loop3A_1360, %parallel_loop3A_1361] {strides = array<i32>} : memref<16x1024xf32, #tpu.memory_space<vmem>>, vector<1x16xf32>,
        %parallel_loop3A_1363 = vector.shape_cast %parallel_loop3A_1362 : vector<1x16xf32> to vector<16xf32>
        %parallel_loop3A_1364 = arith.constant 3.200000e+01 : f32
        %parallel_loop3A_1365 = vector.broadcast %parallel_loop3A_1364 : f32 to vector<16xf32>
        %parallel_loop3A_1366 = arith.mulf %parallel_loop3A_1363, %parallel_loop3A_1365 : vector<16xf32>
        %parallel_loop3A_1367 = arith.addf %parallel_loop3A_1366, %parallel_loop3A_1308 : vector<16xf32>
        %parallel_loop3A_1368 = arith.constant 2 : i32
        %parallel_loop3A_1369 = arith.constant 0 : i32
        %parallel_loop3A_1370 = arith.constant 0 : i32
        %parallel_loop3A_1371 = tpu.memref_slice %arg7[%parallel_loop3A_574, %parallel_loop3A_1369, %parallel_loop3A_1370] : memref<4x16x1024xf32, #tpu.memory_space<vmem>> -> memref<1x16x1024xf32, #tpu.memory_space<vmem>>
        %parallel_loop3A_1372 = tpu.memref_squeeze %parallel_loop3A_1371 : memref<1x16x1024xf32, #tpu.memory_space<vmem>> -> memref<16x1024xf32, #tpu.memory_space<vmem>>
        %parallel_loop3A_1373 = arith.index_cast %parallel_loop3A_1368 : i32 to index
        %parallel_loop3A_1374 = arith.index_cast %parallel_loop3A_1300 : i32 to index
        %parallel_loop3A_1375 = tpu.vector_load %parallel_loop3A_1372[%parallel_loop3A_1373, %parallel_loop3A_1374] {strides = array<i32>} : memref<16x1024xf32, #tpu.memory_space<vmem>>, vector<1x16xf32>,
        %parallel_loop3A_1376 = vector.shape_cast %parallel_loop3A_1375 : vector<1x16xf32> to vector<16xf32>
        %parallel_loop3A_1377 = vector.shape_cast %parallel_loop3A_1367 : vector<16xf32> to vector<1x16xf32>
        tpu.vector_store %parallel_loop3A_1372[%parallel_loop3A_1373, %parallel_loop3A_1374], %parallel_loop3A_1377 {strides = array<i32>} : memref<16x1024xf32, #tpu.memory_space<vmem>>, vector<1x16xf32>,
        %parallel_loop3A_1378 = arith.constant 3 : i32
        %parallel_loop3A_1379 = arith.constant 0 : i32
        %parallel_loop3A_1380 = arith.constant 0 : i32
        %parallel_loop3A_1381 = tpu.memref_slice %arg7[%parallel_loop3A_574, %parallel_loop3A_1379, %parallel_loop3A_1380] : memref<4x16x1024xf32, #tpu.memory_space<vmem>> -> memref<1x16x1024xf32, #tpu.memory_space<vmem>>
        %parallel_loop3A_1382 = tpu.memref_squeeze %parallel_loop3A_1381 : memref<1x16x1024xf32, #tpu.memory_space<vmem>> -> memref<16x1024xf32, #tpu.memory_space<vmem>>
        %parallel_loop3A_1383 = arith.index_cast %parallel_loop3A_1378 : i32 to index
        %parallel_loop3A_1384 = arith.index_cast %parallel_loop3A_1300 : i32 to index
        %parallel_loop3A_1385 = tpu.vector_load %parallel_loop3A_1382[%parallel_loop3A_1383, %parallel_loop3A_1384] {strides = array<i32>} : memref<16x1024xf32, #tpu.memory_space<vmem>>, vector<1x16xf32>,
        %parallel_loop3A_1386 = vector.shape_cast %parallel_loop3A_1385 : vector<1x16xf32> to vector<16xf32>
        %parallel_loop3A_1387 = arith.constant 3.200000e+01 : f32
        %parallel_loop3A_1388 = vector.broadcast %parallel_loop3A_1387 : f32 to vector<16xf32>
        %parallel_loop3A_1389 = arith.mulf %parallel_loop3A_1386, %parallel_loop3A_1388 : vector<16xf32>
        %parallel_loop3A_1390 = arith.addf %parallel_loop3A_1389, %parallel_loop3A_1308 : vector<16xf32>
        %parallel_loop3A_1391 = arith.constant 3 : i32
        %parallel_loop3A_1392 = arith.constant 0 : i32
        %parallel_loop3A_1393 = arith.constant 0 : i32
        %parallel_loop3A_1394 = tpu.memref_slice %arg7[%parallel_loop3A_574, %parallel_loop3A_1392, %parallel_loop3A_1393] : memref<4x16x1024xf32, #tpu.memory_space<vmem>> -> memref<1x16x1024xf32, #tpu.memory_space<vmem>>
        %parallel_loop3A_1395 = tpu.memref_squeeze %parallel_loop3A_1394 : memref<1x16x1024xf32, #tpu.memory_space<vmem>> -> memref<16x1024xf32, #tpu.memory_space<vmem>>
        %parallel_loop3A_1396 = arith.index_cast %parallel_loop3A_1391 : i32 to index
        %parallel_loop3A_1397 = arith.index_cast %parallel_loop3A_1300 : i32 to index
        %parallel_loop3A_1398 = tpu.vector_load %parallel_loop3A_1395[%parallel_loop3A_1396, %parallel_loop3A_1397] {strides = array<i32>} : memref<16x1024xf32, #tpu.memory_space<vmem>>, vector<1x16xf32>,
        %parallel_loop3A_1399 = vector.shape_cast %parallel_loop3A_1398 : vector<1x16xf32> to vector<16xf32>
        %parallel_loop3A_1400 = vector.shape_cast %parallel_loop3A_1390 : vector<16xf32> to vector<1x16xf32>
        tpu.vector_store %parallel_loop3A_1395[%parallel_loop3A_1396, %parallel_loop3A_1397], %parallel_loop3A_1400 {strides = array<i32>} : memref<16x1024xf32, #tpu.memory_space<vmem>>, vector<1x16xf32>,
        %parallel_loop3A_1401 = arith.constant 1024 : i32
        %parallel_loop3A_1402 = arith.addi %parallel_loop3A_1401, %parallel_loop3A_1300 : i32
        %parallel_loop3A_1403 = arith.constant 0 : i32
        %parallel_loop3A_1404 = tpu.memref_slice %arg8[%parallel_loop3A_573, %parallel_loop3A_1403] : memref<4x4096xf32, #tpu.memory_space<vmem>> -> memref<1x4096xf32, #tpu.memory_space<vmem>>
        %parallel_loop3A_1405 = tpu.memref_squeeze %parallel_loop3A_1404 : memref<1x4096xf32, #tpu.memory_space<vmem>> -> memref<4096xf32, #tpu.memory_space<vmem>>
        %parallel_loop3A_1406 = arith.index_cast %parallel_loop3A_1402 : i32 to index
        %parallel_loop3A_1407 = tpu.vector_load %parallel_loop3A_1405[%parallel_loop3A_1406] {strides = array<i32>} : memref<4096xf32, #tpu.memory_space<vmem>>, vector<16xf32>,
        %parallel_loop3A_1408 = vector.shape_cast %parallel_loop3A_1407 : vector<16xf32> to vector<16xf32>
        %parallel_loop3A_1409 = arith.constant 4 : i32
        %parallel_loop3A_1410 = arith.constant 0 : i32
        %parallel_loop3A_1411 = arith.constant 0 : i32
        %parallel_loop3A_1412 = tpu.memref_slice %arg7[%parallel_loop3A_574, %parallel_loop3A_1410, %parallel_loop3A_1411] : memref<4x16x1024xf32, #tpu.memory_space<vmem>> -> memref<1x16x1024xf32, #tpu.memory_space<vmem>>
        %parallel_loop3A_1413 = tpu.memref_squeeze %parallel_loop3A_1412 : memref<1x16x1024xf32, #tpu.memory_space<vmem>> -> memref<16x1024xf32, #tpu.memory_space<vmem>>
        %parallel_loop3A_1414 = arith.index_cast %parallel_loop3A_1409 : i32 to index
        %parallel_loop3A_1415 = arith.index_cast %parallel_loop3A_1300 : i32 to index
        %parallel_loop3A_1416 = tpu.vector_load %parallel_loop3A_1413[%parallel_loop3A_1414, %parallel_loop3A_1415] {strides = array<i32>} : memref<16x1024xf32, #tpu.memory_space<vmem>>, vector<1x16xf32>,
        %parallel_loop3A_1417 = vector.shape_cast %parallel_loop3A_1416 : vector<1x16xf32> to vector<16xf32>
        %parallel_loop3A_1418 = arith.constant 3.200000e+01 : f32
        %parallel_loop3A_1419 = vector.broadcast %parallel_loop3A_1418 : f32 to vector<16xf32>
        %parallel_loop3A_1420 = arith.mulf %parallel_loop3A_1417, %parallel_loop3A_1419 : vector<16xf32>
        %parallel_loop3A_1421 = arith.addf %parallel_loop3A_1420, %parallel_loop3A_1408 : vector<16xf32>
        %parallel_loop3A_1422 = arith.constant 4 : i32
        %parallel_loop3A_1423 = arith.constant 0 : i32
        %parallel_loop3A_1424 = arith.constant 0 : i32
        %parallel_loop3A_1425 = tpu.memref_slice %arg7[%parallel_loop3A_574, %parallel_loop3A_1423, %parallel_loop3A_1424] : memref<4x16x1024xf32, #tpu.memory_space<vmem>> -> memref<1x16x1024xf32, #tpu.memory_space<vmem>>
        %parallel_loop3A_1426 = tpu.memref_squeeze %parallel_loop3A_1425 : memref<1x16x1024xf32, #tpu.memory_space<vmem>> -> memref<16x1024xf32, #tpu.memory_space<vmem>>
        %parallel_loop3A_1427 = arith.index_cast %parallel_loop3A_1422 : i32 to index
        %parallel_loop3A_1428 = arith.index_cast %parallel_loop3A_1300 : i32 to index
        %parallel_loop3A_1429 = tpu.vector_load %parallel_loop3A_1426[%parallel_loop3A_1427, %parallel_loop3A_1428] {strides = array<i32>} : memref<16x1024xf32, #tpu.memory_space<vmem>>, vector<1x16xf32>,
        %parallel_loop3A_1430 = vector.shape_cast %parallel_loop3A_1429 : vector<1x16xf32> to vector<16xf32>
        %parallel_loop3A_1431 = vector.shape_cast %parallel_loop3A_1421 : vector<16xf32> to vector<1x16xf32>
        tpu.vector_store %parallel_loop3A_1426[%parallel_loop3A_1427, %parallel_loop3A_1428], %parallel_loop3A_1431 {strides = array<i32>} : memref<16x1024xf32, #tpu.memory_space<vmem>>, vector<1x16xf32>,
        %parallel_loop3A_1432 = arith.constant 5 : i32
        %parallel_loop3A_1433 = arith.constant 0 : i32
        %parallel_loop3A_1434 = arith.constant 0 : i32
        %parallel_loop3A_1435 = tpu.memref_slice %arg7[%parallel_loop3A_574, %parallel_loop3A_1433, %parallel_loop3A_1434] : memref<4x16x1024xf32, #tpu.memory_space<vmem>> -> memref<1x16x1024xf32, #tpu.memory_space<vmem>>
        %parallel_loop3A_1436 = tpu.memref_squeeze %parallel_loop3A_1435 : memref<1x16x1024xf32, #tpu.memory_space<vmem>> -> memref<16x1024xf32, #tpu.memory_space<vmem>>
        %parallel_loop3A_1437 = arith.index_cast %parallel_loop3A_1432 : i32 to index
        %parallel_loop3A_1438 = arith.index_cast %parallel_loop3A_1300 : i32 to index
        %parallel_loop3A_1439 = tpu.vector_load %parallel_loop3A_1436[%parallel_loop3A_1437, %parallel_loop3A_1438] {strides = array<i32>} : memref<16x1024xf32, #tpu.memory_space<vmem>>, vector<1x16xf32>,
        %parallel_loop3A_1440 = vector.shape_cast %parallel_loop3A_1439 : vector<1x16xf32> to vector<16xf32>
        %parallel_loop3A_1441 = arith.constant 3.200000e+01 : f32
        %parallel_loop3A_1442 = vector.broadcast %parallel_loop3A_1441 : f32 to vector<16xf32>
        %parallel_loop3A_1443 = arith.mulf %parallel_loop3A_1440, %parallel_loop3A_1442 : vector<16xf32>
        %parallel_loop3A_1444 = arith.addf %parallel_loop3A_1443, %parallel_loop3A_1408 : vector<16xf32>
        %parallel_loop3A_1445 = arith.constant 5 : i32
        %parallel_loop3A_1446 = arith.constant 0 : i32
        %parallel_loop3A_1447 = arith.constant 0 : i32
        %parallel_loop3A_1448 = tpu.memref_slice %arg7[%parallel_loop3A_574, %parallel_loop3A_1446, %parallel_loop3A_1447] : memref<4x16x1024xf32, #tpu.memory_space<vmem>> -> memref<1x16x1024xf32, #tpu.memory_space<vmem>>
        %parallel_loop3A_1449 = tpu.memref_squeeze %parallel_loop3A_1448 : memref<1x16x1024xf32, #tpu.memory_space<vmem>> -> memref<16x1024xf32, #tpu.memory_space<vmem>>
        %parallel_loop3A_1450 = arith.index_cast %parallel_loop3A_1445 : i32 to index
        %parallel_loop3A_1451 = arith.index_cast %parallel_loop3A_1300 : i32 to index
        %parallel_loop3A_1452 = tpu.vector_load %parallel_loop3A_1449[%parallel_loop3A_1450, %parallel_loop3A_1451] {strides = array<i32>} : memref<16x1024xf32, #tpu.memory_space<vmem>>, vector<1x16xf32>,
        %parallel_loop3A_1453 = vector.shape_cast %parallel_loop3A_1452 : vector<1x16xf32> to vector<16xf32>
        %parallel_loop3A_1454 = vector.shape_cast %parallel_loop3A_1444 : vector<16xf32> to vector<1x16xf32>
        tpu.vector_store %parallel_loop3A_1449[%parallel_loop3A_1450, %parallel_loop3A_1451], %parallel_loop3A_1454 {strides = array<i32>} : memref<16x1024xf32, #tpu.memory_space<vmem>>, vector<1x16xf32>,
        %parallel_loop3A_1455 = arith.constant 6 : i32
        %parallel_loop3A_1456 = arith.constant 0 : i32
        %parallel_loop3A_1457 = arith.constant 0 : i32
        %parallel_loop3A_1458 = tpu.memref_slice %arg7[%parallel_loop3A_574, %parallel_loop3A_1456, %parallel_loop3A_1457] : memref<4x16x1024xf32, #tpu.memory_space<vmem>> -> memref<1x16x1024xf32, #tpu.memory_space<vmem>>
        %parallel_loop3A_1459 = tpu.memref_squeeze %parallel_loop3A_1458 : memref<1x16x1024xf32, #tpu.memory_space<vmem>> -> memref<16x1024xf32, #tpu.memory_space<vmem>>
        %parallel_loop3A_1460 = arith.index_cast %parallel_loop3A_1455 : i32 to index
        %parallel_loop3A_1461 = arith.index_cast %parallel_loop3A_1300 : i32 to index
        %parallel_loop3A_1462 = tpu.vector_load %parallel_loop3A_1459[%parallel_loop3A_1460, %parallel_loop3A_1461] {strides = array<i32>} : memref<16x1024xf32, #tpu.memory_space<vmem>>, vector<1x16xf32>,
        %parallel_loop3A_1463 = vector.shape_cast %parallel_loop3A_1462 : vector<1x16xf32> to vector<16xf32>
        %parallel_loop3A_1464 = arith.constant 3.200000e+01 : f32
        %parallel_loop3A_1465 = vector.broadcast %parallel_loop3A_1464 : f32 to vector<16xf32>
        %parallel_loop3A_1466 = arith.mulf %parallel_loop3A_1463, %parallel_loop3A_1465 : vector<16xf32>
        %parallel_loop3A_1467 = arith.addf %parallel_loop3A_1466, %parallel_loop3A_1408 : vector<16xf32>
        %parallel_loop3A_1468 = arith.constant 6 : i32
        %parallel_loop3A_1469 = arith.constant 0 : i32
        %parallel_loop3A_1470 = arith.constant 0 : i32
        %parallel_loop3A_1471 = tpu.memref_slice %arg7[%parallel_loop3A_574, %parallel_loop3A_1469, %parallel_loop3A_1470] : memref<4x16x1024xf32, #tpu.memory_space<vmem>> -> memref<1x16x1024xf32, #tpu.memory_space<vmem>>
        %parallel_loop3A_1472 = tpu.memref_squeeze %parallel_loop3A_1471 : memref<1x16x1024xf32, #tpu.memory_space<vmem>> -> memref<16x1024xf32, #tpu.memory_space<vmem>>
        %parallel_loop3A_1473 = arith.index_cast %parallel_loop3A_1468 : i32 to index
        %parallel_loop3A_1474 = arith.index_cast %parallel_loop3A_1300 : i32 to index
        %parallel_loop3A_1475 = tpu.vector_load %parallel_loop3A_1472[%parallel_loop3A_1473, %parallel_loop3A_1474] {strides = array<i32>} : memref<16x1024xf32, #tpu.memory_space<vmem>>, vector<1x16xf32>,
        %parallel_loop3A_1476 = vector.shape_cast %parallel_loop3A_1475 : vector<1x16xf32> to vector<16xf32>
        %parallel_loop3A_1477 = vector.shape_cast %parallel_loop3A_1467 : vector<16xf32> to vector<1x16xf32>
        tpu.vector_store %parallel_loop3A_1472[%parallel_loop3A_1473, %parallel_loop3A_1474], %parallel_loop3A_1477 {strides = array<i32>} : memref<16x1024xf32, #tpu.memory_space<vmem>>, vector<1x16xf32>,
        %parallel_loop3A_1478 = arith.constant 7 : i32
        %parallel_loop3A_1479 = arith.constant 0 : i32
        %parallel_loop3A_1480 = arith.constant 0 : i32
        %parallel_loop3A_1481 = tpu.memref_slice %arg7[%parallel_loop3A_574, %parallel_loop3A_1479, %parallel_loop3A_1480] : memref<4x16x1024xf32, #tpu.memory_space<vmem>> -> memref<1x16x1024xf32, #tpu.memory_space<vmem>>
        %parallel_loop3A_1482 = tpu.memref_squeeze %parallel_loop3A_1481 : memref<1x16x1024xf32, #tpu.memory_space<vmem>> -> memref<16x1024xf32, #tpu.memory_space<vmem>>
        %parallel_loop3A_1483 = arith.index_cast %parallel_loop3A_1478 : i32 to index
        %parallel_loop3A_1484 = arith.index_cast %parallel_loop3A_1300 : i32 to index
        %parallel_loop3A_1485 = tpu.vector_load %parallel_loop3A_1482[%parallel_loop3A_1483, %parallel_loop3A_1484] {strides = array<i32>} : memref<16x1024xf32, #tpu.memory_space<vmem>>, vector<1x16xf32>,
        %parallel_loop3A_1486 = vector.shape_cast %parallel_loop3A_1485 : vector<1x16xf32> to vector<16xf32>
        %parallel_loop3A_1487 = arith.constant 3.200000e+01 : f32
        %parallel_loop3A_1488 = vector.broadcast %parallel_loop3A_1487 : f32 to vector<16xf32>
        %parallel_loop3A_1489 = arith.mulf %parallel_loop3A_1486, %parallel_loop3A_1488 : vector<16xf32>
        %parallel_loop3A_1490 = arith.addf %parallel_loop3A_1489, %parallel_loop3A_1408 : vector<16xf32>
        %parallel_loop3A_1491 = arith.constant 7 : i32
        %parallel_loop3A_1492 = arith.constant 0 : i32
        %parallel_loop3A_1493 = arith.constant 0 : i32
        %parallel_loop3A_1494 = tpu.memref_slice %arg7[%parallel_loop3A_574, %parallel_loop3A_1492, %parallel_loop3A_1493] : memref<4x16x1024xf32, #tpu.memory_space<vmem>> -> memref<1x16x1024xf32, #tpu.memory_space<vmem>>
        %parallel_loop3A_1495 = tpu.memref_squeeze %parallel_loop3A_1494 : memref<1x16x1024xf32, #tpu.memory_space<vmem>> -> memref<16x1024xf32, #tpu.memory_space<vmem>>
        %parallel_loop3A_1496 = arith.index_cast %parallel_loop3A_1491 : i32 to index
        %parallel_loop3A_1497 = arith.index_cast %parallel_loop3A_1300 : i32 to index
        %parallel_loop3A_1498 = tpu.vector_load %parallel_loop3A_1495[%parallel_loop3A_1496, %parallel_loop3A_1497] {strides = array<i32>} : memref<16x1024xf32, #tpu.memory_space<vmem>>, vector<1x16xf32>,
        %parallel_loop3A_1499 = vector.shape_cast %parallel_loop3A_1498 : vector<1x16xf32> to vector<16xf32>
        %parallel_loop3A_1500 = vector.shape_cast %parallel_loop3A_1490 : vector<16xf32> to vector<1x16xf32>
        tpu.vector_store %parallel_loop3A_1495[%parallel_loop3A_1496, %parallel_loop3A_1497], %parallel_loop3A_1500 {strides = array<i32>} : memref<16x1024xf32, #tpu.memory_space<vmem>>, vector<1x16xf32>,
        %parallel_loop3A_1501 = arith.constant 2048 : i32
        %parallel_loop3A_1502 = arith.addi %parallel_loop3A_1501, %parallel_loop3A_1300 : i32
        %parallel_loop3A_1503 = arith.constant 0 : i32
        %parallel_loop3A_1504 = tpu.memref_slice %arg8[%parallel_loop3A_573, %parallel_loop3A_1503] : memref<4x4096xf32, #tpu.memory_space<vmem>> -> memref<1x4096xf32, #tpu.memory_space<vmem>>
        %parallel_loop3A_1505 = tpu.memref_squeeze %parallel_loop3A_1504 : memref<1x4096xf32, #tpu.memory_space<vmem>> -> memref<4096xf32, #tpu.memory_space<vmem>>
        %parallel_loop3A_1506 = arith.index_cast %parallel_loop3A_1502 : i32 to index
        %parallel_loop3A_1507 = tpu.vector_load %parallel_loop3A_1505[%parallel_loop3A_1506] {strides = array<i32>} : memref<4096xf32, #tpu.memory_space<vmem>>, vector<16xf32>,
        %parallel_loop3A_1508 = vector.shape_cast %parallel_loop3A_1507 : vector<16xf32> to vector<16xf32>
        %parallel_loop3A_1509 = arith.constant 8 : i32
        %parallel_loop3A_1510 = arith.constant 0 : i32
        %parallel_loop3A_1511 = arith.constant 0 : i32
        %parallel_loop3A_1512 = tpu.memref_slice %arg7[%parallel_loop3A_574, %parallel_loop3A_1510, %parallel_loop3A_1511] : memref<4x16x1024xf32, #tpu.memory_space<vmem>> -> memref<1x16x1024xf32, #tpu.memory_space<vmem>>
        %parallel_loop3A_1513 = tpu.memref_squeeze %parallel_loop3A_1512 : memref<1x16x1024xf32, #tpu.memory_space<vmem>> -> memref<16x1024xf32, #tpu.memory_space<vmem>>
        %parallel_loop3A_1514 = arith.index_cast %parallel_loop3A_1509 : i32 to index
        %parallel_loop3A_1515 = arith.index_cast %parallel_loop3A_1300 : i32 to index
        %parallel_loop3A_1516 = tpu.vector_load %parallel_loop3A_1513[%parallel_loop3A_1514, %parallel_loop3A_1515] {strides = array<i32>} : memref<16x1024xf32, #tpu.memory_space<vmem>>, vector<1x16xf32>,
        %parallel_loop3A_1517 = vector.shape_cast %parallel_loop3A_1516 : vector<1x16xf32> to vector<16xf32>
        %parallel_loop3A_1518 = arith.constant 3.200000e+01 : f32
        %parallel_loop3A_1519 = vector.broadcast %parallel_loop3A_1518 : f32 to vector<16xf32>
        %parallel_loop3A_1520 = arith.mulf %parallel_loop3A_1517, %parallel_loop3A_1519 : vector<16xf32>
        %parallel_loop3A_1521 = arith.addf %parallel_loop3A_1520, %parallel_loop3A_1508 : vector<16xf32>
        %parallel_loop3A_1522 = arith.constant 8 : i32
        %parallel_loop3A_1523 = arith.constant 0 : i32
        %parallel_loop3A_1524 = arith.constant 0 : i32
        %parallel_loop3A_1525 = tpu.memref_slice %arg7[%parallel_loop3A_574, %parallel_loop3A_1523, %parallel_loop3A_1524] : memref<4x16x1024xf32, #tpu.memory_space<vmem>> -> memref<1x16x1024xf32, #tpu.memory_space<vmem>>
        %parallel_loop3A_1526 = tpu.memref_squeeze %parallel_loop3A_1525 : memref<1x16x1024xf32, #tpu.memory_space<vmem>> -> memref<16x1024xf32, #tpu.memory_space<vmem>>
        %parallel_loop3A_1527 = arith.index_cast %parallel_loop3A_1522 : i32 to index
        %parallel_loop3A_1528 = arith.index_cast %parallel_loop3A_1300 : i32 to index
        %parallel_loop3A_1529 = tpu.vector_load %parallel_loop3A_1526[%parallel_loop3A_1527, %parallel_loop3A_1528] {strides = array<i32>} : memref<16x1024xf32, #tpu.memory_space<vmem>>, vector<1x16xf32>,
        %parallel_loop3A_1530 = vector.shape_cast %parallel_loop3A_1529 : vector<1x16xf32> to vector<16xf32>
        %parallel_loop3A_1531 = vector.shape_cast %parallel_loop3A_1521 : vector<16xf32> to vector<1x16xf32>
        tpu.vector_store %parallel_loop3A_1526[%parallel_loop3A_1527, %parallel_loop3A_1528], %parallel_loop3A_1531 {strides = array<i32>} : memref<16x1024xf32, #tpu.memory_space<vmem>>, vector<1x16xf32>,
        %parallel_loop3A_1532 = arith.constant 9 : i32
        %parallel_loop3A_1533 = arith.constant 0 : i32
        %parallel_loop3A_1534 = arith.constant 0 : i32
        %parallel_loop3A_1535 = tpu.memref_slice %arg7[%parallel_loop3A_574, %parallel_loop3A_1533, %parallel_loop3A_1534] : memref<4x16x1024xf32, #tpu.memory_space<vmem>> -> memref<1x16x1024xf32, #tpu.memory_space<vmem>>
        %parallel_loop3A_1536 = tpu.memref_squeeze %parallel_loop3A_1535 : memref<1x16x1024xf32, #tpu.memory_space<vmem>> -> memref<16x1024xf32, #tpu.memory_space<vmem>>
        %parallel_loop3A_1537 = arith.index_cast %parallel_loop3A_1532 : i32 to index
        %parallel_loop3A_1538 = arith.index_cast %parallel_loop3A_1300 : i32 to index
        %parallel_loop3A_1539 = tpu.vector_load %parallel_loop3A_1536[%parallel_loop3A_1537, %parallel_loop3A_1538] {strides = array<i32>} : memref<16x1024xf32, #tpu.memory_space<vmem>>, vector<1x16xf32>,
        %parallel_loop3A_1540 = vector.shape_cast %parallel_loop3A_1539 : vector<1x16xf32> to vector<16xf32>
        %parallel_loop3A_1541 = arith.constant 3.200000e+01 : f32
        %parallel_loop3A_1542 = vector.broadcast %parallel_loop3A_1541 : f32 to vector<16xf32>
        %parallel_loop3A_1543 = arith.mulf %parallel_loop3A_1540, %parallel_loop3A_1542 : vector<16xf32>
        %parallel_loop3A_1544 = arith.addf %parallel_loop3A_1543, %parallel_loop3A_1508 : vector<16xf32>
        %parallel_loop3A_1545 = arith.constant 9 : i32
        %parallel_loop3A_1546 = arith.constant 0 : i32
        %parallel_loop3A_1547 = arith.constant 0 : i32
        %parallel_loop3A_1548 = tpu.memref_slice %arg7[%parallel_loop3A_574, %parallel_loop3A_1546, %parallel_loop3A_1547] : memref<4x16x1024xf32, #tpu.memory_space<vmem>> -> memref<1x16x1024xf32, #tpu.memory_space<vmem>>
        %parallel_loop3A_1549 = tpu.memref_squeeze %parallel_loop3A_1548 : memref<1x16x1024xf32, #tpu.memory_space<vmem>> -> memref<16x1024xf32, #tpu.memory_space<vmem>>
        %parallel_loop3A_1550 = arith.index_cast %parallel_loop3A_1545 : i32 to index
        %parallel_loop3A_1551 = arith.index_cast %parallel_loop3A_1300 : i32 to index
        %parallel_loop3A_1552 = tpu.vector_load %parallel_loop3A_1549[%parallel_loop3A_1550, %parallel_loop3A_1551] {strides = array<i32>} : memref<16x1024xf32, #tpu.memory_space<vmem>>, vector<1x16xf32>,
        %parallel_loop3A_1553 = vector.shape_cast %parallel_loop3A_1552 : vector<1x16xf32> to vector<16xf32>
        %parallel_loop3A_1554 = vector.shape_cast %parallel_loop3A_1544 : vector<16xf32> to vector<1x16xf32>
        tpu.vector_store %parallel_loop3A_1549[%parallel_loop3A_1550, %parallel_loop3A_1551], %parallel_loop3A_1554 {strides = array<i32>} : memref<16x1024xf32, #tpu.memory_space<vmem>>, vector<1x16xf32>,
        %parallel_loop3A_1555 = arith.constant 10 : i32
        %parallel_loop3A_1556 = arith.constant 0 : i32
        %parallel_loop3A_1557 = arith.constant 0 : i32
        %parallel_loop3A_1558 = tpu.memref_slice %arg7[%parallel_loop3A_574, %parallel_loop3A_1556, %parallel_loop3A_1557] : memref<4x16x1024xf32, #tpu.memory_space<vmem>> -> memref<1x16x1024xf32, #tpu.memory_space<vmem>>
        %parallel_loop3A_1559 = tpu.memref_squeeze %parallel_loop3A_1558 : memref<1x16x1024xf32, #tpu.memory_space<vmem>> -> memref<16x1024xf32, #tpu.memory_space<vmem>>
        %parallel_loop3A_1560 = arith.index_cast %parallel_loop3A_1555 : i32 to index
        %parallel_loop3A_1561 = arith.index_cast %parallel_loop3A_1300 : i32 to index
        %parallel_loop3A_1562 = tpu.vector_load %parallel_loop3A_1559[%parallel_loop3A_1560, %parallel_loop3A_1561] {strides = array<i32>} : memref<16x1024xf32, #tpu.memory_space<vmem>>, vector<1x16xf32>,
        %parallel_loop3A_1563 = vector.shape_cast %parallel_loop3A_1562 : vector<1x16xf32> to vector<16xf32>
        %parallel_loop3A_1564 = arith.constant 3.200000e+01 : f32
        %parallel_loop3A_1565 = vector.broadcast %parallel_loop3A_1564 : f32 to vector<16xf32>
        %parallel_loop3A_1566 = arith.mulf %parallel_loop3A_1563, %parallel_loop3A_1565 : vector<16xf32>
        %parallel_loop3A_1567 = arith.addf %parallel_loop3A_1566, %parallel_loop3A_1508 : vector<16xf32>
        %parallel_loop3A_1568 = arith.constant 10 : i32
        %parallel_loop3A_1569 = arith.constant 0 : i32
        %parallel_loop3A_1570 = arith.constant 0 : i32
        %parallel_loop3A_1571 = tpu.memref_slice %arg7[%parallel_loop3A_574, %parallel_loop3A_1569, %parallel_loop3A_1570] : memref<4x16x1024xf32, #tpu.memory_space<vmem>> -> memref<1x16x1024xf32, #tpu.memory_space<vmem>>
        %parallel_loop3A_1572 = tpu.memref_squeeze %parallel_loop3A_1571 : memref<1x16x1024xf32, #tpu.memory_space<vmem>> -> memref<16x1024xf32, #tpu.memory_space<vmem>>
        %parallel_loop3A_1573 = arith.index_cast %parallel_loop3A_1568 : i32 to index
        %parallel_loop3A_1574 = arith.index_cast %parallel_loop3A_1300 : i32 to index
        %parallel_loop3A_1575 = tpu.vector_load %parallel_loop3A_1572[%parallel_loop3A_1573, %parallel_loop3A_1574] {strides = array<i32>} : memref<16x1024xf32, #tpu.memory_space<vmem>>, vector<1x16xf32>,
        %parallel_loop3A_1576 = vector.shape_cast %parallel_loop3A_1575 : vector<1x16xf32> to vector<16xf32>
        %parallel_loop3A_1577 = vector.shape_cast %parallel_loop3A_1567 : vector<16xf32> to vector<1x16xf32>
        tpu.vector_store %parallel_loop3A_1572[%parallel_loop3A_1573, %parallel_loop3A_1574], %parallel_loop3A_1577 {strides = array<i32>} : memref<16x1024xf32, #tpu.memory_space<vmem>>, vector<1x16xf32>,
        %parallel_loop3A_1578 = arith.constant 11 : i32
        %parallel_loop3A_1579 = arith.constant 0 : i32
        %parallel_loop3A_1580 = arith.constant 0 : i32
        %parallel_loop3A_1581 = tpu.memref_slice %arg7[%parallel_loop3A_574, %parallel_loop3A_1579, %parallel_loop3A_1580] : memref<4x16x1024xf32, #tpu.memory_space<vmem>> -> memref<1x16x1024xf32, #tpu.memory_space<vmem>>
        %parallel_loop3A_1582 = tpu.memref_squeeze %parallel_loop3A_1581 : memref<1x16x1024xf32, #tpu.memory_space<vmem>> -> memref<16x1024xf32, #tpu.memory_space<vmem>>
        %parallel_loop3A_1583 = arith.index_cast %parallel_loop3A_1578 : i32 to index
        %parallel_loop3A_1584 = arith.index_cast %parallel_loop3A_1300 : i32 to index
        %parallel_loop3A_1585 = tpu.vector_load %parallel_loop3A_1582[%parallel_loop3A_1583, %parallel_loop3A_1584] {strides = array<i32>} : memref<16x1024xf32, #tpu.memory_space<vmem>>, vector<1x16xf32>,
        %parallel_loop3A_1586 = vector.shape_cast %parallel_loop3A_1585 : vector<1x16xf32> to vector<16xf32>
        %parallel_loop3A_1587 = arith.constant 3.200000e+01 : f32
        %parallel_loop3A_1588 = vector.broadcast %parallel_loop3A_1587 : f32 to vector<16xf32>
        %parallel_loop3A_1589 = arith.mulf %parallel_loop3A_1586, %parallel_loop3A_1588 : vector<16xf32>
        %parallel_loop3A_1590 = arith.addf %parallel_loop3A_1589, %parallel_loop3A_1508 : vector<16xf32>
        %parallel_loop3A_1591 = arith.constant 11 : i32
        %parallel_loop3A_1592 = arith.constant 0 : i32
        %parallel_loop3A_1593 = arith.constant 0 : i32
        %parallel_loop3A_1594 = tpu.memref_slice %arg7[%parallel_loop3A_574, %parallel_loop3A_1592, %parallel_loop3A_1593] : memref<4x16x1024xf32, #tpu.memory_space<vmem>> -> memref<1x16x1024xf32, #tpu.memory_space<vmem>>
        %parallel_loop3A_1595 = tpu.memref_squeeze %parallel_loop3A_1594 : memref<1x16x1024xf32, #tpu.memory_space<vmem>> -> memref<16x1024xf32, #tpu.memory_space<vmem>>
        %parallel_loop3A_1596 = arith.index_cast %parallel_loop3A_1591 : i32 to index
        %parallel_loop3A_1597 = arith.index_cast %parallel_loop3A_1300 : i32 to index
        %parallel_loop3A_1598 = tpu.vector_load %parallel_loop3A_1595[%parallel_loop3A_1596, %parallel_loop3A_1597] {strides = array<i32>} : memref<16x1024xf32, #tpu.memory_space<vmem>>, vector<1x16xf32>,
        %parallel_loop3A_1599 = vector.shape_cast %parallel_loop3A_1598 : vector<1x16xf32> to vector<16xf32>
        %parallel_loop3A_1600 = vector.shape_cast %parallel_loop3A_1590 : vector<16xf32> to vector<1x16xf32>
        tpu.vector_store %parallel_loop3A_1595[%parallel_loop3A_1596, %parallel_loop3A_1597], %parallel_loop3A_1600 {strides = array<i32>} : memref<16x1024xf32, #tpu.memory_space<vmem>>, vector<1x16xf32>,
        %parallel_loop3A_1601 = arith.constant 3072 : i32
        %parallel_loop3A_1602 = arith.addi %parallel_loop3A_1601, %parallel_loop3A_1300 : i32
        %parallel_loop3A_1603 = arith.constant 0 : i32
        %parallel_loop3A_1604 = tpu.memref_slice %arg8[%parallel_loop3A_573, %parallel_loop3A_1603] : memref<4x4096xf32, #tpu.memory_space<vmem>> -> memref<1x4096xf32, #tpu.memory_space<vmem>>
        %parallel_loop3A_1605 = tpu.memref_squeeze %parallel_loop3A_1604 : memref<1x4096xf32, #tpu.memory_space<vmem>> -> memref<4096xf32, #tpu.memory_space<vmem>>
        %parallel_loop3A_1606 = arith.index_cast %parallel_loop3A_1602 : i32 to index
        %parallel_loop3A_1607 = tpu.vector_load %parallel_loop3A_1605[%parallel_loop3A_1606] {strides = array<i32>} : memref<4096xf32, #tpu.memory_space<vmem>>, vector<16xf32>,
        %parallel_loop3A_1608 = vector.shape_cast %parallel_loop3A_1607 : vector<16xf32> to vector<16xf32>
        %parallel_loop3A_1609 = arith.constant 12 : i32
        %parallel_loop3A_1610 = arith.constant 0 : i32
        %parallel_loop3A_1611 = arith.constant 0 : i32
        %parallel_loop3A_1612 = tpu.memref_slice %arg7[%parallel_loop3A_574, %parallel_loop3A_1610, %parallel_loop3A_1611] : memref<4x16x1024xf32, #tpu.memory_space<vmem>> -> memref<1x16x1024xf32, #tpu.memory_space<vmem>>
        %parallel_loop3A_1613 = tpu.memref_squeeze %parallel_loop3A_1612 : memref<1x16x1024xf32, #tpu.memory_space<vmem>> -> memref<16x1024xf32, #tpu.memory_space<vmem>>
        %parallel_loop3A_1614 = arith.index_cast %parallel_loop3A_1609 : i32 to index
        %parallel_loop3A_1615 = arith.index_cast %parallel_loop3A_1300 : i32 to index
        %parallel_loop3A_1616 = tpu.vector_load %parallel_loop3A_1613[%parallel_loop3A_1614, %parallel_loop3A_1615] {strides = array<i32>} : memref<16x1024xf32, #tpu.memory_space<vmem>>, vector<1x16xf32>,
        %parallel_loop3A_1617 = vector.shape_cast %parallel_loop3A_1616 : vector<1x16xf32> to vector<16xf32>
        %parallel_loop3A_1618 = arith.constant 3.200000e+01 : f32
        %parallel_loop3A_1619 = vector.broadcast %parallel_loop3A_1618 : f32 to vector<16xf32>
        %parallel_loop3A_1620 = arith.mulf %parallel_loop3A_1617, %parallel_loop3A_1619 : vector<16xf32>
        %parallel_loop3A_1621 = arith.addf %parallel_loop3A_1620, %parallel_loop3A_1608 : vector<16xf32>
        %parallel_loop3A_1622 = arith.constant 12 : i32
        %parallel_loop3A_1623 = arith.constant 0 : i32
        %parallel_loop3A_1624 = arith.constant 0 : i32
        %parallel_loop3A_1625 = tpu.memref_slice %arg7[%parallel_loop3A_574, %parallel_loop3A_1623, %parallel_loop3A_1624] : memref<4x16x1024xf32, #tpu.memory_space<vmem>> -> memref<1x16x1024xf32, #tpu.memory_space<vmem>>
        %parallel_loop3A_1626 = tpu.memref_squeeze %parallel_loop3A_1625 : memref<1x16x1024xf32, #tpu.memory_space<vmem>> -> memref<16x1024xf32, #tpu.memory_space<vmem>>
        %parallel_loop3A_1627 = arith.index_cast %parallel_loop3A_1622 : i32 to index
        %parallel_loop3A_1628 = arith.index_cast %parallel_loop3A_1300 : i32 to index
        %parallel_loop3A_1629 = tpu.vector_load %parallel_loop3A_1626[%parallel_loop3A_1627, %parallel_loop3A_1628] {strides = array<i32>} : memref<16x1024xf32, #tpu.memory_space<vmem>>, vector<1x16xf32>,
        %parallel_loop3A_1630 = vector.shape_cast %parallel_loop3A_1629 : vector<1x16xf32> to vector<16xf32>
        %parallel_loop3A_1631 = vector.shape_cast %parallel_loop3A_1621 : vector<16xf32> to vector<1x16xf32>
        tpu.vector_store %parallel_loop3A_1626[%parallel_loop3A_1627, %parallel_loop3A_1628], %parallel_loop3A_1631 {strides = array<i32>} : memref<16x1024xf32, #tpu.memory_space<vmem>>, vector<1x16xf32>,
        %parallel_loop3A_1632 = arith.constant 13 : i32
        %parallel_loop3A_1633 = arith.constant 0 : i32
        %parallel_loop3A_1634 = arith.constant 0 : i32
        %parallel_loop3A_1635 = tpu.memref_slice %arg7[%parallel_loop3A_574, %parallel_loop3A_1633, %parallel_loop3A_1634] : memref<4x16x1024xf32, #tpu.memory_space<vmem>> -> memref<1x16x1024xf32, #tpu.memory_space<vmem>>
        %parallel_loop3A_1636 = tpu.memref_squeeze %parallel_loop3A_1635 : memref<1x16x1024xf32, #tpu.memory_space<vmem>> -> memref<16x1024xf32, #tpu.memory_space<vmem>>
        %parallel_loop3A_1637 = arith.index_cast %parallel_loop3A_1632 : i32 to index
        %parallel_loop3A_1638 = arith.index_cast %parallel_loop3A_1300 : i32 to index
        %parallel_loop3A_1639 = tpu.vector_load %parallel_loop3A_1636[%parallel_loop3A_1637, %parallel_loop3A_1638] {strides = array<i32>} : memref<16x1024xf32, #tpu.memory_space<vmem>>, vector<1x16xf32>,
        %parallel_loop3A_1640 = vector.shape_cast %parallel_loop3A_1639 : vector<1x16xf32> to vector<16xf32>
        %parallel_loop3A_1641 = arith.constant 3.200000e+01 : f32
        %parallel_loop3A_1642 = vector.broadcast %parallel_loop3A_1641 : f32 to vector<16xf32>
        %parallel_loop3A_1643 = arith.mulf %parallel_loop3A_1640, %parallel_loop3A_1642 : vector<16xf32>
        %parallel_loop3A_1644 = arith.addf %parallel_loop3A_1643, %parallel_loop3A_1608 : vector<16xf32>
        %parallel_loop3A_1645 = arith.constant 13 : i32
        %parallel_loop3A_1646 = arith.constant 0 : i32
        %parallel_loop3A_1647 = arith.constant 0 : i32
        %parallel_loop3A_1648 = tpu.memref_slice %arg7[%parallel_loop3A_574, %parallel_loop3A_1646, %parallel_loop3A_1647] : memref<4x16x1024xf32, #tpu.memory_space<vmem>> -> memref<1x16x1024xf32, #tpu.memory_space<vmem>>
        %parallel_loop3A_1649 = tpu.memref_squeeze %parallel_loop3A_1648 : memref<1x16x1024xf32, #tpu.memory_space<vmem>> -> memref<16x1024xf32, #tpu.memory_space<vmem>>
        %parallel_loop3A_1650 = arith.index_cast %parallel_loop3A_1645 : i32 to index
        %parallel_loop3A_1651 = arith.index_cast %parallel_loop3A_1300 : i32 to index
        %parallel_loop3A_1652 = tpu.vector_load %parallel_loop3A_1649[%parallel_loop3A_1650, %parallel_loop3A_1651] {strides = array<i32>} : memref<16x1024xf32, #tpu.memory_space<vmem>>, vector<1x16xf32>,
        %parallel_loop3A_1653 = vector.shape_cast %parallel_loop3A_1652 : vector<1x16xf32> to vector<16xf32>
        %parallel_loop3A_1654 = vector.shape_cast %parallel_loop3A_1644 : vector<16xf32> to vector<1x16xf32>
        tpu.vector_store %parallel_loop3A_1649[%parallel_loop3A_1650, %parallel_loop3A_1651], %parallel_loop3A_1654 {strides = array<i32>} : memref<16x1024xf32, #tpu.memory_space<vmem>>, vector<1x16xf32>,
        %parallel_loop3A_1655 = arith.constant 14 : i32
        %parallel_loop3A_1656 = arith.constant 0 : i32
        %parallel_loop3A_1657 = arith.constant 0 : i32
        %parallel_loop3A_1658 = tpu.memref_slice %arg7[%parallel_loop3A_574, %parallel_loop3A_1656, %parallel_loop3A_1657] : memref<4x16x1024xf32, #tpu.memory_space<vmem>> -> memref<1x16x1024xf32, #tpu.memory_space<vmem>>
        %parallel_loop3A_1659 = tpu.memref_squeeze %parallel_loop3A_1658 : memref<1x16x1024xf32, #tpu.memory_space<vmem>> -> memref<16x1024xf32, #tpu.memory_space<vmem>>
        %parallel_loop3A_1660 = arith.index_cast %parallel_loop3A_1655 : i32 to index
        %parallel_loop3A_1661 = arith.index_cast %parallel_loop3A_1300 : i32 to index
        %parallel_loop3A_1662 = tpu.vector_load %parallel_loop3A_1659[%parallel_loop3A_1660, %parallel_loop3A_1661] {strides = array<i32>} : memref<16x1024xf32, #tpu.memory_space<vmem>>, vector<1x16xf32>,
        %parallel_loop3A_1663 = vector.shape_cast %parallel_loop3A_1662 : vector<1x16xf32> to vector<16xf32>
        %parallel_loop3A_1664 = arith.constant 3.200000e+01 : f32
        %parallel_loop3A_1665 = vector.broadcast %parallel_loop3A_1664 : f32 to vector<16xf32>
        %parallel_loop3A_1666 = arith.mulf %parallel_loop3A_1663, %parallel_loop3A_1665 : vector<16xf32>
        %parallel_loop3A_1667 = arith.addf %parallel_loop3A_1666, %parallel_loop3A_1608 : vector<16xf32>
        %parallel_loop3A_1668 = arith.constant 14 : i32
        %parallel_loop3A_1669 = arith.constant 0 : i32
        %parallel_loop3A_1670 = arith.constant 0 : i32
        %parallel_loop3A_1671 = tpu.memref_slice %arg7[%parallel_loop3A_574, %parallel_loop3A_1669, %parallel_loop3A_1670] : memref<4x16x1024xf32, #tpu.memory_space<vmem>> -> memref<1x16x1024xf32, #tpu.memory_space<vmem>>
        %parallel_loop3A_1672 = tpu.memref_squeeze %parallel_loop3A_1671 : memref<1x16x1024xf32, #tpu.memory_space<vmem>> -> memref<16x1024xf32, #tpu.memory_space<vmem>>
        %parallel_loop3A_1673 = arith.index_cast %parallel_loop3A_1668 : i32 to index
        %parallel_loop3A_1674 = arith.index_cast %parallel_loop3A_1300 : i32 to index
        %parallel_loop3A_1675 = tpu.vector_load %parallel_loop3A_1672[%parallel_loop3A_1673, %parallel_loop3A_1674] {strides = array<i32>} : memref<16x1024xf32, #tpu.memory_space<vmem>>, vector<1x16xf32>,
        %parallel_loop3A_1676 = vector.shape_cast %parallel_loop3A_1675 : vector<1x16xf32> to vector<16xf32>
        %parallel_loop3A_1677 = vector.shape_cast %parallel_loop3A_1667 : vector<16xf32> to vector<1x16xf32>
        tpu.vector_store %parallel_loop3A_1672[%parallel_loop3A_1673, %parallel_loop3A_1674], %parallel_loop3A_1677 {strides = array<i32>} : memref<16x1024xf32, #tpu.memory_space<vmem>>, vector<1x16xf32>,
        %parallel_loop3A_1678 = arith.constant 15 : i32
        %parallel_loop3A_1679 = arith.constant 0 : i32
        %parallel_loop3A_1680 = arith.constant 0 : i32
        %parallel_loop3A_1681 = tpu.memref_slice %arg7[%parallel_loop3A_574, %parallel_loop3A_1679, %parallel_loop3A_1680] : memref<4x16x1024xf32, #tpu.memory_space<vmem>> -> memref<1x16x1024xf32, #tpu.memory_space<vmem>>
        %parallel_loop3A_1682 = tpu.memref_squeeze %parallel_loop3A_1681 : memref<1x16x1024xf32, #tpu.memory_space<vmem>> -> memref<16x1024xf32, #tpu.memory_space<vmem>>
        %parallel_loop3A_1683 = arith.index_cast %parallel_loop3A_1678 : i32 to index
        %parallel_loop3A_1684 = arith.index_cast %parallel_loop3A_1300 : i32 to index
        %parallel_loop3A_1685 = tpu.vector_load %parallel_loop3A_1682[%parallel_loop3A_1683, %parallel_loop3A_1684] {strides = array<i32>} : memref<16x1024xf32, #tpu.memory_space<vmem>>, vector<1x16xf32>,
        %parallel_loop3A_1686 = vector.shape_cast %parallel_loop3A_1685 : vector<1x16xf32> to vector<16xf32>
        %parallel_loop3A_1687 = arith.constant 3.200000e+01 : f32
        %parallel_loop3A_1688 = vector.broadcast %parallel_loop3A_1687 : f32 to vector<16xf32>
        %parallel_loop3A_1689 = arith.mulf %parallel_loop3A_1686, %parallel_loop3A_1688 : vector<16xf32>
        %parallel_loop3A_1690 = arith.addf %parallel_loop3A_1689, %parallel_loop3A_1608 : vector<16xf32>
        %parallel_loop3A_1691 = arith.constant 15 : i32
        %parallel_loop3A_1692 = arith.constant 0 : i32
        %parallel_loop3A_1693 = arith.constant 0 : i32
        %parallel_loop3A_1694 = tpu.memref_slice %arg7[%parallel_loop3A_574, %parallel_loop3A_1692, %parallel_loop3A_1693] : memref<4x16x1024xf32, #tpu.memory_space<vmem>> -> memref<1x16x1024xf32, #tpu.memory_space<vmem>>
        %parallel_loop3A_1695 = tpu.memref_squeeze %parallel_loop3A_1694 : memref<1x16x1024xf32, #tpu.memory_space<vmem>> -> memref<16x1024xf32, #tpu.memory_space<vmem>>
        %parallel_loop3A_1696 = arith.index_cast %parallel_loop3A_1691 : i32 to index
        %parallel_loop3A_1697 = arith.index_cast %parallel_loop3A_1300 : i32 to index
        %parallel_loop3A_1698 = tpu.vector_load %parallel_loop3A_1695[%parallel_loop3A_1696, %parallel_loop3A_1697] {strides = array<i32>} : memref<16x1024xf32, #tpu.memory_space<vmem>>, vector<1x16xf32>,
        %parallel_loop3A_1699 = vector.shape_cast %parallel_loop3A_1698 : vector<1x16xf32> to vector<16xf32>
        %parallel_loop3A_1700 = vector.shape_cast %parallel_loop3A_1690 : vector<16xf32> to vector<1x16xf32>
        tpu.vector_store %parallel_loop3A_1695[%parallel_loop3A_1696, %parallel_loop3A_1697], %parallel_loop3A_1700 {strides = array<i32>} : memref<16x1024xf32, #tpu.memory_space<vmem>>, vector<1x16xf32>,
      } {sc.loop_unroll_factor = 4 : i64, sc.parallel_access}
      %mul3A_575 = arith.constant 16 : i32
      %mul3A_576 = arith.muli %add3A_506, %mul3A_575 : i32
      %add3A_577 = arith.addi %multiple_of3A, %mul3A_576 : i32
      %jit3A_578 = arith.constant 4 : i32
      %div3A_579 = arith.divsi %add3A_577, %jit3A_578 : i32
      %sign3A_580 = arith.constant 0 : i32
      %sign3A_581 = arith.cmpi sgt, %add3A_577, %sign3A_580 : i32
      %sign3A_582 = arith.extui %sign3A_581 : i1 to i32
      %sign3A_583 = arith.constant 0 : i32
      %sign3A_584 = arith.cmpi slt, %add3A_577, %sign3A_583 : i32
      %sign3A_585 = arith.extui %sign3A_584 : i1 to i32
      %sign3A_586 = arith.subi %sign3A_582, %sign3A_585 : i32
      %sign3A_587 = arith.constant 0 : i32
      %sign3A_588 = arith.cmpi sgt, %jit3A_578, %sign3A_587 : i32
      %sign3A_589 = arith.extui %sign3A_588 : i1 to i32
      %sign3A_590 = arith.constant 0 : i32
      %sign3A_591 = arith.cmpi slt, %jit3A_578, %sign3A_590 : i32
      %sign3A_592 = arith.extui %sign3A_591 : i1 to i32
      %sign3A_593 = arith.subi %sign3A_589, %sign3A_592 : i32
      %ne3A_594 = arith.cmpi ne, %sign3A_586, %sign3A_593 : i32
      %rem3A_595 = arith.remsi %add3A_577, %jit3A_578 : i32
      %ne3A_596 = arith.constant 0 : i32
      %ne3A_597 = arith.cmpi ne, %rem3A_595, %ne3A_596 : i32
      %and3A_598 = arith.andi %ne3A_594, %ne3A_597 : i1
      %sub3A_599 = arith.constant 1 : i32
      %sub3A_600 = arith.subi %div3A_579, %sub3A_599 : i32
      %select_n3A_601 = arith.select %and3A_598, %sub3A_600, %div3A_579 : i32
      %multiple_of3A_602 = tpu.assume_multiple %select_n3A_601, 4 : i32
      %add3A_603 = arith.constant 0 : i32
      %add3A_604 = arith.addi %multiple_of3A_602, %add3A_603 : i32
      %dma_start3A_605 = arith.constant 1 : i32
      %dma_start3A_606 = arith.constant 0 : i32
      %dma_start3A_607 = arith.constant 0 : i32
      %dma_start3A_608 = tpu.memref_slice %arg7[%dma_start3A_605, %dma_start3A_606, %dma_start3A_607] : memref<4x16x1024xf32, #tpu.memory_space<vmem>> -> memref<1x16x1024xf32, #tpu.memory_space<vmem>>
      %dma_start3A_609 = tpu.memref_squeeze %dma_start3A_608 : memref<1x16x1024xf32, #tpu.memory_space<vmem>> -> memref<16x1024xf32, #tpu.memory_space<vmem>>
      %dma_start3A_610 = arith.constant 0 : i32
      %dma_start3A_611 = arith.constant 0 : i32
      %dma_start3A_612 = tpu.memref_slice %dma_start3A_609[%dma_start3A_610, %dma_start3A_611] : memref<16x1024xf32, #tpu.memory_space<vmem>> -> memref<4x1024xf32, #tpu.memory_space<vmem>>
      %dma_start3A_613 = arith.constant 0 : i32
      %dma_start3A_614 = arith.constant 0 : i32
      %dma_start3A_615 = tpu.memref_slice %arg5[%add3A_604, %dma_start3A_613, %dma_start3A_614] : memref<4096x4x1024xf32, #tpu.memory_space<hbm>> -> memref<1x4x1024xf32, #tpu.memory_space<hbm>>
      %dma_start3A_616 = tpu.memref_squeeze %dma_start3A_615 : memref<1x4x1024xf32, #tpu.memory_space<hbm>> -> memref<4x1024xf32, #tpu.memory_space<hbm>>
      %dma_start3A_617 = arith.constant 0 : i32
      %dma_start3A_618 = arith.constant 0 : i32
      %dma_start3A_619 = tpu.memref_slice %arg5[%add3A_604, %dma_start3A_617, %dma_start3A_618] : memref<4096x4x1024xf32, #tpu.memory_space<hbm>> -> memref<1x4x1024xf32, #tpu.memory_space<hbm>>
      %dma_start3A_620 = tpu.memref_squeeze %dma_start3A_619 : memref<1x4x1024xf32, #tpu.memory_space<hbm>> -> memref<4x1024xf32, #tpu.memory_space<hbm>>
      %dma_start3A_621 = arith.constant 0 : i32
      %dma_start3A_622 = arith.constant 0 : i32
      %dma_start3A_623 = tpu.memref_slice %arg7[%dma_start3A_605, %dma_start3A_621, %dma_start3A_622] : memref<4x16x1024xf32, #tpu.memory_space<vmem>> -> memref<1x16x1024xf32, #tpu.memory_space<vmem>>
      %dma_start3A_624 = tpu.memref_squeeze %dma_start3A_623 : memref<1x16x1024xf32, #tpu.memory_space<vmem>> -> memref<16x1024xf32, #tpu.memory_space<vmem>>
      %dma_start3A_625 = arith.constant 0 : i32
      %dma_start3A_626 = arith.constant 0 : i32
      %dma_start3A_627 = tpu.memref_slice %dma_start3A_624[%dma_start3A_625, %dma_start3A_626] : memref<16x1024xf32, #tpu.memory_space<vmem>> -> memref<4x1024xf32, #tpu.memory_space<vmem>>
      tpu.enqueue_dma source(%dma_start3A_627 : memref<4x1024xf32, #tpu.memory_space<vmem>>) target(%dma_start3A_620 : memref<4x1024xf32, #tpu.memory_space<hbm>>) target_semaphore(%arg18 : memref<!tpu.dma_semaphore, #tpu.memory_space<semaphore_mem>>)
      %add3A_628 = arith.constant 1 : i32
      %add3A_629 = arith.addi %multiple_of3A_602, %add3A_628 : i32
      %dma_start3A_630 = arith.constant 1 : i32
      %dma_start3A_631 = arith.constant 0 : i32
      %dma_start3A_632 = arith.constant 0 : i32
      %dma_start3A_633 = tpu.memref_slice %arg7[%dma_start3A_630, %dma_start3A_631, %dma_start3A_632] : memref<4x16x1024xf32, #tpu.memory_space<vmem>> -> memref<1x16x1024xf32, #tpu.memory_space<vmem>>
      %dma_start3A_634 = tpu.memref_squeeze %dma_start3A_633 : memref<1x16x1024xf32, #tpu.memory_space<vmem>> -> memref<16x1024xf32, #tpu.memory_space<vmem>>
      %dma_start3A_635 = arith.constant 4 : i32
      %dma_start3A_636 = arith.constant 0 : i32
      %dma_start3A_637 = tpu.memref_slice %dma_start3A_634[%dma_start3A_635, %dma_start3A_636] : memref<16x1024xf32, #tpu.memory_space<vmem>> -> memref<4x1024xf32, #tpu.memory_space<vmem>>
      %dma_start3A_638 = arith.constant 0 : i32
      %dma_start3A_639 = arith.constant 0 : i32
      %dma_start3A_640 = tpu.memref_slice %arg5[%add3A_629, %dma_start3A_638, %dma_start3A_639] : memref<4096x4x1024xf32, #tpu.memory_space<hbm>> -> memref<1x4x1024xf32, #tpu.memory_space<hbm>>
      %dma_start3A_641 = tpu.memref_squeeze %dma_start3A_640 : memref<1x4x1024xf32, #tpu.memory_space<hbm>> -> memref<4x1024xf32, #tpu.memory_space<hbm>>
      %dma_start3A_642 = arith.constant 0 : i32
      %dma_start3A_643 = arith.constant 0 : i32
      %dma_start3A_644 = tpu.memref_slice %arg5[%add3A_629, %dma_start3A_642, %dma_start3A_643] : memref<4096x4x1024xf32, #tpu.memory_space<hbm>> -> memref<1x4x1024xf32, #tpu.memory_space<hbm>>
      %dma_start3A_645 = tpu.memref_squeeze %dma_start3A_644 : memref<1x4x1024xf32, #tpu.memory_space<hbm>> -> memref<4x1024xf32, #tpu.memory_space<hbm>>
      %dma_start3A_646 = arith.constant 0 : i32
      %dma_start3A_647 = arith.constant 0 : i32
      %dma_start3A_648 = tpu.memref_slice %arg7[%dma_start3A_630, %dma_start3A_646, %dma_start3A_647] : memref<4x16x1024xf32, #tpu.memory_space<vmem>> -> memref<1x16x1024xf32, #tpu.memory_space<vmem>>
      %dma_start3A_649 = tpu.memref_squeeze %dma_start3A_648 : memref<1x16x1024xf32, #tpu.memory_space<vmem>> -> memref<16x1024xf32, #tpu.memory_space<vmem>>
      %dma_start3A_650 = arith.constant 4 : i32
      %dma_start3A_651 = arith.constant 0 : i32
      %dma_start3A_652 = tpu.memref_slice %dma_start3A_649[%dma_start3A_650, %dma_start3A_651] : memref<16x1024xf32, #tpu.memory_space<vmem>> -> memref<4x1024xf32, #tpu.memory_space<vmem>>
      tpu.enqueue_dma source(%dma_start3A_652 : memref<4x1024xf32, #tpu.memory_space<vmem>>) target(%dma_start3A_645 : memref<4x1024xf32, #tpu.memory_space<hbm>>) target_semaphore(%arg18 : memref<!tpu.dma_semaphore, #tpu.memory_space<semaphore_mem>>)
      %add3A_653 = arith.constant 2 : i32
      %add3A_654 = arith.addi %multiple_of3A_602, %add3A_653 : i32
      %dma_start3A_655 = arith.constant 1 : i32
      %dma_start3A_656 = arith.constant 0 : i32
      %dma_start3A_657 = arith.constant 0 : i32
      %dma_start3A_658 = tpu.memref_slice %arg7[%dma_start3A_655, %dma_start3A_656, %dma_start3A_657] : memref<4x16x1024xf32, #tpu.memory_space<vmem>> -> memref<1x16x1024xf32, #tpu.memory_space<vmem>>
      %dma_start3A_659 = tpu.memref_squeeze %dma_start3A_658 : memref<1x16x1024xf32, #tpu.memory_space<vmem>> -> memref<16x1024xf32, #tpu.memory_space<vmem>>
      %dma_start3A_660 = arith.constant 8 : i32
      %dma_start3A_661 = arith.constant 0 : i32
      %dma_start3A_662 = tpu.memref_slice %dma_start3A_659[%dma_start3A_660, %dma_start3A_661] : memref<16x1024xf32, #tpu.memory_space<vmem>> -> memref<4x1024xf32, #tpu.memory_space<vmem>>
      %dma_start3A_663 = arith.constant 0 : i32
      %dma_start3A_664 = arith.constant 0 : i32
      %dma_start3A_665 = tpu.memref_slice %arg5[%add3A_654, %dma_start3A_663, %dma_start3A_664] : memref<4096x4x1024xf32, #tpu.memory_space<hbm>> -> memref<1x4x1024xf32, #tpu.memory_space<hbm>>
      %dma_start3A_666 = tpu.memref_squeeze %dma_start3A_665 : memref<1x4x1024xf32, #tpu.memory_space<hbm>> -> memref<4x1024xf32, #tpu.memory_space<hbm>>
      %dma_start3A_667 = arith.constant 0 : i32
      %dma_start3A_668 = arith.constant 0 : i32
      %dma_start3A_669 = tpu.memref_slice %arg5[%add3A_654, %dma_start3A_667, %dma_start3A_668] : memref<4096x4x1024xf32, #tpu.memory_space<hbm>> -> memref<1x4x1024xf32, #tpu.memory_space<hbm>>
      %dma_start3A_670 = tpu.memref_squeeze %dma_start3A_669 : memref<1x4x1024xf32, #tpu.memory_space<hbm>> -> memref<4x1024xf32, #tpu.memory_space<hbm>>
      %dma_start3A_671 = arith.constant 0 : i32
      %dma_start3A_672 = arith.constant 0 : i32
      %dma_start3A_673 = tpu.memref_slice %arg7[%dma_start3A_655, %dma_start3A_671, %dma_start3A_672] : memref<4x16x1024xf32, #tpu.memory_space<vmem>> -> memref<1x16x1024xf32, #tpu.memory_space<vmem>>
      %dma_start3A_674 = tpu.memref_squeeze %dma_start3A_673 : memref<1x16x1024xf32, #tpu.memory_space<vmem>> -> memref<16x1024xf32, #tpu.memory_space<vmem>>
      %dma_start3A_675 = arith.constant 8 : i32
      %dma_start3A_676 = arith.constant 0 : i32
      %dma_start3A_677 = tpu.memref_slice %dma_start3A_674[%dma_start3A_675, %dma_start3A_676] : memref<16x1024xf32, #tpu.memory_space<vmem>> -> memref<4x1024xf32, #tpu.memory_space<vmem>>
      tpu.enqueue_dma source(%dma_start3A_677 : memref<4x1024xf32, #tpu.memory_space<vmem>>) target(%dma_start3A_670 : memref<4x1024xf32, #tpu.memory_space<hbm>>) target_semaphore(%arg18 : memref<!tpu.dma_semaphore, #tpu.memory_space<semaphore_mem>>)
      %add3A_678 = arith.constant 3 : i32
      %add3A_679 = arith.addi %multiple_of3A_602, %add3A_678 : i32
      %dma_start3A_680 = arith.constant 1 : i32
      %dma_start3A_681 = arith.constant 0 : i32
      %dma_start3A_682 = arith.constant 0 : i32
      %dma_start3A_683 = tpu.memref_slice %arg7[%dma_start3A_680, %dma_start3A_681, %dma_start3A_682] : memref<4x16x1024xf32, #tpu.memory_space<vmem>> -> memref<1x16x1024xf32, #tpu.memory_space<vmem>>
      %dma_start3A_684 = tpu.memref_squeeze %dma_start3A_683 : memref<1x16x1024xf32, #tpu.memory_space<vmem>> -> memref<16x1024xf32, #tpu.memory_space<vmem>>
      %dma_start3A_685 = arith.constant 12 : i32
      %dma_start3A_686 = arith.constant 0 : i32
      %dma_start3A_687 = tpu.memref_slice %dma_start3A_684[%dma_start3A_685, %dma_start3A_686] : memref<16x1024xf32, #tpu.memory_space<vmem>> -> memref<4x1024xf32, #tpu.memory_space<vmem>>
      %dma_start3A_688 = arith.constant 0 : i32
      %dma_start3A_689 = arith.constant 0 : i32
      %dma_start3A_690 = tpu.memref_slice %arg5[%add3A_679, %dma_start3A_688, %dma_start3A_689] : memref<4096x4x1024xf32, #tpu.memory_space<hbm>> -> memref<1x4x1024xf32, #tpu.memory_space<hbm>>
      %dma_start3A_691 = tpu.memref_squeeze %dma_start3A_690 : memref<1x4x1024xf32, #tpu.memory_space<hbm>> -> memref<4x1024xf32, #tpu.memory_space<hbm>>
      %dma_start3A_692 = arith.constant 0 : i32
      %dma_start3A_693 = arith.constant 0 : i32
      %dma_start3A_694 = tpu.memref_slice %arg5[%add3A_679, %dma_start3A_692, %dma_start3A_693] : memref<4096x4x1024xf32, #tpu.memory_space<hbm>> -> memref<1x4x1024xf32, #tpu.memory_space<hbm>>
      %dma_start3A_695 = tpu.memref_squeeze %dma_start3A_694 : memref<1x4x1024xf32, #tpu.memory_space<hbm>> -> memref<4x1024xf32, #tpu.memory_space<hbm>>
      %dma_start3A_696 = arith.constant 0 : i32
      %dma_start3A_697 = arith.constant 0 : i32
      %dma_start3A_698 = tpu.memref_slice %arg7[%dma_start3A_680, %dma_start3A_696, %dma_start3A_697] : memref<4x16x1024xf32, #tpu.memory_space<vmem>> -> memref<1x16x1024xf32, #tpu.memory_space<vmem>>
      %dma_start3A_699 = tpu.memref_squeeze %dma_start3A_698 : memref<1x16x1024xf32, #tpu.memory_space<vmem>> -> memref<16x1024xf32, #tpu.memory_space<vmem>>
      %dma_start3A_700 = arith.constant 12 : i32
      %dma_start3A_701 = arith.constant 0 : i32
      %dma_start3A_702 = tpu.memref_slice %dma_start3A_699[%dma_start3A_700, %dma_start3A_701] : memref<16x1024xf32, #tpu.memory_space<vmem>> -> memref<4x1024xf32, #tpu.memory_space<vmem>>
      tpu.enqueue_dma source(%dma_start3A_702 : memref<4x1024xf32, #tpu.memory_space<vmem>>) target(%dma_start3A_695 : memref<4x1024xf32, #tpu.memory_space<hbm>>) target_semaphore(%arg18 : memref<!tpu.dma_semaphore, #tpu.memory_space<semaphore_mem>>)
      %mul3A_703 = arith.constant 4 : i32
      %mul3A_704 = arith.muli %add3A_306, %mul3A_703 : i32
      %add3A_705 = arith.constant 2 : i32
      %add3A_706 = arith.addi %mul3A_704, %add3A_705 : i32
      %sub3A_707 = arith.constant 2 : i32
      %sub3A_708 = arith.subi %add3A_706, %sub3A_707 : i32
      %mul3A_709 = arith.constant 16 : i32
      %mul3A_710 = arith.muli %sub3A_708, %mul3A_709 : i32
      %add3A_711 = arith.addi %multiple_of3A, %mul3A_710 : i32
      %jit3A_712 = arith.constant 4 : i32
      %div3A_713 = arith.divsi %add3A_711, %jit3A_712 : i32
      %sign3A_714 = arith.constant 0 : i32
      %sign3A_715 = arith.cmpi sgt, %add3A_711, %sign3A_714 : i32
      %sign3A_716 = arith.extui %sign3A_715 : i1 to i32
      %sign3A_717 = arith.constant 0 : i32
      %sign3A_718 = arith.cmpi slt, %add3A_711, %sign3A_717 : i32
      %sign3A_719 = arith.extui %sign3A_718 : i1 to i32
      %sign3A_720 = arith.subi %sign3A_716, %sign3A_719 : i32
      %sign3A_721 = arith.constant 0 : i32
      %sign3A_722 = arith.cmpi sgt, %jit3A_712, %sign3A_721 : i32
      %sign3A_723 = arith.extui %sign3A_722 : i1 to i32
      %sign3A_724 = arith.constant 0 : i32
      %sign3A_725 = arith.cmpi slt, %jit3A_712, %sign3A_724 : i32
      %sign3A_726 = arith.extui %sign3A_725 : i1 to i32
      %sign3A_727 = arith.subi %sign3A_723, %sign3A_726 : i32
      %ne3A_728 = arith.cmpi ne, %sign3A_720, %sign3A_727 : i32
      %rem3A_729 = arith.remsi %add3A_711, %jit3A_712 : i32
      %ne3A_730 = arith.constant 0 : i32
      %ne3A_731 = arith.cmpi ne, %rem3A_729, %ne3A_730 : i32
      %and3A_732 = arith.andi %ne3A_728, %ne3A_731 : i1
      %sub3A_733 = arith.constant 1 : i32
      %sub3A_734 = arith.subi %div3A_713, %sub3A_733 : i32
      %select_n3A_735 = arith.select %and3A_732, %sub3A_734, %div3A_713 : i32
      %multiple_of3A_736 = tpu.assume_multiple %select_n3A_735, 4 : i32
      %add3A_737 = arith.constant 0 : i32
      %add3A_738 = arith.addi %multiple_of3A_736, %add3A_737 : i32
      %dma_wait3A_739 = arith.constant 0 : i32
      %dma_wait3A_740 = arith.constant 0 : i32
      %dma_wait3A_741 = arith.constant 0 : i32
      %dma_wait3A_742 = tpu.memref_slice %arg7[%dma_wait3A_739, %dma_wait3A_740, %dma_wait3A_741] : memref<4x16x1024xf32, #tpu.memory_space<vmem>> -> memref<1x16x1024xf32, #tpu.memory_space<vmem>>
      %dma_wait3A_743 = tpu.memref_squeeze %dma_wait3A_742 : memref<1x16x1024xf32, #tpu.memory_space<vmem>> -> memref<16x1024xf32, #tpu.memory_space<vmem>>
      %dma_wait3A_744 = arith.constant 0 : i32
      %dma_wait3A_745 = arith.constant 0 : i32
      %dma_wait3A_746 = tpu.memref_slice %dma_wait3A_743[%dma_wait3A_744, %dma_wait3A_745] : memref<16x1024xf32, #tpu.memory_space<vmem>> -> memref<4x1024xf32, #tpu.memory_space<vmem>>
      %dma_wait3A_747 = arith.constant 0 : i32
      %dma_wait3A_748 = arith.constant 0 : i32
      %dma_wait3A_749 = tpu.memref_slice %arg5[%add3A_738, %dma_wait3A_747, %dma_wait3A_748] : memref<4096x4x1024xf32, #tpu.memory_space<hbm>> -> memref<1x4x1024xf32, #tpu.memory_space<hbm>>
      %dma_wait3A_750 = tpu.memref_squeeze %dma_wait3A_749 : memref<1x4x1024xf32, #tpu.memory_space<hbm>> -> memref<4x1024xf32, #tpu.memory_space<hbm>>
      %dma_wait3A_751 = arith.constant 0 : i32
      %dma_wait3A_752 = arith.constant 0 : i32
      %dma_wait3A_753 = tpu.memref_slice %arg5[%add3A_738, %dma_wait3A_751, %dma_wait3A_752] : memref<4096x4x1024xf32, #tpu.memory_space<hbm>> -> memref<1x4x1024xf32, #tpu.memory_space<hbm>>
      %dma_wait3A_754 = tpu.memref_squeeze %dma_wait3A_753 : memref<1x4x1024xf32, #tpu.memory_space<hbm>> -> memref<4x1024xf32, #tpu.memory_space<hbm>>
      %dma_wait3A_755 = arith.constant 0 : i32
      %dma_wait3A_756 = arith.constant 0 : i32
      %dma_wait3A_757 = tpu.memref_slice %arg7[%dma_wait3A_739, %dma_wait3A_755, %dma_wait3A_756] : memref<4x16x1024xf32, #tpu.memory_space<vmem>> -> memref<1x16x1024xf32, #tpu.memory_space<vmem>>
      %dma_wait3A_758 = tpu.memref_squeeze %dma_wait3A_757 : memref<1x16x1024xf32, #tpu.memory_space<vmem>> -> memref<16x1024xf32, #tpu.memory_space<vmem>>
      %dma_wait3A_759 = arith.constant 0 : i32
      %dma_wait3A_760 = arith.constant 0 : i32
      %dma_wait3A_761 = tpu.memref_slice %dma_wait3A_758[%dma_wait3A_759, %dma_wait3A_760] : memref<16x1024xf32, #tpu.memory_space<vmem>> -> memref<4x1024xf32, #tpu.memory_space<vmem>>
      tpu.wait_dma2 semaphore(%arg17 : memref<!tpu.dma_semaphore, #tpu.memory_space<semaphore_mem>>) src(%dma_wait3A_761 : memref<4x1024xf32, #tpu.memory_space<vmem>>) dst(%dma_wait3A_754 : memref<4x1024xf32, #tpu.memory_space<hbm>>)
      %add3A_762 = arith.constant 1 : i32
      %add3A_763 = arith.addi %multiple_of3A_736, %add3A_762 : i32
      %dma_wait3A_764 = arith.constant 0 : i32
      %dma_wait3A_765 = arith.constant 0 : i32
      %dma_wait3A_766 = arith.constant 0 : i32
      %dma_wait3A_767 = tpu.memref_slice %arg7[%dma_wait3A_764, %dma_wait3A_765, %dma_wait3A_766] : memref<4x16x1024xf32, #tpu.memory_space<vmem>> -> memref<1x16x1024xf32, #tpu.memory_space<vmem>>
      %dma_wait3A_768 = tpu.memref_squeeze %dma_wait3A_767 : memref<1x16x1024xf32, #tpu.memory_space<vmem>> -> memref<16x1024xf32, #tpu.memory_space<vmem>>
      %dma_wait3A_769 = arith.constant 4 : i32
      %dma_wait3A_770 = arith.constant 0 : i32
      %dma_wait3A_771 = tpu.memref_slice %dma_wait3A_768[%dma_wait3A_769, %dma_wait3A_770] : memref<16x1024xf32, #tpu.memory_space<vmem>> -> memref<4x1024xf32, #tpu.memory_space<vmem>>
      %dma_wait3A_772 = arith.constant 0 : i32
      %dma_wait3A_773 = arith.constant 0 : i32
      %dma_wait3A_774 = tpu.memref_slice %arg5[%add3A_763, %dma_wait3A_772, %dma_wait3A_773] : memref<4096x4x1024xf32, #tpu.memory_space<hbm>> -> memref<1x4x1024xf32, #tpu.memory_space<hbm>>
      %dma_wait3A_775 = tpu.memref_squeeze %dma_wait3A_774 : memref<1x4x1024xf32, #tpu.memory_space<hbm>> -> memref<4x1024xf32, #tpu.memory_space<hbm>>
      %dma_wait3A_776 = arith.constant 0 : i32
      %dma_wait3A_777 = arith.constant 0 : i32
      %dma_wait3A_778 = tpu.memref_slice %arg5[%add3A_763, %dma_wait3A_776, %dma_wait3A_777] : memref<4096x4x1024xf32, #tpu.memory_space<hbm>> -> memref<1x4x1024xf32, #tpu.memory_space<hbm>>
      %dma_wait3A_779 = tpu.memref_squeeze %dma_wait3A_778 : memref<1x4x1024xf32, #tpu.memory_space<hbm>> -> memref<4x1024xf32, #tpu.memory_space<hbm>>
      %dma_wait3A_780 = arith.constant 0 : i32
      %dma_wait3A_781 = arith.constant 0 : i32
      %dma_wait3A_782 = tpu.memref_slice %arg7[%dma_wait3A_764, %dma_wait3A_780, %dma_wait3A_781] : memref<4x16x1024xf32, #tpu.memory_space<vmem>> -> memref<1x16x1024xf32, #tpu.memory_space<vmem>>
      %dma_wait3A_783 = tpu.memref_squeeze %dma_wait3A_782 : memref<1x16x1024xf32, #tpu.memory_space<vmem>> -> memref<16x1024xf32, #tpu.memory_space<vmem>>
      %dma_wait3A_784 = arith.constant 4 : i32
      %dma_wait3A_785 = arith.constant 0 : i32
      %dma_wait3A_786 = tpu.memref_slice %dma_wait3A_783[%dma_wait3A_784, %dma_wait3A_785] : memref<16x1024xf32, #tpu.memory_space<vmem>> -> memref<4x1024xf32, #tpu.memory_space<vmem>>
      tpu.wait_dma2 semaphore(%arg17 : memref<!tpu.dma_semaphore, #tpu.memory_space<semaphore_mem>>) src(%dma_wait3A_786 : memref<4x1024xf32, #tpu.memory_space<vmem>>) dst(%dma_wait3A_779 : memref<4x1024xf32, #tpu.memory_space<hbm>>)
      %add3A_787 = arith.constant 2 : i32
      %add3A_788 = arith.addi %multiple_of3A_736, %add3A_787 : i32
      %dma_wait3A_789 = arith.constant 0 : i32
      %dma_wait3A_790 = arith.constant 0 : i32
      %dma_wait3A_791 = arith.constant 0 : i32
      %dma_wait3A_792 = tpu.memref_slice %arg7[%dma_wait3A_789, %dma_wait3A_790, %dma_wait3A_791] : memref<4x16x1024xf32, #tpu.memory_space<vmem>> -> memref<1x16x1024xf32, #tpu.memory_space<vmem>>
      %dma_wait3A_793 = tpu.memref_squeeze %dma_wait3A_792 : memref<1x16x1024xf32, #tpu.memory_space<vmem>> -> memref<16x1024xf32, #tpu.memory_space<vmem>>
      %dma_wait3A_794 = arith.constant 8 : i32
      %dma_wait3A_795 = arith.constant 0 : i32
      %dma_wait3A_796 = tpu.memref_slice %dma_wait3A_793[%dma_wait3A_794, %dma_wait3A_795] : memref<16x1024xf32, #tpu.memory_space<vmem>> -> memref<4x1024xf32, #tpu.memory_space<vmem>>
      %dma_wait3A_797 = arith.constant 0 : i32
      %dma_wait3A_798 = arith.constant 0 : i32
      %dma_wait3A_799 = tpu.memref_slice %arg5[%add3A_788, %dma_wait3A_797, %dma_wait3A_798] : memref<4096x4x1024xf32, #tpu.memory_space<hbm>> -> memref<1x4x1024xf32, #tpu.memory_space<hbm>>
      %dma_wait3A_800 = tpu.memref_squeeze %dma_wait3A_799 : memref<1x4x1024xf32, #tpu.memory_space<hbm>> -> memref<4x1024xf32, #tpu.memory_space<hbm>>
      %dma_wait3A_801 = arith.constant 0 : i32
      %dma_wait3A_802 = arith.constant 0 : i32
      %dma_wait3A_803 = tpu.memref_slice %arg5[%add3A_788, %dma_wait3A_801, %dma_wait3A_802] : memref<4096x4x1024xf32, #tpu.memory_space<hbm>> -> memref<1x4x1024xf32, #tpu.memory_space<hbm>>
      %dma_wait3A_804 = tpu.memref_squeeze %dma_wait3A_803 : memref<1x4x1024xf32, #tpu.memory_space<hbm>> -> memref<4x1024xf32, #tpu.memory_space<hbm>>
      %dma_wait3A_805 = arith.constant 0 : i32
      %dma_wait3A_806 = arith.constant 0 : i32
      %dma_wait3A_807 = tpu.memref_slice %arg7[%dma_wait3A_789, %dma_wait3A_805, %dma_wait3A_806] : memref<4x16x1024xf32, #tpu.memory_space<vmem>> -> memref<1x16x1024xf32, #tpu.memory_space<vmem>>
      %dma_wait3A_808 = tpu.memref_squeeze %dma_wait3A_807 : memref<1x16x1024xf32, #tpu.memory_space<vmem>> -> memref<16x1024xf32, #tpu.memory_space<vmem>>
      %dma_wait3A_809 = arith.constant 8 : i32
      %dma_wait3A_810 = arith.constant 0 : i32
      %dma_wait3A_811 = tpu.memref_slice %dma_wait3A_808[%dma_wait3A_809, %dma_wait3A_810] : memref<16x1024xf32, #tpu.memory_space<vmem>> -> memref<4x1024xf32, #tpu.memory_space<vmem>>
      tpu.wait_dma2 semaphore(%arg17 : memref<!tpu.dma_semaphore, #tpu.memory_space<semaphore_mem>>) src(%dma_wait3A_811 : memref<4x1024xf32, #tpu.memory_space<vmem>>) dst(%dma_wait3A_804 : memref<4x1024xf32, #tpu.memory_space<hbm>>)
      %add3A_812 = arith.constant 3 : i32
      %add3A_813 = arith.addi %multiple_of3A_736, %add3A_812 : i32
      %dma_wait3A_814 = arith.constant 0 : i32
      %dma_wait3A_815 = arith.constant 0 : i32
      %dma_wait3A_816 = arith.constant 0 : i32
      %dma_wait3A_817 = tpu.memref_slice %arg7[%dma_wait3A_814, %dma_wait3A_815, %dma_wait3A_816] : memref<4x16x1024xf32, #tpu.memory_space<vmem>> -> memref<1x16x1024xf32, #tpu.memory_space<vmem>>
      %dma_wait3A_818 = tpu.memref_squeeze %dma_wait3A_817 : memref<1x16x1024xf32, #tpu.memory_space<vmem>> -> memref<16x1024xf32, #tpu.memory_space<vmem>>
      %dma_wait3A_819 = arith.constant 12 : i32
      %dma_wait3A_820 = arith.constant 0 : i32
      %dma_wait3A_821 = tpu.memref_slice %dma_wait3A_818[%dma_wait3A_819, %dma_wait3A_820] : memref<16x1024xf32, #tpu.memory_space<vmem>> -> memref<4x1024xf32, #tpu.memory_space<vmem>>
      %dma_wait3A_822 = arith.constant 0 : i32
      %dma_wait3A_823 = arith.constant 0 : i32
      %dma_wait3A_824 = tpu.memref_slice %arg5[%add3A_813, %dma_wait3A_822, %dma_wait3A_823] : memref<4096x4x1024xf32, #tpu.memory_space<hbm>> -> memref<1x4x1024xf32, #tpu.memory_space<hbm>>
      %dma_wait3A_825 = tpu.memref_squeeze %dma_wait3A_824 : memref<1x4x1024xf32, #tpu.memory_space<hbm>> -> memref<4x1024xf32, #tpu.memory_space<hbm>>
      %dma_wait3A_826 = arith.constant 0 : i32
      %dma_wait3A_827 = arith.constant 0 : i32
      %dma_wait3A_828 = tpu.memref_slice %arg5[%add3A_813, %dma_wait3A_826, %dma_wait3A_827] : memref<4096x4x1024xf32, #tpu.memory_space<hbm>> -> memref<1x4x1024xf32, #tpu.memory_space<hbm>>
      %dma_wait3A_829 = tpu.memref_squeeze %dma_wait3A_828 : memref<1x4x1024xf32, #tpu.memory_space<hbm>> -> memref<4x1024xf32, #tpu.memory_space<hbm>>
      %dma_wait3A_830 = arith.constant 0 : i32
      %dma_wait3A_831 = arith.constant 0 : i32
      %dma_wait3A_832 = tpu.memref_slice %arg7[%dma_wait3A_814, %dma_wait3A_830, %dma_wait3A_831] : memref<4x16x1024xf32, #tpu.memory_space<vmem>> -> memref<1x16x1024xf32, #tpu.memory_space<vmem>>
      %dma_wait3A_833 = tpu.memref_squeeze %dma_wait3A_832 : memref<1x16x1024xf32, #tpu.memory_space<vmem>> -> memref<16x1024xf32, #tpu.memory_space<vmem>>
      %dma_wait3A_834 = arith.constant 12 : i32
      %dma_wait3A_835 = arith.constant 0 : i32
      %dma_wait3A_836 = tpu.memref_slice %dma_wait3A_833[%dma_wait3A_834, %dma_wait3A_835] : memref<16x1024xf32, #tpu.memory_space<vmem>> -> memref<4x1024xf32, #tpu.memory_space<vmem>>
      tpu.wait_dma2 semaphore(%arg17 : memref<!tpu.dma_semaphore, #tpu.memory_space<semaphore_mem>>) src(%dma_wait3A_836 : memref<4x1024xf32, #tpu.memory_space<vmem>>) dst(%dma_wait3A_829 : memref<4x1024xf32, #tpu.memory_space<hbm>>)
      %lt3A = arith.constant 7 : i32
      %lt3A_837 = arith.cmpi slt, %add3A_306, %lt3A : i32
      %convert_element_type3A_838 = arith.extui %lt3A_837 : i1 to i32
      %cond3A_839 = arith.constant 0 : i32
      %cond3A_840 = arith.cmpi ne, %convert_element_type3A_838, %cond3A_839 : i32
      scf.if %cond3A_840 {
        %add3A_1300 = arith.constant 2 : i32
        %add3A_1301 = arith.addi %add3A_706, %add3A_1300 : i32
        %mul3A_1302 = arith.constant 16 : i32
        %mul3A_1303 = arith.muli %add3A_1301, %mul3A_1302 : i32
        %multiple_of3A_1304 = tpu.assume_multiple %mul3A_1303, 16 : i32
        %dma_start3A_1305 = arith.constant 0 : i32
        %dma_start3A_1306 = arith.constant 0 : i32
        %dma_start3A_1307 = arith.constant 0 : i32
        %dma_start3A_1308 = tpu.memref_slice %arg7[%dma_start3A_1305, %dma_start3A_1306, %dma_start3A_1307] : memref<4x16x1024xf32, #tpu.memory_space<vmem>> -> memref<1x16x1024xf32, #tpu.memory_space<vmem>>
        %dma_start3A_1309 = tpu.memref_squeeze %dma_start3A_1308 : memref<1x16x1024xf32, #tpu.memory_space<vmem>> -> memref<16x1024xf32, #tpu.memory_space<vmem>>
        %dma_start3A_1310 = tpu.memref_slice %arg6[%multiple_of3A_1304] : memref<512xi32, #tpu.memory_space<vmem>> -> memref<16xi32, #tpu.memory_space<vmem>>
        %dma_start3A_1311 = arith.constant 0 : i32
        %dma_start3A_1312 = arith.constant 0 : i32
        %dma_start3A_1313 = tpu.memref_slice %arg4[%dma_start3A_1311, %dma_start3A_1312] : memref<100000x1024xf32, #tpu.memory_space<hbm>> -> memref<100000x1024xf32, #tpu.memory_space<hbm>>
        tpu.enqueue_indirect_dma source(%dma_start3A_1313 : memref<100000x1024xf32, #tpu.memory_space<hbm>>) target(%dma_start3A_1309 : memref<16x1024xf32, #tpu.memory_space<vmem>>) offsets(%dma_start3A_1310 : memref<16xi32, #tpu.memory_space<vmem>>) semaphore(%arg9 : memref<!tpu.dma_semaphore, #tpu.memory_space<semaphore_mem>>)
        %add3A_1314 = arith.constant 2 : i32
        %add3A_1315 = arith.addi %add3A_706, %add3A_1314 : i32
        %mul3A_1316 = arith.constant 4 : i32
        %mul3A_1317 = arith.muli %add3A_1315, %mul3A_1316 : i32
        %mul3A_1318 = arith.constant 1024 : i32
        %mul3A_1319 = arith.muli %mul3A_1317, %mul3A_1318 : i32
        %add3A_1320 = arith.addi %multiple_of3A_7, %mul3A_1319 : i32
        %multiple_of3A_1321 = tpu.assume_multiple %add3A_1320, 4096 : i32
        %dma_start3A_1322 = arith.constant 0 : i32
        %dma_start3A_1323 = arith.constant 0 : i32
        %dma_start3A_1324 = tpu.memref_slice %arg8[%dma_start3A_1322, %dma_start3A_1323] : memref<4x4096xf32, #tpu.memory_space<vmem>> -> memref<1x4096xf32, #tpu.memory_space<vmem>>
        %dma_start3A_1325 = tpu.memref_squeeze %dma_start3A_1324 : memref<1x4096xf32, #tpu.memory_space<vmem>> -> memref<4096xf32, #tpu.memory_space<vmem>>
        %dma_start3A_1326 = tpu.memref_slice %arg3[%multiple_of3A_1321] : memref<8388608xf32, #tpu.memory_space<hbm>> -> memref<4096xf32, #tpu.memory_space<hbm>>
        %dma_start3A_1327 = arith.constant 0 : i32
        %dma_start3A_1328 = tpu.memref_slice %arg8[%dma_start3A_1322, %dma_start3A_1327] : memref<4x4096xf32, #tpu.memory_space<vmem>> -> memref<1x4096xf32, #tpu.memory_space<vmem>>
        %dma_start3A_1329 = tpu.memref_squeeze %dma_start3A_1328 : memref<1x4096xf32, #tpu.memory_space<vmem>> -> memref<4096xf32, #tpu.memory_space<vmem>>
        %dma_start3A_1330 = tpu.memref_slice %arg3[%multiple_of3A_1321] : memref<8388608xf32, #tpu.memory_space<hbm>> -> memref<4096xf32, #tpu.memory_space<hbm>>
        tpu.enqueue_dma source(%dma_start3A_1330 : memref<4096xf32, #tpu.memory_space<hbm>>) target(%dma_start3A_1329 : memref<4096xf32, #tpu.memory_space<vmem>>) target_semaphore(%arg13 : memref<!tpu.dma_semaphore, #tpu.memory_space<semaphore_mem>>)
      } else {
      }
      %mul3A_841 = arith.constant 16 : i32
      %mul3A_842 = arith.muli %add3A_706, %mul3A_841 : i32
      %multiple_of3A_843 = tpu.assume_multiple %mul3A_842, 16 : i32
      %dma_wait3A_844 = arith.constant 2 : i32
      %dma_wait3A_845 = arith.constant 0 : i32
      %dma_wait3A_846 = arith.constant 0 : i32
      %dma_wait3A_847 = tpu.memref_slice %arg7[%dma_wait3A_844, %dma_wait3A_845, %dma_wait3A_846] : memref<4x16x1024xf32, #tpu.memory_space<vmem>> -> memref<1x16x1024xf32, #tpu.memory_space<vmem>>
      %dma_wait3A_848 = tpu.memref_squeeze %dma_wait3A_847 : memref<1x16x1024xf32, #tpu.memory_space<vmem>> -> memref<16x1024xf32, #tpu.memory_space<vmem>>
      %dma_wait3A_849 = tpu.memref_slice %arg6[%multiple_of3A_843] : memref<512xi32, #tpu.memory_space<vmem>> -> memref<16xi32, #tpu.memory_space<vmem>>
      %dma_wait3A_850 = arith.constant 0 : i32
      %dma_wait3A_851 = arith.constant 0 : i32
      %dma_wait3A_852 = tpu.memref_slice %arg4[%dma_wait3A_850, %dma_wait3A_851] : memref<100000x1024xf32, #tpu.memory_space<hbm>> -> memref<100000x1024xf32, #tpu.memory_space<hbm>>
      tpu.wait_indirect_dma semaphore(%arg11 : memref<!tpu.dma_semaphore, #tpu.memory_space<semaphore_mem>>) src(%dma_wait3A_852 : memref<100000x1024xf32, #tpu.memory_space<hbm>>) dst(%dma_wait3A_848 : memref<16x1024xf32, #tpu.memory_space<vmem>>)
      %mul3A_853 = arith.constant 4 : i32
      %mul3A_854 = arith.muli %add3A_706, %mul3A_853 : i32
      %mul3A_855 = arith.constant 1024 : i32
      %mul3A_856 = arith.muli %mul3A_854, %mul3A_855 : i32
      %add3A_857 = arith.addi %multiple_of3A_7, %mul3A_856 : i32
      %multiple_of3A_858 = tpu.assume_multiple %add3A_857, 4096 : i32
      %dma_wait3A_859 = arith.constant 2 : i32
      %dma_wait3A_860 = arith.constant 0 : i32
      %dma_wait3A_861 = tpu.memref_slice %arg8[%dma_wait3A_859, %dma_wait3A_860] : memref<4x4096xf32, #tpu.memory_space<vmem>> -> memref<1x4096xf32, #tpu.memory_space<vmem>>
      %dma_wait3A_862 = tpu.memref_squeeze %dma_wait3A_861 : memref<1x4096xf32, #tpu.memory_space<vmem>> -> memref<4096xf32, #tpu.memory_space<vmem>>
      %dma_wait3A_863 = tpu.memref_slice %arg3[%multiple_of3A_858] : memref<8388608xf32, #tpu.memory_space<hbm>> -> memref<4096xf32, #tpu.memory_space<hbm>>
      %dma_wait3A_864 = arith.constant 0 : i32
      %dma_wait3A_865 = tpu.memref_slice %arg8[%dma_wait3A_859, %dma_wait3A_864] : memref<4x4096xf32, #tpu.memory_space<vmem>> -> memref<1x4096xf32, #tpu.memory_space<vmem>>
      %dma_wait3A_866 = tpu.memref_squeeze %dma_wait3A_865 : memref<1x4096xf32, #tpu.memory_space<vmem>> -> memref<4096xf32, #tpu.memory_space<vmem>>
      %dma_wait3A_867 = tpu.memref_slice %arg3[%multiple_of3A_858] : memref<8388608xf32, #tpu.memory_space<hbm>> -> memref<4096xf32, #tpu.memory_space<hbm>>
      tpu.wait_dma2 semaphore(%arg15 : memref<!tpu.dma_semaphore, #tpu.memory_space<semaphore_mem>>) src(%dma_wait3A_867 : memref<4096xf32, #tpu.memory_space<hbm>>) dst(%dma_wait3A_866 : memref<4096xf32, #tpu.memory_space<vmem>>)
      %parallel_loop3A_868 = arith.constant 0 : i32
      %parallel_loop3A_869 = arith.constant 1024 : i32
      %parallel_loop3A_870 = arith.constant 16 : i32
      %parallel_loop3A_871 = arith.constant 2 : i32
      %parallel_loop3A_872 = arith.constant 2 : i32
      scf.for %parallel_loop3A_1300 = %parallel_loop3A_868 to %parallel_loop3A_869 step %parallel_loop3A_870  : i32 {
        %parallel_loop3A_1301 = arith.constant 0 : i32
        %parallel_loop3A_1302 = arith.addi %parallel_loop3A_1301, %parallel_loop3A_1300 : i32
        %parallel_loop3A_1303 = arith.constant 0 : i32
        %parallel_loop3A_1304 = tpu.memref_slice %arg8[%parallel_loop3A_871, %parallel_loop3A_1303] : memref<4x4096xf32, #tpu.memory_space<vmem>> -> memref<1x4096xf32, #tpu.memory_space<vmem>>
        %parallel_loop3A_1305 = tpu.memref_squeeze %parallel_loop3A_1304 : memref<1x4096xf32, #tpu.memory_space<vmem>> -> memref<4096xf32, #tpu.memory_space<vmem>>
        %parallel_loop3A_1306 = arith.index_cast %parallel_loop3A_1302 : i32 to index
        %parallel_loop3A_1307 = tpu.vector_load %parallel_loop3A_1305[%parallel_loop3A_1306] {strides = array<i32>} : memref<4096xf32, #tpu.memory_space<vmem>>, vector<16xf32>,
        %parallel_loop3A_1308 = vector.shape_cast %parallel_loop3A_1307 : vector<16xf32> to vector<16xf32>
        %parallel_loop3A_1309 = arith.constant 0 : i32
        %parallel_loop3A_1310 = arith.constant 0 : i32
        %parallel_loop3A_1311 = arith.constant 0 : i32
        %parallel_loop3A_1312 = tpu.memref_slice %arg7[%parallel_loop3A_872, %parallel_loop3A_1310, %parallel_loop3A_1311] : memref<4x16x1024xf32, #tpu.memory_space<vmem>> -> memref<1x16x1024xf32, #tpu.memory_space<vmem>>
        %parallel_loop3A_1313 = tpu.memref_squeeze %parallel_loop3A_1312 : memref<1x16x1024xf32, #tpu.memory_space<vmem>> -> memref<16x1024xf32, #tpu.memory_space<vmem>>
        %parallel_loop3A_1314 = arith.index_cast %parallel_loop3A_1309 : i32 to index
        %parallel_loop3A_1315 = arith.index_cast %parallel_loop3A_1300 : i32 to index
        %parallel_loop3A_1316 = tpu.vector_load %parallel_loop3A_1313[%parallel_loop3A_1314, %parallel_loop3A_1315] {strides = array<i32>} : memref<16x1024xf32, #tpu.memory_space<vmem>>, vector<1x16xf32>,
        %parallel_loop3A_1317 = vector.shape_cast %parallel_loop3A_1316 : vector<1x16xf32> to vector<16xf32>
        %parallel_loop3A_1318 = arith.constant 3.200000e+01 : f32
        %parallel_loop3A_1319 = vector.broadcast %parallel_loop3A_1318 : f32 to vector<16xf32>
        %parallel_loop3A_1320 = arith.mulf %parallel_loop3A_1317, %parallel_loop3A_1319 : vector<16xf32>
        %parallel_loop3A_1321 = arith.addf %parallel_loop3A_1320, %parallel_loop3A_1308 : vector<16xf32>
        %parallel_loop3A_1322 = arith.constant 0 : i32
        %parallel_loop3A_1323 = arith.constant 0 : i32
        %parallel_loop3A_1324 = arith.constant 0 : i32
        %parallel_loop3A_1325 = tpu.memref_slice %arg7[%parallel_loop3A_872, %parallel_loop3A_1323, %parallel_loop3A_1324] : memref<4x16x1024xf32, #tpu.memory_space<vmem>> -> memref<1x16x1024xf32, #tpu.memory_space<vmem>>
        %parallel_loop3A_1326 = tpu.memref_squeeze %parallel_loop3A_1325 : memref<1x16x1024xf32, #tpu.memory_space<vmem>> -> memref<16x1024xf32, #tpu.memory_space<vmem>>
        %parallel_loop3A_1327 = arith.index_cast %parallel_loop3A_1322 : i32 to index
        %parallel_loop3A_1328 = arith.index_cast %parallel_loop3A_1300 : i32 to index
        %parallel_loop3A_1329 = tpu.vector_load %parallel_loop3A_1326[%parallel_loop3A_1327, %parallel_loop3A_1328] {strides = array<i32>} : memref<16x1024xf32, #tpu.memory_space<vmem>>, vector<1x16xf32>,
        %parallel_loop3A_1330 = vector.shape_cast %parallel_loop3A_1329 : vector<1x16xf32> to vector<16xf32>
        %parallel_loop3A_1331 = vector.shape_cast %parallel_loop3A_1321 : vector<16xf32> to vector<1x16xf32>
        tpu.vector_store %parallel_loop3A_1326[%parallel_loop3A_1327, %parallel_loop3A_1328], %parallel_loop3A_1331 {strides = array<i32>} : memref<16x1024xf32, #tpu.memory_space<vmem>>, vector<1x16xf32>,
        %parallel_loop3A_1332 = arith.constant 1 : i32
        %parallel_loop3A_1333 = arith.constant 0 : i32
        %parallel_loop3A_1334 = arith.constant 0 : i32
        %parallel_loop3A_1335 = tpu.memref_slice %arg7[%parallel_loop3A_872, %parallel_loop3A_1333, %parallel_loop3A_1334] : memref<4x16x1024xf32, #tpu.memory_space<vmem>> -> memref<1x16x1024xf32, #tpu.memory_space<vmem>>
        %parallel_loop3A_1336 = tpu.memref_squeeze %parallel_loop3A_1335 : memref<1x16x1024xf32, #tpu.memory_space<vmem>> -> memref<16x1024xf32, #tpu.memory_space<vmem>>
        %parallel_loop3A_1337 = arith.index_cast %parallel_loop3A_1332 : i32 to index
        %parallel_loop3A_1338 = arith.index_cast %parallel_loop3A_1300 : i32 to index
        %parallel_loop3A_1339 = tpu.vector_load %parallel_loop3A_1336[%parallel_loop3A_1337, %parallel_loop3A_1338] {strides = array<i32>} : memref<16x1024xf32, #tpu.memory_space<vmem>>, vector<1x16xf32>,
        %parallel_loop3A_1340 = vector.shape_cast %parallel_loop3A_1339 : vector<1x16xf32> to vector<16xf32>
        %parallel_loop3A_1341 = arith.constant 3.200000e+01 : f32
        %parallel_loop3A_1342 = vector.broadcast %parallel_loop3A_1341 : f32 to vector<16xf32>
        %parallel_loop3A_1343 = arith.mulf %parallel_loop3A_1340, %parallel_loop3A_1342 : vector<16xf32>
        %parallel_loop3A_1344 = arith.addf %parallel_loop3A_1343, %parallel_loop3A_1308 : vector<16xf32>
        %parallel_loop3A_1345 = arith.constant 1 : i32
        %parallel_loop3A_1346 = arith.constant 0 : i32
        %parallel_loop3A_1347 = arith.constant 0 : i32
        %parallel_loop3A_1348 = tpu.memref_slice %arg7[%parallel_loop3A_872, %parallel_loop3A_1346, %parallel_loop3A_1347] : memref<4x16x1024xf32, #tpu.memory_space<vmem>> -> memref<1x16x1024xf32, #tpu.memory_space<vmem>>
        %parallel_loop3A_1349 = tpu.memref_squeeze %parallel_loop3A_1348 : memref<1x16x1024xf32, #tpu.memory_space<vmem>> -> memref<16x1024xf32, #tpu.memory_space<vmem>>
        %parallel_loop3A_1350 = arith.index_cast %parallel_loop3A_1345 : i32 to index
        %parallel_loop3A_1351 = arith.index_cast %parallel_loop3A_1300 : i32 to index
        %parallel_loop3A_1352 = tpu.vector_load %parallel_loop3A_1349[%parallel_loop3A_1350, %parallel_loop3A_1351] {strides = array<i32>} : memref<16x1024xf32, #tpu.memory_space<vmem>>, vector<1x16xf32>,
        %parallel_loop3A_1353 = vector.shape_cast %parallel_loop3A_1352 : vector<1x16xf32> to vector<16xf32>
        %parallel_loop3A_1354 = vector.shape_cast %parallel_loop3A_1344 : vector<16xf32> to vector<1x16xf32>
        tpu.vector_store %parallel_loop3A_1349[%parallel_loop3A_1350, %parallel_loop3A_1351], %parallel_loop3A_1354 {strides = array<i32>} : memref<16x1024xf32, #tpu.memory_space<vmem>>, vector<1x16xf32>,
        %parallel_loop3A_1355 = arith.constant 2 : i32
        %parallel_loop3A_1356 = arith.constant 0 : i32
        %parallel_loop3A_1357 = arith.constant 0 : i32
        %parallel_loop3A_1358 = tpu.memref_slice %arg7[%parallel_loop3A_872, %parallel_loop3A_1356, %parallel_loop3A_1357] : memref<4x16x1024xf32, #tpu.memory_space<vmem>> -> memref<1x16x1024xf32, #tpu.memory_space<vmem>>
        %parallel_loop3A_1359 = tpu.memref_squeeze %parallel_loop3A_1358 : memref<1x16x1024xf32, #tpu.memory_space<vmem>> -> memref<16x1024xf32, #tpu.memory_space<vmem>>
        %parallel_loop3A_1360 = arith.index_cast %parallel_loop3A_1355 : i32 to index
        %parallel_loop3A_1361 = arith.index_cast %parallel_loop3A_1300 : i32 to index
        %parallel_loop3A_1362 = tpu.vector_load %parallel_loop3A_1359[%parallel_loop3A_1360, %parallel_loop3A_1361] {strides = array<i32>} : memref<16x1024xf32, #tpu.memory_space<vmem>>, vector<1x16xf32>,
        %parallel_loop3A_1363 = vector.shape_cast %parallel_loop3A_1362 : vector<1x16xf32> to vector<16xf32>
        %parallel_loop3A_1364 = arith.constant 3.200000e+01 : f32
        %parallel_loop3A_1365 = vector.broadcast %parallel_loop3A_1364 : f32 to vector<16xf32>
        %parallel_loop3A_1366 = arith.mulf %parallel_loop3A_1363, %parallel_loop3A_1365 : vector<16xf32>
        %parallel_loop3A_1367 = arith.addf %parallel_loop3A_1366, %parallel_loop3A_1308 : vector<16xf32>
        %parallel_loop3A_1368 = arith.constant 2 : i32
        %parallel_loop3A_1369 = arith.constant 0 : i32
        %parallel_loop3A_1370 = arith.constant 0 : i32
        %parallel_loop3A_1371 = tpu.memref_slice %arg7[%parallel_loop3A_872, %parallel_loop3A_1369, %parallel_loop3A_1370] : memref<4x16x1024xf32, #tpu.memory_space<vmem>> -> memref<1x16x1024xf32, #tpu.memory_space<vmem>>
        %parallel_loop3A_1372 = tpu.memref_squeeze %parallel_loop3A_1371 : memref<1x16x1024xf32, #tpu.memory_space<vmem>> -> memref<16x1024xf32, #tpu.memory_space<vmem>>
        %parallel_loop3A_1373 = arith.index_cast %parallel_loop3A_1368 : i32 to index
        %parallel_loop3A_1374 = arith.index_cast %parallel_loop3A_1300 : i32 to index
        %parallel_loop3A_1375 = tpu.vector_load %parallel_loop3A_1372[%parallel_loop3A_1373, %parallel_loop3A_1374] {strides = array<i32>} : memref<16x1024xf32, #tpu.memory_space<vmem>>, vector<1x16xf32>,
        %parallel_loop3A_1376 = vector.shape_cast %parallel_loop3A_1375 : vector<1x16xf32> to vector<16xf32>
        %parallel_loop3A_1377 = vector.shape_cast %parallel_loop3A_1367 : vector<16xf32> to vector<1x16xf32>
        tpu.vector_store %parallel_loop3A_1372[%parallel_loop3A_1373, %parallel_loop3A_1374], %parallel_loop3A_1377 {strides = array<i32>} : memref<16x1024xf32, #tpu.memory_space<vmem>>, vector<1x16xf32>,
        %parallel_loop3A_1378 = arith.constant 3 : i32
        %parallel_loop3A_1379 = arith.constant 0 : i32
        %parallel_loop3A_1380 = arith.constant 0 : i32
        %parallel_loop3A_1381 = tpu.memref_slice %arg7[%parallel_loop3A_872, %parallel_loop3A_1379, %parallel_loop3A_1380] : memref<4x16x1024xf32, #tpu.memory_space<vmem>> -> memref<1x16x1024xf32, #tpu.memory_space<vmem>>
        %parallel_loop3A_1382 = tpu.memref_squeeze %parallel_loop3A_1381 : memref<1x16x1024xf32, #tpu.memory_space<vmem>> -> memref<16x1024xf32, #tpu.memory_space<vmem>>
        %parallel_loop3A_1383 = arith.index_cast %parallel_loop3A_1378 : i32 to index
        %parallel_loop3A_1384 = arith.index_cast %parallel_loop3A_1300 : i32 to index
        %parallel_loop3A_1385 = tpu.vector_load %parallel_loop3A_1382[%parallel_loop3A_1383, %parallel_loop3A_1384] {strides = array<i32>} : memref<16x1024xf32, #tpu.memory_space<vmem>>, vector<1x16xf32>,
        %parallel_loop3A_1386 = vector.shape_cast %parallel_loop3A_1385 : vector<1x16xf32> to vector<16xf32>
        %parallel_loop3A_1387 = arith.constant 3.200000e+01 : f32
        %parallel_loop3A_1388 = vector.broadcast %parallel_loop3A_1387 : f32 to vector<16xf32>
        %parallel_loop3A_1389 = arith.mulf %parallel_loop3A_1386, %parallel_loop3A_1388 : vector<16xf32>
        %parallel_loop3A_1390 = arith.addf %parallel_loop3A_1389, %parallel_loop3A_1308 : vector<16xf32>
        %parallel_loop3A_1391 = arith.constant 3 : i32
        %parallel_loop3A_1392 = arith.constant 0 : i32
        %parallel_loop3A_1393 = arith.constant 0 : i32
        %parallel_loop3A_1394 = tpu.memref_slice %arg7[%parallel_loop3A_872, %parallel_loop3A_1392, %parallel_loop3A_1393] : memref<4x16x1024xf32, #tpu.memory_space<vmem>> -> memref<1x16x1024xf32, #tpu.memory_space<vmem>>
        %parallel_loop3A_1395 = tpu.memref_squeeze %parallel_loop3A_1394 : memref<1x16x1024xf32, #tpu.memory_space<vmem>> -> memref<16x1024xf32, #tpu.memory_space<vmem>>
        %parallel_loop3A_1396 = arith.index_cast %parallel_loop3A_1391 : i32 to index
        %parallel_loop3A_1397 = arith.index_cast %parallel_loop3A_1300 : i32 to index
        %parallel_loop3A_1398 = tpu.vector_load %parallel_loop3A_1395[%parallel_loop3A_1396, %parallel_loop3A_1397] {strides = array<i32>} : memref<16x1024xf32, #tpu.memory_space<vmem>>, vector<1x16xf32>,
        %parallel_loop3A_1399 = vector.shape_cast %parallel_loop3A_1398 : vector<1x16xf32> to vector<16xf32>
        %parallel_loop3A_1400 = vector.shape_cast %parallel_loop3A_1390 : vector<16xf32> to vector<1x16xf32>
        tpu.vector_store %parallel_loop3A_1395[%parallel_loop3A_1396, %parallel_loop3A_1397], %parallel_loop3A_1400 {strides = array<i32>} : memref<16x1024xf32, #tpu.memory_space<vmem>>, vector<1x16xf32>,
        %parallel_loop3A_1401 = arith.constant 1024 : i32
        %parallel_loop3A_1402 = arith.addi %parallel_loop3A_1401, %parallel_loop3A_1300 : i32
        %parallel_loop3A_1403 = arith.constant 0 : i32
        %parallel_loop3A_1404 = tpu.memref_slice %arg8[%parallel_loop3A_871, %parallel_loop3A_1403] : memref<4x4096xf32, #tpu.memory_space<vmem>> -> memref<1x4096xf32, #tpu.memory_space<vmem>>
        %parallel_loop3A_1405 = tpu.memref_squeeze %parallel_loop3A_1404 : memref<1x4096xf32, #tpu.memory_space<vmem>> -> memref<4096xf32, #tpu.memory_space<vmem>>
        %parallel_loop3A_1406 = arith.index_cast %parallel_loop3A_1402 : i32 to index
        %parallel_loop3A_1407 = tpu.vector_load %parallel_loop3A_1405[%parallel_loop3A_1406] {strides = array<i32>} : memref<4096xf32, #tpu.memory_space<vmem>>, vector<16xf32>,
        %parallel_loop3A_1408 = vector.shape_cast %parallel_loop3A_1407 : vector<16xf32> to vector<16xf32>
        %parallel_loop3A_1409 = arith.constant 4 : i32
        %parallel_loop3A_1410 = arith.constant 0 : i32
        %parallel_loop3A_1411 = arith.constant 0 : i32
        %parallel_loop3A_1412 = tpu.memref_slice %arg7[%parallel_loop3A_872, %parallel_loop3A_1410, %parallel_loop3A_1411] : memref<4x16x1024xf32, #tpu.memory_space<vmem>> -> memref<1x16x1024xf32, #tpu.memory_space<vmem>>
        %parallel_loop3A_1413 = tpu.memref_squeeze %parallel_loop3A_1412 : memref<1x16x1024xf32, #tpu.memory_space<vmem>> -> memref<16x1024xf32, #tpu.memory_space<vmem>>
        %parallel_loop3A_1414 = arith.index_cast %parallel_loop3A_1409 : i32 to index
        %parallel_loop3A_1415 = arith.index_cast %parallel_loop3A_1300 : i32 to index
        %parallel_loop3A_1416 = tpu.vector_load %parallel_loop3A_1413[%parallel_loop3A_1414, %parallel_loop3A_1415] {strides = array<i32>} : memref<16x1024xf32, #tpu.memory_space<vmem>>, vector<1x16xf32>,
        %parallel_loop3A_1417 = vector.shape_cast %parallel_loop3A_1416 : vector<1x16xf32> to vector<16xf32>
        %parallel_loop3A_1418 = arith.constant 3.200000e+01 : f32
        %parallel_loop3A_1419 = vector.broadcast %parallel_loop3A_1418 : f32 to vector<16xf32>
        %parallel_loop3A_1420 = arith.mulf %parallel_loop3A_1417, %parallel_loop3A_1419 : vector<16xf32>
        %parallel_loop3A_1421 = arith.addf %parallel_loop3A_1420, %parallel_loop3A_1408 : vector<16xf32>
        %parallel_loop3A_1422 = arith.constant 4 : i32
        %parallel_loop3A_1423 = arith.constant 0 : i32
        %parallel_loop3A_1424 = arith.constant 0 : i32
        %parallel_loop3A_1425 = tpu.memref_slice %arg7[%parallel_loop3A_872, %parallel_loop3A_1423, %parallel_loop3A_1424] : memref<4x16x1024xf32, #tpu.memory_space<vmem>> -> memref<1x16x1024xf32, #tpu.memory_space<vmem>>
        %parallel_loop3A_1426 = tpu.memref_squeeze %parallel_loop3A_1425 : memref<1x16x1024xf32, #tpu.memory_space<vmem>> -> memref<16x1024xf32, #tpu.memory_space<vmem>>
        %parallel_loop3A_1427 = arith.index_cast %parallel_loop3A_1422 : i32 to index
        %parallel_loop3A_1428 = arith.index_cast %parallel_loop3A_1300 : i32 to index
        %parallel_loop3A_1429 = tpu.vector_load %parallel_loop3A_1426[%parallel_loop3A_1427, %parallel_loop3A_1428] {strides = array<i32>} : memref<16x1024xf32, #tpu.memory_space<vmem>>, vector<1x16xf32>,
        %parallel_loop3A_1430 = vector.shape_cast %parallel_loop3A_1429 : vector<1x16xf32> to vector<16xf32>
        %parallel_loop3A_1431 = vector.shape_cast %parallel_loop3A_1421 : vector<16xf32> to vector<1x16xf32>
        tpu.vector_store %parallel_loop3A_1426[%parallel_loop3A_1427, %parallel_loop3A_1428], %parallel_loop3A_1431 {strides = array<i32>} : memref<16x1024xf32, #tpu.memory_space<vmem>>, vector<1x16xf32>,
        %parallel_loop3A_1432 = arith.constant 5 : i32
        %parallel_loop3A_1433 = arith.constant 0 : i32
        %parallel_loop3A_1434 = arith.constant 0 : i32
        %parallel_loop3A_1435 = tpu.memref_slice %arg7[%parallel_loop3A_872, %parallel_loop3A_1433, %parallel_loop3A_1434] : memref<4x16x1024xf32, #tpu.memory_space<vmem>> -> memref<1x16x1024xf32, #tpu.memory_space<vmem>>
        %parallel_loop3A_1436 = tpu.memref_squeeze %parallel_loop3A_1435 : memref<1x16x1024xf32, #tpu.memory_space<vmem>> -> memref<16x1024xf32, #tpu.memory_space<vmem>>
        %parallel_loop3A_1437 = arith.index_cast %parallel_loop3A_1432 : i32 to index
        %parallel_loop3A_1438 = arith.index_cast %parallel_loop3A_1300 : i32 to index
        %parallel_loop3A_1439 = tpu.vector_load %parallel_loop3A_1436[%parallel_loop3A_1437, %parallel_loop3A_1438] {strides = array<i32>} : memref<16x1024xf32, #tpu.memory_space<vmem>>, vector<1x16xf32>,
        %parallel_loop3A_1440 = vector.shape_cast %parallel_loop3A_1439 : vector<1x16xf32> to vector<16xf32>
        %parallel_loop3A_1441 = arith.constant 3.200000e+01 : f32
        %parallel_loop3A_1442 = vector.broadcast %parallel_loop3A_1441 : f32 to vector<16xf32>
        %parallel_loop3A_1443 = arith.mulf %parallel_loop3A_1440, %parallel_loop3A_1442 : vector<16xf32>
        %parallel_loop3A_1444 = arith.addf %parallel_loop3A_1443, %parallel_loop3A_1408 : vector<16xf32>
        %parallel_loop3A_1445 = arith.constant 5 : i32
        %parallel_loop3A_1446 = arith.constant 0 : i32
        %parallel_loop3A_1447 = arith.constant 0 : i32
        %parallel_loop3A_1448 = tpu.memref_slice %arg7[%parallel_loop3A_872, %parallel_loop3A_1446, %parallel_loop3A_1447] : memref<4x16x1024xf32, #tpu.memory_space<vmem>> -> memref<1x16x1024xf32, #tpu.memory_space<vmem>>
        %parallel_loop3A_1449 = tpu.memref_squeeze %parallel_loop3A_1448 : memref<1x16x1024xf32, #tpu.memory_space<vmem>> -> memref<16x1024xf32, #tpu.memory_space<vmem>>
        %parallel_loop3A_1450 = arith.index_cast %parallel_loop3A_1445 : i32 to index
        %parallel_loop3A_1451 = arith.index_cast %parallel_loop3A_1300 : i32 to index
        %parallel_loop3A_1452 = tpu.vector_load %parallel_loop3A_1449[%parallel_loop3A_1450, %parallel_loop3A_1451] {strides = array<i32>} : memref<16x1024xf32, #tpu.memory_space<vmem>>, vector<1x16xf32>,
        %parallel_loop3A_1453 = vector.shape_cast %parallel_loop3A_1452 : vector<1x16xf32> to vector<16xf32>
        %parallel_loop3A_1454 = vector.shape_cast %parallel_loop3A_1444 : vector<16xf32> to vector<1x16xf32>
        tpu.vector_store %parallel_loop3A_1449[%parallel_loop3A_1450, %parallel_loop3A_1451], %parallel_loop3A_1454 {strides = array<i32>} : memref<16x1024xf32, #tpu.memory_space<vmem>>, vector<1x16xf32>,
        %parallel_loop3A_1455 = arith.constant 6 : i32
        %parallel_loop3A_1456 = arith.constant 0 : i32
        %parallel_loop3A_1457 = arith.constant 0 : i32
        %parallel_loop3A_1458 = tpu.memref_slice %arg7[%parallel_loop3A_872, %parallel_loop3A_1456, %parallel_loop3A_1457] : memref<4x16x1024xf32, #tpu.memory_space<vmem>> -> memref<1x16x1024xf32, #tpu.memory_space<vmem>>
        %parallel_loop3A_1459 = tpu.memref_squeeze %parallel_loop3A_1458 : memref<1x16x1024xf32, #tpu.memory_space<vmem>> -> memref<16x1024xf32, #tpu.memory_space<vmem>>
        %parallel_loop3A_1460 = arith.index_cast %parallel_loop3A_1455 : i32 to index
        %parallel_loop3A_1461 = arith.index_cast %parallel_loop3A_1300 : i32 to index
        %parallel_loop3A_1462 = tpu.vector_load %parallel_loop3A_1459[%parallel_loop3A_1460, %parallel_loop3A_1461] {strides = array<i32>} : memref<16x1024xf32, #tpu.memory_space<vmem>>, vector<1x16xf32>,
        %parallel_loop3A_1463 = vector.shape_cast %parallel_loop3A_1462 : vector<1x16xf32> to vector<16xf32>
        %parallel_loop3A_1464 = arith.constant 3.200000e+01 : f32
        %parallel_loop3A_1465 = vector.broadcast %parallel_loop3A_1464 : f32 to vector<16xf32>
        %parallel_loop3A_1466 = arith.mulf %parallel_loop3A_1463, %parallel_loop3A_1465 : vector<16xf32>
        %parallel_loop3A_1467 = arith.addf %parallel_loop3A_1466, %parallel_loop3A_1408 : vector<16xf32>
        %parallel_loop3A_1468 = arith.constant 6 : i32
        %parallel_loop3A_1469 = arith.constant 0 : i32
        %parallel_loop3A_1470 = arith.constant 0 : i32
        %parallel_loop3A_1471 = tpu.memref_slice %arg7[%parallel_loop3A_872, %parallel_loop3A_1469, %parallel_loop3A_1470] : memref<4x16x1024xf32, #tpu.memory_space<vmem>> -> memref<1x16x1024xf32, #tpu.memory_space<vmem>>
        %parallel_loop3A_1472 = tpu.memref_squeeze %parallel_loop3A_1471 : memref<1x16x1024xf32, #tpu.memory_space<vmem>> -> memref<16x1024xf32, #tpu.memory_space<vmem>>
        %parallel_loop3A_1473 = arith.index_cast %parallel_loop3A_1468 : i32 to index
        %parallel_loop3A_1474 = arith.index_cast %parallel_loop3A_1300 : i32 to index
        %parallel_loop3A_1475 = tpu.vector_load %parallel_loop3A_1472[%parallel_loop3A_1473, %parallel_loop3A_1474] {strides = array<i32>} : memref<16x1024xf32, #tpu.memory_space<vmem>>, vector<1x16xf32>,
        %parallel_loop3A_1476 = vector.shape_cast %parallel_loop3A_1475 : vector<1x16xf32> to vector<16xf32>
        %parallel_loop3A_1477 = vector.shape_cast %parallel_loop3A_1467 : vector<16xf32> to vector<1x16xf32>
        tpu.vector_store %parallel_loop3A_1472[%parallel_loop3A_1473, %parallel_loop3A_1474], %parallel_loop3A_1477 {strides = array<i32>} : memref<16x1024xf32, #tpu.memory_space<vmem>>, vector<1x16xf32>,
        %parallel_loop3A_1478 = arith.constant 7 : i32
        %parallel_loop3A_1479 = arith.constant 0 : i32
        %parallel_loop3A_1480 = arith.constant 0 : i32
        %parallel_loop3A_1481 = tpu.memref_slice %arg7[%parallel_loop3A_872, %parallel_loop3A_1479, %parallel_loop3A_1480] : memref<4x16x1024xf32, #tpu.memory_space<vmem>> -> memref<1x16x1024xf32, #tpu.memory_space<vmem>>
        %parallel_loop3A_1482 = tpu.memref_squeeze %parallel_loop3A_1481 : memref<1x16x1024xf32, #tpu.memory_space<vmem>> -> memref<16x1024xf32, #tpu.memory_space<vmem>>
        %parallel_loop3A_1483 = arith.index_cast %parallel_loop3A_1478 : i32 to index
        %parallel_loop3A_1484 = arith.index_cast %parallel_loop3A_1300 : i32 to index
        %parallel_loop3A_1485 = tpu.vector_load %parallel_loop3A_1482[%parallel_loop3A_1483, %parallel_loop3A_1484] {strides = array<i32>} : memref<16x1024xf32, #tpu.memory_space<vmem>>, vector<1x16xf32>,
        %parallel_loop3A_1486 = vector.shape_cast %parallel_loop3A_1485 : vector<1x16xf32> to vector<16xf32>
        %parallel_loop3A_1487 = arith.constant 3.200000e+01 : f32
        %parallel_loop3A_1488 = vector.broadcast %parallel_loop3A_1487 : f32 to vector<16xf32>
        %parallel_loop3A_1489 = arith.mulf %parallel_loop3A_1486, %parallel_loop3A_1488 : vector<16xf32>
        %parallel_loop3A_1490 = arith.addf %parallel_loop3A_1489, %parallel_loop3A_1408 : vector<16xf32>
        %parallel_loop3A_1491 = arith.constant 7 : i32
        %parallel_loop3A_1492 = arith.constant 0 : i32
        %parallel_loop3A_1493 = arith.constant 0 : i32
        %parallel_loop3A_1494 = tpu.memref_slice %arg7[%parallel_loop3A_872, %parallel_loop3A_1492, %parallel_loop3A_1493] : memref<4x16x1024xf32, #tpu.memory_space<vmem>> -> memref<1x16x1024xf32, #tpu.memory_space<vmem>>
        %parallel_loop3A_1495 = tpu.memref_squeeze %parallel_loop3A_1494 : memref<1x16x1024xf32, #tpu.memory_space<vmem>> -> memref<16x1024xf32, #tpu.memory_space<vmem>>
        %parallel_loop3A_1496 = arith.index_cast %parallel_loop3A_1491 : i32 to index
        %parallel_loop3A_1497 = arith.index_cast %parallel_loop3A_1300 : i32 to index
        %parallel_loop3A_1498 = tpu.vector_load %parallel_loop3A_1495[%parallel_loop3A_1496, %parallel_loop3A_1497] {strides = array<i32>} : memref<16x1024xf32, #tpu.memory_space<vmem>>, vector<1x16xf32>,
        %parallel_loop3A_1499 = vector.shape_cast %parallel_loop3A_1498 : vector<1x16xf32> to vector<16xf32>
        %parallel_loop3A_1500 = vector.shape_cast %parallel_loop3A_1490 : vector<16xf32> to vector<1x16xf32>
        tpu.vector_store %parallel_loop3A_1495[%parallel_loop3A_1496, %parallel_loop3A_1497], %parallel_loop3A_1500 {strides = array<i32>} : memref<16x1024xf32, #tpu.memory_space<vmem>>, vector<1x16xf32>,
        %parallel_loop3A_1501 = arith.constant 2048 : i32
        %parallel_loop3A_1502 = arith.addi %parallel_loop3A_1501, %parallel_loop3A_1300 : i32
        %parallel_loop3A_1503 = arith.constant 0 : i32
        %parallel_loop3A_1504 = tpu.memref_slice %arg8[%parallel_loop3A_871, %parallel_loop3A_1503] : memref<4x4096xf32, #tpu.memory_space<vmem>> -> memref<1x4096xf32, #tpu.memory_space<vmem>>
        %parallel_loop3A_1505 = tpu.memref_squeeze %parallel_loop3A_1504 : memref<1x4096xf32, #tpu.memory_space<vmem>> -> memref<4096xf32, #tpu.memory_space<vmem>>
        %parallel_loop3A_1506 = arith.index_cast %parallel_loop3A_1502 : i32 to index
        %parallel_loop3A_1507 = tpu.vector_load %parallel_loop3A_1505[%parallel_loop3A_1506] {strides = array<i32>} : memref<4096xf32, #tpu.memory_space<vmem>>, vector<16xf32>,
        %parallel_loop3A_1508 = vector.shape_cast %parallel_loop3A_1507 : vector<16xf32> to vector<16xf32>
        %parallel_loop3A_1509 = arith.constant 8 : i32
        %parallel_loop3A_1510 = arith.constant 0 : i32
        %parallel_loop3A_1511 = arith.constant 0 : i32
        %parallel_loop3A_1512 = tpu.memref_slice %arg7[%parallel_loop3A_872, %parallel_loop3A_1510, %parallel_loop3A_1511] : memref<4x16x1024xf32, #tpu.memory_space<vmem>> -> memref<1x16x1024xf32, #tpu.memory_space<vmem>>
        %parallel_loop3A_1513 = tpu.memref_squeeze %parallel_loop3A_1512 : memref<1x16x1024xf32, #tpu.memory_space<vmem>> -> memref<16x1024xf32, #tpu.memory_space<vmem>>
        %parallel_loop3A_1514 = arith.index_cast %parallel_loop3A_1509 : i32 to index
        %parallel_loop3A_1515 = arith.index_cast %parallel_loop3A_1300 : i32 to index
        %parallel_loop3A_1516 = tpu.vector_load %parallel_loop3A_1513[%parallel_loop3A_1514, %parallel_loop3A_1515] {strides = array<i32>} : memref<16x1024xf32, #tpu.memory_space<vmem>>, vector<1x16xf32>,
        %parallel_loop3A_1517 = vector.shape_cast %parallel_loop3A_1516 : vector<1x16xf32> to vector<16xf32>
        %parallel_loop3A_1518 = arith.constant 3.200000e+01 : f32
        %parallel_loop3A_1519 = vector.broadcast %parallel_loop3A_1518 : f32 to vector<16xf32>
        %parallel_loop3A_1520 = arith.mulf %parallel_loop3A_1517, %parallel_loop3A_1519 : vector<16xf32>
        %parallel_loop3A_1521 = arith.addf %parallel_loop3A_1520, %parallel_loop3A_1508 : vector<16xf32>
        %parallel_loop3A_1522 = arith.constant 8 : i32
        %parallel_loop3A_1523 = arith.constant 0 : i32
        %parallel_loop3A_1524 = arith.constant 0 : i32
        %parallel_loop3A_1525 = tpu.memref_slice %arg7[%parallel_loop3A_872, %parallel_loop3A_1523, %parallel_loop3A_1524] : memref<4x16x1024xf32, #tpu.memory_space<vmem>> -> memref<1x16x1024xf32, #tpu.memory_space<vmem>>
        %parallel_loop3A_1526 = tpu.memref_squeeze %parallel_loop3A_1525 : memref<1x16x1024xf32, #tpu.memory_space<vmem>> -> memref<16x1024xf32, #tpu.memory_space<vmem>>
        %parallel_loop3A_1527 = arith.index_cast %parallel_loop3A_1522 : i32 to index
        %parallel_loop3A_1528 = arith.index_cast %parallel_loop3A_1300 : i32 to index
        %parallel_loop3A_1529 = tpu.vector_load %parallel_loop3A_1526[%parallel_loop3A_1527, %parallel_loop3A_1528] {strides = array<i32>} : memref<16x1024xf32, #tpu.memory_space<vmem>>, vector<1x16xf32>,
        %parallel_loop3A_1530 = vector.shape_cast %parallel_loop3A_1529 : vector<1x16xf32> to vector<16xf32>
        %parallel_loop3A_1531 = vector.shape_cast %parallel_loop3A_1521 : vector<16xf32> to vector<1x16xf32>
        tpu.vector_store %parallel_loop3A_1526[%parallel_loop3A_1527, %parallel_loop3A_1528], %parallel_loop3A_1531 {strides = array<i32>} : memref<16x1024xf32, #tpu.memory_space<vmem>>, vector<1x16xf32>,
        %parallel_loop3A_1532 = arith.constant 9 : i32
        %parallel_loop3A_1533 = arith.constant 0 : i32
        %parallel_loop3A_1534 = arith.constant 0 : i32
        %parallel_loop3A_1535 = tpu.memref_slice %arg7[%parallel_loop3A_872, %parallel_loop3A_1533, %parallel_loop3A_1534] : memref<4x16x1024xf32, #tpu.memory_space<vmem>> -> memref<1x16x1024xf32, #tpu.memory_space<vmem>>
        %parallel_loop3A_1536 = tpu.memref_squeeze %parallel_loop3A_1535 : memref<1x16x1024xf32, #tpu.memory_space<vmem>> -> memref<16x1024xf32, #tpu.memory_space<vmem>>
        %parallel_loop3A_1537 = arith.index_cast %parallel_loop3A_1532 : i32 to index
        %parallel_loop3A_1538 = arith.index_cast %parallel_loop3A_1300 : i32 to index
        %parallel_loop3A_1539 = tpu.vector_load %parallel_loop3A_1536[%parallel_loop3A_1537, %parallel_loop3A_1538] {strides = array<i32>} : memref<16x1024xf32, #tpu.memory_space<vmem>>, vector<1x16xf32>,
        %parallel_loop3A_1540 = vector.shape_cast %parallel_loop3A_1539 : vector<1x16xf32> to vector<16xf32>
        %parallel_loop3A_1541 = arith.constant 3.200000e+01 : f32
        %parallel_loop3A_1542 = vector.broadcast %parallel_loop3A_1541 : f32 to vector<16xf32>
        %parallel_loop3A_1543 = arith.mulf %parallel_loop3A_1540, %parallel_loop3A_1542 : vector<16xf32>
        %parallel_loop3A_1544 = arith.addf %parallel_loop3A_1543, %parallel_loop3A_1508 : vector<16xf32>
        %parallel_loop3A_1545 = arith.constant 9 : i32
        %parallel_loop3A_1546 = arith.constant 0 : i32
        %parallel_loop3A_1547 = arith.constant 0 : i32
        %parallel_loop3A_1548 = tpu.memref_slice %arg7[%parallel_loop3A_872, %parallel_loop3A_1546, %parallel_loop3A_1547] : memref<4x16x1024xf32, #tpu.memory_space<vmem>> -> memref<1x16x1024xf32, #tpu.memory_space<vmem>>
        %parallel_loop3A_1549 = tpu.memref_squeeze %parallel_loop3A_1548 : memref<1x16x1024xf32, #tpu.memory_space<vmem>> -> memref<16x1024xf32, #tpu.memory_space<vmem>>
        %parallel_loop3A_1550 = arith.index_cast %parallel_loop3A_1545 : i32 to index
        %parallel_loop3A_1551 = arith.index_cast %parallel_loop3A_1300 : i32 to index
        %parallel_loop3A_1552 = tpu.vector_load %parallel_loop3A_1549[%parallel_loop3A_1550, %parallel_loop3A_1551] {strides = array<i32>} : memref<16x1024xf32, #tpu.memory_space<vmem>>, vector<1x16xf32>,
        %parallel_loop3A_1553 = vector.shape_cast %parallel_loop3A_1552 : vector<1x16xf32> to vector<16xf32>
        %parallel_loop3A_1554 = vector.shape_cast %parallel_loop3A_1544 : vector<16xf32> to vector<1x16xf32>
        tpu.vector_store %parallel_loop3A_1549[%parallel_loop3A_1550, %parallel_loop3A_1551], %parallel_loop3A_1554 {strides = array<i32>} : memref<16x1024xf32, #tpu.memory_space<vmem>>, vector<1x16xf32>,
        %parallel_loop3A_1555 = arith.constant 10 : i32
        %parallel_loop3A_1556 = arith.constant 0 : i32
        %parallel_loop3A_1557 = arith.constant 0 : i32
        %parallel_loop3A_1558 = tpu.memref_slice %arg7[%parallel_loop3A_872, %parallel_loop3A_1556, %parallel_loop3A_1557] : memref<4x16x1024xf32, #tpu.memory_space<vmem>> -> memref<1x16x1024xf32, #tpu.memory_space<vmem>>
        %parallel_loop3A_1559 = tpu.memref_squeeze %parallel_loop3A_1558 : memref<1x16x1024xf32, #tpu.memory_space<vmem>> -> memref<16x1024xf32, #tpu.memory_space<vmem>>
        %parallel_loop3A_1560 = arith.index_cast %parallel_loop3A_1555 : i32 to index
        %parallel_loop3A_1561 = arith.index_cast %parallel_loop3A_1300 : i32 to index
        %parallel_loop3A_1562 = tpu.vector_load %parallel_loop3A_1559[%parallel_loop3A_1560, %parallel_loop3A_1561] {strides = array<i32>} : memref<16x1024xf32, #tpu.memory_space<vmem>>, vector<1x16xf32>,
        %parallel_loop3A_1563 = vector.shape_cast %parallel_loop3A_1562 : vector<1x16xf32> to vector<16xf32>
        %parallel_loop3A_1564 = arith.constant 3.200000e+01 : f32
        %parallel_loop3A_1565 = vector.broadcast %parallel_loop3A_1564 : f32 to vector<16xf32>
        %parallel_loop3A_1566 = arith.mulf %parallel_loop3A_1563, %parallel_loop3A_1565 : vector<16xf32>
        %parallel_loop3A_1567 = arith.addf %parallel_loop3A_1566, %parallel_loop3A_1508 : vector<16xf32>
        %parallel_loop3A_1568 = arith.constant 10 : i32
        %parallel_loop3A_1569 = arith.constant 0 : i32
        %parallel_loop3A_1570 = arith.constant 0 : i32
        %parallel_loop3A_1571 = tpu.memref_slice %arg7[%parallel_loop3A_872, %parallel_loop3A_1569, %parallel_loop3A_1570] : memref<4x16x1024xf32, #tpu.memory_space<vmem>> -> memref<1x16x1024xf32, #tpu.memory_space<vmem>>
        %parallel_loop3A_1572 = tpu.memref_squeeze %parallel_loop3A_1571 : memref<1x16x1024xf32, #tpu.memory_space<vmem>> -> memref<16x1024xf32, #tpu.memory_space<vmem>>
        %parallel_loop3A_1573 = arith.index_cast %parallel_loop3A_1568 : i32 to index
        %parallel_loop3A_1574 = arith.index_cast %parallel_loop3A_1300 : i32 to index
        %parallel_loop3A_1575 = tpu.vector_load %parallel_loop3A_1572[%parallel_loop3A_1573, %parallel_loop3A_1574] {strides = array<i32>} : memref<16x1024xf32, #tpu.memory_space<vmem>>, vector<1x16xf32>,
        %parallel_loop3A_1576 = vector.shape_cast %parallel_loop3A_1575 : vector<1x16xf32> to vector<16xf32>
        %parallel_loop3A_1577 = vector.shape_cast %parallel_loop3A_1567 : vector<16xf32> to vector<1x16xf32>
        tpu.vector_store %parallel_loop3A_1572[%parallel_loop3A_1573, %parallel_loop3A_1574], %parallel_loop3A_1577 {strides = array<i32>} : memref<16x1024xf32, #tpu.memory_space<vmem>>, vector<1x16xf32>,
        %parallel_loop3A_1578 = arith.constant 11 : i32
        %parallel_loop3A_1579 = arith.constant 0 : i32
        %parallel_loop3A_1580 = arith.constant 0 : i32
        %parallel_loop3A_1581 = tpu.memref_slice %arg7[%parallel_loop3A_872, %parallel_loop3A_1579, %parallel_loop3A_1580] : memref<4x16x1024xf32, #tpu.memory_space<vmem>> -> memref<1x16x1024xf32, #tpu.memory_space<vmem>>
        %parallel_loop3A_1582 = tpu.memref_squeeze %parallel_loop3A_1581 : memref<1x16x1024xf32, #tpu.memory_space<vmem>> -> memref<16x1024xf32, #tpu.memory_space<vmem>>
        %parallel_loop3A_1583 = arith.index_cast %parallel_loop3A_1578 : i32 to index
        %parallel_loop3A_1584 = arith.index_cast %parallel_loop3A_1300 : i32 to index
        %parallel_loop3A_1585 = tpu.vector_load %parallel_loop3A_1582[%parallel_loop3A_1583, %parallel_loop3A_1584] {strides = array<i32>} : memref<16x1024xf32, #tpu.memory_space<vmem>>, vector<1x16xf32>,
        %parallel_loop3A_1586 = vector.shape_cast %parallel_loop3A_1585 : vector<1x16xf32> to vector<16xf32>
        %parallel_loop3A_1587 = arith.constant 3.200000e+01 : f32
        %parallel_loop3A_1588 = vector.broadcast %parallel_loop3A_1587 : f32 to vector<16xf32>
        %parallel_loop3A_1589 = arith.mulf %parallel_loop3A_1586, %parallel_loop3A_1588 : vector<16xf32>
        %parallel_loop3A_1590 = arith.addf %parallel_loop3A_1589, %parallel_loop3A_1508 : vector<16xf32>
        %parallel_loop3A_1591 = arith.constant 11 : i32
        %parallel_loop3A_1592 = arith.constant 0 : i32
        %parallel_loop3A_1593 = arith.constant 0 : i32
        %parallel_loop3A_1594 = tpu.memref_slice %arg7[%parallel_loop3A_872, %parallel_loop3A_1592, %parallel_loop3A_1593] : memref<4x16x1024xf32, #tpu.memory_space<vmem>> -> memref<1x16x1024xf32, #tpu.memory_space<vmem>>
        %parallel_loop3A_1595 = tpu.memref_squeeze %parallel_loop3A_1594 : memref<1x16x1024xf32, #tpu.memory_space<vmem>> -> memref<16x1024xf32, #tpu.memory_space<vmem>>
        %parallel_loop3A_1596 = arith.index_cast %parallel_loop3A_1591 : i32 to index
        %parallel_loop3A_1597 = arith.index_cast %parallel_loop3A_1300 : i32 to index
        %parallel_loop3A_1598 = tpu.vector_load %parallel_loop3A_1595[%parallel_loop3A_1596, %parallel_loop3A_1597] {strides = array<i32>} : memref<16x1024xf32, #tpu.memory_space<vmem>>, vector<1x16xf32>,
        %parallel_loop3A_1599 = vector.shape_cast %parallel_loop3A_1598 : vector<1x16xf32> to vector<16xf32>
        %parallel_loop3A_1600 = vector.shape_cast %parallel_loop3A_1590 : vector<16xf32> to vector<1x16xf32>
        tpu.vector_store %parallel_loop3A_1595[%parallel_loop3A_1596, %parallel_loop3A_1597], %parallel_loop3A_1600 {strides = array<i32>} : memref<16x1024xf32, #tpu.memory_space<vmem>>, vector<1x16xf32>,
        %parallel_loop3A_1601 = arith.constant 3072 : i32
        %parallel_loop3A_1602 = arith.addi %parallel_loop3A_1601, %parallel_loop3A_1300 : i32
        %parallel_loop3A_1603 = arith.constant 0 : i32
        %parallel_loop3A_1604 = tpu.memref_slice %arg8[%parallel_loop3A_871, %parallel_loop3A_1603] : memref<4x4096xf32, #tpu.memory_space<vmem>> -> memref<1x4096xf32, #tpu.memory_space<vmem>>
        %parallel_loop3A_1605 = tpu.memref_squeeze %parallel_loop3A_1604 : memref<1x4096xf32, #tpu.memory_space<vmem>> -> memref<4096xf32, #tpu.memory_space<vmem>>
        %parallel_loop3A_1606 = arith.index_cast %parallel_loop3A_1602 : i32 to index
        %parallel_loop3A_1607 = tpu.vector_load %parallel_loop3A_1605[%parallel_loop3A_1606] {strides = array<i32>} : memref<4096xf32, #tpu.memory_space<vmem>>, vector<16xf32>,
        %parallel_loop3A_1608 = vector.shape_cast %parallel_loop3A_1607 : vector<16xf32> to vector<16xf32>
        %parallel_loop3A_1609 = arith.constant 12 : i32
        %parallel_loop3A_1610 = arith.constant 0 : i32
        %parallel_loop3A_1611 = arith.constant 0 : i32
        %parallel_loop3A_1612 = tpu.memref_slice %arg7[%parallel_loop3A_872, %parallel_loop3A_1610, %parallel_loop3A_1611] : memref<4x16x1024xf32, #tpu.memory_space<vmem>> -> memref<1x16x1024xf32, #tpu.memory_space<vmem>>
        %parallel_loop3A_1613 = tpu.memref_squeeze %parallel_loop3A_1612 : memref<1x16x1024xf32, #tpu.memory_space<vmem>> -> memref<16x1024xf32, #tpu.memory_space<vmem>>
        %parallel_loop3A_1614 = arith.index_cast %parallel_loop3A_1609 : i32 to index
        %parallel_loop3A_1615 = arith.index_cast %parallel_loop3A_1300 : i32 to index
        %parallel_loop3A_1616 = tpu.vector_load %parallel_loop3A_1613[%parallel_loop3A_1614, %parallel_loop3A_1615] {strides = array<i32>} : memref<16x1024xf32, #tpu.memory_space<vmem>>, vector<1x16xf32>,
        %parallel_loop3A_1617 = vector.shape_cast %parallel_loop3A_1616 : vector<1x16xf32> to vector<16xf32>
        %parallel_loop3A_1618 = arith.constant 3.200000e+01 : f32
        %parallel_loop3A_1619 = vector.broadcast %parallel_loop3A_1618 : f32 to vector<16xf32>
        %parallel_loop3A_1620 = arith.mulf %parallel_loop3A_1617, %parallel_loop3A_1619 : vector<16xf32>
        %parallel_loop3A_1621 = arith.addf %parallel_loop3A_1620, %parallel_loop3A_1608 : vector<16xf32>
        %parallel_loop3A_1622 = arith.constant 12 : i32
        %parallel_loop3A_1623 = arith.constant 0 : i32
        %parallel_loop3A_1624 = arith.constant 0 : i32
        %parallel_loop3A_1625 = tpu.memref_slice %arg7[%parallel_loop3A_872, %parallel_loop3A_1623, %parallel_loop3A_1624] : memref<4x16x1024xf32, #tpu.memory_space<vmem>> -> memref<1x16x1024xf32, #tpu.memory_space<vmem>>
        %parallel_loop3A_1626 = tpu.memref_squeeze %parallel_loop3A_1625 : memref<1x16x1024xf32, #tpu.memory_space<vmem>> -> memref<16x1024xf32, #tpu.memory_space<vmem>>
        %parallel_loop3A_1627 = arith.index_cast %parallel_loop3A_1622 : i32 to index
        %parallel_loop3A_1628 = arith.index_cast %parallel_loop3A_1300 : i32 to index
        %parallel_loop3A_1629 = tpu.vector_load %parallel_loop3A_1626[%parallel_loop3A_1627, %parallel_loop3A_1628] {strides = array<i32>} : memref<16x1024xf32, #tpu.memory_space<vmem>>, vector<1x16xf32>,
        %parallel_loop3A_1630 = vector.shape_cast %parallel_loop3A_1629 : vector<1x16xf32> to vector<16xf32>
        %parallel_loop3A_1631 = vector.shape_cast %parallel_loop3A_1621 : vector<16xf32> to vector<1x16xf32>
        tpu.vector_store %parallel_loop3A_1626[%parallel_loop3A_1627, %parallel_loop3A_1628], %parallel_loop3A_1631 {strides = array<i32>} : memref<16x1024xf32, #tpu.memory_space<vmem>>, vector<1x16xf32>,
        %parallel_loop3A_1632 = arith.constant 13 : i32
        %parallel_loop3A_1633 = arith.constant 0 : i32
        %parallel_loop3A_1634 = arith.constant 0 : i32
        %parallel_loop3A_1635 = tpu.memref_slice %arg7[%parallel_loop3A_872, %parallel_loop3A_1633, %parallel_loop3A_1634] : memref<4x16x1024xf32, #tpu.memory_space<vmem>> -> memref<1x16x1024xf32, #tpu.memory_space<vmem>>
        %parallel_loop3A_1636 = tpu.memref_squeeze %parallel_loop3A_1635 : memref<1x16x1024xf32, #tpu.memory_space<vmem>> -> memref<16x1024xf32, #tpu.memory_space<vmem>>
        %parallel_loop3A_1637 = arith.index_cast %parallel_loop3A_1632 : i32 to index
        %parallel_loop3A_1638 = arith.index_cast %parallel_loop3A_1300 : i32 to index
        %parallel_loop3A_1639 = tpu.vector_load %parallel_loop3A_1636[%parallel_loop3A_1637, %parallel_loop3A_1638] {strides = array<i32>} : memref<16x1024xf32, #tpu.memory_space<vmem>>, vector<1x16xf32>,
        %parallel_loop3A_1640 = vector.shape_cast %parallel_loop3A_1639 : vector<1x16xf32> to vector<16xf32>
        %parallel_loop3A_1641 = arith.constant 3.200000e+01 : f32
        %parallel_loop3A_1642 = vector.broadcast %parallel_loop3A_1641 : f32 to vector<16xf32>
        %parallel_loop3A_1643 = arith.mulf %parallel_loop3A_1640, %parallel_loop3A_1642 : vector<16xf32>
        %parallel_loop3A_1644 = arith.addf %parallel_loop3A_1643, %parallel_loop3A_1608 : vector<16xf32>
        %parallel_loop3A_1645 = arith.constant 13 : i32
        %parallel_loop3A_1646 = arith.constant 0 : i32
        %parallel_loop3A_1647 = arith.constant 0 : i32
        %parallel_loop3A_1648 = tpu.memref_slice %arg7[%parallel_loop3A_872, %parallel_loop3A_1646, %parallel_loop3A_1647] : memref<4x16x1024xf32, #tpu.memory_space<vmem>> -> memref<1x16x1024xf32, #tpu.memory_space<vmem>>
        %parallel_loop3A_1649 = tpu.memref_squeeze %parallel_loop3A_1648 : memref<1x16x1024xf32, #tpu.memory_space<vmem>> -> memref<16x1024xf32, #tpu.memory_space<vmem>>
        %parallel_loop3A_1650 = arith.index_cast %parallel_loop3A_1645 : i32 to index
        %parallel_loop3A_1651 = arith.index_cast %parallel_loop3A_1300 : i32 to index
        %parallel_loop3A_1652 = tpu.vector_load %parallel_loop3A_1649[%parallel_loop3A_1650, %parallel_loop3A_1651] {strides = array<i32>} : memref<16x1024xf32, #tpu.memory_space<vmem>>, vector<1x16xf32>,
        %parallel_loop3A_1653 = vector.shape_cast %parallel_loop3A_1652 : vector<1x16xf32> to vector<16xf32>
        %parallel_loop3A_1654 = vector.shape_cast %parallel_loop3A_1644 : vector<16xf32> to vector<1x16xf32>
        tpu.vector_store %parallel_loop3A_1649[%parallel_loop3A_1650, %parallel_loop3A_1651], %parallel_loop3A_1654 {strides = array<i32>} : memref<16x1024xf32, #tpu.memory_space<vmem>>, vector<1x16xf32>,
        %parallel_loop3A_1655 = arith.constant 14 : i32
        %parallel_loop3A_1656 = arith.constant 0 : i32
        %parallel_loop3A_1657 = arith.constant 0 : i32
        %parallel_loop3A_1658 = tpu.memref_slice %arg7[%parallel_loop3A_872, %parallel_loop3A_1656, %parallel_loop3A_1657] : memref<4x16x1024xf32, #tpu.memory_space<vmem>> -> memref<1x16x1024xf32, #tpu.memory_space<vmem>>
        %parallel_loop3A_1659 = tpu.memref_squeeze %parallel_loop3A_1658 : memref<1x16x1024xf32, #tpu.memory_space<vmem>> -> memref<16x1024xf32, #tpu.memory_space<vmem>>
        %parallel_loop3A_1660 = arith.index_cast %parallel_loop3A_1655 : i32 to index
        %parallel_loop3A_1661 = arith.index_cast %parallel_loop3A_1300 : i32 to index
        %parallel_loop3A_1662 = tpu.vector_load %parallel_loop3A_1659[%parallel_loop3A_1660, %parallel_loop3A_1661] {strides = array<i32>} : memref<16x1024xf32, #tpu.memory_space<vmem>>, vector<1x16xf32>,
        %parallel_loop3A_1663 = vector.shape_cast %parallel_loop3A_1662 : vector<1x16xf32> to vector<16xf32>
        %parallel_loop3A_1664 = arith.constant 3.200000e+01 : f32
        %parallel_loop3A_1665 = vector.broadcast %parallel_loop3A_1664 : f32 to vector<16xf32>
        %parallel_loop3A_1666 = arith.mulf %parallel_loop3A_1663, %parallel_loop3A_1665 : vector<16xf32>
        %parallel_loop3A_1667 = arith.addf %parallel_loop3A_1666, %parallel_loop3A_1608 : vector<16xf32>
        %parallel_loop3A_1668 = arith.constant 14 : i32
        %parallel_loop3A_1669 = arith.constant 0 : i32
        %parallel_loop3A_1670 = arith.constant 0 : i32
        %parallel_loop3A_1671 = tpu.memref_slice %arg7[%parallel_loop3A_872, %parallel_loop3A_1669, %parallel_loop3A_1670] : memref<4x16x1024xf32, #tpu.memory_space<vmem>> -> memref<1x16x1024xf32, #tpu.memory_space<vmem>>
        %parallel_loop3A_1672 = tpu.memref_squeeze %parallel_loop3A_1671 : memref<1x16x1024xf32, #tpu.memory_space<vmem>> -> memref<16x1024xf32, #tpu.memory_space<vmem>>
        %parallel_loop3A_1673 = arith.index_cast %parallel_loop3A_1668 : i32 to index
        %parallel_loop3A_1674 = arith.index_cast %parallel_loop3A_1300 : i32 to index
        %parallel_loop3A_1675 = tpu.vector_load %parallel_loop3A_1672[%parallel_loop3A_1673, %parallel_loop3A_1674] {strides = array<i32>} : memref<16x1024xf32, #tpu.memory_space<vmem>>, vector<1x16xf32>,
        %parallel_loop3A_1676 = vector.shape_cast %parallel_loop3A_1675 : vector<1x16xf32> to vector<16xf32>
        %parallel_loop3A_1677 = vector.shape_cast %parallel_loop3A_1667 : vector<16xf32> to vector<1x16xf32>
        tpu.vector_store %parallel_loop3A_1672[%parallel_loop3A_1673, %parallel_loop3A_1674], %parallel_loop3A_1677 {strides = array<i32>} : memref<16x1024xf32, #tpu.memory_space<vmem>>, vector<1x16xf32>,
        %parallel_loop3A_1678 = arith.constant 15 : i32
        %parallel_loop3A_1679 = arith.constant 0 : i32
        %parallel_loop3A_1680 = arith.constant 0 : i32
        %parallel_loop3A_1681 = tpu.memref_slice %arg7[%parallel_loop3A_872, %parallel_loop3A_1679, %parallel_loop3A_1680] : memref<4x16x1024xf32, #tpu.memory_space<vmem>> -> memref<1x16x1024xf32, #tpu.memory_space<vmem>>
        %parallel_loop3A_1682 = tpu.memref_squeeze %parallel_loop3A_1681 : memref<1x16x1024xf32, #tpu.memory_space<vmem>> -> memref<16x1024xf32, #tpu.memory_space<vmem>>
        %parallel_loop3A_1683 = arith.index_cast %parallel_loop3A_1678 : i32 to index
        %parallel_loop3A_1684 = arith.index_cast %parallel_loop3A_1300 : i32 to index
        %parallel_loop3A_1685 = tpu.vector_load %parallel_loop3A_1682[%parallel_loop3A_1683, %parallel_loop3A_1684] {strides = array<i32>} : memref<16x1024xf32, #tpu.memory_space<vmem>>, vector<1x16xf32>,
        %parallel_loop3A_1686 = vector.shape_cast %parallel_loop3A_1685 : vector<1x16xf32> to vector<16xf32>
        %parallel_loop3A_1687 = arith.constant 3.200000e+01 : f32
        %parallel_loop3A_1688 = vector.broadcast %parallel_loop3A_1687 : f32 to vector<16xf32>
        %parallel_loop3A_1689 = arith.mulf %parallel_loop3A_1686, %parallel_loop3A_1688 : vector<16xf32>
        %parallel_loop3A_1690 = arith.addf %parallel_loop3A_1689, %parallel_loop3A_1608 : vector<16xf32>
        %parallel_loop3A_1691 = arith.constant 15 : i32
        %parallel_loop3A_1692 = arith.constant 0 : i32
        %parallel_loop3A_1693 = arith.constant 0 : i32
        %parallel_loop3A_1694 = tpu.memref_slice %arg7[%parallel_loop3A_872, %parallel_loop3A_1692, %parallel_loop3A_1693] : memref<4x16x1024xf32, #tpu.memory_space<vmem>> -> memref<1x16x1024xf32, #tpu.memory_space<vmem>>
        %parallel_loop3A_1695 = tpu.memref_squeeze %parallel_loop3A_1694 : memref<1x16x1024xf32, #tpu.memory_space<vmem>> -> memref<16x1024xf32, #tpu.memory_space<vmem>>
        %parallel_loop3A_1696 = arith.index_cast %parallel_loop3A_1691 : i32 to index
        %parallel_loop3A_1697 = arith.index_cast %parallel_loop3A_1300 : i32 to index
        %parallel_loop3A_1698 = tpu.vector_load %parallel_loop3A_1695[%parallel_loop3A_1696, %parallel_loop3A_1697] {strides = array<i32>} : memref<16x1024xf32, #tpu.memory_space<vmem>>, vector<1x16xf32>,
        %parallel_loop3A_1699 = vector.shape_cast %parallel_loop3A_1698 : vector<1x16xf32> to vector<16xf32>
        %parallel_loop3A_1700 = vector.shape_cast %parallel_loop3A_1690 : vector<16xf32> to vector<1x16xf32>
        tpu.vector_store %parallel_loop3A_1695[%parallel_loop3A_1696, %parallel_loop3A_1697], %parallel_loop3A_1700 {strides = array<i32>} : memref<16x1024xf32, #tpu.memory_space<vmem>>, vector<1x16xf32>,
      } {sc.loop_unroll_factor = 4 : i64, sc.parallel_access}
      %mul3A_873 = arith.constant 16 : i32
      %mul3A_874 = arith.muli %add3A_706, %mul3A_873 : i32
      %add3A_875 = arith.addi %multiple_of3A, %mul3A_874 : i32
      %jit3A_876 = arith.constant 4 : i32
      %div3A_877 = arith.divsi %add3A_875, %jit3A_876 : i32
      %sign3A_878 = arith.constant 0 : i32
      %sign3A_879 = arith.cmpi sgt, %add3A_875, %sign3A_878 : i32
      %sign3A_880 = arith.extui %sign3A_879 : i1 to i32
      %sign3A_881 = arith.constant 0 : i32
      %sign3A_882 = arith.cmpi slt, %add3A_875, %sign3A_881 : i32
      %sign3A_883 = arith.extui %sign3A_882 : i1 to i32
      %sign3A_884 = arith.subi %sign3A_880, %sign3A_883 : i32
      %sign3A_885 = arith.constant 0 : i32
      %sign3A_886 = arith.cmpi sgt, %jit3A_876, %sign3A_885 : i32
      %sign3A_887 = arith.extui %sign3A_886 : i1 to i32
      %sign3A_888 = arith.constant 0 : i32
      %sign3A_889 = arith.cmpi slt, %jit3A_876, %sign3A_888 : i32
      %sign3A_890 = arith.extui %sign3A_889 : i1 to i32
      %sign3A_891 = arith.subi %sign3A_887, %sign3A_890 : i32
      %ne3A_892 = arith.cmpi ne, %sign3A_884, %sign3A_891 : i32
      %rem3A_893 = arith.remsi %add3A_875, %jit3A_876 : i32
      %ne3A_894 = arith.constant 0 : i32
      %ne3A_895 = arith.cmpi ne, %rem3A_893, %ne3A_894 : i32
      %and3A_896 = arith.andi %ne3A_892, %ne3A_895 : i1
      %sub3A_897 = arith.constant 1 : i32
      %sub3A_898 = arith.subi %div3A_877, %sub3A_897 : i32
      %select_n3A_899 = arith.select %and3A_896, %sub3A_898, %div3A_877 : i32
      %multiple_of3A_900 = tpu.assume_multiple %select_n3A_899, 4 : i32
      %add3A_901 = arith.constant 0 : i32
      %add3A_902 = arith.addi %multiple_of3A_900, %add3A_901 : i32
      %dma_start3A_903 = arith.constant 2 : i32
      %dma_start3A_904 = arith.constant 0 : i32
      %dma_start3A_905 = arith.constant 0 : i32
      %dma_start3A_906 = tpu.memref_slice %arg7[%dma_start3A_903, %dma_start3A_904, %dma_start3A_905] : memref<4x16x1024xf32, #tpu.memory_space<vmem>> -> memref<1x16x1024xf32, #tpu.memory_space<vmem>>
      %dma_start3A_907 = tpu.memref_squeeze %dma_start3A_906 : memref<1x16x1024xf32, #tpu.memory_space<vmem>> -> memref<16x1024xf32, #tpu.memory_space<vmem>>
      %dma_start3A_908 = arith.constant 0 : i32
      %dma_start3A_909 = arith.constant 0 : i32
      %dma_start3A_910 = tpu.memref_slice %dma_start3A_907[%dma_start3A_908, %dma_start3A_909] : memref<16x1024xf32, #tpu.memory_space<vmem>> -> memref<4x1024xf32, #tpu.memory_space<vmem>>
      %dma_start3A_911 = arith.constant 0 : i32
      %dma_start3A_912 = arith.constant 0 : i32
      %dma_start3A_913 = tpu.memref_slice %arg5[%add3A_902, %dma_start3A_911, %dma_start3A_912] : memref<4096x4x1024xf32, #tpu.memory_space<hbm>> -> memref<1x4x1024xf32, #tpu.memory_space<hbm>>
      %dma_start3A_914 = tpu.memref_squeeze %dma_start3A_913 : memref<1x4x1024xf32, #tpu.memory_space<hbm>> -> memref<4x1024xf32, #tpu.memory_space<hbm>>
      %dma_start3A_915 = arith.constant 0 : i32
      %dma_start3A_916 = arith.constant 0 : i32
      %dma_start3A_917 = tpu.memref_slice %arg5[%add3A_902, %dma_start3A_915, %dma_start3A_916] : memref<4096x4x1024xf32, #tpu.memory_space<hbm>> -> memref<1x4x1024xf32, #tpu.memory_space<hbm>>
      %dma_start3A_918 = tpu.memref_squeeze %dma_start3A_917 : memref<1x4x1024xf32, #tpu.memory_space<hbm>> -> memref<4x1024xf32, #tpu.memory_space<hbm>>
      %dma_start3A_919 = arith.constant 0 : i32
      %dma_start3A_920 = arith.constant 0 : i32
      %dma_start3A_921 = tpu.memref_slice %arg7[%dma_start3A_903, %dma_start3A_919, %dma_start3A_920] : memref<4x16x1024xf32, #tpu.memory_space<vmem>> -> memref<1x16x1024xf32, #tpu.memory_space<vmem>>
      %dma_start3A_922 = tpu.memref_squeeze %dma_start3A_921 : memref<1x16x1024xf32, #tpu.memory_space<vmem>> -> memref<16x1024xf32, #tpu.memory_space<vmem>>
      %dma_start3A_923 = arith.constant 0 : i32
      %dma_start3A_924 = arith.constant 0 : i32
      %dma_start3A_925 = tpu.memref_slice %dma_start3A_922[%dma_start3A_923, %dma_start3A_924] : memref<16x1024xf32, #tpu.memory_space<vmem>> -> memref<4x1024xf32, #tpu.memory_space<vmem>>
      tpu.enqueue_dma source(%dma_start3A_925 : memref<4x1024xf32, #tpu.memory_space<vmem>>) target(%dma_start3A_918 : memref<4x1024xf32, #tpu.memory_space<hbm>>) target_semaphore(%arg19 : memref<!tpu.dma_semaphore, #tpu.memory_space<semaphore_mem>>)
      %add3A_926 = arith.constant 1 : i32
      %add3A_927 = arith.addi %multiple_of3A_900, %add3A_926 : i32
      %dma_start3A_928 = arith.constant 2 : i32
      %dma_start3A_929 = arith.constant 0 : i32
      %dma_start3A_930 = arith.constant 0 : i32
      %dma_start3A_931 = tpu.memref_slice %arg7[%dma_start3A_928, %dma_start3A_929, %dma_start3A_930] : memref<4x16x1024xf32, #tpu.memory_space<vmem>> -> memref<1x16x1024xf32, #tpu.memory_space<vmem>>
      %dma_start3A_932 = tpu.memref_squeeze %dma_start3A_931 : memref<1x16x1024xf32, #tpu.memory_space<vmem>> -> memref<16x1024xf32, #tpu.memory_space<vmem>>
      %dma_start3A_933 = arith.constant 4 : i32
      %dma_start3A_934 = arith.constant 0 : i32
      %dma_start3A_935 = tpu.memref_slice %dma_start3A_932[%dma_start3A_933, %dma_start3A_934] : memref<16x1024xf32, #tpu.memory_space<vmem>> -> memref<4x1024xf32, #tpu.memory_space<vmem>>
      %dma_start3A_936 = arith.constant 0 : i32
      %dma_start3A_937 = arith.constant 0 : i32
      %dma_start3A_938 = tpu.memref_slice %arg5[%add3A_927, %dma_start3A_936, %dma_start3A_937] : memref<4096x4x1024xf32, #tpu.memory_space<hbm>> -> memref<1x4x1024xf32, #tpu.memory_space<hbm>>
      %dma_start3A_939 = tpu.memref_squeeze %dma_start3A_938 : memref<1x4x1024xf32, #tpu.memory_space<hbm>> -> memref<4x1024xf32, #tpu.memory_space<hbm>>
      %dma_start3A_940 = arith.constant 0 : i32
      %dma_start3A_941 = arith.constant 0 : i32
      %dma_start3A_942 = tpu.memref_slice %arg5[%add3A_927, %dma_start3A_940, %dma_start3A_941] : memref<4096x4x1024xf32, #tpu.memory_space<hbm>> -> memref<1x4x1024xf32, #tpu.memory_space<hbm>>
      %dma_start3A_943 = tpu.memref_squeeze %dma_start3A_942 : memref<1x4x1024xf32, #tpu.memory_space<hbm>> -> memref<4x1024xf32, #tpu.memory_space<hbm>>
      %dma_start3A_944 = arith.constant 0 : i32
      %dma_start3A_945 = arith.constant 0 : i32
      %dma_start3A_946 = tpu.memref_slice %arg7[%dma_start3A_928, %dma_start3A_944, %dma_start3A_945] : memref<4x16x1024xf32, #tpu.memory_space<vmem>> -> memref<1x16x1024xf32, #tpu.memory_space<vmem>>
      %dma_start3A_947 = tpu.memref_squeeze %dma_start3A_946 : memref<1x16x1024xf32, #tpu.memory_space<vmem>> -> memref<16x1024xf32, #tpu.memory_space<vmem>>
      %dma_start3A_948 = arith.constant 4 : i32
      %dma_start3A_949 = arith.constant 0 : i32
      %dma_start3A_950 = tpu.memref_slice %dma_start3A_947[%dma_start3A_948, %dma_start3A_949] : memref<16x1024xf32, #tpu.memory_space<vmem>> -> memref<4x1024xf32, #tpu.memory_space<vmem>>
      tpu.enqueue_dma source(%dma_start3A_950 : memref<4x1024xf32, #tpu.memory_space<vmem>>) target(%dma_start3A_943 : memref<4x1024xf32, #tpu.memory_space<hbm>>) target_semaphore(%arg19 : memref<!tpu.dma_semaphore, #tpu.memory_space<semaphore_mem>>)
      %add3A_951 = arith.constant 2 : i32
      %add3A_952 = arith.addi %multiple_of3A_900, %add3A_951 : i32
      %dma_start3A_953 = arith.constant 2 : i32
      %dma_start3A_954 = arith.constant 0 : i32
      %dma_start3A_955 = arith.constant 0 : i32
      %dma_start3A_956 = tpu.memref_slice %arg7[%dma_start3A_953, %dma_start3A_954, %dma_start3A_955] : memref<4x16x1024xf32, #tpu.memory_space<vmem>> -> memref<1x16x1024xf32, #tpu.memory_space<vmem>>
      %dma_start3A_957 = tpu.memref_squeeze %dma_start3A_956 : memref<1x16x1024xf32, #tpu.memory_space<vmem>> -> memref<16x1024xf32, #tpu.memory_space<vmem>>
      %dma_start3A_958 = arith.constant 8 : i32
      %dma_start3A_959 = arith.constant 0 : i32
      %dma_start3A_960 = tpu.memref_slice %dma_start3A_957[%dma_start3A_958, %dma_start3A_959] : memref<16x1024xf32, #tpu.memory_space<vmem>> -> memref<4x1024xf32, #tpu.memory_space<vmem>>
      %dma_start3A_961 = arith.constant 0 : i32
      %dma_start3A_962 = arith.constant 0 : i32
      %dma_start3A_963 = tpu.memref_slice %arg5[%add3A_952, %dma_start3A_961, %dma_start3A_962] : memref<4096x4x1024xf32, #tpu.memory_space<hbm>> -> memref<1x4x1024xf32, #tpu.memory_space<hbm>>
      %dma_start3A_964 = tpu.memref_squeeze %dma_start3A_963 : memref<1x4x1024xf32, #tpu.memory_space<hbm>> -> memref<4x1024xf32, #tpu.memory_space<hbm>>
      %dma_start3A_965 = arith.constant 0 : i32
      %dma_start3A_966 = arith.constant 0 : i32
      %dma_start3A_967 = tpu.memref_slice %arg5[%add3A_952, %dma_start3A_965, %dma_start3A_966] : memref<4096x4x1024xf32, #tpu.memory_space<hbm>> -> memref<1x4x1024xf32, #tpu.memory_space<hbm>>
      %dma_start3A_968 = tpu.memref_squeeze %dma_start3A_967 : memref<1x4x1024xf32, #tpu.memory_space<hbm>> -> memref<4x1024xf32, #tpu.memory_space<hbm>>
      %dma_start3A_969 = arith.constant 0 : i32
      %dma_start3A_970 = arith.constant 0 : i32
      %dma_start3A_971 = tpu.memref_slice %arg7[%dma_start3A_953, %dma_start3A_969, %dma_start3A_970] : memref<4x16x1024xf32, #tpu.memory_space<vmem>> -> memref<1x16x1024xf32, #tpu.memory_space<vmem>>
      %dma_start3A_972 = tpu.memref_squeeze %dma_start3A_971 : memref<1x16x1024xf32, #tpu.memory_space<vmem>> -> memref<16x1024xf32, #tpu.memory_space<vmem>>
      %dma_start3A_973 = arith.constant 8 : i32
      %dma_start3A_974 = arith.constant 0 : i32
      %dma_start3A_975 = tpu.memref_slice %dma_start3A_972[%dma_start3A_973, %dma_start3A_974] : memref<16x1024xf32, #tpu.memory_space<vmem>> -> memref<4x1024xf32, #tpu.memory_space<vmem>>
      tpu.enqueue_dma source(%dma_start3A_975 : memref<4x1024xf32, #tpu.memory_space<vmem>>) target(%dma_start3A_968 : memref<4x1024xf32, #tpu.memory_space<hbm>>) target_semaphore(%arg19 : memref<!tpu.dma_semaphore, #tpu.memory_space<semaphore_mem>>)
      %add3A_976 = arith.constant 3 : i32
      %add3A_977 = arith.addi %multiple_of3A_900, %add3A_976 : i32
      %dma_start3A_978 = arith.constant 2 : i32
      %dma_start3A_979 = arith.constant 0 : i32
      %dma_start3A_980 = arith.constant 0 : i32
      %dma_start3A_981 = tpu.memref_slice %arg7[%dma_start3A_978, %dma_start3A_979, %dma_start3A_980] : memref<4x16x1024xf32, #tpu.memory_space<vmem>> -> memref<1x16x1024xf32, #tpu.memory_space<vmem>>
      %dma_start3A_982 = tpu.memref_squeeze %dma_start3A_981 : memref<1x16x1024xf32, #tpu.memory_space<vmem>> -> memref<16x1024xf32, #tpu.memory_space<vmem>>
      %dma_start3A_983 = arith.constant 12 : i32
      %dma_start3A_984 = arith.constant 0 : i32
      %dma_start3A_985 = tpu.memref_slice %dma_start3A_982[%dma_start3A_983, %dma_start3A_984] : memref<16x1024xf32, #tpu.memory_space<vmem>> -> memref<4x1024xf32, #tpu.memory_space<vmem>>
      %dma_start3A_986 = arith.constant 0 : i32
      %dma_start3A_987 = arith.constant 0 : i32
      %dma_start3A_988 = tpu.memref_slice %arg5[%add3A_977, %dma_start3A_986, %dma_start3A_987] : memref<4096x4x1024xf32, #tpu.memory_space<hbm>> -> memref<1x4x1024xf32, #tpu.memory_space<hbm>>
      %dma_start3A_989 = tpu.memref_squeeze %dma_start3A_988 : memref<1x4x1024xf32, #tpu.memory_space<hbm>> -> memref<4x1024xf32, #tpu.memory_space<hbm>>
      %dma_start3A_990 = arith.constant 0 : i32
      %dma_start3A_991 = arith.constant 0 : i32
      %dma_start3A_992 = tpu.memref_slice %arg5[%add3A_977, %dma_start3A_990, %dma_start3A_991] : memref<4096x4x1024xf32, #tpu.memory_space<hbm>> -> memref<1x4x1024xf32, #tpu.memory_space<hbm>>
      %dma_start3A_993 = tpu.memref_squeeze %dma_start3A_992 : memref<1x4x1024xf32, #tpu.memory_space<hbm>> -> memref<4x1024xf32, #tpu.memory_space<hbm>>
      %dma_start3A_994 = arith.constant 0 : i32
      %dma_start3A_995 = arith.constant 0 : i32
      %dma_start3A_996 = tpu.memref_slice %arg7[%dma_start3A_978, %dma_start3A_994, %dma_start3A_995] : memref<4x16x1024xf32, #tpu.memory_space<vmem>> -> memref<1x16x1024xf32, #tpu.memory_space<vmem>>
      %dma_start3A_997 = tpu.memref_squeeze %dma_start3A_996 : memref<1x16x1024xf32, #tpu.memory_space<vmem>> -> memref<16x1024xf32, #tpu.memory_space<vmem>>
      %dma_start3A_998 = arith.constant 12 : i32
      %dma_start3A_999 = arith.constant 0 : i32
      %dma_start3A_1000 = tpu.memref_slice %dma_start3A_997[%dma_start3A_998, %dma_start3A_999] : memref<16x1024xf32, #tpu.memory_space<vmem>> -> memref<4x1024xf32, #tpu.memory_space<vmem>>
      tpu.enqueue_dma source(%dma_start3A_1000 : memref<4x1024xf32, #tpu.memory_space<vmem>>) target(%dma_start3A_993 : memref<4x1024xf32, #tpu.memory_space<hbm>>) target_semaphore(%arg19 : memref<!tpu.dma_semaphore, #tpu.memory_space<semaphore_mem>>)
      %mul3A_1001 = arith.constant 4 : i32
      %mul3A_1002 = arith.muli %add3A_306, %mul3A_1001 : i32
      %add3A_1003 = arith.constant 3 : i32
      %add3A_1004 = arith.addi %mul3A_1002, %add3A_1003 : i32
      %sub3A_1005 = arith.constant 2 : i32
      %sub3A_1006 = arith.subi %add3A_1004, %sub3A_1005 : i32
      %mul3A_1007 = arith.constant 16 : i32
      %mul3A_1008 = arith.muli %sub3A_1006, %mul3A_1007 : i32
      %add3A_1009 = arith.addi %multiple_of3A, %mul3A_1008 : i32
      %jit3A_1010 = arith.constant 4 : i32
      %div3A_1011 = arith.divsi %add3A_1009, %jit3A_1010 : i32
      %sign3A_1012 = arith.constant 0 : i32
      %sign3A_1013 = arith.cmpi sgt, %add3A_1009, %sign3A_1012 : i32
      %sign3A_1014 = arith.extui %sign3A_1013 : i1 to i32
      %sign3A_1015 = arith.constant 0 : i32
      %sign3A_1016 = arith.cmpi slt, %add3A_1009, %sign3A_1015 : i32
      %sign3A_1017 = arith.extui %sign3A_1016 : i1 to i32
      %sign3A_1018 = arith.subi %sign3A_1014, %sign3A_1017 : i32
      %sign3A_1019 = arith.constant 0 : i32
      %sign3A_1020 = arith.cmpi sgt, %jit3A_1010, %sign3A_1019 : i32
      %sign3A_1021 = arith.extui %sign3A_1020 : i1 to i32
      %sign3A_1022 = arith.constant 0 : i32
      %sign3A_1023 = arith.cmpi slt, %jit3A_1010, %sign3A_1022 : i32
      %sign3A_1024 = arith.extui %sign3A_1023 : i1 to i32
      %sign3A_1025 = arith.subi %sign3A_1021, %sign3A_1024 : i32
      %ne3A_1026 = arith.cmpi ne, %sign3A_1018, %sign3A_1025 : i32
      %rem3A_1027 = arith.remsi %add3A_1009, %jit3A_1010 : i32
      %ne3A_1028 = arith.constant 0 : i32
      %ne3A_1029 = arith.cmpi ne, %rem3A_1027, %ne3A_1028 : i32
      %and3A_1030 = arith.andi %ne3A_1026, %ne3A_1029 : i1
      %sub3A_1031 = arith.constant 1 : i32
      %sub3A_1032 = arith.subi %div3A_1011, %sub3A_1031 : i32
      %select_n3A_1033 = arith.select %and3A_1030, %sub3A_1032, %div3A_1011 : i32
      %multiple_of3A_1034 = tpu.assume_multiple %select_n3A_1033, 4 : i32
      %add3A_1035 = arith.constant 0 : i32
      %add3A_1036 = arith.addi %multiple_of3A_1034, %add3A_1035 : i32
      %dma_wait3A_1037 = arith.constant 1 : i32
      %dma_wait3A_1038 = arith.constant 0 : i32
      %dma_wait3A_1039 = arith.constant 0 : i32
      %dma_wait3A_1040 = tpu.memref_slice %arg7[%dma_wait3A_1037, %dma_wait3A_1038, %dma_wait3A_1039] : memref<4x16x1024xf32, #tpu.memory_space<vmem>> -> memref<1x16x1024xf32, #tpu.memory_space<vmem>>
      %dma_wait3A_1041 = tpu.memref_squeeze %dma_wait3A_1040 : memref<1x16x1024xf32, #tpu.memory_space<vmem>> -> memref<16x1024xf32, #tpu.memory_space<vmem>>
      %dma_wait3A_1042 = arith.constant 0 : i32
      %dma_wait3A_1043 = arith.constant 0 : i32
      %dma_wait3A_1044 = tpu.memref_slice %dma_wait3A_1041[%dma_wait3A_1042, %dma_wait3A_1043] : memref<16x1024xf32, #tpu.memory_space<vmem>> -> memref<4x1024xf32, #tpu.memory_space<vmem>>
      %dma_wait3A_1045 = arith.constant 0 : i32
      %dma_wait3A_1046 = arith.constant 0 : i32
      %dma_wait3A_1047 = tpu.memref_slice %arg5[%add3A_1036, %dma_wait3A_1045, %dma_wait3A_1046] : memref<4096x4x1024xf32, #tpu.memory_space<hbm>> -> memref<1x4x1024xf32, #tpu.memory_space<hbm>>
      %dma_wait3A_1048 = tpu.memref_squeeze %dma_wait3A_1047 : memref<1x4x1024xf32, #tpu.memory_space<hbm>> -> memref<4x1024xf32, #tpu.memory_space<hbm>>
      %dma_wait3A_1049 = arith.constant 0 : i32
      %dma_wait3A_1050 = arith.constant 0 : i32
      %dma_wait3A_1051 = tpu.memref_slice %arg5[%add3A_1036, %dma_wait3A_1049, %dma_wait3A_1050] : memref<4096x4x1024xf32, #tpu.memory_space<hbm>> -> memref<1x4x1024xf32, #tpu.memory_space<hbm>>
      %dma_wait3A_1052 = tpu.memref_squeeze %dma_wait3A_1051 : memref<1x4x1024xf32, #tpu.memory_space<hbm>> -> memref<4x1024xf32, #tpu.memory_space<hbm>>
      %dma_wait3A_1053 = arith.constant 0 : i32
      %dma_wait3A_1054 = arith.constant 0 : i32
      %dma_wait3A_1055 = tpu.memref_slice %arg7[%dma_wait3A_1037, %dma_wait3A_1053, %dma_wait3A_1054] : memref<4x16x1024xf32, #tpu.memory_space<vmem>> -> memref<1x16x1024xf32, #tpu.memory_space<vmem>>
      %dma_wait3A_1056 = tpu.memref_squeeze %dma_wait3A_1055 : memref<1x16x1024xf32, #tpu.memory_space<vmem>> -> memref<16x1024xf32, #tpu.memory_space<vmem>>
      %dma_wait3A_1057 = arith.constant 0 : i32
      %dma_wait3A_1058 = arith.constant 0 : i32
      %dma_wait3A_1059 = tpu.memref_slice %dma_wait3A_1056[%dma_wait3A_1057, %dma_wait3A_1058] : memref<16x1024xf32, #tpu.memory_space<vmem>> -> memref<4x1024xf32, #tpu.memory_space<vmem>>
      tpu.wait_dma2 semaphore(%arg18 : memref<!tpu.dma_semaphore, #tpu.memory_space<semaphore_mem>>) src(%dma_wait3A_1059 : memref<4x1024xf32, #tpu.memory_space<vmem>>) dst(%dma_wait3A_1052 : memref<4x1024xf32, #tpu.memory_space<hbm>>)
      %add3A_1060 = arith.constant 1 : i32
      %add3A_1061 = arith.addi %multiple_of3A_1034, %add3A_1060 : i32
      %dma_wait3A_1062 = arith.constant 1 : i32
      %dma_wait3A_1063 = arith.constant 0 : i32
      %dma_wait3A_1064 = arith.constant 0 : i32
      %dma_wait3A_1065 = tpu.memref_slice %arg7[%dma_wait3A_1062, %dma_wait3A_1063, %dma_wait3A_1064] : memref<4x16x1024xf32, #tpu.memory_space<vmem>> -> memref<1x16x1024xf32, #tpu.memory_space<vmem>>
      %dma_wait3A_1066 = tpu.memref_squeeze %dma_wait3A_1065 : memref<1x16x1024xf32, #tpu.memory_space<vmem>> -> memref<16x1024xf32, #tpu.memory_space<vmem>>
      %dma_wait3A_1067 = arith.constant 4 : i32
      %dma_wait3A_1068 = arith.constant 0 : i32
      %dma_wait3A_1069 = tpu.memref_slice %dma_wait3A_1066[%dma_wait3A_1067, %dma_wait3A_1068] : memref<16x1024xf32, #tpu.memory_space<vmem>> -> memref<4x1024xf32, #tpu.memory_space<vmem>>
      %dma_wait3A_1070 = arith.constant 0 : i32
      %dma_wait3A_1071 = arith.constant 0 : i32
      %dma_wait3A_1072 = tpu.memref_slice %arg5[%add3A_1061, %dma_wait3A_1070, %dma_wait3A_1071] : memref<4096x4x1024xf32, #tpu.memory_space<hbm>> -> memref<1x4x1024xf32, #tpu.memory_space<hbm>>
      %dma_wait3A_1073 = tpu.memref_squeeze %dma_wait3A_1072 : memref<1x4x1024xf32, #tpu.memory_space<hbm>> -> memref<4x1024xf32, #tpu.memory_space<hbm>>
      %dma_wait3A_1074 = arith.constant 0 : i32
      %dma_wait3A_1075 = arith.constant 0 : i32
      %dma_wait3A_1076 = tpu.memref_slice %arg5[%add3A_1061, %dma_wait3A_1074, %dma_wait3A_1075] : memref<4096x4x1024xf32, #tpu.memory_space<hbm>> -> memref<1x4x1024xf32, #tpu.memory_space<hbm>>
      %dma_wait3A_1077 = tpu.memref_squeeze %dma_wait3A_1076 : memref<1x4x1024xf32, #tpu.memory_space<hbm>> -> memref<4x1024xf32, #tpu.memory_space<hbm>>
      %dma_wait3A_1078 = arith.constant 0 : i32
      %dma_wait3A_1079 = arith.constant 0 : i32
      %dma_wait3A_1080 = tpu.memref_slice %arg7[%dma_wait3A_1062, %dma_wait3A_1078, %dma_wait3A_1079] : memref<4x16x1024xf32, #tpu.memory_space<vmem>> -> memref<1x16x1024xf32, #tpu.memory_space<vmem>>
      %dma_wait3A_1081 = tpu.memref_squeeze %dma_wait3A_1080 : memref<1x16x1024xf32, #tpu.memory_space<vmem>> -> memref<16x1024xf32, #tpu.memory_space<vmem>>
      %dma_wait3A_1082 = arith.constant 4 : i32
      %dma_wait3A_1083 = arith.constant 0 : i32
      %dma_wait3A_1084 = tpu.memref_slice %dma_wait3A_1081[%dma_wait3A_1082, %dma_wait3A_1083] : memref<16x1024xf32, #tpu.memory_space<vmem>> -> memref<4x1024xf32, #tpu.memory_space<vmem>>
      tpu.wait_dma2 semaphore(%arg18 : memref<!tpu.dma_semaphore, #tpu.memory_space<semaphore_mem>>) src(%dma_wait3A_1084 : memref<4x1024xf32, #tpu.memory_space<vmem>>) dst(%dma_wait3A_1077 : memref<4x1024xf32, #tpu.memory_space<hbm>>)
      %add3A_1085 = arith.constant 2 : i32
      %add3A_1086 = arith.addi %multiple_of3A_1034, %add3A_1085 : i32
      %dma_wait3A_1087 = arith.constant 1 : i32
      %dma_wait3A_1088 = arith.constant 0 : i32
      %dma_wait3A_1089 = arith.constant 0 : i32
      %dma_wait3A_1090 = tpu.memref_slice %arg7[%dma_wait3A_1087, %dma_wait3A_1088, %dma_wait3A_1089] : memref<4x16x1024xf32, #tpu.memory_space<vmem>> -> memref<1x16x1024xf32, #tpu.memory_space<vmem>>
      %dma_wait3A_1091 = tpu.memref_squeeze %dma_wait3A_1090 : memref<1x16x1024xf32, #tpu.memory_space<vmem>> -> memref<16x1024xf32, #tpu.memory_space<vmem>>
      %dma_wait3A_1092 = arith.constant 8 : i32
      %dma_wait3A_1093 = arith.constant 0 : i32
      %dma_wait3A_1094 = tpu.memref_slice %dma_wait3A_1091[%dma_wait3A_1092, %dma_wait3A_1093] : memref<16x1024xf32, #tpu.memory_space<vmem>> -> memref<4x1024xf32, #tpu.memory_space<vmem>>
      %dma_wait3A_1095 = arith.constant 0 : i32
      %dma_wait3A_1096 = arith.constant 0 : i32
      %dma_wait3A_1097 = tpu.memref_slice %arg5[%add3A_1086, %dma_wait3A_1095, %dma_wait3A_1096] : memref<4096x4x1024xf32, #tpu.memory_space<hbm>> -> memref<1x4x1024xf32, #tpu.memory_space<hbm>>
      %dma_wait3A_1098 = tpu.memref_squeeze %dma_wait3A_1097 : memref<1x4x1024xf32, #tpu.memory_space<hbm>> -> memref<4x1024xf32, #tpu.memory_space<hbm>>
      %dma_wait3A_1099 = arith.constant 0 : i32
      %dma_wait3A_1100 = arith.constant 0 : i32
      %dma_wait3A_1101 = tpu.memref_slice %arg5[%add3A_1086, %dma_wait3A_1099, %dma_wait3A_1100] : memref<4096x4x1024xf32, #tpu.memory_space<hbm>> -> memref<1x4x1024xf32, #tpu.memory_space<hbm>>
      %dma_wait3A_1102 = tpu.memref_squeeze %dma_wait3A_1101 : memref<1x4x1024xf32, #tpu.memory_space<hbm>> -> memref<4x1024xf32, #tpu.memory_space<hbm>>
      %dma_wait3A_1103 = arith.constant 0 : i32
      %dma_wait3A_1104 = arith.constant 0 : i32
      %dma_wait3A_1105 = tpu.memref_slice %arg7[%dma_wait3A_1087, %dma_wait3A_1103, %dma_wait3A_1104] : memref<4x16x1024xf32, #tpu.memory_space<vmem>> -> memref<1x16x1024xf32, #tpu.memory_space<vmem>>
      %dma_wait3A_1106 = tpu.memref_squeeze %dma_wait3A_1105 : memref<1x16x1024xf32, #tpu.memory_space<vmem>> -> memref<16x1024xf32, #tpu.memory_space<vmem>>
      %dma_wait3A_1107 = arith.constant 8 : i32
      %dma_wait3A_1108 = arith.constant 0 : i32
      %dma_wait3A_1109 = tpu.memref_slice %dma_wait3A_1106[%dma_wait3A_1107, %dma_wait3A_1108] : memref<16x1024xf32, #tpu.memory_space<vmem>> -> memref<4x1024xf32, #tpu.memory_space<vmem>>
      tpu.wait_dma2 semaphore(%arg18 : memref<!tpu.dma_semaphore, #tpu.memory_space<semaphore_mem>>) src(%dma_wait3A_1109 : memref<4x1024xf32, #tpu.memory_space<vmem>>) dst(%dma_wait3A_1102 : memref<4x1024xf32, #tpu.memory_space<hbm>>)
      %add3A_1110 = arith.constant 3 : i32
      %add3A_1111 = arith.addi %multiple_of3A_1034, %add3A_1110 : i32
      %dma_wait3A_1112 = arith.constant 1 : i32
      %dma_wait3A_1113 = arith.constant 0 : i32
      %dma_wait3A_1114 = arith.constant 0 : i32
      %dma_wait3A_1115 = tpu.memref_slice %arg7[%dma_wait3A_1112, %dma_wait3A_1113, %dma_wait3A_1114] : memref<4x16x1024xf32, #tpu.memory_space<vmem>> -> memref<1x16x1024xf32, #tpu.memory_space<vmem>>
      %dma_wait3A_1116 = tpu.memref_squeeze %dma_wait3A_1115 : memref<1x16x1024xf32, #tpu.memory_space<vmem>> -> memref<16x1024xf32, #tpu.memory_space<vmem>>
      %dma_wait3A_1117 = arith.constant 12 : i32
      %dma_wait3A_1118 = arith.constant 0 : i32
      %dma_wait3A_1119 = tpu.memref_slice %dma_wait3A_1116[%dma_wait3A_1117, %dma_wait3A_1118] : memref<16x1024xf32, #tpu.memory_space<vmem>> -> memref<4x1024xf32, #tpu.memory_space<vmem>>
      %dma_wait3A_1120 = arith.constant 0 : i32
      %dma_wait3A_1121 = arith.constant 0 : i32
      %dma_wait3A_1122 = tpu.memref_slice %arg5[%add3A_1111, %dma_wait3A_1120, %dma_wait3A_1121] : memref<4096x4x1024xf32, #tpu.memory_space<hbm>> -> memref<1x4x1024xf32, #tpu.memory_space<hbm>>
      %dma_wait3A_1123 = tpu.memref_squeeze %dma_wait3A_1122 : memref<1x4x1024xf32, #tpu.memory_space<hbm>> -> memref<4x1024xf32, #tpu.memory_space<hbm>>
      %dma_wait3A_1124 = arith.constant 0 : i32
      %dma_wait3A_1125 = arith.constant 0 : i32
      %dma_wait3A_1126 = tpu.memref_slice %arg5[%add3A_1111, %dma_wait3A_1124, %dma_wait3A_1125] : memref<4096x4x1024xf32, #tpu.memory_space<hbm>> -> memref<1x4x1024xf32, #tpu.memory_space<hbm>>
      %dma_wait3A_1127 = tpu.memref_squeeze %dma_wait3A_1126 : memref<1x4x1024xf32, #tpu.memory_space<hbm>> -> memref<4x1024xf32, #tpu.memory_space<hbm>>
      %dma_wait3A_1128 = arith.constant 0 : i32
      %dma_wait3A_1129 = arith.constant 0 : i32
      %dma_wait3A_1130 = tpu.memref_slice %arg7[%dma_wait3A_1112, %dma_wait3A_1128, %dma_wait3A_1129] : memref<4x16x1024xf32, #tpu.memory_space<vmem>> -> memref<1x16x1024xf32, #tpu.memory_space<vmem>>
      %dma_wait3A_1131 = tpu.memref_squeeze %dma_wait3A_1130 : memref<1x16x1024xf32, #tpu.memory_space<vmem>> -> memref<16x1024xf32, #tpu.memory_space<vmem>>
      %dma_wait3A_1132 = arith.constant 12 : i32
      %dma_wait3A_1133 = arith.constant 0 : i32
      %dma_wait3A_1134 = tpu.memref_slice %dma_wait3A_1131[%dma_wait3A_1132, %dma_wait3A_1133] : memref<16x1024xf32, #tpu.memory_space<vmem>> -> memref<4x1024xf32, #tpu.memory_space<vmem>>
      tpu.wait_dma2 semaphore(%arg18 : memref<!tpu.dma_semaphore, #tpu.memory_space<semaphore_mem>>) src(%dma_wait3A_1134 : memref<4x1024xf32, #tpu.memory_space<vmem>>) dst(%dma_wait3A_1127 : memref<4x1024xf32, #tpu.memory_space<hbm>>)
      %lt3A_1135 = arith.constant 7 : i32
      %lt3A_1136 = arith.cmpi slt, %add3A_306, %lt3A_1135 : i32
      %convert_element_type3A_1137 = arith.extui %lt3A_1136 : i1 to i32
      %cond3A_1138 = arith.constant 0 : i32
      %cond3A_1139 = arith.cmpi ne, %convert_element_type3A_1137, %cond3A_1138 : i32
      scf.if %cond3A_1139 {
        %add3A_1300 = arith.constant 2 : i32
        %add3A_1301 = arith.addi %add3A_1004, %add3A_1300 : i32
        %mul3A_1302 = arith.constant 16 : i32
        %mul3A_1303 = arith.muli %add3A_1301, %mul3A_1302 : i32
        %multiple_of3A_1304 = tpu.assume_multiple %mul3A_1303, 16 : i32
        %dma_start3A_1305 = arith.constant 1 : i32
        %dma_start3A_1306 = arith.constant 0 : i32
        %dma_start3A_1307 = arith.constant 0 : i32
        %dma_start3A_1308 = tpu.memref_slice %arg7[%dma_start3A_1305, %dma_start3A_1306, %dma_start3A_1307] : memref<4x16x1024xf32, #tpu.memory_space<vmem>> -> memref<1x16x1024xf32, #tpu.memory_space<vmem>>
        %dma_start3A_1309 = tpu.memref_squeeze %dma_start3A_1308 : memref<1x16x1024xf32, #tpu.memory_space<vmem>> -> memref<16x1024xf32, #tpu.memory_space<vmem>>
        %dma_start3A_1310 = tpu.memref_slice %arg6[%multiple_of3A_1304] : memref<512xi32, #tpu.memory_space<vmem>> -> memref<16xi32, #tpu.memory_space<vmem>>
        %dma_start3A_1311 = arith.constant 0 : i32
        %dma_start3A_1312 = arith.constant 0 : i32
        %dma_start3A_1313 = tpu.memref_slice %arg4[%dma_start3A_1311, %dma_start3A_1312] : memref<100000x1024xf32, #tpu.memory_space<hbm>> -> memref<100000x1024xf32, #tpu.memory_space<hbm>>
        tpu.enqueue_indirect_dma source(%dma_start3A_1313 : memref<100000x1024xf32, #tpu.memory_space<hbm>>) target(%dma_start3A_1309 : memref<16x1024xf32, #tpu.memory_space<vmem>>) offsets(%dma_start3A_1310 : memref<16xi32, #tpu.memory_space<vmem>>) semaphore(%arg10 : memref<!tpu.dma_semaphore, #tpu.memory_space<semaphore_mem>>)
        %add3A_1314 = arith.constant 2 : i32
        %add3A_1315 = arith.addi %add3A_1004, %add3A_1314 : i32
        %mul3A_1316 = arith.constant 4 : i32
        %mul3A_1317 = arith.muli %add3A_1315, %mul3A_1316 : i32
        %mul3A_1318 = arith.constant 1024 : i32
        %mul3A_1319 = arith.muli %mul3A_1317, %mul3A_1318 : i32
        %add3A_1320 = arith.addi %multiple_of3A_7, %mul3A_1319 : i32
        %multiple_of3A_1321 = tpu.assume_multiple %add3A_1320, 4096 : i32
        %dma_start3A_1322 = arith.constant 1 : i32
        %dma_start3A_1323 = arith.constant 0 : i32
        %dma_start3A_1324 = tpu.memref_slice %arg8[%dma_start3A_1322, %dma_start3A_1323] : memref<4x4096xf32, #tpu.memory_space<vmem>> -> memref<1x4096xf32, #tpu.memory_space<vmem>>
        %dma_start3A_1325 = tpu.memref_squeeze %dma_start3A_1324 : memref<1x4096xf32, #tpu.memory_space<vmem>> -> memref<4096xf32, #tpu.memory_space<vmem>>
        %dma_start3A_1326 = tpu.memref_slice %arg3[%multiple_of3A_1321] : memref<8388608xf32, #tpu.memory_space<hbm>> -> memref<4096xf32, #tpu.memory_space<hbm>>
        %dma_start3A_1327 = arith.constant 0 : i32
        %dma_start3A_1328 = tpu.memref_slice %arg8[%dma_start3A_1322, %dma_start3A_1327] : memref<4x4096xf32, #tpu.memory_space<vmem>> -> memref<1x4096xf32, #tpu.memory_space<vmem>>
        %dma_start3A_1329 = tpu.memref_squeeze %dma_start3A_1328 : memref<1x4096xf32, #tpu.memory_space<vmem>> -> memref<4096xf32, #tpu.memory_space<vmem>>
        %dma_start3A_1330 = tpu.memref_slice %arg3[%multiple_of3A_1321] : memref<8388608xf32, #tpu.memory_space<hbm>> -> memref<4096xf32, #tpu.memory_space<hbm>>
        tpu.enqueue_dma source(%dma_start3A_1330 : memref<4096xf32, #tpu.memory_space<hbm>>) target(%dma_start3A_1329 : memref<4096xf32, #tpu.memory_space<vmem>>) target_semaphore(%arg14 : memref<!tpu.dma_semaphore, #tpu.memory_space<semaphore_mem>>)
      } else {
      }
      %mul3A_1140 = arith.constant 16 : i32
      %mul3A_1141 = arith.muli %add3A_1004, %mul3A_1140 : i32
      %multiple_of3A_1142 = tpu.assume_multiple %mul3A_1141, 16 : i32
      %dma_wait3A_1143 = arith.constant 3 : i32
      %dma_wait3A_1144 = arith.constant 0 : i32
      %dma_wait3A_1145 = arith.constant 0 : i32
      %dma_wait3A_1146 = tpu.memref_slice %arg7[%dma_wait3A_1143, %dma_wait3A_1144, %dma_wait3A_1145] : memref<4x16x1024xf32, #tpu.memory_space<vmem>> -> memref<1x16x1024xf32, #tpu.memory_space<vmem>>
      %dma_wait3A_1147 = tpu.memref_squeeze %dma_wait3A_1146 : memref<1x16x1024xf32, #tpu.memory_space<vmem>> -> memref<16x1024xf32, #tpu.memory_space<vmem>>
      %dma_wait3A_1148 = tpu.memref_slice %arg6[%multiple_of3A_1142] : memref<512xi32, #tpu.memory_space<vmem>> -> memref<16xi32, #tpu.memory_space<vmem>>
      %dma_wait3A_1149 = arith.constant 0 : i32
      %dma_wait3A_1150 = arith.constant 0 : i32
      %dma_wait3A_1151 = tpu.memref_slice %arg4[%dma_wait3A_1149, %dma_wait3A_1150] : memref<100000x1024xf32, #tpu.memory_space<hbm>> -> memref<100000x1024xf32, #tpu.memory_space<hbm>>
      tpu.wait_indirect_dma semaphore(%arg12 : memref<!tpu.dma_semaphore, #tpu.memory_space<semaphore_mem>>) src(%dma_wait3A_1151 : memref<100000x1024xf32, #tpu.memory_space<hbm>>) dst(%dma_wait3A_1147 : memref<16x1024xf32, #tpu.memory_space<vmem>>)
      %mul3A_1152 = arith.constant 4 : i32
      %mul3A_1153 = arith.muli %add3A_1004, %mul3A_1152 : i32
      %mul3A_1154 = arith.constant 1024 : i32
      %mul3A_1155 = arith.muli %mul3A_1153, %mul3A_1154 : i32
      %add3A_1156 = arith.addi %multiple_of3A_7, %mul3A_1155 : i32
      %multiple_of3A_1157 = tpu.assume_multiple %add3A_1156, 4096 : i32
      %dma_wait3A_1158 = arith.constant 3 : i32
      %dma_wait3A_1159 = arith.constant 0 : i32
      %dma_wait3A_1160 = tpu.memref_slice %arg8[%dma_wait3A_1158, %dma_wait3A_1159] : memref<4x4096xf32, #tpu.memory_space<vmem>> -> memref<1x4096xf32, #tpu.memory_space<vmem>>
      %dma_wait3A_1161 = tpu.memref_squeeze %dma_wait3A_1160 : memref<1x4096xf32, #tpu.memory_space<vmem>> -> memref<4096xf32, #tpu.memory_space<vmem>>
      %dma_wait3A_1162 = tpu.memref_slice %arg3[%multiple_of3A_1157] : memref<8388608xf32, #tpu.memory_space<hbm>> -> memref<4096xf32, #tpu.memory_space<hbm>>
      %dma_wait3A_1163 = arith.constant 0 : i32
      %dma_wait3A_1164 = tpu.memref_slice %arg8[%dma_wait3A_1158, %dma_wait3A_1163] : memref<4x4096xf32, #tpu.memory_space<vmem>> -> memref<1x4096xf32, #tpu.memory_space<vmem>>
      %dma_wait3A_1165 = tpu.memref_squeeze %dma_wait3A_1164 : memref<1x4096xf32, #tpu.memory_space<vmem>> -> memref<4096xf32, #tpu.memory_space<vmem>>
      %dma_wait3A_1166 = tpu.memref_slice %arg3[%multiple_of3A_1157] : memref<8388608xf32, #tpu.memory_space<hbm>> -> memref<4096xf32, #tpu.memory_space<hbm>>
      tpu.wait_dma2 semaphore(%arg16 : memref<!tpu.dma_semaphore, #tpu.memory_space<semaphore_mem>>) src(%dma_wait3A_1166 : memref<4096xf32, #tpu.memory_space<hbm>>) dst(%dma_wait3A_1165 : memref<4096xf32, #tpu.memory_space<vmem>>)
      %parallel_loop3A_1167 = arith.constant 0 : i32
      %parallel_loop3A_1168 = arith.constant 1024 : i32
      %parallel_loop3A_1169 = arith.constant 16 : i32
      %parallel_loop3A_1170 = arith.constant 3 : i32
      %parallel_loop3A_1171 = arith.constant 3 : i32
      scf.for %parallel_loop3A_1300 = %parallel_loop3A_1167 to %parallel_loop3A_1168 step %parallel_loop3A_1169  : i32 {
        %parallel_loop3A_1301 = arith.constant 0 : i32
        %parallel_loop3A_1302 = arith.addi %parallel_loop3A_1301, %parallel_loop3A_1300 : i32
        %parallel_loop3A_1303 = arith.constant 0 : i32
        %parallel_loop3A_1304 = tpu.memref_slice %arg8[%parallel_loop3A_1170, %parallel_loop3A_1303] : memref<4x4096xf32, #tpu.memory_space<vmem>> -> memref<1x4096xf32, #tpu.memory_space<vmem>>
        %parallel_loop3A_1305 = tpu.memref_squeeze %parallel_loop3A_1304 : memref<1x4096xf32, #tpu.memory_space<vmem>> -> memref<4096xf32, #tpu.memory_space<vmem>>
        %parallel_loop3A_1306 = arith.index_cast %parallel_loop3A_1302 : i32 to index
        %parallel_loop3A_1307 = tpu.vector_load %parallel_loop3A_1305[%parallel_loop3A_1306] {strides = array<i32>} : memref<4096xf32, #tpu.memory_space<vmem>>, vector<16xf32>,
        %parallel_loop3A_1308 = vector.shape_cast %parallel_loop3A_1307 : vector<16xf32> to vector<16xf32>
        %parallel_loop3A_1309 = arith.constant 0 : i32
        %parallel_loop3A_1310 = arith.constant 0 : i32
        %parallel_loop3A_1311 = arith.constant 0 : i32
        %parallel_loop3A_1312 = tpu.memref_slice %arg7[%parallel_loop3A_1171, %parallel_loop3A_1310, %parallel_loop3A_1311] : memref<4x16x1024xf32, #tpu.memory_space<vmem>> -> memref<1x16x1024xf32, #tpu.memory_space<vmem>>
        %parallel_loop3A_1313 = tpu.memref_squeeze %parallel_loop3A_1312 : memref<1x16x1024xf32, #tpu.memory_space<vmem>> -> memref<16x1024xf32, #tpu.memory_space<vmem>>
        %parallel_loop3A_1314 = arith.index_cast %parallel_loop3A_1309 : i32 to index
        %parallel_loop3A_1315 = arith.index_cast %parallel_loop3A_1300 : i32 to index
        %parallel_loop3A_1316 = tpu.vector_load %parallel_loop3A_1313[%parallel_loop3A_1314, %parallel_loop3A_1315] {strides = array<i32>} : memref<16x1024xf32, #tpu.memory_space<vmem>>, vector<1x16xf32>,
        %parallel_loop3A_1317 = vector.shape_cast %parallel_loop3A_1316 : vector<1x16xf32> to vector<16xf32>
        %parallel_loop3A_1318 = arith.constant 3.200000e+01 : f32
        %parallel_loop3A_1319 = vector.broadcast %parallel_loop3A_1318 : f32 to vector<16xf32>
        %parallel_loop3A_1320 = arith.mulf %parallel_loop3A_1317, %parallel_loop3A_1319 : vector<16xf32>
        %parallel_loop3A_1321 = arith.addf %parallel_loop3A_1320, %parallel_loop3A_1308 : vector<16xf32>
        %parallel_loop3A_1322 = arith.constant 0 : i32
        %parallel_loop3A_1323 = arith.constant 0 : i32
        %parallel_loop3A_1324 = arith.constant 0 : i32
        %parallel_loop3A_1325 = tpu.memref_slice %arg7[%parallel_loop3A_1171, %parallel_loop3A_1323, %parallel_loop3A_1324] : memref<4x16x1024xf32, #tpu.memory_space<vmem>> -> memref<1x16x1024xf32, #tpu.memory_space<vmem>>
        %parallel_loop3A_1326 = tpu.memref_squeeze %parallel_loop3A_1325 : memref<1x16x1024xf32, #tpu.memory_space<vmem>> -> memref<16x1024xf32, #tpu.memory_space<vmem>>
        %parallel_loop3A_1327 = arith.index_cast %parallel_loop3A_1322 : i32 to index
        %parallel_loop3A_1328 = arith.index_cast %parallel_loop3A_1300 : i32 to index
        %parallel_loop3A_1329 = tpu.vector_load %parallel_loop3A_1326[%parallel_loop3A_1327, %parallel_loop3A_1328] {strides = array<i32>} : memref<16x1024xf32, #tpu.memory_space<vmem>>, vector<1x16xf32>,
        %parallel_loop3A_1330 = vector.shape_cast %parallel_loop3A_1329 : vector<1x16xf32> to vector<16xf32>
        %parallel_loop3A_1331 = vector.shape_cast %parallel_loop3A_1321 : vector<16xf32> to vector<1x16xf32>
        tpu.vector_store %parallel_loop3A_1326[%parallel_loop3A_1327, %parallel_loop3A_1328], %parallel_loop3A_1331 {strides = array<i32>} : memref<16x1024xf32, #tpu.memory_space<vmem>>, vector<1x16xf32>,
        %parallel_loop3A_1332 = arith.constant 1 : i32
        %parallel_loop3A_1333 = arith.constant 0 : i32
        %parallel_loop3A_1334 = arith.constant 0 : i32
        %parallel_loop3A_1335 = tpu.memref_slice %arg7[%parallel_loop3A_1171, %parallel_loop3A_1333, %parallel_loop3A_1334] : memref<4x16x1024xf32, #tpu.memory_space<vmem>> -> memref<1x16x1024xf32, #tpu.memory_space<vmem>>
        %parallel_loop3A_1336 = tpu.memref_squeeze %parallel_loop3A_1335 : memref<1x16x1024xf32, #tpu.memory_space<vmem>> -> memref<16x1024xf32, #tpu.memory_space<vmem>>
        %parallel_loop3A_1337 = arith.index_cast %parallel_loop3A_1332 : i32 to index
        %parallel_loop3A_1338 = arith.index_cast %parallel_loop3A_1300 : i32 to index
        %parallel_loop3A_1339 = tpu.vector_load %parallel_loop3A_1336[%parallel_loop3A_1337, %parallel_loop3A_1338] {strides = array<i32>} : memref<16x1024xf32, #tpu.memory_space<vmem>>, vector<1x16xf32>,
        %parallel_loop3A_1340 = vector.shape_cast %parallel_loop3A_1339 : vector<1x16xf32> to vector<16xf32>
        %parallel_loop3A_1341 = arith.constant 3.200000e+01 : f32
        %parallel_loop3A_1342 = vector.broadcast %parallel_loop3A_1341 : f32 to vector<16xf32>
        %parallel_loop3A_1343 = arith.mulf %parallel_loop3A_1340, %parallel_loop3A_1342 : vector<16xf32>
        %parallel_loop3A_1344 = arith.addf %parallel_loop3A_1343, %parallel_loop3A_1308 : vector<16xf32>
        %parallel_loop3A_1345 = arith.constant 1 : i32
        %parallel_loop3A_1346 = arith.constant 0 : i32
        %parallel_loop3A_1347 = arith.constant 0 : i32
        %parallel_loop3A_1348 = tpu.memref_slice %arg7[%parallel_loop3A_1171, %parallel_loop3A_1346, %parallel_loop3A_1347] : memref<4x16x1024xf32, #tpu.memory_space<vmem>> -> memref<1x16x1024xf32, #tpu.memory_space<vmem>>
        %parallel_loop3A_1349 = tpu.memref_squeeze %parallel_loop3A_1348 : memref<1x16x1024xf32, #tpu.memory_space<vmem>> -> memref<16x1024xf32, #tpu.memory_space<vmem>>
        %parallel_loop3A_1350 = arith.index_cast %parallel_loop3A_1345 : i32 to index
        %parallel_loop3A_1351 = arith.index_cast %parallel_loop3A_1300 : i32 to index
        %parallel_loop3A_1352 = tpu.vector_load %parallel_loop3A_1349[%parallel_loop3A_1350, %parallel_loop3A_1351] {strides = array<i32>} : memref<16x1024xf32, #tpu.memory_space<vmem>>, vector<1x16xf32>,
        %parallel_loop3A_1353 = vector.shape_cast %parallel_loop3A_1352 : vector<1x16xf32> to vector<16xf32>
        %parallel_loop3A_1354 = vector.shape_cast %parallel_loop3A_1344 : vector<16xf32> to vector<1x16xf32>
        tpu.vector_store %parallel_loop3A_1349[%parallel_loop3A_1350, %parallel_loop3A_1351], %parallel_loop3A_1354 {strides = array<i32>} : memref<16x1024xf32, #tpu.memory_space<vmem>>, vector<1x16xf32>,
        %parallel_loop3A_1355 = arith.constant 2 : i32
        %parallel_loop3A_1356 = arith.constant 0 : i32
        %parallel_loop3A_1357 = arith.constant 0 : i32
        %parallel_loop3A_1358 = tpu.memref_slice %arg7[%parallel_loop3A_1171, %parallel_loop3A_1356, %parallel_loop3A_1357] : memref<4x16x1024xf32, #tpu.memory_space<vmem>> -> memref<1x16x1024xf32, #tpu.memory_space<vmem>>
        %parallel_loop3A_1359 = tpu.memref_squeeze %parallel_loop3A_1358 : memref<1x16x1024xf32, #tpu.memory_space<vmem>> -> memref<16x1024xf32, #tpu.memory_space<vmem>>
        %parallel_loop3A_1360 = arith.index_cast %parallel_loop3A_1355 : i32 to index
        %parallel_loop3A_1361 = arith.index_cast %parallel_loop3A_1300 : i32 to index
        %parallel_loop3A_1362 = tpu.vector_load %parallel_loop3A_1359[%parallel_loop3A_1360, %parallel_loop3A_1361] {strides = array<i32>} : memref<16x1024xf32, #tpu.memory_space<vmem>>, vector<1x16xf32>,
        %parallel_loop3A_1363 = vector.shape_cast %parallel_loop3A_1362 : vector<1x16xf32> to vector<16xf32>
        %parallel_loop3A_1364 = arith.constant 3.200000e+01 : f32
        %parallel_loop3A_1365 = vector.broadcast %parallel_loop3A_1364 : f32 to vector<16xf32>
        %parallel_loop3A_1366 = arith.mulf %parallel_loop3A_1363, %parallel_loop3A_1365 : vector<16xf32>
        %parallel_loop3A_1367 = arith.addf %parallel_loop3A_1366, %parallel_loop3A_1308 : vector<16xf32>
        %parallel_loop3A_1368 = arith.constant 2 : i32
        %parallel_loop3A_1369 = arith.constant 0 : i32
        %parallel_loop3A_1370 = arith.constant 0 : i32
        %parallel_loop3A_1371 = tpu.memref_slice %arg7[%parallel_loop3A_1171, %parallel_loop3A_1369, %parallel_loop3A_1370] : memref<4x16x1024xf32, #tpu.memory_space<vmem>> -> memref<1x16x1024xf32, #tpu.memory_space<vmem>>
        %parallel_loop3A_1372 = tpu.memref_squeeze %parallel_loop3A_1371 : memref<1x16x1024xf32, #tpu.memory_space<vmem>> -> memref<16x1024xf32, #tpu.memory_space<vmem>>
        %parallel_loop3A_1373 = arith.index_cast %parallel_loop3A_1368 : i32 to index
        %parallel_loop3A_1374 = arith.index_cast %parallel_loop3A_1300 : i32 to index
        %parallel_loop3A_1375 = tpu.vector_load %parallel_loop3A_1372[%parallel_loop3A_1373, %parallel_loop3A_1374] {strides = array<i32>} : memref<16x1024xf32, #tpu.memory_space<vmem>>, vector<1x16xf32>,
        %parallel_loop3A_1376 = vector.shape_cast %parallel_loop3A_1375 : vector<1x16xf32> to vector<16xf32>
        %parallel_loop3A_1377 = vector.shape_cast %parallel_loop3A_1367 : vector<16xf32> to vector<1x16xf32>
        tpu.vector_store %parallel_loop3A_1372[%parallel_loop3A_1373, %parallel_loop3A_1374], %parallel_loop3A_1377 {strides = array<i32>} : memref<16x1024xf32, #tpu.memory_space<vmem>>, vector<1x16xf32>,
        %parallel_loop3A_1378 = arith.constant 3 : i32
        %parallel_loop3A_1379 = arith.constant 0 : i32
        %parallel_loop3A_1380 = arith.constant 0 : i32
        %parallel_loop3A_1381 = tpu.memref_slice %arg7[%parallel_loop3A_1171, %parallel_loop3A_1379, %parallel_loop3A_1380] : memref<4x16x1024xf32, #tpu.memory_space<vmem>> -> memref<1x16x1024xf32, #tpu.memory_space<vmem>>
        %parallel_loop3A_1382 = tpu.memref_squeeze %parallel_loop3A_1381 : memref<1x16x1024xf32, #tpu.memory_space<vmem>> -> memref<16x1024xf32, #tpu.memory_space<vmem>>
        %parallel_loop3A_1383 = arith.index_cast %parallel_loop3A_1378 : i32 to index
        %parallel_loop3A_1384 = arith.index_cast %parallel_loop3A_1300 : i32 to index
        %parallel_loop3A_1385 = tpu.vector_load %parallel_loop3A_1382[%parallel_loop3A_1383, %parallel_loop3A_1384] {strides = array<i32>} : memref<16x1024xf32, #tpu.memory_space<vmem>>, vector<1x16xf32>,
        %parallel_loop3A_1386 = vector.shape_cast %parallel_loop3A_1385 : vector<1x16xf32> to vector<16xf32>
        %parallel_loop3A_1387 = arith.constant 3.200000e+01 : f32
        %parallel_loop3A_1388 = vector.broadcast %parallel_loop3A_1387 : f32 to vector<16xf32>
        %parallel_loop3A_1389 = arith.mulf %parallel_loop3A_1386, %parallel_loop3A_1388 : vector<16xf32>
        %parallel_loop3A_1390 = arith.addf %parallel_loop3A_1389, %parallel_loop3A_1308 : vector<16xf32>
        %parallel_loop3A_1391 = arith.constant 3 : i32
        %parallel_loop3A_1392 = arith.constant 0 : i32
        %parallel_loop3A_1393 = arith.constant 0 : i32
        %parallel_loop3A_1394 = tpu.memref_slice %arg7[%parallel_loop3A_1171, %parallel_loop3A_1392, %parallel_loop3A_1393] : memref<4x16x1024xf32, #tpu.memory_space<vmem>> -> memref<1x16x1024xf32, #tpu.memory_space<vmem>>
        %parallel_loop3A_1395 = tpu.memref_squeeze %parallel_loop3A_1394 : memref<1x16x1024xf32, #tpu.memory_space<vmem>> -> memref<16x1024xf32, #tpu.memory_space<vmem>>
        %parallel_loop3A_1396 = arith.index_cast %parallel_loop3A_1391 : i32 to index
        %parallel_loop3A_1397 = arith.index_cast %parallel_loop3A_1300 : i32 to index
        %parallel_loop3A_1398 = tpu.vector_load %parallel_loop3A_1395[%parallel_loop3A_1396, %parallel_loop3A_1397] {strides = array<i32>} : memref<16x1024xf32, #tpu.memory_space<vmem>>, vector<1x16xf32>,
        %parallel_loop3A_1399 = vector.shape_cast %parallel_loop3A_1398 : vector<1x16xf32> to vector<16xf32>
        %parallel_loop3A_1400 = vector.shape_cast %parallel_loop3A_1390 : vector<16xf32> to vector<1x16xf32>
        tpu.vector_store %parallel_loop3A_1395[%parallel_loop3A_1396, %parallel_loop3A_1397], %parallel_loop3A_1400 {strides = array<i32>} : memref<16x1024xf32, #tpu.memory_space<vmem>>, vector<1x16xf32>,
        %parallel_loop3A_1401 = arith.constant 1024 : i32
        %parallel_loop3A_1402 = arith.addi %parallel_loop3A_1401, %parallel_loop3A_1300 : i32
        %parallel_loop3A_1403 = arith.constant 0 : i32
        %parallel_loop3A_1404 = tpu.memref_slice %arg8[%parallel_loop3A_1170, %parallel_loop3A_1403] : memref<4x4096xf32, #tpu.memory_space<vmem>> -> memref<1x4096xf32, #tpu.memory_space<vmem>>
        %parallel_loop3A_1405 = tpu.memref_squeeze %parallel_loop3A_1404 : memref<1x4096xf32, #tpu.memory_space<vmem>> -> memref<4096xf32, #tpu.memory_space<vmem>>
        %parallel_loop3A_1406 = arith.index_cast %parallel_loop3A_1402 : i32 to index
        %parallel_loop3A_1407 = tpu.vector_load %parallel_loop3A_1405[%parallel_loop3A_1406] {strides = array<i32>} : memref<4096xf32, #tpu.memory_space<vmem>>, vector<16xf32>,
        %parallel_loop3A_1408 = vector.shape_cast %parallel_loop3A_1407 : vector<16xf32> to vector<16xf32>
        %parallel_loop3A_1409 = arith.constant 4 : i32
        %parallel_loop3A_1410 = arith.constant 0 : i32
        %parallel_loop3A_1411 = arith.constant 0 : i32
        %parallel_loop3A_1412 = tpu.memref_slice %arg7[%parallel_loop3A_1171, %parallel_loop3A_1410, %parallel_loop3A_1411] : memref<4x16x1024xf32, #tpu.memory_space<vmem>> -> memref<1x16x1024xf32, #tpu.memory_space<vmem>>
        %parallel_loop3A_1413 = tpu.memref_squeeze %parallel_loop3A_1412 : memref<1x16x1024xf32, #tpu.memory_space<vmem>> -> memref<16x1024xf32, #tpu.memory_space<vmem>>
        %parallel_loop3A_1414 = arith.index_cast %parallel_loop3A_1409 : i32 to index
        %parallel_loop3A_1415 = arith.index_cast %parallel_loop3A_1300 : i32 to index
        %parallel_loop3A_1416 = tpu.vector_load %parallel_loop3A_1413[%parallel_loop3A_1414, %parallel_loop3A_1415] {strides = array<i32>} : memref<16x1024xf32, #tpu.memory_space<vmem>>, vector<1x16xf32>,
        %parallel_loop3A_1417 = vector.shape_cast %parallel_loop3A_1416 : vector<1x16xf32> to vector<16xf32>
        %parallel_loop3A_1418 = arith.constant 3.200000e+01 : f32
        %parallel_loop3A_1419 = vector.broadcast %parallel_loop3A_1418 : f32 to vector<16xf32>
        %parallel_loop3A_1420 = arith.mulf %parallel_loop3A_1417, %parallel_loop3A_1419 : vector<16xf32>
        %parallel_loop3A_1421 = arith.addf %parallel_loop3A_1420, %parallel_loop3A_1408 : vector<16xf32>
        %parallel_loop3A_1422 = arith.constant 4 : i32
        %parallel_loop3A_1423 = arith.constant 0 : i32
        %parallel_loop3A_1424 = arith.constant 0 : i32
        %parallel_loop3A_1425 = tpu.memref_slice %arg7[%parallel_loop3A_1171, %parallel_loop3A_1423, %parallel_loop3A_1424] : memref<4x16x1024xf32, #tpu.memory_space<vmem>> -> memref<1x16x1024xf32, #tpu.memory_space<vmem>>
        %parallel_loop3A_1426 = tpu.memref_squeeze %parallel_loop3A_1425 : memref<1x16x1024xf32, #tpu.memory_space<vmem>> -> memref<16x1024xf32, #tpu.memory_space<vmem>>
        %parallel_loop3A_1427 = arith.index_cast %parallel_loop3A_1422 : i32 to index
        %parallel_loop3A_1428 = arith.index_cast %parallel_loop3A_1300 : i32 to index
        %parallel_loop3A_1429 = tpu.vector_load %parallel_loop3A_1426[%parallel_loop3A_1427, %parallel_loop3A_1428] {strides = array<i32>} : memref<16x1024xf32, #tpu.memory_space<vmem>>, vector<1x16xf32>,
        %parallel_loop3A_1430 = vector.shape_cast %parallel_loop3A_1429 : vector<1x16xf32> to vector<16xf32>
        %parallel_loop3A_1431 = vector.shape_cast %parallel_loop3A_1421 : vector<16xf32> to vector<1x16xf32>
        tpu.vector_store %parallel_loop3A_1426[%parallel_loop3A_1427, %parallel_loop3A_1428], %parallel_loop3A_1431 {strides = array<i32>} : memref<16x1024xf32, #tpu.memory_space<vmem>>, vector<1x16xf32>,
        %parallel_loop3A_1432 = arith.constant 5 : i32
        %parallel_loop3A_1433 = arith.constant 0 : i32
        %parallel_loop3A_1434 = arith.constant 0 : i32
        %parallel_loop3A_1435 = tpu.memref_slice %arg7[%parallel_loop3A_1171, %parallel_loop3A_1433, %parallel_loop3A_1434] : memref<4x16x1024xf32, #tpu.memory_space<vmem>> -> memref<1x16x1024xf32, #tpu.memory_space<vmem>>
        %parallel_loop3A_1436 = tpu.memref_squeeze %parallel_loop3A_1435 : memref<1x16x1024xf32, #tpu.memory_space<vmem>> -> memref<16x1024xf32, #tpu.memory_space<vmem>>
        %parallel_loop3A_1437 = arith.index_cast %parallel_loop3A_1432 : i32 to index
        %parallel_loop3A_1438 = arith.index_cast %parallel_loop3A_1300 : i32 to index
        %parallel_loop3A_1439 = tpu.vector_load %parallel_loop3A_1436[%parallel_loop3A_1437, %parallel_loop3A_1438] {strides = array<i32>} : memref<16x1024xf32, #tpu.memory_space<vmem>>, vector<1x16xf32>,
        %parallel_loop3A_1440 = vector.shape_cast %parallel_loop3A_1439 : vector<1x16xf32> to vector<16xf32>
        %parallel_loop3A_1441 = arith.constant 3.200000e+01 : f32
        %parallel_loop3A_1442 = vector.broadcast %parallel_loop3A_1441 : f32 to vector<16xf32>
        %parallel_loop3A_1443 = arith.mulf %parallel_loop3A_1440, %parallel_loop3A_1442 : vector<16xf32>
        %parallel_loop3A_1444 = arith.addf %parallel_loop3A_1443, %parallel_loop3A_1408 : vector<16xf32>
        %parallel_loop3A_1445 = arith.constant 5 : i32
        %parallel_loop3A_1446 = arith.constant 0 : i32
        %parallel_loop3A_1447 = arith.constant 0 : i32
        %parallel_loop3A_1448 = tpu.memref_slice %arg7[%parallel_loop3A_1171, %parallel_loop3A_1446, %parallel_loop3A_1447] : memref<4x16x1024xf32, #tpu.memory_space<vmem>> -> memref<1x16x1024xf32, #tpu.memory_space<vmem>>
        %parallel_loop3A_1449 = tpu.memref_squeeze %parallel_loop3A_1448 : memref<1x16x1024xf32, #tpu.memory_space<vmem>> -> memref<16x1024xf32, #tpu.memory_space<vmem>>
        %parallel_loop3A_1450 = arith.index_cast %parallel_loop3A_1445 : i32 to index
        %parallel_loop3A_1451 = arith.index_cast %parallel_loop3A_1300 : i32 to index
        %parallel_loop3A_1452 = tpu.vector_load %parallel_loop3A_1449[%parallel_loop3A_1450, %parallel_loop3A_1451] {strides = array<i32>} : memref<16x1024xf32, #tpu.memory_space<vmem>>, vector<1x16xf32>,
        %parallel_loop3A_1453 = vector.shape_cast %parallel_loop3A_1452 : vector<1x16xf32> to vector<16xf32>
        %parallel_loop3A_1454 = vector.shape_cast %parallel_loop3A_1444 : vector<16xf32> to vector<1x16xf32>
        tpu.vector_store %parallel_loop3A_1449[%parallel_loop3A_1450, %parallel_loop3A_1451], %parallel_loop3A_1454 {strides = array<i32>} : memref<16x1024xf32, #tpu.memory_space<vmem>>, vector<1x16xf32>,
        %parallel_loop3A_1455 = arith.constant 6 : i32
        %parallel_loop3A_1456 = arith.constant 0 : i32
        %parallel_loop3A_1457 = arith.constant 0 : i32
        %parallel_loop3A_1458 = tpu.memref_slice %arg7[%parallel_loop3A_1171, %parallel_loop3A_1456, %parallel_loop3A_1457] : memref<4x16x1024xf32, #tpu.memory_space<vmem>> -> memref<1x16x1024xf32, #tpu.memory_space<vmem>>
        %parallel_loop3A_1459 = tpu.memref_squeeze %parallel_loop3A_1458 : memref<1x16x1024xf32, #tpu.memory_space<vmem>> -> memref<16x1024xf32, #tpu.memory_space<vmem>>
        %parallel_loop3A_1460 = arith.index_cast %parallel_loop3A_1455 : i32 to index
        %parallel_loop3A_1461 = arith.index_cast %parallel_loop3A_1300 : i32 to index
        %parallel_loop3A_1462 = tpu.vector_load %parallel_loop3A_1459[%parallel_loop3A_1460, %parallel_loop3A_1461] {strides = array<i32>} : memref<16x1024xf32, #tpu.memory_space<vmem>>, vector<1x16xf32>,
        %parallel_loop3A_1463 = vector.shape_cast %parallel_loop3A_1462 : vector<1x16xf32> to vector<16xf32>
        %parallel_loop3A_1464 = arith.constant 3.200000e+01 : f32
        %parallel_loop3A_1465 = vector.broadcast %parallel_loop3A_1464 : f32 to vector<16xf32>
        %parallel_loop3A_1466 = arith.mulf %parallel_loop3A_1463, %parallel_loop3A_1465 : vector<16xf32>
        %parallel_loop3A_1467 = arith.addf %parallel_loop3A_1466, %parallel_loop3A_1408 : vector<16xf32>
        %parallel_loop3A_1468 = arith.constant 6 : i32
        %parallel_loop3A_1469 = arith.constant 0 : i32
        %parallel_loop3A_1470 = arith.constant 0 : i32
        %parallel_loop3A_1471 = tpu.memref_slice %arg7[%parallel_loop3A_1171, %parallel_loop3A_1469, %parallel_loop3A_1470] : memref<4x16x1024xf32, #tpu.memory_space<vmem>> -> memref<1x16x1024xf32, #tpu.memory_space<vmem>>
        %parallel_loop3A_1472 = tpu.memref_squeeze %parallel_loop3A_1471 : memref<1x16x1024xf32, #tpu.memory_space<vmem>> -> memref<16x1024xf32, #tpu.memory_space<vmem>>
        %parallel_loop3A_1473 = arith.index_cast %parallel_loop3A_1468 : i32 to index
        %parallel_loop3A_1474 = arith.index_cast %parallel_loop3A_1300 : i32 to index
        %parallel_loop3A_1475 = tpu.vector_load %parallel_loop3A_1472[%parallel_loop3A_1473, %parallel_loop3A_1474] {strides = array<i32>} : memref<16x1024xf32, #tpu.memory_space<vmem>>, vector<1x16xf32>,
        %parallel_loop3A_1476 = vector.shape_cast %parallel_loop3A_1475 : vector<1x16xf32> to vector<16xf32>
        %parallel_loop3A_1477 = vector.shape_cast %parallel_loop3A_1467 : vector<16xf32> to vector<1x16xf32>
        tpu.vector_store %parallel_loop3A_1472[%parallel_loop3A_1473, %parallel_loop3A_1474], %parallel_loop3A_1477 {strides = array<i32>} : memref<16x1024xf32, #tpu.memory_space<vmem>>, vector<1x16xf32>,
        %parallel_loop3A_1478 = arith.constant 7 : i32
        %parallel_loop3A_1479 = arith.constant 0 : i32
        %parallel_loop3A_1480 = arith.constant 0 : i32
        %parallel_loop3A_1481 = tpu.memref_slice %arg7[%parallel_loop3A_1171, %parallel_loop3A_1479, %parallel_loop3A_1480] : memref<4x16x1024xf32, #tpu.memory_space<vmem>> -> memref<1x16x1024xf32, #tpu.memory_space<vmem>>
        %parallel_loop3A_1482 = tpu.memref_squeeze %parallel_loop3A_1481 : memref<1x16x1024xf32, #tpu.memory_space<vmem>> -> memref<16x1024xf32, #tpu.memory_space<vmem>>
        %parallel_loop3A_1483 = arith.index_cast %parallel_loop3A_1478 : i32 to index
        %parallel_loop3A_1484 = arith.index_cast %parallel_loop3A_1300 : i32 to index
        %parallel_loop3A_1485 = tpu.vector_load %parallel_loop3A_1482[%parallel_loop3A_1483, %parallel_loop3A_1484] {strides = array<i32>} : memref<16x1024xf32, #tpu.memory_space<vmem>>, vector<1x16xf32>,
        %parallel_loop3A_1486 = vector.shape_cast %parallel_loop3A_1485 : vector<1x16xf32> to vector<16xf32>
        %parallel_loop3A_1487 = arith.constant 3.200000e+01 : f32
        %parallel_loop3A_1488 = vector.broadcast %parallel_loop3A_1487 : f32 to vector<16xf32>
        %parallel_loop3A_1489 = arith.mulf %parallel_loop3A_1486, %parallel_loop3A_1488 : vector<16xf32>
        %parallel_loop3A_1490 = arith.addf %parallel_loop3A_1489, %parallel_loop3A_1408 : vector<16xf32>
        %parallel_loop3A_1491 = arith.constant 7 : i32
        %parallel_loop3A_1492 = arith.constant 0 : i32
        %parallel_loop3A_1493 = arith.constant 0 : i32
        %parallel_loop3A_1494 = tpu.memref_slice %arg7[%parallel_loop3A_1171, %parallel_loop3A_1492, %parallel_loop3A_1493] : memref<4x16x1024xf32, #tpu.memory_space<vmem>> -> memref<1x16x1024xf32, #tpu.memory_space<vmem>>
        %parallel_loop3A_1495 = tpu.memref_squeeze %parallel_loop3A_1494 : memref<1x16x1024xf32, #tpu.memory_space<vmem>> -> memref<16x1024xf32, #tpu.memory_space<vmem>>
        %parallel_loop3A_1496 = arith.index_cast %parallel_loop3A_1491 : i32 to index
        %parallel_loop3A_1497 = arith.index_cast %parallel_loop3A_1300 : i32 to index
        %parallel_loop3A_1498 = tpu.vector_load %parallel_loop3A_1495[%parallel_loop3A_1496, %parallel_loop3A_1497] {strides = array<i32>} : memref<16x1024xf32, #tpu.memory_space<vmem>>, vector<1x16xf32>,
        %parallel_loop3A_1499 = vector.shape_cast %parallel_loop3A_1498 : vector<1x16xf32> to vector<16xf32>
        %parallel_loop3A_1500 = vector.shape_cast %parallel_loop3A_1490 : vector<16xf32> to vector<1x16xf32>
        tpu.vector_store %parallel_loop3A_1495[%parallel_loop3A_1496, %parallel_loop3A_1497], %parallel_loop3A_1500 {strides = array<i32>} : memref<16x1024xf32, #tpu.memory_space<vmem>>, vector<1x16xf32>,
        %parallel_loop3A_1501 = arith.constant 2048 : i32
        %parallel_loop3A_1502 = arith.addi %parallel_loop3A_1501, %parallel_loop3A_1300 : i32
        %parallel_loop3A_1503 = arith.constant 0 : i32
        %parallel_loop3A_1504 = tpu.memref_slice %arg8[%parallel_loop3A_1170, %parallel_loop3A_1503] : memref<4x4096xf32, #tpu.memory_space<vmem>> -> memref<1x4096xf32, #tpu.memory_space<vmem>>
        %parallel_loop3A_1505 = tpu.memref_squeeze %parallel_loop3A_1504 : memref<1x4096xf32, #tpu.memory_space<vmem>> -> memref<4096xf32, #tpu.memory_space<vmem>>
        %parallel_loop3A_1506 = arith.index_cast %parallel_loop3A_1502 : i32 to index
        %parallel_loop3A_1507 = tpu.vector_load %parallel_loop3A_1505[%parallel_loop3A_1506] {strides = array<i32>} : memref<4096xf32, #tpu.memory_space<vmem>>, vector<16xf32>,
        %parallel_loop3A_1508 = vector.shape_cast %parallel_loop3A_1507 : vector<16xf32> to vector<16xf32>
        %parallel_loop3A_1509 = arith.constant 8 : i32
        %parallel_loop3A_1510 = arith.constant 0 : i32
        %parallel_loop3A_1511 = arith.constant 0 : i32
        %parallel_loop3A_1512 = tpu.memref_slice %arg7[%parallel_loop3A_1171, %parallel_loop3A_1510, %parallel_loop3A_1511] : memref<4x16x1024xf32, #tpu.memory_space<vmem>> -> memref<1x16x1024xf32, #tpu.memory_space<vmem>>
        %parallel_loop3A_1513 = tpu.memref_squeeze %parallel_loop3A_1512 : memref<1x16x1024xf32, #tpu.memory_space<vmem>> -> memref<16x1024xf32, #tpu.memory_space<vmem>>
        %parallel_loop3A_1514 = arith.index_cast %parallel_loop3A_1509 : i32 to index
        %parallel_loop3A_1515 = arith.index_cast %parallel_loop3A_1300 : i32 to index
        %parallel_loop3A_1516 = tpu.vector_load %parallel_loop3A_1513[%parallel_loop3A_1514, %parallel_loop3A_1515] {strides = array<i32>} : memref<16x1024xf32, #tpu.memory_space<vmem>>, vector<1x16xf32>,
        %parallel_loop3A_1517 = vector.shape_cast %parallel_loop3A_1516 : vector<1x16xf32> to vector<16xf32>
        %parallel_loop3A_1518 = arith.constant 3.200000e+01 : f32
        %parallel_loop3A_1519 = vector.broadcast %parallel_loop3A_1518 : f32 to vector<16xf32>
        %parallel_loop3A_1520 = arith.mulf %parallel_loop3A_1517, %parallel_loop3A_1519 : vector<16xf32>
        %parallel_loop3A_1521 = arith.addf %parallel_loop3A_1520, %parallel_loop3A_1508 : vector<16xf32>
        %parallel_loop3A_1522 = arith.constant 8 : i32
        %parallel_loop3A_1523 = arith.constant 0 : i32
        %parallel_loop3A_1524 = arith.constant 0 : i32
        %parallel_loop3A_1525 = tpu.memref_slice %arg7[%parallel_loop3A_1171, %parallel_loop3A_1523, %parallel_loop3A_1524] : memref<4x16x1024xf32, #tpu.memory_space<vmem>> -> memref<1x16x1024xf32, #tpu.memory_space<vmem>>
        %parallel_loop3A_1526 = tpu.memref_squeeze %parallel_loop3A_1525 : memref<1x16x1024xf32, #tpu.memory_space<vmem>> -> memref<16x1024xf32, #tpu.memory_space<vmem>>
        %parallel_loop3A_1527 = arith.index_cast %parallel_loop3A_1522 : i32 to index
        %parallel_loop3A_1528 = arith.index_cast %parallel_loop3A_1300 : i32 to index
        %parallel_loop3A_1529 = tpu.vector_load %parallel_loop3A_1526[%parallel_loop3A_1527, %parallel_loop3A_1528] {strides = array<i32>} : memref<16x1024xf32, #tpu.memory_space<vmem>>, vector<1x16xf32>,
        %parallel_loop3A_1530 = vector.shape_cast %parallel_loop3A_1529 : vector<1x16xf32> to vector<16xf32>
        %parallel_loop3A_1531 = vector.shape_cast %parallel_loop3A_1521 : vector<16xf32> to vector<1x16xf32>
        tpu.vector_store %parallel_loop3A_1526[%parallel_loop3A_1527, %parallel_loop3A_1528], %parallel_loop3A_1531 {strides = array<i32>} : memref<16x1024xf32, #tpu.memory_space<vmem>>, vector<1x16xf32>,
        %parallel_loop3A_1532 = arith.constant 9 : i32
        %parallel_loop3A_1533 = arith.constant 0 : i32
        %parallel_loop3A_1534 = arith.constant 0 : i32
        %parallel_loop3A_1535 = tpu.memref_slice %arg7[%parallel_loop3A_1171, %parallel_loop3A_1533, %parallel_loop3A_1534] : memref<4x16x1024xf32, #tpu.memory_space<vmem>> -> memref<1x16x1024xf32, #tpu.memory_space<vmem>>
        %parallel_loop3A_1536 = tpu.memref_squeeze %parallel_loop3A_1535 : memref<1x16x1024xf32, #tpu.memory_space<vmem>> -> memref<16x1024xf32, #tpu.memory_space<vmem>>
        %parallel_loop3A_1537 = arith.index_cast %parallel_loop3A_1532 : i32 to index
        %parallel_loop3A_1538 = arith.index_cast %parallel_loop3A_1300 : i32 to index
        %parallel_loop3A_1539 = tpu.vector_load %parallel_loop3A_1536[%parallel_loop3A_1537, %parallel_loop3A_1538] {strides = array<i32>} : memref<16x1024xf32, #tpu.memory_space<vmem>>, vector<1x16xf32>,
        %parallel_loop3A_1540 = vector.shape_cast %parallel_loop3A_1539 : vector<1x16xf32> to vector<16xf32>
        %parallel_loop3A_1541 = arith.constant 3.200000e+01 : f32
        %parallel_loop3A_1542 = vector.broadcast %parallel_loop3A_1541 : f32 to vector<16xf32>
        %parallel_loop3A_1543 = arith.mulf %parallel_loop3A_1540, %parallel_loop3A_1542 : vector<16xf32>
        %parallel_loop3A_1544 = arith.addf %parallel_loop3A_1543, %parallel_loop3A_1508 : vector<16xf32>
        %parallel_loop3A_1545 = arith.constant 9 : i32
        %parallel_loop3A_1546 = arith.constant 0 : i32
        %parallel_loop3A_1547 = arith.constant 0 : i32
        %parallel_loop3A_1548 = tpu.memref_slice %arg7[%parallel_loop3A_1171, %parallel_loop3A_1546, %parallel_loop3A_1547] : memref<4x16x1024xf32, #tpu.memory_space<vmem>> -> memref<1x16x1024xf32, #tpu.memory_space<vmem>>
        %parallel_loop3A_1549 = tpu.memref_squeeze %parallel_loop3A_1548 : memref<1x16x1024xf32, #tpu.memory_space<vmem>> -> memref<16x1024xf32, #tpu.memory_space<vmem>>
        %parallel_loop3A_1550 = arith.index_cast %parallel_loop3A_1545 : i32 to index
        %parallel_loop3A_1551 = arith.index_cast %parallel_loop3A_1300 : i32 to index
        %parallel_loop3A_1552 = tpu.vector_load %parallel_loop3A_1549[%parallel_loop3A_1550, %parallel_loop3A_1551] {strides = array<i32>} : memref<16x1024xf32, #tpu.memory_space<vmem>>, vector<1x16xf32>,
        %parallel_loop3A_1553 = vector.shape_cast %parallel_loop3A_1552 : vector<1x16xf32> to vector<16xf32>
        %parallel_loop3A_1554 = vector.shape_cast %parallel_loop3A_1544 : vector<16xf32> to vector<1x16xf32>
        tpu.vector_store %parallel_loop3A_1549[%parallel_loop3A_1550, %parallel_loop3A_1551], %parallel_loop3A_1554 {strides = array<i32>} : memref<16x1024xf32, #tpu.memory_space<vmem>>, vector<1x16xf32>,
        %parallel_loop3A_1555 = arith.constant 10 : i32
        %parallel_loop3A_1556 = arith.constant 0 : i32
        %parallel_loop3A_1557 = arith.constant 0 : i32
        %parallel_loop3A_1558 = tpu.memref_slice %arg7[%parallel_loop3A_1171, %parallel_loop3A_1556, %parallel_loop3A_1557] : memref<4x16x1024xf32, #tpu.memory_space<vmem>> -> memref<1x16x1024xf32, #tpu.memory_space<vmem>>
        %parallel_loop3A_1559 = tpu.memref_squeeze %parallel_loop3A_1558 : memref<1x16x1024xf32, #tpu.memory_space<vmem>> -> memref<16x1024xf32, #tpu.memory_space<vmem>>
        %parallel_loop3A_1560 = arith.index_cast %parallel_loop3A_1555 : i32 to index
        %parallel_loop3A_1561 = arith.index_cast %parallel_loop3A_1300 : i32 to index
        %parallel_loop3A_1562 = tpu.vector_load %parallel_loop3A_1559[%parallel_loop3A_1560, %parallel_loop3A_1561] {strides = array<i32>} : memref<16x1024xf32, #tpu.memory_space<vmem>>, vector<1x16xf32>,
        %parallel_loop3A_1563 = vector.shape_cast %parallel_loop3A_1562 : vector<1x16xf32> to vector<16xf32>
        %parallel_loop3A_1564 = arith.constant 3.200000e+01 : f32
        %parallel_loop3A_1565 = vector.broadcast %parallel_loop3A_1564 : f32 to vector<16xf32>
        %parallel_loop3A_1566 = arith.mulf %parallel_loop3A_1563, %parallel_loop3A_1565 : vector<16xf32>
        %parallel_loop3A_1567 = arith.addf %parallel_loop3A_1566, %parallel_loop3A_1508 : vector<16xf32>
        %parallel_loop3A_1568 = arith.constant 10 : i32
        %parallel_loop3A_1569 = arith.constant 0 : i32
        %parallel_loop3A_1570 = arith.constant 0 : i32
        %parallel_loop3A_1571 = tpu.memref_slice %arg7[%parallel_loop3A_1171, %parallel_loop3A_1569, %parallel_loop3A_1570] : memref<4x16x1024xf32, #tpu.memory_space<vmem>> -> memref<1x16x1024xf32, #tpu.memory_space<vmem>>
        %parallel_loop3A_1572 = tpu.memref_squeeze %parallel_loop3A_1571 : memref<1x16x1024xf32, #tpu.memory_space<vmem>> -> memref<16x1024xf32, #tpu.memory_space<vmem>>
        %parallel_loop3A_1573 = arith.index_cast %parallel_loop3A_1568 : i32 to index
        %parallel_loop3A_1574 = arith.index_cast %parallel_loop3A_1300 : i32 to index
        %parallel_loop3A_1575 = tpu.vector_load %parallel_loop3A_1572[%parallel_loop3A_1573, %parallel_loop3A_1574] {strides = array<i32>} : memref<16x1024xf32, #tpu.memory_space<vmem>>, vector<1x16xf32>,
        %parallel_loop3A_1576 = vector.shape_cast %parallel_loop3A_1575 : vector<1x16xf32> to vector<16xf32>
        %parallel_loop3A_1577 = vector.shape_cast %parallel_loop3A_1567 : vector<16xf32> to vector<1x16xf32>
        tpu.vector_store %parallel_loop3A_1572[%parallel_loop3A_1573, %parallel_loop3A_1574], %parallel_loop3A_1577 {strides = array<i32>} : memref<16x1024xf32, #tpu.memory_space<vmem>>, vector<1x16xf32>,
        %parallel_loop3A_1578 = arith.constant 11 : i32
        %parallel_loop3A_1579 = arith.constant 0 : i32
        %parallel_loop3A_1580 = arith.constant 0 : i32
        %parallel_loop3A_1581 = tpu.memref_slice %arg7[%parallel_loop3A_1171, %parallel_loop3A_1579, %parallel_loop3A_1580] : memref<4x16x1024xf32, #tpu.memory_space<vmem>> -> memref<1x16x1024xf32, #tpu.memory_space<vmem>>
        %parallel_loop3A_1582 = tpu.memref_squeeze %parallel_loop3A_1581 : memref<1x16x1024xf32, #tpu.memory_space<vmem>> -> memref<16x1024xf32, #tpu.memory_space<vmem>>
        %parallel_loop3A_1583 = arith.index_cast %parallel_loop3A_1578 : i32 to index
        %parallel_loop3A_1584 = arith.index_cast %parallel_loop3A_1300 : i32 to index
        %parallel_loop3A_1585 = tpu.vector_load %parallel_loop3A_1582[%parallel_loop3A_1583, %parallel_loop3A_1584] {strides = array<i32>} : memref<16x1024xf32, #tpu.memory_space<vmem>>, vector<1x16xf32>,
        %parallel_loop3A_1586 = vector.shape_cast %parallel_loop3A_1585 : vector<1x16xf32> to vector<16xf32>
        %parallel_loop3A_1587 = arith.constant 3.200000e+01 : f32
        %parallel_loop3A_1588 = vector.broadcast %parallel_loop3A_1587 : f32 to vector<16xf32>
        %parallel_loop3A_1589 = arith.mulf %parallel_loop3A_1586, %parallel_loop3A_1588 : vector<16xf32>
        %parallel_loop3A_1590 = arith.addf %parallel_loop3A_1589, %parallel_loop3A_1508 : vector<16xf32>
        %parallel_loop3A_1591 = arith.constant 11 : i32
        %parallel_loop3A_1592 = arith.constant 0 : i32
        %parallel_loop3A_1593 = arith.constant 0 : i32
        %parallel_loop3A_1594 = tpu.memref_slice %arg7[%parallel_loop3A_1171, %parallel_loop3A_1592, %parallel_loop3A_1593] : memref<4x16x1024xf32, #tpu.memory_space<vmem>> -> memref<1x16x1024xf32, #tpu.memory_space<vmem>>
        %parallel_loop3A_1595 = tpu.memref_squeeze %parallel_loop3A_1594 : memref<1x16x1024xf32, #tpu.memory_space<vmem>> -> memref<16x1024xf32, #tpu.memory_space<vmem>>
        %parallel_loop3A_1596 = arith.index_cast %parallel_loop3A_1591 : i32 to index
        %parallel_loop3A_1597 = arith.index_cast %parallel_loop3A_1300 : i32 to index
        %parallel_loop3A_1598 = tpu.vector_load %parallel_loop3A_1595[%parallel_loop3A_1596, %parallel_loop3A_1597] {strides = array<i32>} : memref<16x1024xf32, #tpu.memory_space<vmem>>, vector<1x16xf32>,
        %parallel_loop3A_1599 = vector.shape_cast %parallel_loop3A_1598 : vector<1x16xf32> to vector<16xf32>
        %parallel_loop3A_1600 = vector.shape_cast %parallel_loop3A_1590 : vector<16xf32> to vector<1x16xf32>
        tpu.vector_store %parallel_loop3A_1595[%parallel_loop3A_1596, %parallel_loop3A_1597], %parallel_loop3A_1600 {strides = array<i32>} : memref<16x1024xf32, #tpu.memory_space<vmem>>, vector<1x16xf32>,
        %parallel_loop3A_1601 = arith.constant 3072 : i32
        %parallel_loop3A_1602 = arith.addi %parallel_loop3A_1601, %parallel_loop3A_1300 : i32
        %parallel_loop3A_1603 = arith.constant 0 : i32
        %parallel_loop3A_1604 = tpu.memref_slice %arg8[%parallel_loop3A_1170, %parallel_loop3A_1603] : memref<4x4096xf32, #tpu.memory_space<vmem>> -> memref<1x4096xf32, #tpu.memory_space<vmem>>
        %parallel_loop3A_1605 = tpu.memref_squeeze %parallel_loop3A_1604 : memref<1x4096xf32, #tpu.memory_space<vmem>> -> memref<4096xf32, #tpu.memory_space<vmem>>
        %parallel_loop3A_1606 = arith.index_cast %parallel_loop3A_1602 : i32 to index
        %parallel_loop3A_1607 = tpu.vector_load %parallel_loop3A_1605[%parallel_loop3A_1606] {strides = array<i32>} : memref<4096xf32, #tpu.memory_space<vmem>>, vector<16xf32>,
        %parallel_loop3A_1608 = vector.shape_cast %parallel_loop3A_1607 : vector<16xf32> to vector<16xf32>
        %parallel_loop3A_1609 = arith.constant 12 : i32
        %parallel_loop3A_1610 = arith.constant 0 : i32
        %parallel_loop3A_1611 = arith.constant 0 : i32
        %parallel_loop3A_1612 = tpu.memref_slice %arg7[%parallel_loop3A_1171, %parallel_loop3A_1610, %parallel_loop3A_1611] : memref<4x16x1024xf32, #tpu.memory_space<vmem>> -> memref<1x16x1024xf32, #tpu.memory_space<vmem>>
        %parallel_loop3A_1613 = tpu.memref_squeeze %parallel_loop3A_1612 : memref<1x16x1024xf32, #tpu.memory_space<vmem>> -> memref<16x1024xf32, #tpu.memory_space<vmem>>
        %parallel_loop3A_1614 = arith.index_cast %parallel_loop3A_1609 : i32 to index
        %parallel_loop3A_1615 = arith.index_cast %parallel_loop3A_1300 : i32 to index
        %parallel_loop3A_1616 = tpu.vector_load %parallel_loop3A_1613[%parallel_loop3A_1614, %parallel_loop3A_1615] {strides = array<i32>} : memref<16x1024xf32, #tpu.memory_space<vmem>>, vector<1x16xf32>,
        %parallel_loop3A_1617 = vector.shape_cast %parallel_loop3A_1616 : vector<1x16xf32> to vector<16xf32>
        %parallel_loop3A_1618 = arith.constant 3.200000e+01 : f32
        %parallel_loop3A_1619 = vector.broadcast %parallel_loop3A_1618 : f32 to vector<16xf32>
        %parallel_loop3A_1620 = arith.mulf %parallel_loop3A_1617, %parallel_loop3A_1619 : vector<16xf32>
        %parallel_loop3A_1621 = arith.addf %parallel_loop3A_1620, %parallel_loop3A_1608 : vector<16xf32>
        %parallel_loop3A_1622 = arith.constant 12 : i32
        %parallel_loop3A_1623 = arith.constant 0 : i32
        %parallel_loop3A_1624 = arith.constant 0 : i32
        %parallel_loop3A_1625 = tpu.memref_slice %arg7[%parallel_loop3A_1171, %parallel_loop3A_1623, %parallel_loop3A_1624] : memref<4x16x1024xf32, #tpu.memory_space<vmem>> -> memref<1x16x1024xf32, #tpu.memory_space<vmem>>
        %parallel_loop3A_1626 = tpu.memref_squeeze %parallel_loop3A_1625 : memref<1x16x1024xf32, #tpu.memory_space<vmem>> -> memref<16x1024xf32, #tpu.memory_space<vmem>>
        %parallel_loop3A_1627 = arith.index_cast %parallel_loop3A_1622 : i32 to index
        %parallel_loop3A_1628 = arith.index_cast %parallel_loop3A_1300 : i32 to index
        %parallel_loop3A_1629 = tpu.vector_load %parallel_loop3A_1626[%parallel_loop3A_1627, %parallel_loop3A_1628] {strides = array<i32>} : memref<16x1024xf32, #tpu.memory_space<vmem>>, vector<1x16xf32>,
        %parallel_loop3A_1630 = vector.shape_cast %parallel_loop3A_1629 : vector<1x16xf32> to vector<16xf32>
        %parallel_loop3A_1631 = vector.shape_cast %parallel_loop3A_1621 : vector<16xf32> to vector<1x16xf32>
        tpu.vector_store %parallel_loop3A_1626[%parallel_loop3A_1627, %parallel_loop3A_1628], %parallel_loop3A_1631 {strides = array<i32>} : memref<16x1024xf32, #tpu.memory_space<vmem>>, vector<1x16xf32>,
        %parallel_loop3A_1632 = arith.constant 13 : i32
        %parallel_loop3A_1633 = arith.constant 0 : i32
        %parallel_loop3A_1634 = arith.constant 0 : i32
        %parallel_loop3A_1635 = tpu.memref_slice %arg7[%parallel_loop3A_1171, %parallel_loop3A_1633, %parallel_loop3A_1634] : memref<4x16x1024xf32, #tpu.memory_space<vmem>> -> memref<1x16x1024xf32, #tpu.memory_space<vmem>>
        %parallel_loop3A_1636 = tpu.memref_squeeze %parallel_loop3A_1635 : memref<1x16x1024xf32, #tpu.memory_space<vmem>> -> memref<16x1024xf32, #tpu.memory_space<vmem>>
        %parallel_loop3A_1637 = arith.index_cast %parallel_loop3A_1632 : i32 to index
        %parallel_loop3A_1638 = arith.index_cast %parallel_loop3A_1300 : i32 to index
        %parallel_loop3A_1639 = tpu.vector_load %parallel_loop3A_1636[%parallel_loop3A_1637, %parallel_loop3A_1638] {strides = array<i32>} : memref<16x1024xf32, #tpu.memory_space<vmem>>, vector<1x16xf32>,
        %parallel_loop3A_1640 = vector.shape_cast %parallel_loop3A_1639 : vector<1x16xf32> to vector<16xf32>
        %parallel_loop3A_1641 = arith.constant 3.200000e+01 : f32
        %parallel_loop3A_1642 = vector.broadcast %parallel_loop3A_1641 : f32 to vector<16xf32>
        %parallel_loop3A_1643 = arith.mulf %parallel_loop3A_1640, %parallel_loop3A_1642 : vector<16xf32>
        %parallel_loop3A_1644 = arith.addf %parallel_loop3A_1643, %parallel_loop3A_1608 : vector<16xf32>
        %parallel_loop3A_1645 = arith.constant 13 : i32
        %parallel_loop3A_1646 = arith.constant 0 : i32
        %parallel_loop3A_1647 = arith.constant 0 : i32
        %parallel_loop3A_1648 = tpu.memref_slice %arg7[%parallel_loop3A_1171, %parallel_loop3A_1646, %parallel_loop3A_1647] : memref<4x16x1024xf32, #tpu.memory_space<vmem>> -> memref<1x16x1024xf32, #tpu.memory_space<vmem>>
        %parallel_loop3A_1649 = tpu.memref_squeeze %parallel_loop3A_1648 : memref<1x16x1024xf32, #tpu.memory_space<vmem>> -> memref<16x1024xf32, #tpu.memory_space<vmem>>
        %parallel_loop3A_1650 = arith.index_cast %parallel_loop3A_1645 : i32 to index
        %parallel_loop3A_1651 = arith.index_cast %parallel_loop3A_1300 : i32 to index
        %parallel_loop3A_1652 = tpu.vector_load %parallel_loop3A_1649[%parallel_loop3A_1650, %parallel_loop3A_1651] {strides = array<i32>} : memref<16x1024xf32, #tpu.memory_space<vmem>>, vector<1x16xf32>,
        %parallel_loop3A_1653 = vector.shape_cast %parallel_loop3A_1652 : vector<1x16xf32> to vector<16xf32>
        %parallel_loop3A_1654 = vector.shape_cast %parallel_loop3A_1644 : vector<16xf32> to vector<1x16xf32>
        tpu.vector_store %parallel_loop3A_1649[%parallel_loop3A_1650, %parallel_loop3A_1651], %parallel_loop3A_1654 {strides = array<i32>} : memref<16x1024xf32, #tpu.memory_space<vmem>>, vector<1x16xf32>,
        %parallel_loop3A_1655 = arith.constant 14 : i32
        %parallel_loop3A_1656 = arith.constant 0 : i32
        %parallel_loop3A_1657 = arith.constant 0 : i32
        %parallel_loop3A_1658 = tpu.memref_slice %arg7[%parallel_loop3A_1171, %parallel_loop3A_1656, %parallel_loop3A_1657] : memref<4x16x1024xf32, #tpu.memory_space<vmem>> -> memref<1x16x1024xf32, #tpu.memory_space<vmem>>
        %parallel_loop3A_1659 = tpu.memref_squeeze %parallel_loop3A_1658 : memref<1x16x1024xf32, #tpu.memory_space<vmem>> -> memref<16x1024xf32, #tpu.memory_space<vmem>>
        %parallel_loop3A_1660 = arith.index_cast %parallel_loop3A_1655 : i32 to index
        %parallel_loop3A_1661 = arith.index_cast %parallel_loop3A_1300 : i32 to index
        %parallel_loop3A_1662 = tpu.vector_load %parallel_loop3A_1659[%parallel_loop3A_1660, %parallel_loop3A_1661] {strides = array<i32>} : memref<16x1024xf32, #tpu.memory_space<vmem>>, vector<1x16xf32>,
        %parallel_loop3A_1663 = vector.shape_cast %parallel_loop3A_1662 : vector<1x16xf32> to vector<16xf32>
        %parallel_loop3A_1664 = arith.constant 3.200000e+01 : f32
        %parallel_loop3A_1665 = vector.broadcast %parallel_loop3A_1664 : f32 to vector<16xf32>
        %parallel_loop3A_1666 = arith.mulf %parallel_loop3A_1663, %parallel_loop3A_1665 : vector<16xf32>
        %parallel_loop3A_1667 = arith.addf %parallel_loop3A_1666, %parallel_loop3A_1608 : vector<16xf32>
        %parallel_loop3A_1668 = arith.constant 14 : i32
        %parallel_loop3A_1669 = arith.constant 0 : i32
        %parallel_loop3A_1670 = arith.constant 0 : i32
        %parallel_loop3A_1671 = tpu.memref_slice %arg7[%parallel_loop3A_1171, %parallel_loop3A_1669, %parallel_loop3A_1670] : memref<4x16x1024xf32, #tpu.memory_space<vmem>> -> memref<1x16x1024xf32, #tpu.memory_space<vmem>>
        %parallel_loop3A_1672 = tpu.memref_squeeze %parallel_loop3A_1671 : memref<1x16x1024xf32, #tpu.memory_space<vmem>> -> memref<16x1024xf32, #tpu.memory_space<vmem>>
        %parallel_loop3A_1673 = arith.index_cast %parallel_loop3A_1668 : i32 to index
        %parallel_loop3A_1674 = arith.index_cast %parallel_loop3A_1300 : i32 to index
        %parallel_loop3A_1675 = tpu.vector_load %parallel_loop3A_1672[%parallel_loop3A_1673, %parallel_loop3A_1674] {strides = array<i32>} : memref<16x1024xf32, #tpu.memory_space<vmem>>, vector<1x16xf32>,
        %parallel_loop3A_1676 = vector.shape_cast %parallel_loop3A_1675 : vector<1x16xf32> to vector<16xf32>
        %parallel_loop3A_1677 = vector.shape_cast %parallel_loop3A_1667 : vector<16xf32> to vector<1x16xf32>
        tpu.vector_store %parallel_loop3A_1672[%parallel_loop3A_1673, %parallel_loop3A_1674], %parallel_loop3A_1677 {strides = array<i32>} : memref<16x1024xf32, #tpu.memory_space<vmem>>, vector<1x16xf32>,
        %parallel_loop3A_1678 = arith.constant 15 : i32
        %parallel_loop3A_1679 = arith.constant 0 : i32
        %parallel_loop3A_1680 = arith.constant 0 : i32
        %parallel_loop3A_1681 = tpu.memref_slice %arg7[%parallel_loop3A_1171, %parallel_loop3A_1679, %parallel_loop3A_1680] : memref<4x16x1024xf32, #tpu.memory_space<vmem>> -> memref<1x16x1024xf32, #tpu.memory_space<vmem>>
        %parallel_loop3A_1682 = tpu.memref_squeeze %parallel_loop3A_1681 : memref<1x16x1024xf32, #tpu.memory_space<vmem>> -> memref<16x1024xf32, #tpu.memory_space<vmem>>
        %parallel_loop3A_1683 = arith.index_cast %parallel_loop3A_1678 : i32 to index
        %parallel_loop3A_1684 = arith.index_cast %parallel_loop3A_1300 : i32 to index
        %parallel_loop3A_1685 = tpu.vector_load %parallel_loop3A_1682[%parallel_loop3A_1683, %parallel_loop3A_1684] {strides = array<i32>} : memref<16x1024xf32, #tpu.memory_space<vmem>>, vector<1x16xf32>,
        %parallel_loop3A_1686 = vector.shape_cast %parallel_loop3A_1685 : vector<1x16xf32> to vector<16xf32>
        %parallel_loop3A_1687 = arith.constant 3.200000e+01 : f32
        %parallel_loop3A_1688 = vector.broadcast %parallel_loop3A_1687 : f32 to vector<16xf32>
        %parallel_loop3A_1689 = arith.mulf %parallel_loop3A_1686, %parallel_loop3A_1688 : vector<16xf32>
        %parallel_loop3A_1690 = arith.addf %parallel_loop3A_1689, %parallel_loop3A_1608 : vector<16xf32>
        %parallel_loop3A_1691 = arith.constant 15 : i32
        %parallel_loop3A_1692 = arith.constant 0 : i32
        %parallel_loop3A_1693 = arith.constant 0 : i32
        %parallel_loop3A_1694 = tpu.memref_slice %arg7[%parallel_loop3A_1171, %parallel_loop3A_1692, %parallel_loop3A_1693] : memref<4x16x1024xf32, #tpu.memory_space<vmem>> -> memref<1x16x1024xf32, #tpu.memory_space<vmem>>
        %parallel_loop3A_1695 = tpu.memref_squeeze %parallel_loop3A_1694 : memref<1x16x1024xf32, #tpu.memory_space<vmem>> -> memref<16x1024xf32, #tpu.memory_space<vmem>>
        %parallel_loop3A_1696 = arith.index_cast %parallel_loop3A_1691 : i32 to index
        %parallel_loop3A_1697 = arith.index_cast %parallel_loop3A_1300 : i32 to index
        %parallel_loop3A_1698 = tpu.vector_load %parallel_loop3A_1695[%parallel_loop3A_1696, %parallel_loop3A_1697] {strides = array<i32>} : memref<16x1024xf32, #tpu.memory_space<vmem>>, vector<1x16xf32>,
        %parallel_loop3A_1699 = vector.shape_cast %parallel_loop3A_1698 : vector<1x16xf32> to vector<16xf32>
        %parallel_loop3A_1700 = vector.shape_cast %parallel_loop3A_1690 : vector<16xf32> to vector<1x16xf32>
        tpu.vector_store %parallel_loop3A_1695[%parallel_loop3A_1696, %parallel_loop3A_1697], %parallel_loop3A_1700 {strides = array<i32>} : memref<16x1024xf32, #tpu.memory_space<vmem>>, vector<1x16xf32>,
      } {sc.loop_unroll_factor = 4 : i64, sc.parallel_access}
      %mul3A_1172 = arith.constant 16 : i32
      %mul3A_1173 = arith.muli %add3A_1004, %mul3A_1172 : i32
      %add3A_1174 = arith.addi %multiple_of3A, %mul3A_1173 : i32
      %jit3A_1175 = arith.constant 4 : i32
      %div3A_1176 = arith.divsi %add3A_1174, %jit3A_1175 : i32
      %sign3A_1177 = arith.constant 0 : i32
      %sign3A_1178 = arith.cmpi sgt, %add3A_1174, %sign3A_1177 : i32
      %sign3A_1179 = arith.extui %sign3A_1178 : i1 to i32
      %sign3A_1180 = arith.constant 0 : i32
      %sign3A_1181 = arith.cmpi slt, %add3A_1174, %sign3A_1180 : i32
      %sign3A_1182 = arith.extui %sign3A_1181 : i1 to i32
      %sign3A_1183 = arith.subi %sign3A_1179, %sign3A_1182 : i32
      %sign3A_1184 = arith.constant 0 : i32
      %sign3A_1185 = arith.cmpi sgt, %jit3A_1175, %sign3A_1184 : i32
      %sign3A_1186 = arith.extui %sign3A_1185 : i1 to i32
      %sign3A_1187 = arith.constant 0 : i32
      %sign3A_1188 = arith.cmpi slt, %jit3A_1175, %sign3A_1187 : i32
      %sign3A_1189 = arith.extui %sign3A_1188 : i1 to i32
      %sign3A_1190 = arith.subi %sign3A_1186, %sign3A_1189 : i32
      %ne3A_1191 = arith.cmpi ne, %sign3A_1183, %sign3A_1190 : i32
      %rem3A_1192 = arith.remsi %add3A_1174, %jit3A_1175 : i32
      %ne3A_1193 = arith.constant 0 : i32
      %ne3A_1194 = arith.cmpi ne, %rem3A_1192, %ne3A_1193 : i32
      %and3A_1195 = arith.andi %ne3A_1191, %ne3A_1194 : i1
      %sub3A_1196 = arith.constant 1 : i32
      %sub3A_1197 = arith.subi %div3A_1176, %sub3A_1196 : i32
      %select_n3A_1198 = arith.select %and3A_1195, %sub3A_1197, %div3A_1176 : i32
      %multiple_of3A_1199 = tpu.assume_multiple %select_n3A_1198, 4 : i32
      %add3A_1200 = arith.constant 0 : i32
      %add3A_1201 = arith.addi %multiple_of3A_1199, %add3A_1200 : i32
      %dma_start3A_1202 = arith.constant 3 : i32
      %dma_start3A_1203 = arith.constant 0 : i32
      %dma_start3A_1204 = arith.constant 0 : i32
      %dma_start3A_1205 = tpu.memref_slice %arg7[%dma_start3A_1202, %dma_start3A_1203, %dma_start3A_1204] : memref<4x16x1024xf32, #tpu.memory_space<vmem>> -> memref<1x16x1024xf32, #tpu.memory_space<vmem>>
      %dma_start3A_1206 = tpu.memref_squeeze %dma_start3A_1205 : memref<1x16x1024xf32, #tpu.memory_space<vmem>> -> memref<16x1024xf32, #tpu.memory_space<vmem>>
      %dma_start3A_1207 = arith.constant 0 : i32
      %dma_start3A_1208 = arith.constant 0 : i32
      %dma_start3A_1209 = tpu.memref_slice %dma_start3A_1206[%dma_start3A_1207, %dma_start3A_1208] : memref<16x1024xf32, #tpu.memory_space<vmem>> -> memref<4x1024xf32, #tpu.memory_space<vmem>>
      %dma_start3A_1210 = arith.constant 0 : i32
      %dma_start3A_1211 = arith.constant 0 : i32
      %dma_start3A_1212 = tpu.memref_slice %arg5[%add3A_1201, %dma_start3A_1210, %dma_start3A_1211] : memref<4096x4x1024xf32, #tpu.memory_space<hbm>> -> memref<1x4x1024xf32, #tpu.memory_space<hbm>>
      %dma_start3A_1213 = tpu.memref_squeeze %dma_start3A_1212 : memref<1x4x1024xf32, #tpu.memory_space<hbm>> -> memref<4x1024xf32, #tpu.memory_space<hbm>>
      %dma_start3A_1214 = arith.constant 0 : i32
      %dma_start3A_1215 = arith.constant 0 : i32
      %dma_start3A_1216 = tpu.memref_slice %arg5[%add3A_1201, %dma_start3A_1214, %dma_start3A_1215] : memref<4096x4x1024xf32, #tpu.memory_space<hbm>> -> memref<1x4x1024xf32, #tpu.memory_space<hbm>>
      %dma_start3A_1217 = tpu.memref_squeeze %dma_start3A_1216 : memref<1x4x1024xf32, #tpu.memory_space<hbm>> -> memref<4x1024xf32, #tpu.memory_space<hbm>>
      %dma_start3A_1218 = arith.constant 0 : i32
      %dma_start3A_1219 = arith.constant 0 : i32
      %dma_start3A_1220 = tpu.memref_slice %arg7[%dma_start3A_1202, %dma_start3A_1218, %dma_start3A_1219] : memref<4x16x1024xf32, #tpu.memory_space<vmem>> -> memref<1x16x1024xf32, #tpu.memory_space<vmem>>
      %dma_start3A_1221 = tpu.memref_squeeze %dma_start3A_1220 : memref<1x16x1024xf32, #tpu.memory_space<vmem>> -> memref<16x1024xf32, #tpu.memory_space<vmem>>
      %dma_start3A_1222 = arith.constant 0 : i32
      %dma_start3A_1223 = arith.constant 0 : i32
      %dma_start3A_1224 = tpu.memref_slice %dma_start3A_1221[%dma_start3A_1222, %dma_start3A_1223] : memref<16x1024xf32, #tpu.memory_space<vmem>> -> memref<4x1024xf32, #tpu.memory_space<vmem>>
      tpu.enqueue_dma source(%dma_start3A_1224 : memref<4x1024xf32, #tpu.memory_space<vmem>>) target(%dma_start3A_1217 : memref<4x1024xf32, #tpu.memory_space<hbm>>) target_semaphore(%arg20 : memref<!tpu.dma_semaphore, #tpu.memory_space<semaphore_mem>>)
      %add3A_1225 = arith.constant 1 : i32
      %add3A_1226 = arith.addi %multiple_of3A_1199, %add3A_1225 : i32
      %dma_start3A_1227 = arith.constant 3 : i32
      %dma_start3A_1228 = arith.constant 0 : i32
      %dma_start3A_1229 = arith.constant 0 : i32
      %dma_start3A_1230 = tpu.memref_slice %arg7[%dma_start3A_1227, %dma_start3A_1228, %dma_start3A_1229] : memref<4x16x1024xf32, #tpu.memory_space<vmem>> -> memref<1x16x1024xf32, #tpu.memory_space<vmem>>
      %dma_start3A_1231 = tpu.memref_squeeze %dma_start3A_1230 : memref<1x16x1024xf32, #tpu.memory_space<vmem>> -> memref<16x1024xf32, #tpu.memory_space<vmem>>
      %dma_start3A_1232 = arith.constant 4 : i32
      %dma_start3A_1233 = arith.constant 0 : i32
      %dma_start3A_1234 = tpu.memref_slice %dma_start3A_1231[%dma_start3A_1232, %dma_start3A_1233] : memref<16x1024xf32, #tpu.memory_space<vmem>> -> memref<4x1024xf32, #tpu.memory_space<vmem>>
      %dma_start3A_1235 = arith.constant 0 : i32
      %dma_start3A_1236 = arith.constant 0 : i32
      %dma_start3A_1237 = tpu.memref_slice %arg5[%add3A_1226, %dma_start3A_1235, %dma_start3A_1236] : memref<4096x4x1024xf32, #tpu.memory_space<hbm>> -> memref<1x4x1024xf32, #tpu.memory_space<hbm>>
      %dma_start3A_1238 = tpu.memref_squeeze %dma_start3A_1237 : memref<1x4x1024xf32, #tpu.memory_space<hbm>> -> memref<4x1024xf32, #tpu.memory_space<hbm>>
      %dma_start3A_1239 = arith.constant 0 : i32
      %dma_start3A_1240 = arith.constant 0 : i32
      %dma_start3A_1241 = tpu.memref_slice %arg5[%add3A_1226, %dma_start3A_1239, %dma_start3A_1240] : memref<4096x4x1024xf32, #tpu.memory_space<hbm>> -> memref<1x4x1024xf32, #tpu.memory_space<hbm>>
      %dma_start3A_1242 = tpu.memref_squeeze %dma_start3A_1241 : memref<1x4x1024xf32, #tpu.memory_space<hbm>> -> memref<4x1024xf32, #tpu.memory_space<hbm>>
      %dma_start3A_1243 = arith.constant 0 : i32
      %dma_start3A_1244 = arith.constant 0 : i32
      %dma_start3A_1245 = tpu.memref_slice %arg7[%dma_start3A_1227, %dma_start3A_1243, %dma_start3A_1244] : memref<4x16x1024xf32, #tpu.memory_space<vmem>> -> memref<1x16x1024xf32, #tpu.memory_space<vmem>>
      %dma_start3A_1246 = tpu.memref_squeeze %dma_start3A_1245 : memref<1x16x1024xf32, #tpu.memory_space<vmem>> -> memref<16x1024xf32, #tpu.memory_space<vmem>>
      %dma_start3A_1247 = arith.constant 4 : i32
      %dma_start3A_1248 = arith.constant 0 : i32
      %dma_start3A_1249 = tpu.memref_slice %dma_start3A_1246[%dma_start3A_1247, %dma_start3A_1248] : memref<16x1024xf32, #tpu.memory_space<vmem>> -> memref<4x1024xf32, #tpu.memory_space<vmem>>
      tpu.enqueue_dma source(%dma_start3A_1249 : memref<4x1024xf32, #tpu.memory_space<vmem>>) target(%dma_start3A_1242 : memref<4x1024xf32, #tpu.memory_space<hbm>>) target_semaphore(%arg20 : memref<!tpu.dma_semaphore, #tpu.memory_space<semaphore_mem>>)
      %add3A_1250 = arith.constant 2 : i32
      %add3A_1251 = arith.addi %multiple_of3A_1199, %add3A_1250 : i32
      %dma_start3A_1252 = arith.constant 3 : i32
      %dma_start3A_1253 = arith.constant 0 : i32
      %dma_start3A_1254 = arith.constant 0 : i32
      %dma_start3A_1255 = tpu.memref_slice %arg7[%dma_start3A_1252, %dma_start3A_1253, %dma_start3A_1254] : memref<4x16x1024xf32, #tpu.memory_space<vmem>> -> memref<1x16x1024xf32, #tpu.memory_space<vmem>>
      %dma_start3A_1256 = tpu.memref_squeeze %dma_start3A_1255 : memref<1x16x1024xf32, #tpu.memory_space<vmem>> -> memref<16x1024xf32, #tpu.memory_space<vmem>>
      %dma_start3A_1257 = arith.constant 8 : i32
      %dma_start3A_1258 = arith.constant 0 : i32
      %dma_start3A_1259 = tpu.memref_slice %dma_start3A_1256[%dma_start3A_1257, %dma_start3A_1258] : memref<16x1024xf32, #tpu.memory_space<vmem>> -> memref<4x1024xf32, #tpu.memory_space<vmem>>
      %dma_start3A_1260 = arith.constant 0 : i32
      %dma_start3A_1261 = arith.constant 0 : i32
      %dma_start3A_1262 = tpu.memref_slice %arg5[%add3A_1251, %dma_start3A_1260, %dma_start3A_1261] : memref<4096x4x1024xf32, #tpu.memory_space<hbm>> -> memref<1x4x1024xf32, #tpu.memory_space<hbm>>
      %dma_start3A_1263 = tpu.memref_squeeze %dma_start3A_1262 : memref<1x4x1024xf32, #tpu.memory_space<hbm>> -> memref<4x1024xf32, #tpu.memory_space<hbm>>
      %dma_start3A_1264 = arith.constant 0 : i32
      %dma_start3A_1265 = arith.constant 0 : i32
      %dma_start3A_1266 = tpu.memref_slice %arg5[%add3A_1251, %dma_start3A_1264, %dma_start3A_1265] : memref<4096x4x1024xf32, #tpu.memory_space<hbm>> -> memref<1x4x1024xf32, #tpu.memory_space<hbm>>
      %dma_start3A_1267 = tpu.memref_squeeze %dma_start3A_1266 : memref<1x4x1024xf32, #tpu.memory_space<hbm>> -> memref<4x1024xf32, #tpu.memory_space<hbm>>
      %dma_start3A_1268 = arith.constant 0 : i32
      %dma_start3A_1269 = arith.constant 0 : i32
      %dma_start3A_1270 = tpu.memref_slice %arg7[%dma_start3A_1252, %dma_start3A_1268, %dma_start3A_1269] : memref<4x16x1024xf32, #tpu.memory_space<vmem>> -> memref<1x16x1024xf32, #tpu.memory_space<vmem>>
      %dma_start3A_1271 = tpu.memref_squeeze %dma_start3A_1270 : memref<1x16x1024xf32, #tpu.memory_space<vmem>> -> memref<16x1024xf32, #tpu.memory_space<vmem>>
      %dma_start3A_1272 = arith.constant 8 : i32
      %dma_start3A_1273 = arith.constant 0 : i32
      %dma_start3A_1274 = tpu.memref_slice %dma_start3A_1271[%dma_start3A_1272, %dma_start3A_1273] : memref<16x1024xf32, #tpu.memory_space<vmem>> -> memref<4x1024xf32, #tpu.memory_space<vmem>>
      tpu.enqueue_dma source(%dma_start3A_1274 : memref<4x1024xf32, #tpu.memory_space<vmem>>) target(%dma_start3A_1267 : memref<4x1024xf32, #tpu.memory_space<hbm>>) target_semaphore(%arg20 : memref<!tpu.dma_semaphore, #tpu.memory_space<semaphore_mem>>)
      %add3A_1275 = arith.constant 3 : i32
      %add3A_1276 = arith.addi %multiple_of3A_1199, %add3A_1275 : i32
      %dma_start3A_1277 = arith.constant 3 : i32
      %dma_start3A_1278 = arith.constant 0 : i32
      %dma_start3A_1279 = arith.constant 0 : i32
      %dma_start3A_1280 = tpu.memref_slice %arg7[%dma_start3A_1277, %dma_start3A_1278, %dma_start3A_1279] : memref<4x16x1024xf32, #tpu.memory_space<vmem>> -> memref<1x16x1024xf32, #tpu.memory_space<vmem>>
      %dma_start3A_1281 = tpu.memref_squeeze %dma_start3A_1280 : memref<1x16x1024xf32, #tpu.memory_space<vmem>> -> memref<16x1024xf32, #tpu.memory_space<vmem>>
      %dma_start3A_1282 = arith.constant 12 : i32
      %dma_start3A_1283 = arith.constant 0 : i32
      %dma_start3A_1284 = tpu.memref_slice %dma_start3A_1281[%dma_start3A_1282, %dma_start3A_1283] : memref<16x1024xf32, #tpu.memory_space<vmem>> -> memref<4x1024xf32, #tpu.memory_space<vmem>>
      %dma_start3A_1285 = arith.constant 0 : i32
      %dma_start3A_1286 = arith.constant 0 : i32
      %dma_start3A_1287 = tpu.memref_slice %arg5[%add3A_1276, %dma_start3A_1285, %dma_start3A_1286] : memref<4096x4x1024xf32, #tpu.memory_space<hbm>> -> memref<1x4x1024xf32, #tpu.memory_space<hbm>>
      %dma_start3A_1288 = tpu.memref_squeeze %dma_start3A_1287 : memref<1x4x1024xf32, #tpu.memory_space<hbm>> -> memref<4x1024xf32, #tpu.memory_space<hbm>>
      %dma_start3A_1289 = arith.constant 0 : i32
      %dma_start3A_1290 = arith.constant 0 : i32
      %dma_start3A_1291 = tpu.memref_slice %arg5[%add3A_1276, %dma_start3A_1289, %dma_start3A_1290] : memref<4096x4x1024xf32, #tpu.memory_space<hbm>> -> memref<1x4x1024xf32, #tpu.memory_space<hbm>>
      %dma_start3A_1292 = tpu.memref_squeeze %dma_start3A_1291 : memref<1x4x1024xf32, #tpu.memory_space<hbm>> -> memref<4x1024xf32, #tpu.memory_space<hbm>>
      %dma_start3A_1293 = arith.constant 0 : i32
      %dma_start3A_1294 = arith.constant 0 : i32
      %dma_start3A_1295 = tpu.memref_slice %arg7[%dma_start3A_1277, %dma_start3A_1293, %dma_start3A_1294] : memref<4x16x1024xf32, #tpu.memory_space<vmem>> -> memref<1x16x1024xf32, #tpu.memory_space<vmem>>
      %dma_start3A_1296 = tpu.memref_squeeze %dma_start3A_1295 : memref<1x16x1024xf32, #tpu.memory_space<vmem>> -> memref<16x1024xf32, #tpu.memory_space<vmem>>
      %dma_start3A_1297 = arith.constant 12 : i32
      %dma_start3A_1298 = arith.constant 0 : i32
      %dma_start3A_1299 = tpu.memref_slice %dma_start3A_1296[%dma_start3A_1297, %dma_start3A_1298] : memref<16x1024xf32, #tpu.memory_space<vmem>> -> memref<4x1024xf32, #tpu.memory_space<vmem>>
      tpu.enqueue_dma source(%dma_start3A_1299 : memref<4x1024xf32, #tpu.memory_space<vmem>>) target(%dma_start3A_1292 : memref<4x1024xf32, #tpu.memory_space<hbm>>) target_semaphore(%arg20 : memref<!tpu.dma_semaphore, #tpu.memory_space<semaphore_mem>>)
    }
    %scan3A_56 = arith.constant 8 : i32
    %add3A_57 = arith.constant 480 : i32
    %add3A_58 = arith.addi %multiple_of3A, %add3A_57 : i32
    %jit3A = arith.constant 4 : i32
    %div3A = arith.divsi %add3A_58, %jit3A : i32
    %sign3A = arith.constant 0 : i32
    %sign3A_59 = arith.cmpi sgt, %add3A_58, %sign3A : i32
    %sign3A_60 = arith.extui %sign3A_59 : i1 to i32
    %sign3A_61 = arith.constant 0 : i32
    %sign3A_62 = arith.cmpi slt, %add3A_58, %sign3A_61 : i32
    %sign3A_63 = arith.extui %sign3A_62 : i1 to i32
    %sign3A_64 = arith.subi %sign3A_60, %sign3A_63 : i32
    %sign3A_65 = arith.constant 0 : i32
    %sign3A_66 = arith.cmpi sgt, %jit3A, %sign3A_65 : i32
    %sign3A_67 = arith.extui %sign3A_66 : i1 to i32
    %sign3A_68 = arith.constant 0 : i32
    %sign3A_69 = arith.cmpi slt, %jit3A, %sign3A_68 : i32
    %sign3A_70 = arith.extui %sign3A_69 : i1 to i32
    %sign3A_71 = arith.subi %sign3A_67, %sign3A_70 : i32
    %ne3A = arith.cmpi ne, %sign3A_64, %sign3A_71 : i32
    %rem3A = arith.remsi %add3A_58, %jit3A : i32
    %ne3A_72 = arith.constant 0 : i32
    %ne3A_73 = arith.cmpi ne, %rem3A, %ne3A_72 : i32
    %and3A = arith.andi %ne3A, %ne3A_73 : i1
    %sub3A = arith.constant 1 : i32
    %sub3A_74 = arith.subi %div3A, %sub3A : i32
    %select_n3A = arith.select %and3A, %sub3A_74, %div3A : i32
    %multiple_of3A_75 = tpu.assume_multiple %select_n3A, 4 : i32
    %add3A_76 = arith.constant 0 : i32
    %add3A_77 = arith.addi %multiple_of3A_75, %add3A_76 : i32
    %dma_wait3A = arith.constant 2 : i32
    %dma_wait3A_78 = arith.constant 0 : i32
    %dma_wait3A_79 = arith.constant 0 : i32
    %dma_wait3A_80 = tpu.memref_slice %arg7[%dma_wait3A, %dma_wait3A_78, %dma_wait3A_79] : memref<4x16x1024xf32, #tpu.memory_space<vmem>> -> memref<1x16x1024xf32, #tpu.memory_space<vmem>>
    %dma_wait3A_81 = tpu.memref_squeeze %dma_wait3A_80 : memref<1x16x1024xf32, #tpu.memory_space<vmem>> -> memref<16x1024xf32, #tpu.memory_space<vmem>>
    %dma_wait3A_82 = arith.constant 0 : i32
    %dma_wait3A_83 = arith.constant 0 : i32
    %dma_wait3A_84 = tpu.memref_slice %dma_wait3A_81[%dma_wait3A_82, %dma_wait3A_83] : memref<16x1024xf32, #tpu.memory_space<vmem>> -> memref<4x1024xf32, #tpu.memory_space<vmem>>
    %dma_wait3A_85 = arith.constant 0 : i32
    %dma_wait3A_86 = arith.constant 0 : i32
    %dma_wait3A_87 = tpu.memref_slice %arg5[%add3A_77, %dma_wait3A_85, %dma_wait3A_86] : memref<4096x4x1024xf32, #tpu.memory_space<hbm>> -> memref<1x4x1024xf32, #tpu.memory_space<hbm>>
    %dma_wait3A_88 = tpu.memref_squeeze %dma_wait3A_87 : memref<1x4x1024xf32, #tpu.memory_space<hbm>> -> memref<4x1024xf32, #tpu.memory_space<hbm>>
    %dma_wait3A_89 = arith.constant 0 : i32
    %dma_wait3A_90 = arith.constant 0 : i32
    %dma_wait3A_91 = tpu.memref_slice %arg5[%add3A_77, %dma_wait3A_89, %dma_wait3A_90] : memref<4096x4x1024xf32, #tpu.memory_space<hbm>> -> memref<1x4x1024xf32, #tpu.memory_space<hbm>>
    %dma_wait3A_92 = tpu.memref_squeeze %dma_wait3A_91 : memref<1x4x1024xf32, #tpu.memory_space<hbm>> -> memref<4x1024xf32, #tpu.memory_space<hbm>>
    %dma_wait3A_93 = arith.constant 0 : i32
    %dma_wait3A_94 = arith.constant 0 : i32
    %dma_wait3A_95 = tpu.memref_slice %arg7[%dma_wait3A, %dma_wait3A_93, %dma_wait3A_94] : memref<4x16x1024xf32, #tpu.memory_space<vmem>> -> memref<1x16x1024xf32, #tpu.memory_space<vmem>>
    %dma_wait3A_96 = tpu.memref_squeeze %dma_wait3A_95 : memref<1x16x1024xf32, #tpu.memory_space<vmem>> -> memref<16x1024xf32, #tpu.memory_space<vmem>>
    %dma_wait3A_97 = arith.constant 0 : i32
    %dma_wait3A_98 = arith.constant 0 : i32
    %dma_wait3A_99 = tpu.memref_slice %dma_wait3A_96[%dma_wait3A_97, %dma_wait3A_98] : memref<16x1024xf32, #tpu.memory_space<vmem>> -> memref<4x1024xf32, #tpu.memory_space<vmem>>
    tpu.wait_dma2 semaphore(%arg19 : memref<!tpu.dma_semaphore, #tpu.memory_space<semaphore_mem>>) src(%dma_wait3A_99 : memref<4x1024xf32, #tpu.memory_space<vmem>>) dst(%dma_wait3A_92 : memref<4x1024xf32, #tpu.memory_space<hbm>>)
    %add3A_100 = arith.constant 1 : i32
    %add3A_101 = arith.addi %multiple_of3A_75, %add3A_100 : i32
    %dma_wait3A_102 = arith.constant 2 : i32
    %dma_wait3A_103 = arith.constant 0 : i32
    %dma_wait3A_104 = arith.constant 0 : i32
    %dma_wait3A_105 = tpu.memref_slice %arg7[%dma_wait3A_102, %dma_wait3A_103, %dma_wait3A_104] : memref<4x16x1024xf32, #tpu.memory_space<vmem>> -> memref<1x16x1024xf32, #tpu.memory_space<vmem>>
    %dma_wait3A_106 = tpu.memref_squeeze %dma_wait3A_105 : memref<1x16x1024xf32, #tpu.memory_space<vmem>> -> memref<16x1024xf32, #tpu.memory_space<vmem>>
    %dma_wait3A_107 = arith.constant 4 : i32
    %dma_wait3A_108 = arith.constant 0 : i32
    %dma_wait3A_109 = tpu.memref_slice %dma_wait3A_106[%dma_wait3A_107, %dma_wait3A_108] : memref<16x1024xf32, #tpu.memory_space<vmem>> -> memref<4x1024xf32, #tpu.memory_space<vmem>>
    %dma_wait3A_110 = arith.constant 0 : i32
    %dma_wait3A_111 = arith.constant 0 : i32
    %dma_wait3A_112 = tpu.memref_slice %arg5[%add3A_101, %dma_wait3A_110, %dma_wait3A_111] : memref<4096x4x1024xf32, #tpu.memory_space<hbm>> -> memref<1x4x1024xf32, #tpu.memory_space<hbm>>
    %dma_wait3A_113 = tpu.memref_squeeze %dma_wait3A_112 : memref<1x4x1024xf32, #tpu.memory_space<hbm>> -> memref<4x1024xf32, #tpu.memory_space<hbm>>
    %dma_wait3A_114 = arith.constant 0 : i32
    %dma_wait3A_115 = arith.constant 0 : i32
    %dma_wait3A_116 = tpu.memref_slice %arg5[%add3A_101, %dma_wait3A_114, %dma_wait3A_115] : memref<4096x4x1024xf32, #tpu.memory_space<hbm>> -> memref<1x4x1024xf32, #tpu.memory_space<hbm>>
    %dma_wait3A_117 = tpu.memref_squeeze %dma_wait3A_116 : memref<1x4x1024xf32, #tpu.memory_space<hbm>> -> memref<4x1024xf32, #tpu.memory_space<hbm>>
    %dma_wait3A_118 = arith.constant 0 : i32
    %dma_wait3A_119 = arith.constant 0 : i32
    %dma_wait3A_120 = tpu.memref_slice %arg7[%dma_wait3A_102, %dma_wait3A_118, %dma_wait3A_119] : memref<4x16x1024xf32, #tpu.memory_space<vmem>> -> memref<1x16x1024xf32, #tpu.memory_space<vmem>>
    %dma_wait3A_121 = tpu.memref_squeeze %dma_wait3A_120 : memref<1x16x1024xf32, #tpu.memory_space<vmem>> -> memref<16x1024xf32, #tpu.memory_space<vmem>>
    %dma_wait3A_122 = arith.constant 4 : i32
    %dma_wait3A_123 = arith.constant 0 : i32
    %dma_wait3A_124 = tpu.memref_slice %dma_wait3A_121[%dma_wait3A_122, %dma_wait3A_123] : memref<16x1024xf32, #tpu.memory_space<vmem>> -> memref<4x1024xf32, #tpu.memory_space<vmem>>
    tpu.wait_dma2 semaphore(%arg19 : memref<!tpu.dma_semaphore, #tpu.memory_space<semaphore_mem>>) src(%dma_wait3A_124 : memref<4x1024xf32, #tpu.memory_space<vmem>>) dst(%dma_wait3A_117 : memref<4x1024xf32, #tpu.memory_space<hbm>>)
    %add3A_125 = arith.constant 2 : i32
    %add3A_126 = arith.addi %multiple_of3A_75, %add3A_125 : i32
    %dma_wait3A_127 = arith.constant 2 : i32
    %dma_wait3A_128 = arith.constant 0 : i32
    %dma_wait3A_129 = arith.constant 0 : i32
    %dma_wait3A_130 = tpu.memref_slice %arg7[%dma_wait3A_127, %dma_wait3A_128, %dma_wait3A_129] : memref<4x16x1024xf32, #tpu.memory_space<vmem>> -> memref<1x16x1024xf32, #tpu.memory_space<vmem>>
    %dma_wait3A_131 = tpu.memref_squeeze %dma_wait3A_130 : memref<1x16x1024xf32, #tpu.memory_space<vmem>> -> memref<16x1024xf32, #tpu.memory_space<vmem>>
    %dma_wait3A_132 = arith.constant 8 : i32
    %dma_wait3A_133 = arith.constant 0 : i32
    %dma_wait3A_134 = tpu.memref_slice %dma_wait3A_131[%dma_wait3A_132, %dma_wait3A_133] : memref<16x1024xf32, #tpu.memory_space<vmem>> -> memref<4x1024xf32, #tpu.memory_space<vmem>>
    %dma_wait3A_135 = arith.constant 0 : i32
    %dma_wait3A_136 = arith.constant 0 : i32
    %dma_wait3A_137 = tpu.memref_slice %arg5[%add3A_126, %dma_wait3A_135, %dma_wait3A_136] : memref<4096x4x1024xf32, #tpu.memory_space<hbm>> -> memref<1x4x1024xf32, #tpu.memory_space<hbm>>
    %dma_wait3A_138 = tpu.memref_squeeze %dma_wait3A_137 : memref<1x4x1024xf32, #tpu.memory_space<hbm>> -> memref<4x1024xf32, #tpu.memory_space<hbm>>
    %dma_wait3A_139 = arith.constant 0 : i32
    %dma_wait3A_140 = arith.constant 0 : i32
    %dma_wait3A_141 = tpu.memref_slice %arg5[%add3A_126, %dma_wait3A_139, %dma_wait3A_140] : memref<4096x4x1024xf32, #tpu.memory_space<hbm>> -> memref<1x4x1024xf32, #tpu.memory_space<hbm>>
    %dma_wait3A_142 = tpu.memref_squeeze %dma_wait3A_141 : memref<1x4x1024xf32, #tpu.memory_space<hbm>> -> memref<4x1024xf32, #tpu.memory_space<hbm>>
    %dma_wait3A_143 = arith.constant 0 : i32
    %dma_wait3A_144 = arith.constant 0 : i32
    %dma_wait3A_145 = tpu.memref_slice %arg7[%dma_wait3A_127, %dma_wait3A_143, %dma_wait3A_144] : memref<4x16x1024xf32, #tpu.memory_space<vmem>> -> memref<1x16x1024xf32, #tpu.memory_space<vmem>>
    %dma_wait3A_146 = tpu.memref_squeeze %dma_wait3A_145 : memref<1x16x1024xf32, #tpu.memory_space<vmem>> -> memref<16x1024xf32, #tpu.memory_space<vmem>>
    %dma_wait3A_147 = arith.constant 8 : i32
    %dma_wait3A_148 = arith.constant 0 : i32
    %dma_wait3A_149 = tpu.memref_slice %dma_wait3A_146[%dma_wait3A_147, %dma_wait3A_148] : memref<16x1024xf32, #tpu.memory_space<vmem>> -> memref<4x1024xf32, #tpu.memory_space<vmem>>
    tpu.wait_dma2 semaphore(%arg19 : memref<!tpu.dma_semaphore, #tpu.memory_space<semaphore_mem>>) src(%dma_wait3A_149 : memref<4x1024xf32, #tpu.memory_space<vmem>>) dst(%dma_wait3A_142 : memref<4x1024xf32, #tpu.memory_space<hbm>>)
    %add3A_150 = arith.constant 3 : i32
    %add3A_151 = arith.addi %multiple_of3A_75, %add3A_150 : i32
    %dma_wait3A_152 = arith.constant 2 : i32
    %dma_wait3A_153 = arith.constant 0 : i32
    %dma_wait3A_154 = arith.constant 0 : i32
    %dma_wait3A_155 = tpu.memref_slice %arg7[%dma_wait3A_152, %dma_wait3A_153, %dma_wait3A_154] : memref<4x16x1024xf32, #tpu.memory_space<vmem>> -> memref<1x16x1024xf32, #tpu.memory_space<vmem>>
    %dma_wait3A_156 = tpu.memref_squeeze %dma_wait3A_155 : memref<1x16x1024xf32, #tpu.memory_space<vmem>> -> memref<16x1024xf32, #tpu.memory_space<vmem>>
    %dma_wait3A_157 = arith.constant 12 : i32
    %dma_wait3A_158 = arith.constant 0 : i32
    %dma_wait3A_159 = tpu.memref_slice %dma_wait3A_156[%dma_wait3A_157, %dma_wait3A_158] : memref<16x1024xf32, #tpu.memory_space<vmem>> -> memref<4x1024xf32, #tpu.memory_space<vmem>>
    %dma_wait3A_160 = arith.constant 0 : i32
    %dma_wait3A_161 = arith.constant 0 : i32
    %dma_wait3A_162 = tpu.memref_slice %arg5[%add3A_151, %dma_wait3A_160, %dma_wait3A_161] : memref<4096x4x1024xf32, #tpu.memory_space<hbm>> -> memref<1x4x1024xf32, #tpu.memory_space<hbm>>
    %dma_wait3A_163 = tpu.memref_squeeze %dma_wait3A_162 : memref<1x4x1024xf32, #tpu.memory_space<hbm>> -> memref<4x1024xf32, #tpu.memory_space<hbm>>
    %dma_wait3A_164 = arith.constant 0 : i32
    %dma_wait3A_165 = arith.constant 0 : i32
    %dma_wait3A_166 = tpu.memref_slice %arg5[%add3A_151, %dma_wait3A_164, %dma_wait3A_165] : memref<4096x4x1024xf32, #tpu.memory_space<hbm>> -> memref<1x4x1024xf32, #tpu.memory_space<hbm>>
    %dma_wait3A_167 = tpu.memref_squeeze %dma_wait3A_166 : memref<1x4x1024xf32, #tpu.memory_space<hbm>> -> memref<4x1024xf32, #tpu.memory_space<hbm>>
    %dma_wait3A_168 = arith.constant 0 : i32
    %dma_wait3A_169 = arith.constant 0 : i32
    %dma_wait3A_170 = tpu.memref_slice %arg7[%dma_wait3A_152, %dma_wait3A_168, %dma_wait3A_169] : memref<4x16x1024xf32, #tpu.memory_space<vmem>> -> memref<1x16x1024xf32, #tpu.memory_space<vmem>>
    %dma_wait3A_171 = tpu.memref_squeeze %dma_wait3A_170 : memref<1x16x1024xf32, #tpu.memory_space<vmem>> -> memref<16x1024xf32, #tpu.memory_space<vmem>>
    %dma_wait3A_172 = arith.constant 12 : i32
    %dma_wait3A_173 = arith.constant 0 : i32
    %dma_wait3A_174 = tpu.memref_slice %dma_wait3A_171[%dma_wait3A_172, %dma_wait3A_173] : memref<16x1024xf32, #tpu.memory_space<vmem>> -> memref<4x1024xf32, #tpu.memory_space<vmem>>
    tpu.wait_dma2 semaphore(%arg19 : memref<!tpu.dma_semaphore, #tpu.memory_space<semaphore_mem>>) src(%dma_wait3A_174 : memref<4x1024xf32, #tpu.memory_space<vmem>>) dst(%dma_wait3A_167 : memref<4x1024xf32, #tpu.memory_space<hbm>>)
    %add3A_175 = arith.constant 496 : i32
    %add3A_176 = arith.addi %multiple_of3A, %add3A_175 : i32
    %jit3A_177 = arith.constant 4 : i32
    %div3A_178 = arith.divsi %add3A_176, %jit3A_177 : i32
    %sign3A_179 = arith.constant 0 : i32
    %sign3A_180 = arith.cmpi sgt, %add3A_176, %sign3A_179 : i32
    %sign3A_181 = arith.extui %sign3A_180 : i1 to i32
    %sign3A_182 = arith.constant 0 : i32
    %sign3A_183 = arith.cmpi slt, %add3A_176, %sign3A_182 : i32
    %sign3A_184 = arith.extui %sign3A_183 : i1 to i32
    %sign3A_185 = arith.subi %sign3A_181, %sign3A_184 : i32
    %sign3A_186 = arith.constant 0 : i32
    %sign3A_187 = arith.cmpi sgt, %jit3A_177, %sign3A_186 : i32
    %sign3A_188 = arith.extui %sign3A_187 : i1 to i32
    %sign3A_189 = arith.constant 0 : i32
    %sign3A_190 = arith.cmpi slt, %jit3A_177, %sign3A_189 : i32
    %sign3A_191 = arith.extui %sign3A_190 : i1 to i32
    %sign3A_192 = arith.subi %sign3A_188, %sign3A_191 : i32
    %ne3A_193 = arith.cmpi ne, %sign3A_185, %sign3A_192 : i32
    %rem3A_194 = arith.remsi %add3A_176, %jit3A_177 : i32
    %ne3A_195 = arith.constant 0 : i32
    %ne3A_196 = arith.cmpi ne, %rem3A_194, %ne3A_195 : i32
    %and3A_197 = arith.andi %ne3A_193, %ne3A_196 : i1
    %sub3A_198 = arith.constant 1 : i32
    %sub3A_199 = arith.subi %div3A_178, %sub3A_198 : i32
    %select_n3A_200 = arith.select %and3A_197, %sub3A_199, %div3A_178 : i32
    %multiple_of3A_201 = tpu.assume_multiple %select_n3A_200, 4 : i32
    %add3A_202 = arith.constant 0 : i32
    %add3A_203 = arith.addi %multiple_of3A_201, %add3A_202 : i32
    %dma_wait3A_204 = arith.constant 3 : i32
    %dma_wait3A_205 = arith.constant 0 : i32
    %dma_wait3A_206 = arith.constant 0 : i32
    %dma_wait3A_207 = tpu.memref_slice %arg7[%dma_wait3A_204, %dma_wait3A_205, %dma_wait3A_206] : memref<4x16x1024xf32, #tpu.memory_space<vmem>> -> memref<1x16x1024xf32, #tpu.memory_space<vmem>>
    %dma_wait3A_208 = tpu.memref_squeeze %dma_wait3A_207 : memref<1x16x1024xf32, #tpu.memory_space<vmem>> -> memref<16x1024xf32, #tpu.memory_space<vmem>>
    %dma_wait3A_209 = arith.constant 0 : i32
    %dma_wait3A_210 = arith.constant 0 : i32
    %dma_wait3A_211 = tpu.memref_slice %dma_wait3A_208[%dma_wait3A_209, %dma_wait3A_210] : memref<16x1024xf32, #tpu.memory_space<vmem>> -> memref<4x1024xf32, #tpu.memory_space<vmem>>
    %dma_wait3A_212 = arith.constant 0 : i32
    %dma_wait3A_213 = arith.constant 0 : i32
    %dma_wait3A_214 = tpu.memref_slice %arg5[%add3A_203, %dma_wait3A_212, %dma_wait3A_213] : memref<4096x4x1024xf32, #tpu.memory_space<hbm>> -> memref<1x4x1024xf32, #tpu.memory_space<hbm>>
    %dma_wait3A_215 = tpu.memref_squeeze %dma_wait3A_214 : memref<1x4x1024xf32, #tpu.memory_space<hbm>> -> memref<4x1024xf32, #tpu.memory_space<hbm>>
    %dma_wait3A_216 = arith.constant 0 : i32
    %dma_wait3A_217 = arith.constant 0 : i32
    %dma_wait3A_218 = tpu.memref_slice %arg5[%add3A_203, %dma_wait3A_216, %dma_wait3A_217] : memref<4096x4x1024xf32, #tpu.memory_space<hbm>> -> memref<1x4x1024xf32, #tpu.memory_space<hbm>>
    %dma_wait3A_219 = tpu.memref_squeeze %dma_wait3A_218 : memref<1x4x1024xf32, #tpu.memory_space<hbm>> -> memref<4x1024xf32, #tpu.memory_space<hbm>>
    %dma_wait3A_220 = arith.constant 0 : i32
    %dma_wait3A_221 = arith.constant 0 : i32
    %dma_wait3A_222 = tpu.memref_slice %arg7[%dma_wait3A_204, %dma_wait3A_220, %dma_wait3A_221] : memref<4x16x1024xf32, #tpu.memory_space<vmem>> -> memref<1x16x1024xf32, #tpu.memory_space<vmem>>
    %dma_wait3A_223 = tpu.memref_squeeze %dma_wait3A_222 : memref<1x16x1024xf32, #tpu.memory_space<vmem>> -> memref<16x1024xf32, #tpu.memory_space<vmem>>
    %dma_wait3A_224 = arith.constant 0 : i32
    %dma_wait3A_225 = arith.constant 0 : i32
    %dma_wait3A_226 = tpu.memref_slice %dma_wait3A_223[%dma_wait3A_224, %dma_wait3A_225] : memref<16x1024xf32, #tpu.memory_space<vmem>> -> memref<4x1024xf32, #tpu.memory_space<vmem>>
    tpu.wait_dma2 semaphore(%arg20 : memref<!tpu.dma_semaphore, #tpu.memory_space<semaphore_mem>>) src(%dma_wait3A_226 : memref<4x1024xf32, #tpu.memory_space<vmem>>) dst(%dma_wait3A_219 : memref<4x1024xf32, #tpu.memory_space<hbm>>)
    %add3A_227 = arith.constant 1 : i32
    %add3A_228 = arith.addi %multiple_of3A_201, %add3A_227 : i32
    %dma_wait3A_229 = arith.constant 3 : i32
    %dma_wait3A_230 = arith.constant 0 : i32
    %dma_wait3A_231 = arith.constant 0 : i32
    %dma_wait3A_232 = tpu.memref_slice %arg7[%dma_wait3A_229, %dma_wait3A_230, %dma_wait3A_231] : memref<4x16x1024xf32, #tpu.memory_space<vmem>> -> memref<1x16x1024xf32, #tpu.memory_space<vmem>>
    %dma_wait3A_233 = tpu.memref_squeeze %dma_wait3A_232 : memref<1x16x1024xf32, #tpu.memory_space<vmem>> -> memref<16x1024xf32, #tpu.memory_space<vmem>>
    %dma_wait3A_234 = arith.constant 4 : i32
    %dma_wait3A_235 = arith.constant 0 : i32
    %dma_wait3A_236 = tpu.memref_slice %dma_wait3A_233[%dma_wait3A_234, %dma_wait3A_235] : memref<16x1024xf32, #tpu.memory_space<vmem>> -> memref<4x1024xf32, #tpu.memory_space<vmem>>
    %dma_wait3A_237 = arith.constant 0 : i32
    %dma_wait3A_238 = arith.constant 0 : i32
    %dma_wait3A_239 = tpu.memref_slice %arg5[%add3A_228, %dma_wait3A_237, %dma_wait3A_238] : memref<4096x4x1024xf32, #tpu.memory_space<hbm>> -> memref<1x4x1024xf32, #tpu.memory_space<hbm>>
    %dma_wait3A_240 = tpu.memref_squeeze %dma_wait3A_239 : memref<1x4x1024xf32, #tpu.memory_space<hbm>> -> memref<4x1024xf32, #tpu.memory_space<hbm>>
    %dma_wait3A_241 = arith.constant 0 : i32
    %dma_wait3A_242 = arith.constant 0 : i32
    %dma_wait3A_243 = tpu.memref_slice %arg5[%add3A_228, %dma_wait3A_241, %dma_wait3A_242] : memref<4096x4x1024xf32, #tpu.memory_space<hbm>> -> memref<1x4x1024xf32, #tpu.memory_space<hbm>>
    %dma_wait3A_244 = tpu.memref_squeeze %dma_wait3A_243 : memref<1x4x1024xf32, #tpu.memory_space<hbm>> -> memref<4x1024xf32, #tpu.memory_space<hbm>>
    %dma_wait3A_245 = arith.constant 0 : i32
    %dma_wait3A_246 = arith.constant 0 : i32
    %dma_wait3A_247 = tpu.memref_slice %arg7[%dma_wait3A_229, %dma_wait3A_245, %dma_wait3A_246] : memref<4x16x1024xf32, #tpu.memory_space<vmem>> -> memref<1x16x1024xf32, #tpu.memory_space<vmem>>
    %dma_wait3A_248 = tpu.memref_squeeze %dma_wait3A_247 : memref<1x16x1024xf32, #tpu.memory_space<vmem>> -> memref<16x1024xf32, #tpu.memory_space<vmem>>
    %dma_wait3A_249 = arith.constant 4 : i32
    %dma_wait3A_250 = arith.constant 0 : i32
    %dma_wait3A_251 = tpu.memref_slice %dma_wait3A_248[%dma_wait3A_249, %dma_wait3A_250] : memref<16x1024xf32, #tpu.memory_space<vmem>> -> memref<4x1024xf32, #tpu.memory_space<vmem>>
    tpu.wait_dma2 semaphore(%arg20 : memref<!tpu.dma_semaphore, #tpu.memory_space<semaphore_mem>>) src(%dma_wait3A_251 : memref<4x1024xf32, #tpu.memory_space<vmem>>) dst(%dma_wait3A_244 : memref<4x1024xf32, #tpu.memory_space<hbm>>)
    %add3A_252 = arith.constant 2 : i32
    %add3A_253 = arith.addi %multiple_of3A_201, %add3A_252 : i32
    %dma_wait3A_254 = arith.constant 3 : i32
    %dma_wait3A_255 = arith.constant 0 : i32
    %dma_wait3A_256 = arith.constant 0 : i32
    %dma_wait3A_257 = tpu.memref_slice %arg7[%dma_wait3A_254, %dma_wait3A_255, %dma_wait3A_256] : memref<4x16x1024xf32, #tpu.memory_space<vmem>> -> memref<1x16x1024xf32, #tpu.memory_space<vmem>>
    %dma_wait3A_258 = tpu.memref_squeeze %dma_wait3A_257 : memref<1x16x1024xf32, #tpu.memory_space<vmem>> -> memref<16x1024xf32, #tpu.memory_space<vmem>>
    %dma_wait3A_259 = arith.constant 8 : i32
    %dma_wait3A_260 = arith.constant 0 : i32
    %dma_wait3A_261 = tpu.memref_slice %dma_wait3A_258[%dma_wait3A_259, %dma_wait3A_260] : memref<16x1024xf32, #tpu.memory_space<vmem>> -> memref<4x1024xf32, #tpu.memory_space<vmem>>
    %dma_wait3A_262 = arith.constant 0 : i32
    %dma_wait3A_263 = arith.constant 0 : i32
    %dma_wait3A_264 = tpu.memref_slice %arg5[%add3A_253, %dma_wait3A_262, %dma_wait3A_263] : memref<4096x4x1024xf32, #tpu.memory_space<hbm>> -> memref<1x4x1024xf32, #tpu.memory_space<hbm>>
    %dma_wait3A_265 = tpu.memref_squeeze %dma_wait3A_264 : memref<1x4x1024xf32, #tpu.memory_space<hbm>> -> memref<4x1024xf32, #tpu.memory_space<hbm>>
    %dma_wait3A_266 = arith.constant 0 : i32
    %dma_wait3A_267 = arith.constant 0 : i32
    %dma_wait3A_268 = tpu.memref_slice %arg5[%add3A_253, %dma_wait3A_266, %dma_wait3A_267] : memref<4096x4x1024xf32, #tpu.memory_space<hbm>> -> memref<1x4x1024xf32, #tpu.memory_space<hbm>>
    %dma_wait3A_269 = tpu.memref_squeeze %dma_wait3A_268 : memref<1x4x1024xf32, #tpu.memory_space<hbm>> -> memref<4x1024xf32, #tpu.memory_space<hbm>>
    %dma_wait3A_270 = arith.constant 0 : i32
    %dma_wait3A_271 = arith.constant 0 : i32
    %dma_wait3A_272 = tpu.memref_slice %arg7[%dma_wait3A_254, %dma_wait3A_270, %dma_wait3A_271] : memref<4x16x1024xf32, #tpu.memory_space<vmem>> -> memref<1x16x1024xf32, #tpu.memory_space<vmem>>
    %dma_wait3A_273 = tpu.memref_squeeze %dma_wait3A_272 : memref<1x16x1024xf32, #tpu.memory_space<vmem>> -> memref<16x1024xf32, #tpu.memory_space<vmem>>
    %dma_wait3A_274 = arith.constant 8 : i32
    %dma_wait3A_275 = arith.constant 0 : i32
    %dma_wait3A_276 = tpu.memref_slice %dma_wait3A_273[%dma_wait3A_274, %dma_wait3A_275] : memref<16x1024xf32, #tpu.memory_space<vmem>> -> memref<4x1024xf32, #tpu.memory_space<vmem>>
    tpu.wait_dma2 semaphore(%arg20 : memref<!tpu.dma_semaphore, #tpu.memory_space<semaphore_mem>>) src(%dma_wait3A_276 : memref<4x1024xf32, #tpu.memory_space<vmem>>) dst(%dma_wait3A_269 : memref<4x1024xf32, #tpu.memory_space<hbm>>)
    %add3A_277 = arith.constant 3 : i32
    %add3A_278 = arith.addi %multiple_of3A_201, %add3A_277 : i32
    %dma_wait3A_279 = arith.constant 3 : i32
    %dma_wait3A_280 = arith.constant 0 : i32
    %dma_wait3A_281 = arith.constant 0 : i32
    %dma_wait3A_282 = tpu.memref_slice %arg7[%dma_wait3A_279, %dma_wait3A_280, %dma_wait3A_281] : memref<4x16x1024xf32, #tpu.memory_space<vmem>> -> memref<1x16x1024xf32, #tpu.memory_space<vmem>>
    %dma_wait3A_283 = tpu.memref_squeeze %dma_wait3A_282 : memref<1x16x1024xf32, #tpu.memory_space<vmem>> -> memref<16x1024xf32, #tpu.memory_space<vmem>>
    %dma_wait3A_284 = arith.constant 12 : i32
    %dma_wait3A_285 = arith.constant 0 : i32
    %dma_wait3A_286 = tpu.memref_slice %dma_wait3A_283[%dma_wait3A_284, %dma_wait3A_285] : memref<16x1024xf32, #tpu.memory_space<vmem>> -> memref<4x1024xf32, #tpu.memory_space<vmem>>
    %dma_wait3A_287 = arith.constant 0 : i32
    %dma_wait3A_288 = arith.constant 0 : i32
    %dma_wait3A_289 = tpu.memref_slice %arg5[%add3A_278, %dma_wait3A_287, %dma_wait3A_288] : memref<4096x4x1024xf32, #tpu.memory_space<hbm>> -> memref<1x4x1024xf32, #tpu.memory_space<hbm>>
    %dma_wait3A_290 = tpu.memref_squeeze %dma_wait3A_289 : memref<1x4x1024xf32, #tpu.memory_space<hbm>> -> memref<4x1024xf32, #tpu.memory_space<hbm>>
    %dma_wait3A_291 = arith.constant 0 : i32
    %dma_wait3A_292 = arith.constant 0 : i32
    %dma_wait3A_293 = tpu.memref_slice %arg5[%add3A_278, %dma_wait3A_291, %dma_wait3A_292] : memref<4096x4x1024xf32, #tpu.memory_space<hbm>> -> memref<1x4x1024xf32, #tpu.memory_space<hbm>>
    %dma_wait3A_294 = tpu.memref_squeeze %dma_wait3A_293 : memref<1x4x1024xf32, #tpu.memory_space<hbm>> -> memref<4x1024xf32, #tpu.memory_space<hbm>>
    %dma_wait3A_295 = arith.constant 0 : i32
    %dma_wait3A_296 = arith.constant 0 : i32
    %dma_wait3A_297 = tpu.memref_slice %arg7[%dma_wait3A_279, %dma_wait3A_295, %dma_wait3A_296] : memref<4x16x1024xf32, #tpu.memory_space<vmem>> -> memref<1x16x1024xf32, #tpu.memory_space<vmem>>
    %dma_wait3A_298 = tpu.memref_squeeze %dma_wait3A_297 : memref<1x16x1024xf32, #tpu.memory_space<vmem>> -> memref<16x1024xf32, #tpu.memory_space<vmem>>
    %dma_wait3A_299 = arith.constant 12 : i32
    %dma_wait3A_300 = arith.constant 0 : i32
    %dma_wait3A_301 = tpu.memref_slice %dma_wait3A_298[%dma_wait3A_299, %dma_wait3A_300] : memref<16x1024xf32, #tpu.memory_space<vmem>> -> memref<4x1024xf32, #tpu.memory_space<vmem>>
    tpu.wait_dma2 semaphore(%arg20 : memref<!tpu.dma_semaphore, #tpu.memory_space<semaphore_mem>>) src(%dma_wait3A_301 : memref<4x1024xf32, #tpu.memory_space<vmem>>) dst(%dma_wait3A_294 : memref<4x1024xf32, #tpu.memory_space<hbm>>)
    return
  }
}

</mosaic_0001>

<sc_bundles>
// kernel: kernel.3.cloned.1.call-start
scs
__scs_entry_jumppad:
0x0: {  	(pc) =	sbr.rel $0x88, $3  }
0x1: {  	(tag) =	ssettag $0x0;
	lr =	simm.s32 $0x1  }
0x2: {  	[smem:$0x3F9E] =	sst lr;
	_ =	strace $0xD0000000  }
0x3: {  	_ = 	snop  }
0x4: {  	_ = 	snop  }
0x5: {  	_ = 	snop  }
0x6: {  	_ = 	snop  }
0x7: {  	_ = 	snop  }
__scs_overlays_trampoline_lowered:
0x8: {  	[smem:$0x3FAD] =	sst s0  }
0x9: {  	[smem:$0x3FAE] =	sst s1  }
0xa: {  	[smem:$0x3FAF] =	sst s2  }
0xb: {  	[smem:$0x3FB0] =	sst s3  }
0xc: {  	[smem:$0x3FB1] =	sst s4  }
0xd: {  	[smem:$0x3FB2] =	sst s5  }
0xe: {  	[smem:$0x3FB3] =	sst s6  }
0xf: {  	[smem:$0x3FB4] =	sst s7  }
0x10: {  	[smem:$0x3FB5] =	sst s8  }
0x11: {  	[smem:$0x3FB6] =	sst s9;
	s0 =	simm.s32 @!p0 $0x0  }
0x12: {  	s1 =	sld [smem:$0x3F9C];
	s0 =	simm.s32 @p0 $0x1  }
0x13: {  	[smem:$0x3FB7] =	sst s0;
	s0 =	simm.s32 @!p1 $0x0  }
0x14: {  	s2 =	sld [smem:$0x3F9B];
	s0 =	simm.s32 @p1 $0x1  }
0x15: {  	[smem:$0x3FB8] =	sst s0;
	s0 =	simm.s32 @!p2 $0x0  }
0x16: {  	s3 =	sld [smem:$0x3FDB];
	s0 =	simm.s32 @p2 $0x1  }
0x17: {  	s4 =	simm.s32 $0x1BF5;
	[smem:$0x3FBA] =	sst s0  }
0x18: {  	s0 =	sld [smem:$0x3F9D];
	_ =	swait.ge [sflag:s4], $0x0  }
0x19: {  	s7 =	sld [smem:$0x3F9E]  }
0x1a: {  	s8 =	sadd.s32 $0xFFFFE003, lr  }
0x1b: {  	s9 =	sadd.s32 $0xFFFFFEF7, lr;
	s5 =	simm.s32 $0xFFFFFFFF;
	p2 =	slt.u32 s8, $0xFFFFF086  }
0x1c: {  	p1 =	slt.u32 s9, $0xF7A;
	s5 =	simm.s32 @!p2 $0x0  }
0x1d: {  	s5 =	simm.s32 @p1 $0x1;
	p0 =	seq.s32 s7, s2  }
0x1e: {  	s7 =	smul.u32 @!p0 $0xF7A, s2;
	p2 =	seq.s32 @!p0 s5, $0x0  }
0x1f: {  	s9 =	smul.u32 $0xF7A, s1;
	s8 =	simm.s32 @!p0 $0x1BF5;
	p2 =	por !p2, p0  }
0x20: {  	[sflag:s8] =	ssyncset.s32 @!p0 $0xFFFFF086;
	s6 =	sadd.s32 @!p0 s3, s7;
	s7 =	simm.s32 @!p0 $0x108  }
0x21: {  	s3 =	sadd.s32 s3, s9;
	s6 =	sadd.s32 @!p0 $0x88, s6;
	s7 =	simm.s32 @p2 $0x1082  }
0x22: {  	[simem:s7], [sflag:s8] =	dma.local @!p0 [hbm:s6], $0xF7A  }
0x23: {  	s9 =	sor.u32 $0xD0000000, s2;
	s6 =	simm.s32 $0x108;
	_ =	swait.ge @!p0 [sflag:s8], $0x0  }
0x24: {  	s3 =	sadd.s32 $0x88, s3;
	s6 =	simm.s32 @!p1 $0x1082;
	[sflag:s4] =	ssyncset.s32 $0xFFFFF086  }
0x25: {  	[simem:s6], [sflag:s4] =	dma.local [hbm:s3], $0xF7A  }
0x26: {  	[smem:$0x3F9E] =	sst s1;
	(tag) =	ssettag s2;
	_ =	strace s9  }
0x27: {  	s1 =	sld [smem:$0x3FAE]  }
0x28: {  	s2 =	sld [smem:$0x3FAF]  }
0x29: {  	s4 =	sld [smem:$0x3FB1]  }
0x2a: {  	p0 =	seq.s32 s5, $0x0;
	s5 =	sld [smem:$0x3FB2]  }
0x2b: {  	s6 =	sld [smem:$0x3FB3]  }
0x2c: {  	s7 =	sld [smem:$0x3FB4]  }
0x2d: {  	s3 =	simm.s32 $0x108;
	s8 =	sld [smem:$0x3FB5]  }
0x2e: {  	s3 =	simm.s32 @!p0 $0x1082;
	s9 =	sld [smem:$0x3FB6]  }
0x2f: {  	lr =	sadd.s32 s0, s3;
	s0 =	sld [smem:$0x3FAD]  }
0x30: {  	s3 =	sld [smem:$0x3FB0]  }
0x31: {  	[smem:$0x3FB9] =	sst s10  }
0x32: {  	s10 =	sld [smem:$0x3FB7];
	_ =	sdelay $0x3  }
0x33: {  	p0 =	seq.s32 s10, $0x1;
	s10 =	sld [smem:$0x3FB9];
	_ =	sdelay $0x3  }
0x34: {  	[smem:$0x3FB9] =	sst s10  }
0x35: {  	s10 =	sld [smem:$0x3FB8];
	_ =	sdelay $0x3  }
0x36: {  	p1 =	seq.s32 s10, $0x1;
	s10 =	sld [smem:$0x3FB9];
	_ =	sdelay $0x3  }
0x37: {  	[smem:$0x3FB9] =	sst s10  }
0x38: {  	s10 =	sld [smem:$0x3FBA]  }
0x39: {  	_ = 	snop;
	(pc) =	sbr.ind lr, $3  }
0x3a: {  	_ = 	snop  }
0x3b: {  	_ = 	snop  }
0x3c: {  	p2 =	seq.s32 s10, $0x1;
	s10 =	sld [smem:$0x3FB9]  }
0x3d: {  	_ =	shalt  }
0x3e: {  	_ =	shalt  }
0x3f: {  	_ =	shalt  }
0x40: {  	_ =	shalt  }
0x41: {  	_ =	shalt  }
0x42: {  	_ =	shalt  }
0x43: {  	_ =	shalt  }
0x44: {  	_ =	shalt  }
0x45: {  	_ =	shalt  }
0x46: {  	_ =	shalt  }
0x47: {  	_ =	shalt  }
0x48: {  	_ =	shalt  }
0x49: {  	_ =	shalt  }
0x4a: {  	_ =	shalt  }
0x4b: {  	_ =	shalt  }
0x4c: {  	_ =	shalt  }
0x4d: {  	_ =	shalt  }
0x4e: {  	_ =	shalt  }
0x4f: {  	_ =	shalt  }
0x50: {  	_ =	shalt  }
0x51: {  	_ =	shalt  }
0x52: {  	_ =	shalt  }
0x53: {  	_ =	shalt  }
0x54: {  	_ =	shalt  }
0x55: {  	_ =	shalt  }
0x56: {  	_ =	shalt  }
0x57: {  	_ =	shalt  }
0x58: {  	_ =	shalt  }
0x59: {  	_ =	shalt  }
0x5a: {  	_ =	shalt  }
0x5b: {  	_ =	shalt  }
0x5c: {  	_ =	shalt  }
0x5d: {  	_ =	shalt  }
0x5e: {  	_ =	shalt  }
0x5f: {  	_ =	shalt  }
0x60: {  	_ =	shalt  }
0x61: {  	_ =	shalt  }
0x62: {  	_ =	shalt  }
0x63: {  	_ =	shalt  }
0x64: {  	_ =	shalt  }
0x65: {  	_ =	shalt  }
0x66: {  	_ =	shalt  }
0x67: {  	_ =	shalt  }
0x68: {  	_ =	shalt  }
0x69: {  	_ =	shalt  }
0x6a: {  	_ =	shalt  }
0x6b: {  	_ =	shalt  }
0x6c: {  	_ =	shalt  }
0x6d: {  	_ =	shalt  }
0x6e: {  	_ =	shalt  }
0x6f: {  	_ =	shalt  }
0x70: {  	_ =	shalt  }
0x71: {  	_ =	shalt  }
0x72: {  	_ =	shalt  }
0x73: {  	_ =	shalt  }
0x74: {  	_ =	shalt  }
0x75: {  	_ =	shalt  }
0x76: {  	_ =	shalt  }
0x77: {  	_ =	shalt  }
0x78: {  	_ =	shalt  }
0x79: {  	_ =	shalt  }
0x7a: {  	_ =	shalt  }
0x7b: {  	_ =	shalt  }
0x7c: {  	_ =	shalt  }
0x7d: {  	_ =	shalt  }
0x7e: {  	_ =	shalt  }
0x7f: {  	_ =	shalt  }
0x80: {  	_ =	shalt  }
0x81: {  	_ =	shalt  }
0x82: {  	_ =	shalt  }
0x83: {  	_ =	shalt  }
0x84: {  	_ =	shalt  }
0x85: {  	_ =	shalt  }
0x86: {  	_ =	shalt  }
0x87: {  	_ =	shalt  }
.Lfunc_end0:
.L_simem_size_0:
called_computation_lowered:
.L_overlay_start_0:
0x88: {  	s2 =	sld [smem:$0x3FD9]  }
0x89: {  	s3 =	sld [smem:$0x3FFE];
	_ =	sdelay $0x1  }
0x8a: {  	s1 =	srdreg.scid  }
0x8b: {  	s0 =	sand.u32 $0x1, s1  }
0x8c: {  	s17 =	sshll.u32 s0, $0xA;
	s2 =	sadd.s32 s3, s2  }
0x8d: {  	s2 =	sadd.s32 s2, s17  }
0x8e: {  	[smem:$0x3FC5] =	sst s2  }
0x8f: {  	_ = 	snop  }
0x90: {  	s2 =	sld [smem:$0x3FC8]  }
0x91: {  	s18 =	sld [smem:$0x3FC7]  }
0x92: {  	s4 =	sld [smem:$0x3FD0];
	(tm) =	ssettm $0x1  }
0x93: {  	s5 =	sld [smem:$0x3FFB];
	_ =	sdelay $0x3  }
0x94: {  	_ =	strace s5  }
0x95: {  	s5 =	sld [smem:$0x3FFC];
	_ =	sdelay $0x3  }
0x96: {  	_ =	strace s5  }
0x97: {  	s5 =	sld [smem:$0x3FFD];
	_ =	sdelay $0x3  }
0x98: {  	_ =	strace s5  }
0x99: {  	_ =	strace $0x8FFFFFFF  }
0x9a: {  	s19 =	sld [smem:$0x3FDB];
	_ =	sdelay $0x1  }
0x9b: {  	s6 =	simm.s32 $_scs_section_size  }
0x9c: {  	s7 =	simm.s32 $_size__tile_overlayer_lowered;
	s8 =	simm.s32 $_tile_overlayer_lowered  }
0x9d: {  	s22 =	simm.s32 $0x1BFF;
	s21 =	sshll.u32 s8, $0x1;
	s5 =	sadd.s32 s6, s19  }
0x9e: {  	s9 =	simm.s32 $0x0;
	s20 =	sshll.u32 s7, $0x1;
	s7 =	sadd.s32 s21, s5  }
0x9f: {  	[timem:s9], [sflag:s22] =	dma.local [hbm:s7], s20  }
0xa0: {  	_ =	swait.ge [sflag:s22], s20  }
0xa1: {  	s6 =	ssub.s32 $0x0, s20;
	[sflag:s22] =	ssyncset.done $0x0  }
0xa2: {  	[sflag:s22] =	ssyncadd.s32 s6;
	_ =	sdelay $0x1  }
0xa3: {  	s23 =	simm.s32 $0x1B8B  }
0xa4: {  	_ =	swait.ge [sflag:s23], $0x1  }
0xa5: {  	[sflag:s23] =	ssyncset.done $0x0  }
0xa6: {  	s25 =	simm.s32 $0x1B8E;
	s24 =	sld [smem:$0x3FFE];
	[sflag:s23] =	ssyncadd.s32 $0xFFFFFFFF  }
0xa7: {  	s26 =	simm.s32 $execute0_lowered;
	[smem:$0x3FD2] =	sst s25  }
0xa8: {  	s7 =	sshll.u32 s26, $0x1;
	_ =	strace $0x80000046;
	[dreg:$0x1] =	wrdreg $0xFFFFFFFF  }
0xa9: {  	s28 =	simm.s32 $_size_execute0_lowered;
	s5 =	sadd.s32 s5, s7;
	[dreg:$0x0] =	wrdreg $0x0  }
0xaa: {  	s7 =	sshll.u32 s28, $0x1;
	[dreg:$0x2] =	wrdreg s5  }
0xab: {  	[dreg:$0x3] =	wrdreg s7  }
0xac: {  	[dreg:$0x4] =	wrdreg $0xC0  }
0xad: {  	_ =	task [dreg:s9], $0x5FFFF  }
0xae: {  	[dreg:$0x1] =	wrdreg $0xFFFFFFFF  }
0xaf: {  	[dreg:$0x0] =	wrdreg $0x60  }
0xb0: {  	[dreg:$0x2] =	wrdreg s24  }
0xb1: {  	[dreg:$0x3] =	wrdreg s18  }
0xb2: {  	[dreg:$0x4] =	wrdreg s2  }
0xb3: {  	[dreg:$0x5] =	wrdreg s4  }
0xb4: {  	[dreg:$0x6] =	wrdreg $0x9  }
0xb5: {  	_ =	task.clear_ibuf [dreg:s9], $0x7FFFF;
	_ =	strace $0x90000046  }
0xb6: {  	s29 =	simm.s32 $0x9;
	_ =	strace $0x80000048  }
0xb7: {  	_ =	swait.ge [sflag:s29], $0x1  }
0xb8: {  	[sflag:s29] =	ssyncadd.s32 $0xFFFFFFFF  }
0xb9: {  	_ =	strace $0x90000048  }
0xba: {  	_ =	sfence  }
0xbb: {  	s30 =	sld [smem:$0x0];
	_ =	sdelay $0x2  }
0xbc: {  	s31 =	sshll.u32 s1, $0xD;
	s1 =	sshrl.u32 s1, $0x2  }
0xbd: {  	s3 =	sand.u32 $0x4000, s31;
	s1 =	sadd.s32 s1, s30  }
0xbe: {  	s0 =	sor.u32 s3, s0;
	s1 =	sshll.u32 s1, $0x11  }
0xbf: {  	s0 =	sor.u32 s1, s0  }
0xc0: {  	s0 =	sadd.s32 $0x8F2B, s0  }
0xc1: {  	[sflag:s0] =	ssyncadd.remote.s32 $0x1  }
0xc2: {  	_ =	sfence.sel $0xFFFF  }
0xc3: {  	[dreg:$0x0] =	wrdreg $0xFFFFFFFF;
	(pc) =	sbr.abs _section_cstart, $3  }
0xc4: {  	[dreg:$0x1] =	wrdreg $0xFFFFFFFF  }
0xc5: {  	_ =	task.clear_ibuf [dreg:s9], $0x2FFFF;
	_ =	strace $0x9FFFFFFF  }
0xc6: {  	(tm) =	ssettm $0x7FFFFFFF  }
0xc7: {  	_ =	shalt  }
tec
execute0_lowered:
.L_overlay_start_1:
0x0: {  	(tag) =	ssettag $0x1  }
0x1: {  	s0 =	rddreg [dreg:$0x0]  }
0x2: {  	s4 =	rddreg [dreg:$0x1]  }
0x3: {  	s1 =	srdreg.scid;
	s6 =	rddreg [dreg:$0x2]  }
0x4: {  	s29 =	rddreg [dreg:$0x3];
	s3 =	stileid.u32  }
0x5: {  	s5 =	simm.s32 $0x0;
	s28 =	simm.s32 $0x8200;
	s14 =	simm.s32 $0xC200  }
0x6: {  	s15 =	simm.s32 $0xCA00;
	s21 =	simm.s32 $0x9;
	s1 =	sand.u32 $0x1, s1  }
0x7: {  	[smem:$0x7FF] =	sst s5;
	s9 =	sadd.s32 $0x100, s6;
	s10 =	sadd.s32 $0x200, s6  }
0x8: {  	s11 =	sadd.s32 $0x300, s6;
	s16 =	sadd.s32 $0x200, s29;
	s26 =	sadd.s32 $0x400, s29  }
0x9: {  	s30 =	sadd.s32 $0x600, s29;
	s2 =	sshll.u32 s1, $0x4;
	s1 =	ssub.s32 $0x2, s1  }
0xa: {  	_ =	strace $0x80000047;
	[dreg:$0x8] =	wrdreg s26;
	s2 =	sor.u32 s3, s2  }
0xb: {  	[dreg:$0x9] =	wrdreg s30;
	s22 =	sshrl.u32 s1, $0x1;
	s3 =	sshll.u32 s2, $0x6  }
0xc: {  	s1 =	ssub.s32 s1, s22;
	s23 =	sshll.u32 s2, $0x9;
	s24 =	sshll.u32 s2, $0x11  }
0xd: {  	s25 =	sshll.u32 s2, $0xE;
	s2 =	simm.s32 $0x0;
	[dreg:$0x5] =	wrdreg s23  }
0xe: {  	v2 =	vlaneseq.u32;
	s0 =	sadd.s32 s3, s0;
	[dreg:$0x6] =	wrdreg s24;
	s31 =	smax.u32 s1, $0x1  }
0xf: {  	vm0 =	vmmov $0xffff;
	v1 =	vshrl.u32 v2, $0x3;
	s12 =	sadd.s32 s4, s25;
	s0 =	sadd.s32 $0x400, s0;
	[dreg:$0xa] =	wrdreg s31  }
0x10: {  	v0 =	vand.u32 $0x7, v2;
	v2 =	vor.u32 $0x8, v2;
	v1 =	vmul.u32 $0x8, v1;
	s24 =	simm.s32 $0xA;
	s13 =	sadd.s32 $0x200, s12;
	[dreg:$0x7] =	wrdreg s0  }
.LBB2_1:
0x11: {  	[dreg:$0xb] =	wrdreg s2  }
0x12: {  	s0 =	rddreg [dreg:$0x7];
	s19 =	simm.s32 $0xD  }
0x13: {  	[tilespmem:s5], [sflag:$0xD] =	stream.linear.gather [hbm4b:s0+s5], $0x200, $0x38;
	[tilespmem:$0x14200] =	vst v63  }
0x14: {  	_ =	swait.ge [sflag:s19], $0x200  }
0x15: {  	[sflag:s19] =	ssyncset.done $0x0  }
0x16: {  	[sflag:s19] =	ssyncadd.s32 $0xFFFFFE00  }
0x17: {  	v3 =	vld [tilespmem:$0x0];
	_ =	sdelay $0x4  }
0x18: {  	v4 =	vshll.u32 v3, $0x3  }
0x19: {  	v3 =	vand.u32 $0x7, v3;
	v4 =	vand.u32 $0xFFFFFFC0, v4  }
0x1a: {  	v3 =	vor.u32 v3, v4  }
0x1b: {  	v4 =	vperm.xlane v3, v0;
	_ =	sdelay $0x1  }
0x1c: {  	v4 =	vadd.s32 v1, v4;
	_ =	sdelay $0x3  }
0x1d: {  	s1 =	simm.s32 $0x200;
	s0 =	rddreg [dreg:$0x2]  }
0x1e: {  	[tilespmem:s1], [sflag:$0x1] =	stream.indirect_vreg.gather [hbm4b:s0+s5], $0x80, v4, vm0, $0xb8;
	[tilespmem:$0x14200] =	vst v63  }
0x1f: {  	s20 =	simm.s32 $0xA00;
	v3 =	vperm.xlane v3, v2  }
0x20: {  	[tilespmem:s20], [sflag:$0x1] =	stream.indirect_vreg.gather [hbm4b:s9+s5], $0x80, v4, vm0, $0xb8;
	[tilespmem:$0x14200] =	vst v63  }
0x21: {  	s22 =	simm.s32 $0x1200;
	v3 =	vadd.s32 v1, v3  }
0x22: {  	[tilespmem:s22], [sflag:$0x1] =	stream.indirect_vreg.gather [hbm4b:s10+s5], $0x80, v4, vm0, $0xb8;
	[tilespmem:$0x14200] =	vst v63  }
0x23: {  	s23 =	simm.s32 $0x1A00  }
0x24: {  	[tilespmem:s23], [sflag:$0x1] =	stream.indirect_vreg.gather [hbm4b:s11+s5], $0x80, v4, vm0, $0xb8;
	[tilespmem:$0x14200] =	vst v63  }
0x25: {  	s25 =	simm.s32 $0x2200  }
0x26: {  	[tilespmem:s25], [sflag:$0x1] =	stream.indirect_vreg.gather [hbm4b:s0+s5], $0x80, v3, vm0, $0xb8;
	[tilespmem:$0x14200] =	vst v63  }
0x27: {  	s26 =	simm.s32 $0x2A00  }
0x28: {  	[tilespmem:s26], [sflag:$0x1] =	stream.indirect_vreg.gather [hbm4b:s9+s5], $0x80, v3, vm0, $0xb8;
	[tilespmem:$0x14200] =	vst v63  }
0x29: {  	s30 =	simm.s32 $0x3200;
	s31 =	simm.s32 $0x3A00;
	s3 =	sadd.s32 $0x0, s12  }
0x2a: {  	[tilespmem:s30], [sflag:$0x1] =	stream.indirect_vreg.gather [hbm4b:s10+s5], $0x80, v3, vm0, $0xb8;
	[tilespmem:$0x14200] =	vst v63  }
0x2b: {  	s2 =	simm.s32 $0x10400;
	s1 =	simm.s32 $0x10;
	s0 =	simm.s32 $0x10200  }
0x2c: {  	[tilespmem:s31], [sflag:$0x1] =	stream.indirect_vreg.gather [hbm4b:s11+s5], $0x80, v3, vm0, $0xb8;
	[tilespmem:$0x14200] =	vst v63  }
.LBB2_2:
0x2d: {  	[tilespmem:s0], [sflag:$0x5] =	stream.linear.gather [hbm4b:s3+s5], $0x80, $0x38;
	[tilespmem:$0x14200] =	vst v63  }
0x2e: {  	s3 =	smov.u32 s1;
	s0 =	smov.u32 s2;
	p0 =	sne.s32 s1, $0x1F0  }
.Ltmp0:
0x2f: {  	s1 =	sadd.s32 $0x10, s1;
	(pc) =	sbr.rel @p0 .LBB2_2-.Ltmp0, $2  }
0x30: {  	_ =	sdelay $0x2  }
0x31: {  	s2 =	sadd.s32 $0x200, s2;
	s3 =	sadd.s32 s3, s12  }
0x32: {  	[tilespmem:s0], [sflag:$0x5] =	stream.linear.gather [hbm4b:s3+s5], $0x80, $0x38;
	[tilespmem:$0x14200] =	vst v63  }
0x33: {  	v3 =	vld [tilespmem:$0x10];
	_ =	sdelay $0x4  }
0x34: {  	v4 =	vshll.u32 v3, $0x3  }
0x35: {  	v3 =	vand.u32 $0x7, v3;
	v4 =	vand.u32 $0xFFFFFFC0, v4  }
0x36: {  	v3 =	vor.u32 v3, v4  }
0x37: {  	v4 =	vperm.xlane v3, v0;
	_ =	sdelay $0x1  }
0x38: {  	v4 =	vadd.s32 v1, v4;
	_ =	sdelay $0x3  }
0x39: {  	s30 =	simm.s32 $0x0;
	s18 =	rddreg [dreg:$0x2];
	s1 =	simm.s32 $0x4200  }
0x3a: {  	[tilespmem:s1], [sflag:$0x2] =	stream.indirect_vreg.gather [hbm4b:s18+s30], $0x80, v4, vm0, $0xb8;
	[tilespmem:$0x14200] =	vst v63  }
0x3b: {  	s19 =	simm.s32 $0x4A00;
	v3 =	vperm.xlane v3, v2  }
0x3c: {  	[tilespmem:s19], [sflag:$0x2] =	stream.indirect_vreg.gather [hbm4b:s9+s30], $0x80, v4, vm0, $0xb8;
	[tilespmem:$0x14200] =	vst v63  }
0x3d: {  	s20 =	simm.s32 $0x5200;
	v3 =	vadd.s32 v1, v3  }
0x3e: {  	[tilespmem:s20], [sflag:$0x2] =	stream.indirect_vreg.gather [hbm4b:s10+s30], $0x80, v4, vm0, $0xb8;
	[tilespmem:$0x14200] =	vst v63  }
0x3f: {  	s22 =	simm.s32 $0x5A00  }
0x40: {  	[tilespmem:s22], [sflag:$0x2] =	stream.indirect_vreg.gather [hbm4b:s11+s30], $0x80, v4, vm0, $0xb8;
	[tilespmem:$0x14200] =	vst v63  }
0x41: {  	s23 =	simm.s32 $0x6200  }
0x42: {  	[tilespmem:s23], [sflag:$0x2] =	stream.indirect_vreg.gather [hbm4b:s18+s30], $0x80, v3, vm0, $0xb8;
	[tilespmem:$0x14200] =	vst v63  }
0x43: {  	s25 =	simm.s32 $0x6A00  }
0x44: {  	[tilespmem:s25], [sflag:$0x2] =	stream.indirect_vreg.gather [hbm4b:s9+s30], $0x80, v3, vm0, $0xb8;
	[tilespmem:$0x14200] =	vst v63  }
0x45: {  	s26 =	simm.s32 $0x7200;
	s31 =	simm.s32 $0x7A00;
	s0 =	simm.s32 $0x10280  }
0x46: {  	[tilespmem:s26], [sflag:$0x2] =	stream.indirect_vreg.gather [hbm4b:s10+s30], $0x80, v3, vm0, $0xb8;
	[tilespmem:$0x14200] =	vst v63  }
0x47: {  	s3 =	sadd.s32 $0x0, s13;
	s2 =	simm.s32 $0x10480;
	s1 =	simm.s32 $0x10  }
0x48: {  	[tilespmem:s31], [sflag:$0x2] =	stream.indirect_vreg.gather [hbm4b:s11+s30], $0x80, v3, vm0, $0xb8;
	[tilespmem:$0x14200] =	vst v63  }
.LBB2_4:
0x49: {  	[tilespmem:s0], [sflag:$0x6] =	stream.linear.gather [hbm4b:s3+s30], $0x80, $0x38;
	[tilespmem:$0x14200] =	vst v63  }
0x4a: {  	s3 =	smov.u32 s1;
	s0 =	smov.u32 s2;
	p0 =	sne.s32 s1, $0x1F0  }
.Ltmp1:
0x4b: {  	s1 =	sadd.s32 $0x10, s1;
	(pc) =	sbr.rel @p0 .LBB2_4-.Ltmp1, $2  }
0x4c: {  	_ =	sdelay $0x2  }
0x4d: {  	s2 =	sadd.s32 $0x200, s2;
	s3 =	sadd.s32 s3, s13  }
0x4e: {  	[tilespmem:s0], [sflag:$0x6] =	stream.linear.gather [hbm4b:s3+s30], $0x80, $0x38;
	[tilespmem:$0x14200] =	vst v63  }
.LBB2_6:
0x4f: {  	p0 =	seq.s32 s30, $0x0  }
0x50: {  	s0 =	simm.s32 @!p0 $0xB  }
0x51: {  	_ =	swait.ge @!p0 [sflag:s0], $0x1000  }
0x52: {  	[sflag:s0] =	ssyncset.done @!p0 $0x0  }
0x53: {  	[sflag:s0] =	ssyncadd.s32 @!p0 $0xFFFFF000  }
0x54: {  	_ =	swait.ge @!p0 [sflag:s0], $0x1000  }
0x55: {  	[sflag:s0] =	ssyncset.done @!p0 $0x0  }
0x56: {  	[sflag:s0] =	ssyncadd.s32 @!p0 $0xFFFFF000  }
0x57: {  	_ =	swait.ge @!p0 [sflag:s0], $0x1000  }
0x58: {  	[sflag:s0] =	ssyncset.done @!p0 $0x0  }
0x59: {  	[sflag:s0] =	ssyncadd.s32 @!p0 $0xFFFFF000  }
0x5a: {  	s31 =	sshll.u32 s30, $0x2;
	_ =	swait.ge @!p0 [sflag:s0], $0x1000  }
0x5b: {  	s1 =	sor.u32 $0x2, s31;
	[sflag:s0] =	ssyncset.done @!p0 $0x0  }
0x5c: {  	s8 =	sshll.u32 s1, $0x4;
	[sflag:s0] =	ssyncadd.s32 @!p0 $0xFFFFF000  }
0x5d: {  	v3 =	vld [tilespmem:s8+$0x0];
	_ =	sdelay $0x4  }
0x5e: {  	v4 =	vshll.u32 v3, $0x3  }
0x5f: {  	v3 =	vand.u32 $0x7, v3;
	v4 =	vand.u32 $0xFFFFFFC0, v4  }
0x60: {  	v3 =	vor.u32 v3, v4  }
0x61: {  	v4 =	vperm.xlane v3, v0;
	_ =	sdelay $0x1  }
0x62: {  	v4 =	vadd.s32 v1, v4;
	_ =	sdelay $0x3  }
0x63: {  	s17 =	simm.s32 $0x0;
	s3 =	rddreg [dreg:$0x2]  }
0x64: {  	[tilespmem:s28], [sflag:$0x3] =	stream.indirect_vreg.gather [hbm4b:s3+s17], $0x80, v4, vm0, $0xb8;
	[tilespmem:$0x14200] =	vst v63  }
0x65: {  	s2 =	smov.u32 s16;
	s4 =	simm.s32 $0x8A00;
	v3 =	vperm.xlane v3, v2  }
0x66: {  	[tilespmem:s4], [sflag:$0x3] =	stream.indirect_vreg.gather [hbm4b:s9+s17], $0x80, v4, vm0, $0xb8;
	[tilespmem:$0x14200] =	vst v63  }
0x67: {  	s16 =	smov.u32 s29;
	s18 =	simm.s32 $0x9200;
	s19 =	simm.s32 $0x9A00;
	v3 =	vadd.s32 v1, v3  }
0x68: {  	[tilespmem:s18], [sflag:$0x3] =	stream.indirect_vreg.gather [hbm4b:s10+s17], $0x80, v4, vm0, $0xb8;
	[tilespmem:$0x14200] =	vst v63  }
0x69: {  	s20 =	simm.s32 $0xA200;
	s26 =	sshll.u32 s1, $0xC;
	s28 =	rddreg [dreg:$0x6]  }
0x6a: {  	[tilespmem:s19], [sflag:$0x3] =	stream.indirect_vreg.gather [hbm4b:s11+s17], $0x80, v4, vm0, $0xb8;
	[tilespmem:$0x14200] =	vst v63  }
0x6b: {  	s22 =	simm.s32 $0xAA00;
	s23 =	simm.s32 $0xB200;
	s0 =	sadd.s32 s28, s26  }
0x6c: {  	[tilespmem:s20], [sflag:$0x3] =	stream.indirect_vreg.gather [hbm4b:s3+s17], $0x80, v3, vm0, $0xb8;
	[tilespmem:$0x14200] =	vst v63  }
0x6d: {  	s25 =	simm.s32 $0xBA00;
	s29 =	rddreg [dreg:$0x1];
	s0 =	sshrl.u32 s0, $0x3  }
0x6e: {  	[tilespmem:s22], [sflag:$0x3] =	stream.indirect_vreg.gather [hbm4b:s9+s17], $0x80, v3, vm0, $0xb8;
	[tilespmem:$0x14200] =	vst v63  }
0x6f: {  	s1 =	simm.s32 $0x10300;
	[dreg:$0xc] =	wrdreg s8;
	s0 =	sadd.s32 s29, s0  }
0x70: {  	[tilespmem:s23], [sflag:$0x3] =	stream.indirect_vreg.gather [hbm4b:s10+s17], $0x80, v3, vm0, $0xb8;
	[tilespmem:$0x14200] =	vst v63  }
0x71: {  	s4 =	simm.s32 $0x10500;
	s7 =	sadd.s32 $0x0, s0;
	s3 =	simm.s32 $0x10  }
0x72: {  	[tilespmem:s25], [sflag:$0x3] =	stream.indirect_vreg.gather [hbm4b:s11+s17], $0x80, v3, vm0, $0xb8;
	[tilespmem:$0x14200] =	vst v63  }
.LBB2_7:
0x73: {  	[tilespmem:s1], [sflag:$0x7] =	stream.linear.gather [hbm4b:s7+s5], $0x80, $0x38;
	[tilespmem:$0x14200] =	vst v63  }
0x74: {  	s7 =	smov.u32 s3;
	s1 =	smov.u32 s4;
	p1 =	sne.s32 s3, $0x1F0  }
.Ltmp2:
0x75: {  	s3 =	sadd.s32 $0x10, s3;
	(pc) =	sbr.rel @p1 .LBB2_7-.Ltmp2, $2  }
0x76: {  	_ =	sdelay $0x2  }
0x77: {  	s4 =	sadd.s32 $0x200, s4;
	s7 =	sadd.s32 s7, s0  }
0x78: {  	[tilespmem:s1], [sflag:$0x7] =	stream.linear.gather [hbm4b:s7+s5], $0x80, $0x38;
	[tilespmem:$0x14200] =	vst v63  }
0x79: {  	s0 =	simm.s32 $0x1  }
0x7a: {  	_ =	swait.ge [sflag:s0], $0x4000  }
0x7b: {  	[sflag:s0] =	ssyncset.done $0x0  }
0x7c: {  	s29 =	simm.s32 $0x5;
	[sflag:s0] =	ssyncadd.s32 $0xFFFFC000  }
0x7d: {  	_ =	swait.ge [sflag:s29], $0x1000  }
0x7e: {  	[sflag:s29] =	ssyncset.done $0x0  }
0x7f: {  	s19 =	simm.s32 $0xFFFFFFC0;
	s1 =	simm.s32 $0x0;
	[sflag:s29] =	ssyncadd.s32 $0xFFFFF000  }
.LBB2_9:
0x80: {  	s8 =	sadd.s32 $0x40, s19  }
0x81: {  	s0 =	sshll.u32 s8, $0x2  }
0x82: {  	s0 =	sand.u32 $0x3FFFFE00, s0  }
0x83: {  	s3 =	sshll.u32 s8, $0x3;
	s17 =	sand.u32 $0x40, s8;
	s7 =	sadd.s32 $0x10200, s0  }
0x84: {  	s18 =	sor.u32 $0x10, s17;
	s0 =	sand.u32 $0x3FFFFC00, s3;
	s22 =	sor.u32 s17, s7  }
0x85: {  	s28 =	sor.u32 $0x200, s0;
	s23 =	sor.u32 s18, s7;
	v3 =	vld [tilespmem:s22+$0x0]  }
0x86: {  	s25 =	sor.u32 s17, s28;
	v8 =	vld [tilespmem:s23+$0x0]  }
0x87: {  	v4 =	vld [tilespmem:s25+$0x0]  }
0x88: {  	v5 =	vld [tilespmem:s25+$0x80]  }
0x89: {  	v6 =	vld [tilespmem:s25+$0x100]  }
0x8a: {  	s23 =	sor.u32 s18, s28;
	v7 =	vld [tilespmem:s25+$0x180]  }
0x8b: {  	v9 =	vld [tilespmem:s23+$0x0]  }
0x8c: {  	v10 =	vld [tilespmem:s23+$0x80]  }
0x8d: {  	v11 =	vld [tilespmem:s23+$0x100]  }
0x8e: {  	s26 =	sand.u32 $0xE00, s1;
	s29 =	sadd.s32 $0x450, s19;
	v12 =	vld [tilespmem:s23+$0x180]  }
0x8f: {  	s4 =	sadd.s32 $0x1040, s1;
	s22 =	sor.u32 s17, s26;
	s26 =	sor.u32 $0x20, s17;
	v48 =	vld [tilespmem:s25+$0x200]  }
0x90: {  	s4 =	sand.u32 $0x1E00, s4;
	s3 =	sand.u32 $0x50, s29;
	v49 =	vld [tilespmem:s25+$0x280];
	s6 =	sor.u32 s26, s7  }
0x91: {  	s3 =	sor.u32 s3, s4;
	s4 =	sor.u32 s26, s28;
	v52 =	vld [tilespmem:s6+$0x0]  }
0x92: {  	v53 =	vld [tilespmem:s4+$0x0];
	v4 =	vmul.f32 $3.200000000e+01, v4  }
0x93: {  	v54 =	vld [tilespmem:s4+$0x80];
	v5 =	vmul.f32 $3.200000000e+01, v5  }
0x94: {  	s20 =	sor.u32 $0x30, s17;
	v55 =	vld [tilespmem:s4+$0x100];
	v6 =	vmul.f32 $3.200000000e+01, v6;
	v4 =	vadd.f32 v4, v3  }
0x95: {  	v51 =	vld [tilespmem:s25+$0x300];
	s28 =	sor.u32 s20, s28;
	v7 =	vmul.f32 $3.200000000e+01, v7;
	v5 =	vadd.f32 v5, v3  }
0x96: {  	s7 =	sor.u32 s20, s7;
	v15 =	vld [tilespmem:s28+$0x0];
	v47 =	vmul.f32 $3.200000000e+01, v12;
	v42 =	vadd.f32 v6, v3;
	[tilespmem:s25+$0x0] =	vst v4  }
0x97: {  	v14 =	vld [tilespmem:s7+$0x0];
	v44 =	vmul.f32 $3.200000000e+01, v10;
	v10 =	vmul.f32 $3.200000000e+01, v53;
	v3 =	vadd.f32 v7, v3;
	[tilespmem:s25+$0x80] =	vst v5  }
0x98: {  	v16 =	vld [tilespmem:s28+$0x80];
	v45 =	vmul.f32 $3.200000000e+01, v11;
	v11 =	vmul.f32 $3.200000000e+01, v54;
	v50 =	vadd.f32 v47, v8;
	[tilespmem:s25+$0x100] =	vst v42  }
0x99: {  	v13 =	vld [tilespmem:s4+$0x180];
	v12 =	vmul.f32 $3.200000000e+01, v55;
	v10 =	vadd.f32 v10, v52;
	[tilespmem:s25+$0x180] =	vst v3  }
0x9a: {  	v17 =	vld [tilespmem:s28+$0x100];
	v43 =	vmul.f32 $3.200000000e+01, v9;
	v56 =	vadd.f32 v11, v52;
	[tilespmem:s23+$0x180] =	vst v50  }
0x9b: {  	v58 =	vld [tilespmem:s28+$0x180];
	v61 =	vmul.f32 $3.200000000e+01, v15;
	v12 =	vadd.f32 v12, v52;
	[tilespmem:s4+$0x0] =	vst v10  }
0x9c: {  	v59 =	vld [tilespmem:s23+$0x200];
	v3 =	vadd.f32 v43, v8;
	[tilespmem:s4+$0x80] =	vst v56  }
0x9d: {  	v60 =	vld [tilespmem:s23+$0x280];
	v63 =	vmul.f32 $3.200000000e+01, v16;
	v11 =	vadd.f32 v61, v14;
	[tilespmem:s4+$0x100] =	vst v12  }
0x9e: {  	v62 =	vld [tilespmem:s23+$0x300];
	[tilespmem:s23+$0x0] =	vst v3;
	v3 =	vadd.f32 v45, v8  }
0x9f: {  	v21 =	vmul.f32 $3.200000000e+01, v17;
	v15 =	vadd.f32 v63, v14;
	v46 =	vld [tilespmem:s22+$0x11200];
	[tilespmem:s28+$0x0] =	vst v11  }
0xa0: {  	v57 =	vmul.f32 $3.200000000e+01, v13;
	v13 =	vmul.f32 $3.200000000e+01, v58;
	v4 =	vadd.f32 v44, v8;
	[tilespmem:s23+$0x100] =	vst v3;
	v3 =	vld [tilespmem:s25+$0x380]  }
0xa1: {  	v20 =	vld [tilespmem:s23+$0x380];
	v16 =	vadd.f32 v21, v14;
	[tilespmem:s28+$0x80] =	vst v15  }
0xa2: {  	v23 =	vld [tilespmem:s4+$0x200];
	v9 =	vmul.f32 $3.200000000e+01, v48;
	v13 =	vadd.f32 v13, v14;
	[tilespmem:s23+$0x80] =	vst v4  }
0xa3: {  	v5 =	vmul.f32 $3.200000000e+01, v49;
	[tilespmem:s28+$0x100] =	vst v16;
	v8 =	vadd.f32 v57, v52;
	v4 =	vld [tilespmem:s3+$0x10200]  }
0xa4: {  	s29 =	sadd.s32 $0x460, s19;
	s6 =	sadd.s32 $0x1080, s1;
	v24 =	vld [tilespmem:s4+$0x280];
	v7 =	vmul.f32 $3.200000000e+01, v51;
	[tilespmem:s28+$0x180] =	vst v13;
	v9 =	vadd.f32 v9, v46  }
0xa5: {  	v25 =	vld [tilespmem:s4+$0x300];
	s7 =	sand.u32 $0x1E00, s6;
	[tilespmem:s4+$0x180] =	vst v8;
	s3 =	sand.u32 $0x60, s29;
	v5 =	vadd.f32 v5, v46;
	v3 =	vmul.f32 $3.200000000e+01, v3  }
0xa6: {  	v27 =	vld [tilespmem:s4+$0x380];
	v10 =	vmul.f32 $3.200000000e+01, v59;
	s3 =	sor.u32 s3, s7;
	v7 =	vadd.f32 v7, v46;
	[tilespmem:s25+$0x200] =	vst v9  }
0xa7: {  	v26 =	vmul.f32 $3.200000000e+01, v60;
	v22 =	vld [tilespmem:s3+$0x10200];
	[tilespmem:s25+$0x280] =	vst v5;
	v3 =	vadd.f32 v3, v46  }
0xa8: {  	v32 =	vld [tilespmem:s28+$0x200];
	s6 =	sadd.s32 $0x10C0, s1;
	v29 =	vmul.f32 $3.200000000e+01, v62;
	s29 =	sadd.s32 $0x470, s19;
	[tilespmem:s25+$0x300] =	vst v7;
	v28 =	vadd.f32 v10, v4  }
0xa9: {  	v35 =	vld [tilespmem:s28+$0x280];
	v31 =	vmul.f32 $3.200000000e+01, v20;
	s7 =	sand.u32 $0x1E00, s6;
	s3 =	sand.u32 $0x70, s29;
	[tilespmem:s25+$0x380] =	vst v3;
	v3 =	vadd.f32 v26, v4  }
0xaa: {  	v37 =	vld [tilespmem:s28+$0x300];
	v34 =	vmul.f32 $3.200000000e+01, v23;
	s3 =	sor.u32 s3, s7;
	v33 =	vadd.f32 v29, v4;
	[tilespmem:s23+$0x200] =	vst v28  }
0xab: {  	v36 =	vmul.f32 $3.200000000e+01, v24;
	v30 =	vld [tilespmem:s3+$0x10200];
	[tilespmem:s23+$0x280] =	vst v3;
	v3 =	vadd.f32 v31, v4  }
0xac: {  	v40 =	vld [tilespmem:s28+$0x380];
	v39 =	vmul.f32 $3.200000000e+01, v25;
	[tilespmem:s23+$0x300] =	vst v33;
	v38 =	vadd.f32 v34, v22  }
0xad: {  	v41 =	vmul.f32 $3.200000000e+01, v27;
	[tilespmem:s23+$0x380] =	vst v3;
	v3 =	vadd.f32 v36, v22  }
0xae: {  	v8 =	vmul.f32 $3.200000000e+01, v32;
	v42 =	vadd.f32 v39, v22;
	[tilespmem:s4+$0x200] =	vst v38  }
0xaf: {  	v43 =	vmul.f32 $3.200000000e+01, v35;
	s3 =	sadd.s32 $0x2200, s0;
	[tilespmem:s4+$0x280] =	vst v3;
	v3 =	vadd.f32 v41, v22  }
0xb0: {  	v6 =	vmul.f32 $3.200000000e+01, v37;
	s7 =	sor.u32 s17, s3;
	[tilespmem:s4+$0x300] =	vst v42;
	v44 =	vadd.f32 v8, v30  }
0xb1: {  	s6 =	sadd.s32 $0x2040, s1;
	s29 =	sadd.s32 $0x850, s19;
	v46 =	vmul.f32 $3.200000000e+01, v40;
	v45 =	vld [tilespmem:s7+$0x0];
	[tilespmem:s4+$0x380] =	vst v3;
	v3 =	vadd.f32 v43, v30  }
0xb2: {  	s25 =	sor.u32 s18, s3;
	v47 =	vld [tilespmem:s22+$0x12200];
	v48 =	vadd.f32 v6, v30;
	[tilespmem:s28+$0x200] =	vst v44;
	s23 =	sand.u32 $0x50, s29;
	s29 =	sand.u32 $0x2E00, s6  }
0xb3: {  	s6 =	sadd.s32 $0x860, s19;
	v49 =	vld [tilespmem:s25+$0x0];
	s4 =	sor.u32 s23, s29;
	s29 =	sadd.s32 $0x2080, s1;
	[tilespmem:s28+$0x280] =	vst v3;
	v3 =	vadd.f32 v46, v30  }
0xb4: {  	[tilespmem:s28+$0x300] =	vst v48;
	v50 =	vld [tilespmem:s4+$0x10200];
	s4 =	sand.u32 $0x60, s6;
	s23 =	sand.u32 $0x2E00, s29;
	s29 =	sor.u32 s26, s3  }
0xb5: {  	s6 =	sadd.s32 $0x20C0, s1;
	s3 =	sor.u32 s20, s3;
	v51 =	vld [tilespmem:s29+$0x0];
	[tilespmem:s28+$0x380] =	vst v3;
	s28 =	sadd.s32 $0x870, s19  }
0xb6: {  	s4 =	sor.u32 s4, s23;
	s6 =	sand.u32 $0x2E00, s6;
	v3 =	vmul.f32 $3.200000000e+01, v45;
	s28 =	sand.u32 $0x70, s28;
	v52 =	vld [tilespmem:s3+$0x0]  }
0xb7: {  	v53 =	vld [tilespmem:s4+$0x10200];
	s23 =	sor.u32 s28, s6  }
0xb8: {  	v6 =	vmul.f32 $3.200000000e+01, v49;
	v3 =	vadd.f32 v3, v47;
	v54 =	vld [tilespmem:s23+$0x10200]  }
0xb9: {  	s28 =	sadd.s32 $0x2280, s0  }
0xba: {  	s6 =	sor.u32 s17, s28;
	v5 =	vmul.f32 $3.200000000e+01, v51;
	[tilespmem:s7+$0x0] =	vst v3;
	v3 =	vadd.f32 v6, v50  }
0xbb: {  	v55 =	vld [tilespmem:s6+$0x0];
	v7 =	vmul.f32 $3.200000000e+01, v52  }
0xbc: {  	s7 =	sor.u32 s18, s28;
	[tilespmem:s25+$0x0] =	vst v3;
	v3 =	vadd.f32 v5, v53  }
0xbd: {  	v56 =	vld [tilespmem:s7+$0x0];
	v7 =	vadd.f32 v7, v54  }
0xbe: {  	s23 =	sor.u32 s26, s28;
	[tilespmem:s29+$0x0] =	vst v3  }
0xbf: {  	s28 =	sor.u32 s20, s28;
	v3 =	vld [tilespmem:s23+$0x0];
	[tilespmem:s3+$0x0] =	vst v7  }
0xc0: {  	v6 =	vmul.f32 $3.200000000e+01, v55;
	v7 =	vld [tilespmem:s28+$0x0];
	_ =	sdelay $0x1  }
0xc1: {  	v6 =	vadd.f32 v6, v47;
	v5 =	vmul.f32 $3.200000000e+01, v56  }
0xc2: {  	s29 =	sadd.s32 $0x2300, s0  }
0xc3: {  	s25 =	sor.u32 s17, s29;
	[tilespmem:s6+$0x0] =	vst v6;
	v5 =	vadd.f32 v5, v50;
	v3 =	vmul.f32 $3.200000000e+01, v3  }
0xc4: {  	v6 =	vld [tilespmem:s25+$0x0];
	v7 =	vmul.f32 $3.200000000e+01, v7  }
0xc5: {  	[tilespmem:s7+$0x0] =	vst v5;
	s7 =	sor.u32 s18, s29;
	v3 =	vadd.f32 v3, v53  }
0xc6: {  	v5 =	vld [tilespmem:s7+$0x0];
	v7 =	vadd.f32 v7, v54  }
0xc7: {  	[tilespmem:s23+$0x0] =	vst v3;
	s23 =	sor.u32 s26, s29  }
0xc8: {  	v3 =	vld [tilespmem:s23+$0x0];
	[tilespmem:s28+$0x0] =	vst v7;
	s28 =	sor.u32 s20, s29  }
0xc9: {  	v6 =	vmul.f32 $3.200000000e+01, v6;
	v7 =	vld [tilespmem:s28+$0x0];
	_ =	sdelay $0x1  }
0xca: {  	v6 =	vadd.f32 v6, v47;
	v5 =	vmul.f32 $3.200000000e+01, v5  }
0xcb: {  	s29 =	sadd.s32 $0x2380, s0  }
0xcc: {  	[tilespmem:s25+$0x0] =	vst v6;
	s25 =	sor.u32 s17, s29;
	v5 =	vadd.f32 v5, v50;
	v3 =	vmul.f32 $3.200000000e+01, v3  }
0xcd: {  	v6 =	vld [tilespmem:s25+$0x0];
	v7 =	vmul.f32 $3.200000000e+01, v7  }
0xce: {  	[tilespmem:s7+$0x0] =	vst v5;
	s7 =	sor.u32 s18, s29;
	v3 =	vadd.f32 v3, v53  }
0xcf: {  	v5 =	vld [tilespmem:s7+$0x0];
	v7 =	vadd.f32 v7, v54  }
0xd0: {  	[tilespmem:s23+$0x0] =	vst v3;
	s23 =	sor.u32 s26, s29  }
0xd1: {  	s3 =	sor.u32 s20, s29;
	v3 =	vld [tilespmem:s23+$0x0];
	[tilespmem:s28+$0x0] =	vst v7  }
0xd2: {  	v6 =	vmul.f32 $3.200000000e+01, v6;
	v7 =	vld [tilespmem:s3+$0x0];
	_ =	sdelay $0x1  }
0xd3: {  	v6 =	vadd.f32 v6, v47;
	v5 =	vmul.f32 $3.200000000e+01, v5;
	_ =	sdelay $0x1  }
0xd4: {  	s4 =	sadd.s32 $0x2400, s0;
	s29 =	sadd.s32 $0x3040, s1;
	s28 =	sadd.s32 $0xC50, s19;
	[tilespmem:s25+$0x0] =	vst v6;
	v4 =	vadd.f32 v5, v50;
	v3 =	vmul.f32 $3.200000000e+01, v3  }
0xd5: {  	s6 =	sand.u32 $0x50, s28;
	s25 =	sand.u32 $0x3E00, s29;
	v57 =	vld [tilespmem:s22+$0x13200];
	s22 =	sor.u32 s17, s4;
	v58 =	vmul.f32 $3.200000000e+01, v7  }
0xd6: {  	s6 =	sor.u32 s6, s25;
	v59 =	vld [tilespmem:s22+$0x0];
	[tilespmem:s7+$0x0] =	vst v4;
	v3 =	vadd.f32 v3, v53  }
0xd7: {  	s28 =	sadd.s32 $0xC60, s19;
	s29 =	sadd.s32 $0x3080, s1;
	v4 =	vld [tilespmem:s6+$0x10200];
	s6 =	sor.u32 s18, s4;
	v6 =	vadd.f32 v58, v54  }
0xd8: {  	s25 =	sor.u32 s26, s4;
	s7 =	sand.u32 $0x60, s28;
	s28 =	sadd.s32 $0xC70, s19;
	v60 =	vld [tilespmem:s6+$0x0];
	[tilespmem:s23+$0x0] =	vst v3  }
0xd9: {  	s4 =	sor.u32 s20, s4;
	s23 =	sand.u32 $0x3E00, s29;
	s29 =	sadd.s32 $0x30C0, s1;
	v3 =	vld [tilespmem:s25+$0x0];
	[tilespmem:s3+$0x0] =	vst v6  }
0xda: {  	s7 =	sor.u32 s7, s23;
	s19 =	sand.u32 $0x3E00, s29;
	s3 =	sand.u32 $0x70, s28;
	v6 =	vld [tilespmem:s4+$0x0]  }
0xdb: {  	v61 =	vld [tilespmem:s7+$0x10200];
	s3 =	sor.u32 s3, s19  }
0xdc: {  	v7 =	vmul.f32 $3.200000000e+01, v59;
	v62 =	vld [tilespmem:s3+$0x10200]  }
0xdd: {  	v8 =	vmul.f32 $3.200000000e+01, v60  }
0xde: {  	v7 =	vadd.f32 v7, v57;
	v3 =	vmul.f32 $3.200000000e+01, v3  }
0xdf: {  	s7 =	sadd.s32 $0x2480, s0;
	v8 =	vadd.f32 v8, v4;
	v6 =	vmul.f32 $3.200000000e+01, v6  }
0xe0: {  	s19 =	sor.u32 s17, s7;
	[tilespmem:s22+$0x0] =	vst v7;
	v3 =	vadd.f32 v3, v61  }
0xe1: {  	s22 =	sor.u32 s18, s7;
	v7 =	vld [tilespmem:s19+$0x0];
	[tilespmem:s6+$0x0] =	vst v8;
	v6 =	vadd.f32 v6, v62  }
0xe2: {  	s23 =	sor.u32 s26, s7;
	v8 =	vld [tilespmem:s22+$0x0];
	[tilespmem:s25+$0x0] =	vst v3  }
0xe3: {  	s3 =	sor.u32 s20, s7;
	v3 =	vld [tilespmem:s23+$0x0];
	[tilespmem:s4+$0x0] =	vst v6  }
0xe4: {  	v6 =	vld [tilespmem:s3+$0x0];
	_ =	sdelay $0x1  }
0xe5: {  	v7 =	vmul.f32 $3.200000000e+01, v7  }
0xe6: {  	v8 =	vmul.f32 $3.200000000e+01, v8  }
0xe7: {  	v7 =	vadd.f32 v7, v57;
	v3 =	vmul.f32 $3.200000000e+01, v3  }
0xe8: {  	s25 =	sadd.s32 $0x2500, s0;
	v8 =	vadd.f32 v8, v4;
	v6 =	vmul.f32 $3.200000000e+01, v6  }
0xe9: {  	s28 =	sor.u32 s17, s25;
	[tilespmem:s19+$0x0] =	vst v7;
	v3 =	vadd.f32 v3, v61  }
0xea: {  	s29 =	sor.u32 s18, s25;
	v7 =	vld [tilespmem:s28+$0x0];
	[tilespmem:s22+$0x0] =	vst v8;
	v6 =	vadd.f32 v6, v62  }
0xeb: {  	s22 =	sor.u32 s26, s25;
	v8 =	vld [tilespmem:s29+$0x0];
	[tilespmem:s23+$0x0] =	vst v3  }
0xec: {  	s23 =	sor.u32 s20, s25;
	v3 =	vld [tilespmem:s22+$0x0];
	[tilespmem:s3+$0x0] =	vst v6  }
0xed: {  	v6 =	vld [tilespmem:s23+$0x0];
	_ =	sdelay $0x1  }
0xee: {  	v7 =	vmul.f32 $3.200000000e+01, v7  }
0xef: {  	v8 =	vmul.f32 $3.200000000e+01, v8  }
0xf0: {  	v7 =	vadd.f32 v7, v57;
	v3 =	vmul.f32 $3.200000000e+01, v3  }
0xf1: {  	s0 =	sadd.s32 $0x2580, s0;
	v8 =	vadd.f32 v8, v4;
	v6 =	vmul.f32 $3.200000000e+01, v6  }
0xf2: {  	s25 =	sor.u32 s17, s0;
	[tilespmem:s28+$0x0] =	vst v7;
	v3 =	vadd.f32 v3, v61  }
0xf3: {  	s28 =	sor.u32 s18, s0;
	v7 =	vld [tilespmem:s25+$0x0];
	[tilespmem:s29+$0x0] =	vst v8;
	v6 =	vadd.f32 v6, v62  }
0xf4: {  	s29 =	sor.u32 s26, s0;
	v8 =	vld [tilespmem:s28+$0x0];
	[tilespmem:s22+$0x0] =	vst v3  }
0xf5: {  	s0 =	sor.u32 s20, s0;
	v3 =	vld [tilespmem:s29+$0x0];
	[tilespmem:s23+$0x0] =	vst v6  }
0xf6: {  	v6 =	vld [tilespmem:s0+$0x0];
	_ =	sdelay $0x1  }
0xf7: {  	v7 =	vmul.f32 $3.200000000e+01, v7  }
0xf8: {  	v8 =	vmul.f32 $3.200000000e+01, v8  }
0xf9: {  	p1 =	slt.u32 s8, $0x3C0;
	v5 =	vadd.f32 v7, v57;
	v3 =	vmul.f32 $3.200000000e+01, v3  }
.Ltmp3:
0xfa: {  	v4 =	vadd.f32 v8, v4;
	v6 =	vmul.f32 $3.200000000e+01, v6;
	(pc) =	sbr.rel @p1 .LBB2_9-.Ltmp3, $4  }
0xfb: {  	[tilespmem:s25+$0x0] =	vst v5;
	v3 =	vadd.f32 v3, v61  }
0xfc: {  	[tilespmem:s28+$0x0] =	vst v4;
	v63 =	vadd.f32 v6, v62  }
0xfd: {  	[tilespmem:s29+$0x0] =	vst v3  }
0xfe: {  	s1 =	sadd.s32 $0x100, s1;
	s19 =	smov.u32 s8;
	[tilespmem:s0+$0x0] =	vst v63  }
0xff: {  	s8 =	sshll.u32 s30, $0x6;
	s0 =	rddreg [dreg:$0x5]  }
0x100: {  	s0 =	sadd.s32 s0, s8  }
0x101: {  	s0 =	sshll.u32 s0, $0x7  }
0x102: {  	s3 =	simm.s32 $0x200;
	s1 =	sadd.s32 s16, s0  }
0x103: {  	[hbm4b:s1+s5] =	stream.linear.scatter [tilespmem:s3], [sflag:$0x9], $0x200, $0x38;
	[tilespmem:$0x14200] =	vst v63  }
0x104: {  	s4 =	simm.s32 $0x600;
	s29 =	sadd.s32 $0x40, s1  }
0x105: {  	[hbm4b:s29+s5] =	stream.linear.scatter [tilespmem:s4], [sflag:$0x9], $0x200, $0x38;
	[tilespmem:$0x14200] =	vst v63  }
0x106: {  	s7 =	simm.s32 $0xA00;
	s6 =	sadd.s32 $0x80, s1  }
0x107: {  	[hbm4b:s6+s5] =	stream.linear.scatter [tilespmem:s7], [sflag:$0x9], $0x200, $0x38;
	[tilespmem:$0x14200] =	vst v63  }
0x108: {  	s18 =	simm.s32 $0xE00;
	s17 =	sadd.s32 $0xC0, s1  }
0x109: {  	[hbm4b:s17+s5] =	stream.linear.scatter [tilespmem:s18], [sflag:$0x9], $0x200, $0x38;
	[tilespmem:$0x14200] =	vst v63  }
0x10a: {  	s20 =	simm.s32 $0x1200;
	s19 =	sadd.s32 $0x100, s1  }
0x10b: {  	[hbm4b:s19+s5] =	stream.linear.scatter [tilespmem:s20], [sflag:$0x9], $0x200, $0x38;
	[tilespmem:$0x14200] =	vst v63  }
0x10c: {  	s23 =	simm.s32 $0x1600;
	s22 =	sadd.s32 $0x140, s1  }
0x10d: {  	[hbm4b:s22+s5] =	stream.linear.scatter [tilespmem:s23], [sflag:$0x9], $0x200, $0x38;
	[tilespmem:$0x14200] =	vst v63  }
0x10e: {  	s26 =	simm.s32 $0x1A00;
	s25 =	sadd.s32 $0x180, s1  }
0x10f: {  	[hbm4b:s25+s5] =	stream.linear.scatter [tilespmem:s26], [sflag:$0x9], $0x200, $0x38;
	[tilespmem:$0x14200] =	vst v63  }
0x110: {  	s28 =	simm.s32 $0x1E00;
	s1 =	sadd.s32 $0x1C0, s1  }
0x111: {  	[hbm4b:s1+s5] =	stream.linear.scatter [tilespmem:s28], [sflag:$0x9], $0x200, $0x38;
	[tilespmem:$0x14200] =	vst v63  }
0x112: {  	s29 =	simm.s32 $0x400;
	s1 =	sadd.s32 s0, s2  }
0x113: {  	[hbm4b:s1+s5] =	stream.linear.scatter [tilespmem:s29], [sflag:$0x9], $0x200, $0x38;
	[tilespmem:$0x14200] =	vst v63  }
0x114: {  	s6 =	simm.s32 $0x800;
	s4 =	sadd.s32 $0x40, s1  }
0x115: {  	[hbm4b:s4+s5] =	stream.linear.scatter [tilespmem:s6], [sflag:$0x9], $0x200, $0x38;
	[tilespmem:$0x14200] =	vst v63  }
0x116: {  	s17 =	simm.s32 $0xC00;
	s7 =	sadd.s32 $0x80, s1  }
0x117: {  	[hbm4b:s7+s5] =	stream.linear.scatter [tilespmem:s17], [sflag:$0x9], $0x200, $0x38;
	[tilespmem:$0x14200] =	vst v63  }
0x118: {  	s19 =	simm.s32 $0x1000;
	s18 =	sadd.s32 $0xC0, s1  }
0x119: {  	[hbm4b:s18+s5] =	stream.linear.scatter [tilespmem:s19], [sflag:$0x9], $0x200, $0x38;
	[tilespmem:$0x14200] =	vst v63  }
0x11a: {  	s22 =	simm.s32 $0x1400;
	s20 =	sadd.s32 $0x100, s1  }
0x11b: {  	[hbm4b:s20+s5] =	stream.linear.scatter [tilespmem:s22], [sflag:$0x9], $0x200, $0x38;
	[tilespmem:$0x14200] =	vst v63  }
0x11c: {  	s25 =	simm.s32 $0x1800;
	s23 =	sadd.s32 $0x140, s1  }
0x11d: {  	[hbm4b:s23+s5] =	stream.linear.scatter [tilespmem:s25], [sflag:$0x9], $0x200, $0x38;
	[tilespmem:$0x14200] =	vst v63  }
0x11e: {  	s28 =	simm.s32 $0x1C00;
	s26 =	sadd.s32 $0x180, s1  }
0x11f: {  	[hbm4b:s26+s5] =	stream.linear.scatter [tilespmem:s28], [sflag:$0x9], $0x200, $0x38;
	[tilespmem:$0x14200] =	vst v63  }
0x120: {  	s3 =	rddreg [dreg:$0x8];
	s1 =	sadd.s32 $0x1C0, s1;
	s29 =	simm.s32 $0x2000  }
0x121: {  	[hbm4b:s1+s5] =	stream.linear.scatter [tilespmem:s29], [sflag:$0x9], $0x200, $0x38;
	[tilespmem:$0x14200] =	vst v63  }
0x122: {  	s4 =	simm.s32 $0x2200;
	s1 =	sadd.s32 s0, s3  }
0x123: {  	[hbm4b:s1+s5] =	stream.linear.scatter [tilespmem:s4], [sflag:$0x9], $0x200, $0x38;
	[tilespmem:$0x14200] =	vst v63  }
0x124: {  	s7 =	simm.s32 $0x2600;
	s6 =	sadd.s32 $0x40, s1  }
0x125: {  	[hbm4b:s6+s5] =	stream.linear.scatter [tilespmem:s7], [sflag:$0x9], $0x200, $0x38;
	[tilespmem:$0x14200] =	vst v63  }
0x126: {  	s18 =	simm.s32 $0x2A00;
	s17 =	sadd.s32 $0x80, s1  }
0x127: {  	[hbm4b:s17+s5] =	stream.linear.scatter [tilespmem:s18], [sflag:$0x9], $0x200, $0x38;
	[tilespmem:$0x14200] =	vst v63  }
0x128: {  	s20 =	simm.s32 $0x2E00;
	s19 =	sadd.s32 $0xC0, s1  }
0x129: {  	[hbm4b:s19+s5] =	stream.linear.scatter [tilespmem:s20], [sflag:$0x9], $0x200, $0x38;
	[tilespmem:$0x14200] =	vst v63  }
0x12a: {  	s23 =	simm.s32 $0x3200;
	s22 =	sadd.s32 $0x100, s1  }
0x12b: {  	[hbm4b:s22+s5] =	stream.linear.scatter [tilespmem:s23], [sflag:$0x9], $0x200, $0x38;
	[tilespmem:$0x14200] =	vst v63  }
0x12c: {  	s26 =	simm.s32 $0x3600;
	s25 =	sadd.s32 $0x140, s1  }
0x12d: {  	[hbm4b:s25+s5] =	stream.linear.scatter [tilespmem:s26], [sflag:$0x9], $0x200, $0x38;
	[tilespmem:$0x14200] =	vst v63  }
0x12e: {  	s29 =	simm.s32 $0x3A00;
	s28 =	sadd.s32 $0x180, s1  }
0x12f: {  	[hbm4b:s28+s5] =	stream.linear.scatter [tilespmem:s29], [sflag:$0x9], $0x200, $0x38;
	[tilespmem:$0x14200] =	vst v63  }
0x130: {  	s1 =	sadd.s32 $0x1C0, s1;
	s4 =	simm.s32 $0x3E00;
	s6 =	rddreg [dreg:$0x9]  }
0x131: {  	[hbm4b:s1+s5] =	stream.linear.scatter [tilespmem:s4], [sflag:$0x9], $0x200, $0x38;
	[tilespmem:$0x14200] =	vst v63  }
0x132: {  	s7 =	simm.s32 $0x2400;
	s0 =	sadd.s32 s0, s6  }
0x133: {  	[hbm4b:s0+s5] =	stream.linear.scatter [tilespmem:s7], [sflag:$0x9], $0x200, $0x38;
	[tilespmem:$0x14200] =	vst v63  }
0x134: {  	s17 =	sadd.s32 $0x40, s0;
	s18 =	simm.s32 $0x2800  }
0x135: {  	[hbm4b:s17+s5] =	stream.linear.scatter [tilespmem:s18], [sflag:$0x9], $0x200, $0x38;
	[tilespmem:$0x14200] =	vst v63  }
0x136: {  	s19 =	sadd.s32 $0x80, s0;
	s20 =	simm.s32 $0x2C00  }
0x137: {  	[hbm4b:s19+s5] =	stream.linear.scatter [tilespmem:s20], [sflag:$0x9], $0x200, $0x38;
	[tilespmem:$0x14200] =	vst v63  }
0x138: {  	s22 =	sadd.s32 $0xC0, s0;
	s23 =	simm.s32 $0x3000  }
0x139: {  	[hbm4b:s22+s5] =	stream.linear.scatter [tilespmem:s23], [sflag:$0x9], $0x200, $0x38;
	[tilespmem:$0x14200] =	vst v63  }
0x13a: {  	s25 =	sadd.s32 $0x100, s0;
	s26 =	simm.s32 $0x3400  }
0x13b: {  	[hbm4b:s25+s5] =	stream.linear.scatter [tilespmem:s26], [sflag:$0x9], $0x200, $0x38;
	[tilespmem:$0x14200] =	vst v63  }
0x13c: {  	s28 =	sadd.s32 $0x140, s0;
	s29 =	simm.s32 $0x3800  }
0x13d: {  	[hbm4b:s28+s5] =	stream.linear.scatter [tilespmem:s29], [sflag:$0x9], $0x200, $0x38;
	[tilespmem:$0x14200] =	vst v63  }
0x13e: {  	s3 =	sadd.s32 $0x180, s0;
	s4 =	simm.s32 $0x3C00  }
0x13f: {  	[hbm4b:s3+s5] =	stream.linear.scatter [tilespmem:s4], [sflag:$0x9], $0x200, $0x38;
	[tilespmem:$0x14200] =	vst v63  }
0x140: {  	s6 =	simm.s32 $0x4000;
	s0 =	sadd.s32 $0x1C0, s0  }
0x141: {  	[hbm4b:s0+s5] =	stream.linear.scatter [tilespmem:s6], [sflag:$0x9], $0x200, $0x38;
	[tilespmem:$0x14200] =	vst v63  }
0x142: {  	s0 =	simm.s32 @!p0 $0xC  }
0x143: {  	_ =	swait.ge @!p0 [sflag:s0], $0x1000  }
0x144: {  	[sflag:s0] =	ssyncset.done @!p0 $0x0  }
0x145: {  	[sflag:s0] =	ssyncadd.s32 @!p0 $0xFFFFF000  }
0x146: {  	_ =	swait.ge @!p0 [sflag:s0], $0x1000  }
0x147: {  	[sflag:s0] =	ssyncset.done @!p0 $0x0  }
0x148: {  	[sflag:s0] =	ssyncadd.s32 @!p0 $0xFFFFF000  }
0x149: {  	_ =	swait.ge @!p0 [sflag:s0], $0x1000  }
0x14a: {  	[sflag:s0] =	ssyncset.done @!p0 $0x0  }
0x14b: {  	[sflag:s0] =	ssyncadd.s32 @!p0 $0xFFFFF000  }
0x14c: {  	_ =	swait.ge @!p0 [sflag:s0], $0x1000  }
0x14d: {  	s7 =	sor.u32 $0x3, s31;
	[sflag:s0] =	ssyncset.done @!p0 $0x0  }
0x14e: {  	s1 =	sshll.u32 s7, $0x4;
	[sflag:s0] =	ssyncadd.s32 @!p0 $0xFFFFF000  }
0x14f: {  	v3 =	vld [tilespmem:s1+$0x0];
	_ =	sdelay $0x4  }
0x150: {  	v4 =	vshll.u32 v3, $0x3  }
0x151: {  	v3 =	vand.u32 $0x7, v3;
	v4 =	vand.u32 $0xFFFFFFC0, v4  }
0x152: {  	v3 =	vor.u32 v3, v4  }
0x153: {  	v4 =	vperm.xlane v3, v0;
	_ =	sdelay $0x1  }
0x154: {  	v4 =	vadd.s32 v1, v4;
	_ =	sdelay $0x3  }
0x155: {  	s17 =	simm.s32 $0x0;
	s18 =	rddreg [dreg:$0x2]  }
0x156: {  	[tilespmem:s14], [sflag:$0x4] =	stream.indirect_vreg.gather [hbm4b:s18+s17], $0x80, v4, vm0, $0xb8;
	[tilespmem:$0x14200] =	vst v63  }
0x157: {  	v3 =	vperm.xlane v3, v2  }
0x158: {  	[tilespmem:s15], [sflag:$0x4] =	stream.indirect_vreg.gather [hbm4b:s9+s17], $0x80, v4, vm0, $0xb8;
	[tilespmem:$0x14200] =	vst v63  }
0x159: {  	s6 =	simm.s32 $0xD200;
	v3 =	vadd.s32 v1, v3  }
0x15a: {  	[tilespmem:s6], [sflag:$0x4] =	stream.indirect_vreg.gather [hbm4b:s10+s17], $0x80, v4, vm0, $0xb8;
	[tilespmem:$0x14200] =	vst v63  }
0x15b: {  	s19 =	simm.s32 $0xDA00  }
0x15c: {  	[tilespmem:s19], [sflag:$0x4] =	stream.indirect_vreg.gather [hbm4b:s11+s17], $0x80, v4, vm0, $0xb8;
	[tilespmem:$0x14200] =	vst v63  }
0x15d: {  	s20 =	simm.s32 $0xE200;
	s26 =	sshll.u32 s7, $0xC;
	s28 =	rddreg [dreg:$0x6]  }
0x15e: {  	[tilespmem:s20], [sflag:$0x4] =	stream.indirect_vreg.gather [hbm4b:s18+s17], $0x80, v3, vm0, $0xb8;
	[tilespmem:$0x14200] =	vst v63  }
0x15f: {  	s22 =	simm.s32 $0xEA00;
	s0 =	sadd.s32 s28, s26  }
0x160: {  	[tilespmem:s22], [sflag:$0x4] =	stream.indirect_vreg.gather [hbm4b:s9+s17], $0x80, v3, vm0, $0xb8;
	[tilespmem:$0x14200] =	vst v63  }
0x161: {  	s23 =	simm.s32 $0xF200;
	s0 =	sshrl.u32 s0, $0x3;
	s29 =	rddreg [dreg:$0x1]  }
0x162: {  	[tilespmem:s23], [sflag:$0x4] =	stream.indirect_vreg.gather [hbm4b:s10+s17], $0x80, v3, vm0, $0xb8;
	[tilespmem:$0x14200] =	vst v63  }
0x163: {  	s25 =	simm.s32 $0xFA00;
	s7 =	simm.s32 $0x10580;
	s0 =	sadd.s32 s29, s0  }
0x164: {  	[tilespmem:s25], [sflag:$0x4] =	stream.indirect_vreg.gather [hbm4b:s11+s17], $0x80, v3, vm0, $0xb8;
	[tilespmem:$0x14200] =	vst v63  }
0x165: {  	s3 =	simm.s32 $0x10380;
	s4 =	simm.s32 $0x10;
	s17 =	sadd.s32 $0x0, s0  }
.LBB2_11:
0x166: {  	[tilespmem:s3], [sflag:$0x8] =	stream.linear.gather [hbm4b:s17+s5], $0x80, $0x38;
	[tilespmem:$0x14200] =	vst v63  }
0x167: {  	s6 =	smov.u32 s4;
	s3 =	smov.u32 s7;
	p0 =	sne.s32 s4, $0x1F0  }
.Ltmp4:
0x168: {  	s4 =	sadd.s32 $0x10, s4;
	(pc) =	sbr.rel @p0 .LBB2_11-.Ltmp4, $2  }
0x169: {  	_ =	sdelay $0x2  }
0x16a: {  	s7 =	sadd.s32 $0x200, s7;
	s17 =	sadd.s32 s6, s0  }
0x16b: {  	[tilespmem:s3], [sflag:$0x8] =	stream.linear.gather [hbm4b:s17+s5], $0x80, $0x38;
	[tilespmem:$0x14200] =	vst v63  }
0x16c: {  	s0 =	simm.s32 $0x2  }
0x16d: {  	_ =	swait.ge [sflag:s0], $0x4000  }
0x16e: {  	[sflag:s0] =	ssyncset.done $0x0  }
0x16f: {  	s29 =	simm.s32 $0x6;
	[sflag:s0] =	ssyncadd.s32 $0xFFFFC000  }
0x170: {  	_ =	swait.ge [sflag:s29], $0x1000  }
0x171: {  	[sflag:s29] =	ssyncset.done $0x0  }
0x172: {  	s18 =	simm.s32 $0xFFFFFFC0;
	s17 =	simm.s32 $0x0;
	[sflag:s29] =	ssyncadd.s32 $0xFFFFF000  }
.LBB2_13:
0x173: {  	s20 =	sadd.s32 $0x40, s18  }
0x174: {  	s0 =	sshll.u32 s20, $0x2  }
0x175: {  	s6 =	sshll.u32 s20, $0x3;
	s3 =	sand.u32 $0x3FFFFE00, s0  }
0x176: {  	s0 =	sand.u32 $0x40, s20;
	s26 =	sand.u32 $0x3FFFFC00, s6;
	s4 =	sadd.s32 $0x10280, s3  }
0x177: {  	s14 =	sadd.s32 $0x4200, s26;
	s7 =	sor.u32 s0, s4  }
0x178: {  	s29 =	sor.u32 s0, s14;
	v3 =	vld [tilespmem:s7+$0x0]  }
0x179: {  	v4 =	vld [tilespmem:s29+$0x0]  }
0x17a: {  	v5 =	vld [tilespmem:s29+$0x80]  }
0x17b: {  	s28 =	sor.u32 $0x10, s0;
	v6 =	vld [tilespmem:s29+$0x100]  }
0x17c: {  	s15 =	sor.u32 s28, s4;
	v7 =	vld [tilespmem:s29+$0x180]  }
0x17d: {  	s25 =	sor.u32 s28, s14;
	v8 =	vld [tilespmem:s15+$0x0]  }
0x17e: {  	v9 =	vld [tilespmem:s25+$0x0]  }
0x17f: {  	v10 =	vld [tilespmem:s25+$0x80]  }
0x180: {  	v11 =	vld [tilespmem:s25+$0x100]  }
0x181: {  	v12 =	vld [tilespmem:s25+$0x180]  }
0x182: {  	s22 =	sadd.s32 $0x450, s18;
	v48 =	vld [tilespmem:s29+$0x200]  }
0x183: {  	s19 =	sand.u32 $0xE00, s17;
	s6 =	sand.u32 $0x50, s22;
	v49 =	vld [tilespmem:s29+$0x280];
	s7 =	sadd.s32 $0x1040, s17  }
0x184: {  	s23 =	sor.u32 s0, s19;
	s19 =	sor.u32 $0x20, s0;
	v51 =	vld [tilespmem:s29+$0x300];
	s7 =	sand.u32 $0x1E00, s7  }
0x185: {  	s22 =	sor.u32 $0x30, s0;
	v59 =	vld [tilespmem:s25+$0x200];
	s6 =	sor.u32 s6, s7;
	s7 =	sor.u32 s19, s4;
	v4 =	vmul.f32 $3.200000000e+01, v4  }
0x186: {  	s4 =	sor.u32 s22, s4;
	v52 =	vld [tilespmem:s7+$0x0];
	v5 =	vmul.f32 $3.200000000e+01, v5  }
0x187: {  	s7 =	sor.u32 s19, s14;
	v14 =	vld [tilespmem:s4+$0x0];
	v6 =	vmul.f32 $3.200000000e+01, v6;
	v4 =	vadd.f32 v4, v3  }
0x188: {  	v53 =	vld [tilespmem:s7+$0x0];
	v7 =	vmul.f32 $3.200000000e+01, v7;
	v5 =	vadd.f32 v5, v3  }
0x189: {  	v54 =	vld [tilespmem:s7+$0x80];
	v47 =	vmul.f32 $3.200000000e+01, v12;
	v42 =	vadd.f32 v6, v3;
	[tilespmem:s29+$0x0] =	vst v4  }
0x18a: {  	v55 =	vld [tilespmem:s7+$0x100];
	v43 =	vmul.f32 $3.200000000e+01, v9;
	v3 =	vadd.f32 v7, v3;
	[tilespmem:s29+$0x80] =	vst v5  }
0x18b: {  	s4 =	sor.u32 s22, s14;
	v13 =	vld [tilespmem:s7+$0x180];
	v44 =	vmul.f32 $3.200000000e+01, v10;
	v50 =	vadd.f32 v47, v8;
	[tilespmem:s29+$0x100] =	vst v42  }
0x18c: {  	v15 =	vld [tilespmem:s4+$0x0];
	v45 =	vmul.f32 $3.200000000e+01, v11;
	[tilespmem:s29+$0x180] =	vst v3;
	v3 =	vadd.f32 v43, v8  }
0x18d: {  	v16 =	vld [tilespmem:s4+$0x80];
	v4 =	vadd.f32 v44, v8;
	[tilespmem:s25+$0x180] =	vst v50;
	v10 =	vmul.f32 $3.200000000e+01, v53  }
0x18e: {  	v17 =	vld [tilespmem:s4+$0x100];
	v11 =	vmul.f32 $3.200000000e+01, v54;
	[tilespmem:s25+$0x0] =	vst v3;
	v3 =	vadd.f32 v45, v8  }
0x18f: {  	v58 =	vld [tilespmem:s4+$0x180];
	v12 =	vmul.f32 $3.200000000e+01, v55;
	[tilespmem:s25+$0x80] =	vst v4;
	v10 =	vadd.f32 v10, v52  }
0x190: {  	v60 =	vld [tilespmem:s25+$0x280];
	v57 =	vmul.f32 $3.200000000e+01, v13;
	v56 =	vadd.f32 v11, v52;
	[tilespmem:s25+$0x100] =	vst v3  }
0x191: {  	v62 =	vld [tilespmem:s25+$0x300];
	v61 =	vmul.f32 $3.200000000e+01, v15;
	v12 =	vadd.f32 v12, v52;
	[tilespmem:s7+$0x0] =	vst v10  }
0x192: {  	v63 =	vmul.f32 $3.200000000e+01, v16;
	v46 =	vld [tilespmem:s23+$0x11280];
	v8 =	vadd.f32 v57, v52;
	[tilespmem:s7+$0x80] =	vst v56  }
0x193: {  	v21 =	vmul.f32 $3.200000000e+01, v17;
	v11 =	vadd.f32 v61, v14;
	v3 =	vld [tilespmem:s29+$0x380];
	[tilespmem:s7+$0x100] =	vst v12  }
0x194: {  	v20 =	vld [tilespmem:s25+$0x380];
	v13 =	vmul.f32 $3.200000000e+01, v58;
	v15 =	vadd.f32 v63, v14;
	[tilespmem:s7+$0x180] =	vst v8  }
0x195: {  	v23 =	vld [tilespmem:s7+$0x200];
	v9 =	vmul.f32 $3.200000000e+01, v48;
	v16 =	vadd.f32 v21, v14;
	[tilespmem:s4+$0x0] =	vst v11  }
0x196: {  	v5 =	vmul.f32 $3.200000000e+01, v49;
	v13 =	vadd.f32 v13, v14;
	[tilespmem:s4+$0x80] =	vst v15;
	v4 =	vld [tilespmem:s6+$0x10280]  }
0x197: {  	s15 =	sadd.s32 $0x1080, s17;
	s14 =	sadd.s32 $0x460, s18;
	v24 =	vld [tilespmem:s7+$0x280];
	v7 =	vmul.f32 $3.200000000e+01, v51;
	[tilespmem:s4+$0x100] =	vst v16;
	v9 =	vadd.f32 v9, v46  }
0x198: {  	s3 =	sand.u32 $0x60, s14;
	v25 =	vld [tilespmem:s7+$0x300];
	[tilespmem:s4+$0x180] =	vst v13;
	s6 =	sand.u32 $0x1E00, s15;
	v5 =	vadd.f32 v5, v46;
	v3 =	vmul.f32 $3.200000000e+01, v3  }
0x199: {  	v27 =	vld [tilespmem:s7+$0x380];
	v10 =	vmul.f32 $3.200000000e+01, v59;
	s3 =	sor.u32 s3, s6;
	v7 =	vadd.f32 v7, v46;
	[tilespmem:s29+$0x200] =	vst v9  }
0x19a: {  	v26 =	vmul.f32 $3.200000000e+01, v60;
	v22 =	vld [tilespmem:s3+$0x10280];
	[tilespmem:s29+$0x280] =	vst v5;
	v3 =	vadd.f32 v3, v46  }
0x19b: {  	s14 =	sadd.s32 $0x470, s18;
	v32 =	vld [tilespmem:s4+$0x200];
	v29 =	vmul.f32 $3.200000000e+01, v62;
	s15 =	sadd.s32 $0x10C0, s17;
	[tilespmem:s29+$0x300] =	vst v7;
	v28 =	vadd.f32 v10, v4  }
0x19c: {  	v35 =	vld [tilespmem:s4+$0x280];
	v31 =	vmul.f32 $3.200000000e+01, v20;
	s6 =	sand.u32 $0x1E00, s15;
	s3 =	sand.u32 $0x70, s14;
	[tilespmem:s29+$0x380] =	vst v3;
	v3 =	vadd.f32 v26, v4  }
0x19d: {  	v37 =	vld [tilespmem:s4+$0x300];
	v34 =	vmul.f32 $3.200000000e+01, v23;
	s3 =	sor.u32 s3, s6;
	v33 =	vadd.f32 v29, v4;
	[tilespmem:s25+$0x200] =	vst v28  }
0x19e: {  	v36 =	vmul.f32 $3.200000000e+01, v24;
	v30 =	vld [tilespmem:s3+$0x10280];
	[tilespmem:s25+$0x280] =	vst v3;
	v3 =	vadd.f32 v31, v4  }
0x19f: {  	v40 =	vld [tilespmem:s4+$0x380];
	v39 =	vmul.f32 $3.200000000e+01, v25;
	[tilespmem:s25+$0x300] =	vst v33;
	v38 =	vadd.f32 v34, v22  }
0x1a0: {  	v41 =	vmul.f32 $3.200000000e+01, v27;
	[tilespmem:s25+$0x380] =	vst v3;
	v3 =	vadd.f32 v36, v22  }
0x1a1: {  	v8 =	vmul.f32 $3.200000000e+01, v32;
	v42 =	vadd.f32 v39, v22;
	[tilespmem:s7+$0x200] =	vst v38  }
0x1a2: {  	v43 =	vmul.f32 $3.200000000e+01, v35;
	s3 =	sadd.s32 $0x6200, s26;
	[tilespmem:s7+$0x280] =	vst v3;
	v3 =	vadd.f32 v41, v22  }
0x1a3: {  	v6 =	vmul.f32 $3.200000000e+01, v37;
	s6 =	sor.u32 s0, s3;
	[tilespmem:s7+$0x300] =	vst v42;
	v44 =	vadd.f32 v8, v30  }
0x1a4: {  	s15 =	sadd.s32 $0x2040, s17;
	s14 =	sadd.s32 $0x850, s18;
	v46 =	vmul.f32 $3.200000000e+01, v40;
	v45 =	vld [tilespmem:s6+$0x0];
	[tilespmem:s7+$0x380] =	vst v3;
	v3 =	vadd.f32 v43, v30  }
0x1a5: {  	s29 =	sor.u32 s28, s3;
	v47 =	vld [tilespmem:s23+$0x12280];
	v48 =	vadd.f32 v6, v30;
	[tilespmem:s4+$0x200] =	vst v44;
	s25 =	sand.u32 $0x50, s14;
	s14 =	sand.u32 $0x2E00, s15  }
0x1a6: {  	s15 =	sadd.s32 $0x860, s18;
	v49 =	vld [tilespmem:s29+$0x0];
	s7 =	sor.u32 s25, s14;
	s14 =	sadd.s32 $0x2080, s17;
	[tilespmem:s4+$0x280] =	vst v3;
	v3 =	vadd.f32 v46, v30  }
0x1a7: {  	[tilespmem:s4+$0x300] =	vst v48;
	s25 =	sor.u32 s19, s3;
	s3 =	sor.u32 s22, s3;
	v50 =	vld [tilespmem:s7+$0x10280];
	s7 =	sand.u32 $0x60, s15  }
0x1a8: {  	s14 =	sand.u32 $0x2E00, s14;
	v51 =	vld [tilespmem:s25+$0x0];
	s15 =	sadd.s32 $0x20C0, s17;
	[tilespmem:s4+$0x380] =	vst v3;
	s4 =	sadd.s32 $0x870, s18  }
0x1a9: {  	s7 =	sor.u32 s7, s14;
	s15 =	sand.u32 $0x2E00, s15;
	v3 =	vmul.f32 $3.200000000e+01, v45;
	s4 =	sand.u32 $0x70, s4;
	v52 =	vld [tilespmem:s3+$0x0]  }
0x1aa: {  	v53 =	vld [tilespmem:s7+$0x10280];
	s4 =	sor.u32 s4, s15  }
0x1ab: {  	v6 =	vmul.f32 $3.200000000e+01, v49;
	v3 =	vadd.f32 v3, v47;
	v54 =	vld [tilespmem:s4+$0x10280]  }
0x1ac: {  	s4 =	sadd.s32 $0x6280, s26  }
0x1ad: {  	v5 =	vmul.f32 $3.200000000e+01, v51;
	[tilespmem:s6+$0x0] =	vst v3;
	s15 =	sor.u32 s0, s4;
	v3 =	vadd.f32 v6, v50  }
0x1ae: {  	v55 =	vld [tilespmem:s15+$0x0];
	v7 =	vmul.f32 $3.200000000e+01, v52  }
0x1af: {  	s7 =	sor.u32 s28, s4;
	[tilespmem:s29+$0x0] =	vst v3;
	v3 =	vadd.f32 v5, v53  }
0x1b0: {  	v56 =	vld [tilespmem:s7+$0x0];
	v7 =	vadd.f32 v7, v54  }
0x1b1: {  	s14 =	sor.u32 s19, s4;
	[tilespmem:s25+$0x0] =	vst v3  }
0x1b2: {  	s25 =	sor.u32 s22, s4;
	v3 =	vld [tilespmem:s14+$0x0];
	[tilespmem:s3+$0x0] =	vst v7  }
0x1b3: {  	v6 =	vmul.f32 $3.200000000e+01, v55;
	v7 =	vld [tilespmem:s25+$0x0];
	_ =	sdelay $0x1  }
0x1b4: {  	v6 =	vadd.f32 v6, v47;
	v5 =	vmul.f32 $3.200000000e+01, v56  }
0x1b5: {  	s29 =	sadd.s32 $0x6300, s26  }
0x1b6: {  	[tilespmem:s15+$0x0] =	vst v6;
	s15 =	sor.u32 s0, s29;
	v5 =	vadd.f32 v5, v50;
	v3 =	vmul.f32 $3.200000000e+01, v3  }
0x1b7: {  	v6 =	vld [tilespmem:s15+$0x0];
	v7 =	vmul.f32 $3.200000000e+01, v7  }
0x1b8: {  	[tilespmem:s7+$0x0] =	vst v5;
	s7 =	sor.u32 s28, s29;
	v3 =	vadd.f32 v3, v53  }
0x1b9: {  	v5 =	vld [tilespmem:s7+$0x0];
	v7 =	vadd.f32 v7, v54  }
0x1ba: {  	[tilespmem:s14+$0x0] =	vst v3;
	s14 =	sor.u32 s19, s29  }
0x1bb: {  	v3 =	vld [tilespmem:s14+$0x0];
	[tilespmem:s25+$0x0] =	vst v7;
	s25 =	sor.u32 s22, s29  }
0x1bc: {  	v6 =	vmul.f32 $3.200000000e+01, v6;
	v7 =	vld [tilespmem:s25+$0x0];
	_ =	sdelay $0x1  }
0x1bd: {  	v6 =	vadd.f32 v6, v47;
	v5 =	vmul.f32 $3.200000000e+01, v5  }
0x1be: {  	s29 =	sadd.s32 $0x6380, s26  }
0x1bf: {  	[tilespmem:s15+$0x0] =	vst v6;
	s15 =	sor.u32 s0, s29;
	v5 =	vadd.f32 v5, v50;
	v3 =	vmul.f32 $3.200000000e+01, v3  }
0x1c0: {  	v6 =	vld [tilespmem:s15+$0x0];
	v7 =	vmul.f32 $3.200000000e+01, v7  }
0x1c1: {  	[tilespmem:s7+$0x0] =	vst v5;
	s7 =	sor.u32 s28, s29;
	v3 =	vadd.f32 v3, v53  }
0x1c2: {  	v5 =	vld [tilespmem:s7+$0x0];
	v7 =	vadd.f32 v7, v54  }
0x1c3: {  	[tilespmem:s14+$0x0] =	vst v3;
	s14 =	sor.u32 s19, s29  }
0x1c4: {  	s3 =	sor.u32 s22, s29;
	v3 =	vld [tilespmem:s14+$0x0];
	[tilespmem:s25+$0x0] =	vst v7  }
0x1c5: {  	v6 =	vmul.f32 $3.200000000e+01, v6;
	v7 =	vld [tilespmem:s3+$0x0];
	_ =	sdelay $0x1  }
0x1c6: {  	v6 =	vadd.f32 v6, v47;
	v5 =	vmul.f32 $3.200000000e+01, v5;
	_ =	sdelay $0x1  }
0x1c7: {  	s4 =	sadd.s32 $0x6400, s26;
	s29 =	sadd.s32 $0x3040, s17;
	s25 =	sadd.s32 $0xC50, s18;
	[tilespmem:s15+$0x0] =	vst v6;
	v4 =	vadd.f32 v5, v50;
	v3 =	vmul.f32 $3.200000000e+01, v3  }
0x1c8: {  	s6 =	sand.u32 $0x50, s25;
	s15 =	sand.u32 $0x3E00, s29;
	v57 =	vld [tilespmem:s23+$0x13280];
	s23 =	sor.u32 s0, s4;
	v58 =	vmul.f32 $3.200000000e+01, v7  }
0x1c9: {  	s6 =	sor.u32 s6, s15;
	v59 =	vld [tilespmem:s23+$0x0];
	[tilespmem:s7+$0x0] =	vst v4;
	v3 =	vadd.f32 v3, v53  }
0x1ca: {  	s25 =	sadd.s32 $0x3080, s17;
	s15 =	sadd.s32 $0xC60, s18;
	v4 =	vld [tilespmem:s6+$0x10280];
	s6 =	sor.u32 s28, s4;
	v6 =	vadd.f32 v58, v54  }
0x1cb: {  	s29 =	sand.u32 $0x3E00, s25;
	s7 =	sand.u32 $0x60, s15;
	s15 =	sor.u32 s19, s4;
	v60 =	vld [tilespmem:s6+$0x0];
	[tilespmem:s14+$0x0] =	vst v3  }
0x1cc: {  	s25 =	sadd.s32 $0x30C0, s17;
	s18 =	sadd.s32 $0xC70, s18;
	s4 =	sor.u32 s22, s4;
	v3 =	vld [tilespmem:s15+$0x0];
	[tilespmem:s3+$0x0] =	vst v6  }
0x1cd: {  	s7 =	sor.u32 s7, s29;
	s29 =	sand.u32 $0x3E00, s25;
	s3 =	sand.u32 $0x70, s18;
	v6 =	vld [tilespmem:s4+$0x0]  }
0x1ce: {  	v61 =	vld [tilespmem:s7+$0x10280];
	s3 =	sor.u32 s3, s29  }
0x1cf: {  	v7 =	vmul.f32 $3.200000000e+01, v59;
	v62 =	vld [tilespmem:s3+$0x10280]  }
0x1d0: {  	v8 =	vmul.f32 $3.200000000e+01, v60  }
0x1d1: {  	v7 =	vadd.f32 v7, v57;
	v3 =	vmul.f32 $3.200000000e+01, v3  }
0x1d2: {  	s7 =	sadd.s32 $0x6480, s26;
	v8 =	vadd.f32 v8, v4;
	v6 =	vmul.f32 $3.200000000e+01, v6  }
0x1d3: {  	s14 =	sor.u32 s0, s7;
	[tilespmem:s23+$0x0] =	vst v7;
	v3 =	vadd.f32 v3, v61  }
0x1d4: {  	s18 =	sor.u32 s28, s7;
	v7 =	vld [tilespmem:s14+$0x0];
	[tilespmem:s6+$0x0] =	vst v8;
	v6 =	vadd.f32 v6, v62  }
0x1d5: {  	s23 =	sor.u32 s19, s7;
	v8 =	vld [tilespmem:s18+$0x0];
	[tilespmem:s15+$0x0] =	vst v3  }
0x1d6: {  	s3 =	sor.u32 s22, s7;
	v3 =	vld [tilespmem:s23+$0x0];
	[tilespmem:s4+$0x0] =	vst v6  }
0x1d7: {  	v6 =	vld [tilespmem:s3+$0x0];
	_ =	sdelay $0x1  }
0x1d8: {  	v7 =	vmul.f32 $3.200000000e+01, v7  }
0x1d9: {  	v8 =	vmul.f32 $3.200000000e+01, v8  }
0x1da: {  	v7 =	vadd.f32 v7, v57;
	v3 =	vmul.f32 $3.200000000e+01, v3  }
0x1db: {  	s25 =	sadd.s32 $0x6500, s26;
	v8 =	vadd.f32 v8, v4;
	v6 =	vmul.f32 $3.200000000e+01, v6  }
0x1dc: {  	s29 =	sor.u32 s0, s25;
	[tilespmem:s14+$0x0] =	vst v7;
	v3 =	vadd.f32 v3, v61  }
0x1dd: {  	s15 =	sor.u32 s28, s25;
	v7 =	vld [tilespmem:s29+$0x0];
	[tilespmem:s18+$0x0] =	vst v8;
	v6 =	vadd.f32 v6, v62  }
0x1de: {  	s18 =	sor.u32 s19, s25;
	v8 =	vld [tilespmem:s15+$0x0];
	[tilespmem:s23+$0x0] =	vst v3  }
0x1df: {  	s23 =	sor.u32 s22, s25;
	v3 =	vld [tilespmem:s18+$0x0];
	[tilespmem:s3+$0x0] =	vst v6  }
0x1e0: {  	v6 =	vld [tilespmem:s23+$0x0];
	_ =	sdelay $0x1  }
0x1e1: {  	v7 =	vmul.f32 $3.200000000e+01, v7  }
0x1e2: {  	v8 =	vmul.f32 $3.200000000e+01, v8  }
0x1e3: {  	v7 =	vadd.f32 v7, v57;
	v3 =	vmul.f32 $3.200000000e+01, v3  }
0x1e4: {  	s25 =	sadd.s32 $0x6580, s26;
	v8 =	vadd.f32 v8, v4;
	v6 =	vmul.f32 $3.200000000e+01, v6  }
0x1e5: {  	s0 =	sor.u32 s0, s25;
	[tilespmem:s29+$0x0] =	vst v7;
	v3 =	vadd.f32 v3, v61  }
0x1e6: {  	s26 =	sor.u32 s28, s25;
	v7 =	vld [tilespmem:s0+$0x0];
	[tilespmem:s15+$0x0] =	vst v8;
	v6 =	vadd.f32 v6, v62  }
0x1e7: {  	s28 =	sor.u32 s19, s25;
	v8 =	vld [tilespmem:s26+$0x0];
	[tilespmem:s18+$0x0] =	vst v3  }
0x1e8: {  	s29 =	sor.u32 s22, s25;
	v3 =	vld [tilespmem:s28+$0x0];
	[tilespmem:s23+$0x0] =	vst v6  }
0x1e9: {  	v6 =	vld [tilespmem:s29+$0x0];
	_ =	sdelay $0x1  }
0x1ea: {  	v7 =	vmul.f32 $3.200000000e+01, v7  }
0x1eb: {  	v8 =	vmul.f32 $3.200000000e+01, v8  }
0x1ec: {  	p0 =	slt.u32 s20, $0x3C0;
	v5 =	vadd.f32 v7, v57;
	v3 =	vmul.f32 $3.200000000e+01, v3  }
.Ltmp5:
0x1ed: {  	v4 =	vadd.f32 v8, v4;
	v6 =	vmul.f32 $3.200000000e+01, v6;
	(pc) =	sbr.rel @p0 .LBB2_13-.Ltmp5, $4  }
0x1ee: {  	[tilespmem:s0+$0x0] =	vst v5;
	v3 =	vadd.f32 v3, v61  }
0x1ef: {  	[tilespmem:s26+$0x0] =	vst v4;
	v63 =	vadd.f32 v6, v62  }
0x1f0: {  	[tilespmem:s28+$0x0] =	vst v3  }
0x1f1: {  	s17 =	sadd.s32 $0x100, s17;
	s18 =	smov.u32 s20;
	[tilespmem:s29+$0x0] =	vst v63  }
0x1f2: {  	s0 =	rddreg [dreg:$0x5]  }
0x1f3: {  	s0 =	sadd.s32 s8, s0  }
0x1f4: {  	s0 =	sshll.u32 s0, $0x7  }
0x1f5: {  	s0 =	sadd.s32 $0x800, s0  }
0x1f6: {  	s0 =	sand.u32 $0x1FFFE800, s0  }
0x1f7: {  	s4 =	simm.s32 $0x4200;
	s3 =	sadd.s32 s16, s0  }
0x1f8: {  	[hbm4b:s3+s5] =	stream.linear.scatter [tilespmem:s4], [sflag:$0xA], $0x200, $0x38;
	[tilespmem:$0x14200] =	vst v63  }
0x1f9: {  	s6 =	simm.s32 $0x4600;
	s7 =	sadd.s32 $0x40, s3  }
0x1fa: {  	[hbm4b:s7+s5] =	stream.linear.scatter [tilespmem:s6], [sflag:$0xA], $0x200, $0x38;
	[tilespmem:$0x14200] =	vst v63  }
0x1fb: {  	s14 =	simm.s32 $0x4A00;
	s8 =	sadd.s32 $0x80, s3  }
0x1fc: {  	[hbm4b:s8+s5] =	stream.linear.scatter [tilespmem:s14], [sflag:$0xA], $0x200, $0x38;
	[tilespmem:$0x14200] =	vst v63  }
0x1fd: {  	s29 =	smov.u32 s16;
	s16 =	simm.s32 $0x4E00;
	s15 =	sadd.s32 $0xC0, s3  }
0x1fe: {  	[hbm4b:s15+s5] =	stream.linear.scatter [tilespmem:s16], [sflag:$0xA], $0x200, $0x38;
	[tilespmem:$0x14200] =	vst v63  }
0x1ff: {  	s18 =	simm.s32 $0x5200;
	s17 =	sadd.s32 $0x100, s3  }
0x200: {  	[hbm4b:s17+s5] =	stream.linear.scatter [tilespmem:s18], [sflag:$0xA], $0x200, $0x38;
	[tilespmem:$0x14200] =	vst v63  }
0x201: {  	s20 =	simm.s32 $0x5600;
	s19 =	sadd.s32 $0x140, s3  }
0x202: {  	[hbm4b:s19+s5] =	stream.linear.scatter [tilespmem:s20], [sflag:$0xA], $0x200, $0x38;
	[tilespmem:$0x14200] =	vst v63  }
0x203: {  	s23 =	simm.s32 $0x5A00;
	s22 =	sadd.s32 $0x180, s3  }
0x204: {  	[hbm4b:s22+s5] =	stream.linear.scatter [tilespmem:s23], [sflag:$0xA], $0x200, $0x38;
	[tilespmem:$0x14200] =	vst v63  }
0x205: {  	s25 =	simm.s32 $0x5E00;
	s3 =	sadd.s32 $0x1C0, s3  }
0x206: {  	[hbm4b:s3+s5] =	stream.linear.scatter [tilespmem:s25], [sflag:$0xA], $0x200, $0x38;
	[tilespmem:$0x14200] =	vst v63  }
0x207: {  	s28 =	simm.s32 $0x4400;
	s26 =	sadd.s32 s0, s2  }
0x208: {  	[hbm4b:s26+s5] =	stream.linear.scatter [tilespmem:s28], [sflag:$0xA], $0x200, $0x38;
	[tilespmem:$0x14200] =	vst v63  }
0x209: {  	s6 =	simm.s32 $0x4800;
	s16 =	smov.u32 s2;
	s2 =	sadd.s32 $0x40, s26  }
0x20a: {  	[hbm4b:s2+s5] =	stream.linear.scatter [tilespmem:s6], [sflag:$0xA], $0x200, $0x38;
	[tilespmem:$0x14200] =	vst v63  }
0x20b: {  	s7 =	sadd.s32 $0x80, s26;
	s8 =	simm.s32 $0x4C00  }
0x20c: {  	[hbm4b:s7+s5] =	stream.linear.scatter [tilespmem:s8], [sflag:$0xA], $0x200, $0x38;
	[tilespmem:$0x14200] =	vst v63  }
0x20d: {  	s14 =	sadd.s32 $0xC0, s26;
	s15 =	simm.s32 $0x5000  }
0x20e: {  	[hbm4b:s14+s5] =	stream.linear.scatter [tilespmem:s15], [sflag:$0xA], $0x200, $0x38;
	[tilespmem:$0x14200] =	vst v63  }
0x20f: {  	s17 =	sadd.s32 $0x100, s26;
	s18 =	simm.s32 $0x5400  }
0x210: {  	[hbm4b:s17+s5] =	stream.linear.scatter [tilespmem:s18], [sflag:$0xA], $0x200, $0x38;
	[tilespmem:$0x14200] =	vst v63  }
0x211: {  	s19 =	sadd.s32 $0x140, s26;
	s20 =	simm.s32 $0x5800  }
0x212: {  	[hbm4b:s19+s5] =	stream.linear.scatter [tilespmem:s20], [sflag:$0xA], $0x200, $0x38;
	[tilespmem:$0x14200] =	vst v63  }
0x213: {  	s22 =	sadd.s32 $0x180, s26;
	s23 =	simm.s32 $0x5C00  }
0x214: {  	[hbm4b:s22+s5] =	stream.linear.scatter [tilespmem:s23], [sflag:$0xA], $0x200, $0x38;
	[tilespmem:$0x14200] =	vst v63  }
0x215: {  	s3 =	sadd.s32 $0x1C0, s26;
	s25 =	simm.s32 $0x6000;
	s26 =	rddreg [dreg:$0x8]  }
0x216: {  	[hbm4b:s3+s5] =	stream.linear.scatter [tilespmem:s25], [sflag:$0xA], $0x200, $0x38;
	[tilespmem:$0x14200] =	vst v63  }
0x217: {  	s28 =	sadd.s32 s0, s26;
	s6 =	simm.s32 $0x6200  }
0x218: {  	[hbm4b:s28+s5] =	stream.linear.scatter [tilespmem:s6], [sflag:$0xA], $0x200, $0x38;
	[tilespmem:$0x14200] =	vst v63  }
0x219: {  	s7 =	sadd.s32 $0x40, s28;
	s8 =	simm.s32 $0x6600  }
0x21a: {  	[hbm4b:s7+s5] =	stream.linear.scatter [tilespmem:s8], [sflag:$0xA], $0x200, $0x38;
	[tilespmem:$0x14200] =	vst v63  }
0x21b: {  	s14 =	sadd.s32 $0x80, s28;
	s15 =	simm.s32 $0x6A00  }
0x21c: {  	[hbm4b:s14+s5] =	stream.linear.scatter [tilespmem:s15], [sflag:$0xA], $0x200, $0x38;
	[tilespmem:$0x14200] =	vst v63  }
0x21d: {  	s17 =	sadd.s32 $0xC0, s28;
	s18 =	simm.s32 $0x6E00  }
0x21e: {  	[hbm4b:s17+s5] =	stream.linear.scatter [tilespmem:s18], [sflag:$0xA], $0x200, $0x38;
	[tilespmem:$0x14200] =	vst v63  }
0x21f: {  	s19 =	sadd.s32 $0x100, s28;
	s20 =	simm.s32 $0x7200  }
0x220: {  	[hbm4b:s19+s5] =	stream.linear.scatter [tilespmem:s20], [sflag:$0xA], $0x200, $0x38;
	[tilespmem:$0x14200] =	vst v63  }
0x221: {  	s22 =	sadd.s32 $0x140, s28;
	s23 =	simm.s32 $0x7600  }
0x222: {  	[hbm4b:s22+s5] =	stream.linear.scatter [tilespmem:s23], [sflag:$0xA], $0x200, $0x38;
	[tilespmem:$0x14200] =	vst v63  }
0x223: {  	s26 =	simm.s32 $0x7A00;
	s25 =	sadd.s32 $0x180, s28  }
0x224: {  	[hbm4b:s25+s5] =	stream.linear.scatter [tilespmem:s26], [sflag:$0xA], $0x200, $0x38;
	[tilespmem:$0x14200] =	vst v63  }
0x225: {  	s4 =	rddreg [dreg:$0x9];
	s3 =	sadd.s32 $0x1C0, s28;
	s28 =	simm.s32 $0x7E00  }
0x226: {  	[hbm4b:s3+s5] =	stream.linear.scatter [tilespmem:s28], [sflag:$0xA], $0x200, $0x38;
	[tilespmem:$0x14200] =	vst v63  }
0x227: {  	s0 =	sadd.s32 s0, s4;
	s6 =	simm.s32 $0x6400  }
0x228: {  	[hbm4b:s0+s5] =	stream.linear.scatter [tilespmem:s6], [sflag:$0xA], $0x200, $0x38;
	[tilespmem:$0x14200] =	vst v63  }
0x229: {  	s7 =	sadd.s32 $0x40, s0;
	s8 =	simm.s32 $0x6800  }
0x22a: {  	[hbm4b:s7+s5] =	stream.linear.scatter [tilespmem:s8], [sflag:$0xA], $0x200, $0x38;
	[tilespmem:$0x14200] =	vst v63  }
0x22b: {  	s14 =	sadd.s32 $0x80, s0;
	s15 =	simm.s32 $0x6C00  }
0x22c: {  	[hbm4b:s14+s5] =	stream.linear.scatter [tilespmem:s15], [sflag:$0xA], $0x200, $0x38;
	[tilespmem:$0x14200] =	vst v63  }
0x22d: {  	s17 =	sadd.s32 $0xC0, s0;
	s18 =	simm.s32 $0x7000  }
0x22e: {  	[hbm4b:s17+s5] =	stream.linear.scatter [tilespmem:s18], [sflag:$0xA], $0x200, $0x38;
	[tilespmem:$0x14200] =	vst v63  }
0x22f: {  	s19 =	sadd.s32 $0x100, s0;
	s20 =	simm.s32 $0x7400  }
0x230: {  	[hbm4b:s19+s5] =	stream.linear.scatter [tilespmem:s20], [sflag:$0xA], $0x200, $0x38;
	[tilespmem:$0x14200] =	vst v63  }
0x231: {  	s22 =	sadd.s32 $0x140, s0;
	s23 =	simm.s32 $0x7800  }
0x232: {  	[hbm4b:s22+s5] =	stream.linear.scatter [tilespmem:s23], [sflag:$0xA], $0x200, $0x38;
	[tilespmem:$0x14200] =	vst v63  }
0x233: {  	s25 =	sadd.s32 $0x180, s0;
	s26 =	simm.s32 $0x7C00  }
0x234: {  	[hbm4b:s25+s5] =	stream.linear.scatter [tilespmem:s26], [sflag:$0xA], $0x200, $0x38;
	[tilespmem:$0x14200] =	vst v63  }
0x235: {  	s28 =	simm.s32 $0x8000;
	s0 =	sadd.s32 $0x1C0, s0  }
0x236: {  	[hbm4b:s0+s5] =	stream.linear.scatter [tilespmem:s28], [sflag:$0xA], $0x200, $0x38;
	[tilespmem:$0x14200] =	vst v63  }
0x237: {  	_ =	swait.ge [sflag:s21], $0x1000  }
0x238: {  	[sflag:s21] =	ssyncset.done $0x0  }
0x239: {  	[sflag:s21] =	ssyncadd.s32 $0xFFFFF000  }
0x23a: {  	_ =	swait.ge [sflag:s21], $0x1000  }
0x23b: {  	[sflag:s21] =	ssyncset.done $0x0  }
0x23c: {  	[sflag:s21] =	ssyncadd.s32 $0xFFFFF000  }
0x23d: {  	p0 =	seq.s32 s30, $0x7;
	_ =	swait.ge [sflag:s21], $0x1000  }
.Ltmp6:
0x23e: {  	[sflag:s21] =	ssyncset.done $0x0;
	(pc) =	sbr.rel @p0 .LBB2_18-.Ltmp6, $4  }
0x23f: {  	[sflag:s21] =	ssyncadd.s32 $0xFFFFF000  }
0x240: {  	_ =	swait.ge [sflag:s21], $0x1000  }
0x241: {  	[sflag:s21] =	ssyncset.done $0x0  }
0x242: {  	[sflag:s21] =	ssyncadd.s32 $0xFFFFF000  }
0x243: {  	s0 =	sadd.s32 $0x4, s31  }
0x244: {  	s3 =	sshll.u32 s0, $0x4  }
0x245: {  	s3 =	sand.u32 $0x3FFFFFF0, s3  }
0x246: {  	v3 =	vld [tilespmem:s3+$0x0];
	_ =	sdelay $0x4  }
0x247: {  	v4 =	vshll.u32 v3, $0x3  }
0x248: {  	v3 =	vand.u32 $0x7, v3;
	v4 =	vand.u32 $0xFFFFFFC0, v4  }
0x249: {  	v3 =	vor.u32 v3, v4  }
0x24a: {  	v4 =	vperm.xlane v3, v0;
	_ =	sdelay $0x1  }
0x24b: {  	v4 =	vadd.s32 v1, v4;
	_ =	sdelay $0x3  }
0x24c: {  	s15 =	simm.s32 $0x0;
	s4 =	rddreg [dreg:$0x2];
	s2 =	simm.s32 $0x200  }
0x24d: {  	[tilespmem:s2], [sflag:$0x1] =	stream.indirect_vreg.gather [hbm4b:s4+s15], $0x80, v4, vm0, $0xb8;
	[tilespmem:$0x14200] =	vst v63  }
0x24e: {  	s17 =	simm.s32 $0xA00;
	v3 =	vperm.xlane v3, v2  }
0x24f: {  	[tilespmem:s17], [sflag:$0x1] =	stream.indirect_vreg.gather [hbm4b:s9+s15], $0x80, v4, vm0, $0xb8;
	[tilespmem:$0x14200] =	vst v63  }
0x250: {  	s18 =	simm.s32 $0x1200;
	v3 =	vadd.s32 v1, v3  }
0x251: {  	[tilespmem:s18], [sflag:$0x1] =	stream.indirect_vreg.gather [hbm4b:s10+s15], $0x80, v4, vm0, $0xb8;
	[tilespmem:$0x14200] =	vst v63  }
0x252: {  	s19 =	simm.s32 $0x1A00;
	s26 =	rddreg [dreg:$0x6];
	s0 =	sshll.u32 s0, $0xC  }
0x253: {  	[tilespmem:s19], [sflag:$0x1] =	stream.indirect_vreg.gather [hbm4b:s11+s15], $0x80, v4, vm0, $0xb8;
	[tilespmem:$0x14200] =	vst v63  }
0x254: {  	s20 =	simm.s32 $0x2200;
	s22 =	simm.s32 $0x2A00;
	s0 =	sadd.s32 s26, s0  }
0x255: {  	[tilespmem:s20], [sflag:$0x1] =	stream.indirect_vreg.gather [hbm4b:s4+s15], $0x80, v3, vm0, $0xb8;
	[tilespmem:$0x14200] =	vst v63  }
0x256: {  	s23 =	simm.s32 $0x3200;
	s28 =	rddreg [dreg:$0x1];
	s0 =	sshrl.u32 s0, $0x3  }
0x257: {  	[tilespmem:s22], [sflag:$0x1] =	stream.indirect_vreg.gather [hbm4b:s9+s15], $0x80, v3, vm0, $0xb8;
	[tilespmem:$0x14200] =	vst v63  }
0x258: {  	s25 =	simm.s32 $0x3A00;
	s7 =	simm.s32 $0x10400;
	s0 =	sadd.s32 s28, s0  }
0x259: {  	[tilespmem:s23], [sflag:$0x1] =	stream.indirect_vreg.gather [hbm4b:s10+s15], $0x80, v3, vm0, $0xb8;
	[tilespmem:$0x14200] =	vst v63  }
0x25a: {  	s3 =	simm.s32 $0x10200;
	s8 =	sadd.s32 $0x0, s0;
	s4 =	simm.s32 $0x10  }
0x25b: {  	[tilespmem:s25], [sflag:$0x1] =	stream.indirect_vreg.gather [hbm4b:s11+s15], $0x80, v3, vm0, $0xb8;
	[tilespmem:$0x14200] =	vst v63  }
.LBB2_16:
0x25c: {  	[tilespmem:s3], [sflag:$0x5] =	stream.linear.gather [hbm4b:s8+s5], $0x80, $0x38;
	[tilespmem:$0x14200] =	vst v63  }
0x25d: {  	s6 =	smov.u32 s4;
	s3 =	smov.u32 s7;
	p1 =	sne.s32 s4, $0x1F0  }
.Ltmp7:
0x25e: {  	s4 =	sadd.s32 $0x10, s4;
	(pc) =	sbr.rel @p1 .LBB2_16-.Ltmp7, $2  }
0x25f: {  	_ =	sdelay $0x2  }
0x260: {  	s7 =	sadd.s32 $0x200, s7;
	s8 =	sadd.s32 s6, s0  }
0x261: {  	[tilespmem:s3], [sflag:$0x5] =	stream.linear.gather [hbm4b:s8+s5], $0x80, $0x38;
	[tilespmem:$0x14200] =	vst v63  }
.LBB2_18:
0x262: {  	s0 =	simm.s32 $0x3  }
0x263: {  	_ =	swait.ge [sflag:s0], $0x4000  }
0x264: {  	[sflag:s0] =	ssyncset.done $0x0  }
0x265: {  	s28 =	simm.s32 $0x7;
	[sflag:s0] =	ssyncadd.s32 $0xFFFFC000  }
0x266: {  	_ =	swait.ge [sflag:s28], $0x1000  }
0x267: {  	[sflag:s28] =	ssyncset.done $0x0  }
0x268: {  	s20 =	simm.s32 $0xFFFFFFC0;
	s8 =	simm.s32 $0x0;
	[sflag:s28] =	ssyncadd.s32 $0xFFFFF000  }
.LBB2_19:
0x269: {  	s17 =	sadd.s32 $0x40, s20  }
0x26a: {  	s0 =	sshll.u32 s17, $0x2  }
0x26b: {  	s4 =	sshll.u32 s17, $0x3;
	s3 =	sand.u32 $0x3FFFFE00, s0  }
0x26c: {  	s0 =	sand.u32 $0x40, s17;
	s18 =	sand.u32 $0x3FFFFC00, s4;
	s3 =	sadd.s32 $0x10300, s3  }
0x26d: {  	s4 =	sadd.s32 $0x8200, s18;
	s6 =	sor.u32 s0, s3  }
0x26e: {  	s28 =	sor.u32 s0, s4;
	v3 =	vld [tilespmem:s6+$0x0]  }
0x26f: {  	v4 =	vld [tilespmem:s28+$0x0]  }
0x270: {  	v5 =	vld [tilespmem:s28+$0x80]  }
0x271: {  	s26 =	sor.u32 $0x10, s0;
	v6 =	vld [tilespmem:s28+$0x100]  }
0x272: {  	s22 =	sor.u32 s26, s3;
	v7 =	vld [tilespmem:s28+$0x180]  }
0x273: {  	s25 =	sor.u32 s26, s4;
	v8 =	vld [tilespmem:s22+$0x0]  }
0x274: {  	v9 =	vld [tilespmem:s25+$0x0]  }
0x275: {  	v10 =	vld [tilespmem:s25+$0x80]  }
0x276: {  	v11 =	vld [tilespmem:s25+$0x100]  }
0x277: {  	v12 =	vld [tilespmem:s25+$0x180]  }
0x278: {  	v48 =	vld [tilespmem:s28+$0x200]  }
0x279: {  	s2 =	sadd.s32 $0x450, s20;
	s7 =	sadd.s32 $0x1040, s8;
	s19 =	sor.u32 $0x20, s0;
	v49 =	vld [tilespmem:s28+$0x280]  }
0x27a: {  	s7 =	sand.u32 $0x1E00, s7;
	s14 =	sor.u32 s19, s3;
	v51 =	vld [tilespmem:s28+$0x300];
	s6 =	sand.u32 $0x50, s2  }
0x27b: {  	v52 =	vld [tilespmem:s14+$0x0];
	s6 =	sor.u32 s6, s7;
	s7 =	sor.u32 s19, s4;
	v4 =	vmul.f32 $3.200000000e+01, v4  }
0x27c: {  	v53 =	vld [tilespmem:s7+$0x0];
	v5 =	vmul.f32 $3.200000000e+01, v5  }
0x27d: {  	v54 =	vld [tilespmem:s7+$0x80];
	v6 =	vmul.f32 $3.200000000e+01, v6;
	v4 =	vadd.f32 v4, v3  }
0x27e: {  	s22 =	sor.u32 $0x30, s0;
	v55 =	vld [tilespmem:s7+$0x100];
	v7 =	vmul.f32 $3.200000000e+01, v7;
	v5 =	vadd.f32 v5, v3  }
0x27f: {  	s3 =	sor.u32 s22, s3;
	v13 =	vld [tilespmem:s7+$0x180];
	v47 =	vmul.f32 $3.200000000e+01, v12;
	v42 =	vadd.f32 v6, v3;
	[tilespmem:s28+$0x0] =	vst v4  }
0x280: {  	s4 =	sor.u32 s22, s4;
	v14 =	vld [tilespmem:s3+$0x0];
	v43 =	vmul.f32 $3.200000000e+01, v9;
	v3 =	vadd.f32 v7, v3;
	[tilespmem:s28+$0x80] =	vst v5  }
0x281: {  	v15 =	vld [tilespmem:s4+$0x0];
	v44 =	vmul.f32 $3.200000000e+01, v10;
	v50 =	vadd.f32 v47, v8;
	[tilespmem:s28+$0x100] =	vst v42  }
0x282: {  	v16 =	vld [tilespmem:s4+$0x80];
	v10 =	vmul.f32 $3.200000000e+01, v53;
	[tilespmem:s28+$0x180] =	vst v3;
	v3 =	vadd.f32 v43, v8  }
0x283: {  	v17 =	vld [tilespmem:s4+$0x100];
	v45 =	vmul.f32 $3.200000000e+01, v11;
	v11 =	vmul.f32 $3.200000000e+01, v54;
	v4 =	vadd.f32 v44, v8;
	[tilespmem:s25+$0x180] =	vst v50  }
0x284: {  	v58 =	vld [tilespmem:s4+$0x180];
	v12 =	vmul.f32 $3.200000000e+01, v55;
	v10 =	vadd.f32 v10, v52;
	[tilespmem:s25+$0x0] =	vst v3  }
0x285: {  	v59 =	vld [tilespmem:s25+$0x200];
	v56 =	vadd.f32 v11, v52;
	[tilespmem:s25+$0x80] =	vst v4  }
0x286: {  	s23 =	sand.u32 $0xE00, s8;
	v60 =	vld [tilespmem:s25+$0x280];
	v61 =	vmul.f32 $3.200000000e+01, v15;
	v12 =	vadd.f32 v12, v52;
	[tilespmem:s7+$0x0] =	vst v10  }
0x287: {  	s23 =	sor.u32 s0, s23;
	v62 =	vld [tilespmem:s25+$0x300];
	v63 =	vmul.f32 $3.200000000e+01, v16;
	v3 =	vadd.f32 v45, v8;
	[tilespmem:s7+$0x80] =	vst v56  }
0x288: {  	v21 =	vmul.f32 $3.200000000e+01, v17;
	v11 =	vadd.f32 v61, v14;
	v46 =	vld [tilespmem:s23+$0x11300];
	[tilespmem:s7+$0x100] =	vst v12  }
0x289: {  	v57 =	vmul.f32 $3.200000000e+01, v13;
	v13 =	vmul.f32 $3.200000000e+01, v58;
	v15 =	vadd.f32 v63, v14;
	[tilespmem:s25+$0x100] =	vst v3;
	v3 =	vld [tilespmem:s28+$0x380]  }
0x28a: {  	v20 =	vld [tilespmem:s25+$0x380];
	v16 =	vadd.f32 v21, v14;
	[tilespmem:s4+$0x0] =	vst v11  }
0x28b: {  	v23 =	vld [tilespmem:s7+$0x200];
	v9 =	vmul.f32 $3.200000000e+01, v48;
	v13 =	vadd.f32 v13, v14;
	[tilespmem:s4+$0x80] =	vst v15  }
0x28c: {  	v5 =	vmul.f32 $3.200000000e+01, v49;
	v8 =	vadd.f32 v57, v52;
	[tilespmem:s4+$0x100] =	vst v16;
	v4 =	vld [tilespmem:s6+$0x10300]  }
0x28d: {  	s15 =	sadd.s32 $0x460, s20;
	s2 =	sadd.s32 $0x1080, s8;
	v24 =	vld [tilespmem:s7+$0x280];
	v7 =	vmul.f32 $3.200000000e+01, v51;
	[tilespmem:s4+$0x180] =	vst v13;
	v9 =	vadd.f32 v9, v46  }
0x28e: {  	s3 =	sand.u32 $0x60, s15;
	v25 =	vld [tilespmem:s7+$0x300];
	[tilespmem:s7+$0x180] =	vst v8;
	s6 =	sand.u32 $0x1E00, s2;
	v5 =	vadd.f32 v5, v46;
	v3 =	vmul.f32 $3.200000000e+01, v3  }
0x28f: {  	v27 =	vld [tilespmem:s7+$0x380];
	v10 =	vmul.f32 $3.200000000e+01, v59;
	s3 =	sor.u32 s3, s6;
	v7 =	vadd.f32 v7, v46;
	[tilespmem:s28+$0x200] =	vst v9  }
0x290: {  	v26 =	vmul.f32 $3.200000000e+01, v60;
	v22 =	vld [tilespmem:s3+$0x10300];
	[tilespmem:s28+$0x280] =	vst v5;
	v3 =	vadd.f32 v3, v46  }
0x291: {  	s14 =	sadd.s32 $0x470, s20;
	s15 =	sadd.s32 $0x10C0, s8;
	v32 =	vld [tilespmem:s4+$0x200];
	v29 =	vmul.f32 $3.200000000e+01, v62;
	[tilespmem:s28+$0x300] =	vst v7;
	v28 =	vadd.f32 v10, v4  }
0x292: {  	v35 =	vld [tilespmem:s4+$0x280];
	v31 =	vmul.f32 $3.200000000e+01, v20;
	s6 =	sand.u32 $0x1E00, s15;
	s3 =	sand.u32 $0x70, s14;
	[tilespmem:s28+$0x380] =	vst v3;
	v3 =	vadd.f32 v26, v4  }
0x293: {  	v37 =	vld [tilespmem:s4+$0x300];
	v34 =	vmul.f32 $3.200000000e+01, v23;
	s3 =	sor.u32 s3, s6;
	v33 =	vadd.f32 v29, v4;
	[tilespmem:s25+$0x200] =	vst v28  }
0x294: {  	v36 =	vmul.f32 $3.200000000e+01, v24;
	v30 =	vld [tilespmem:s3+$0x10300];
	[tilespmem:s25+$0x280] =	vst v3;
	v3 =	vadd.f32 v31, v4  }
0x295: {  	v40 =	vld [tilespmem:s4+$0x380];
	v39 =	vmul.f32 $3.200000000e+01, v25;
	[tilespmem:s25+$0x300] =	vst v33;
	v38 =	vadd.f32 v34, v22  }
0x296: {  	v41 =	vmul.f32 $3.200000000e+01, v27;
	[tilespmem:s25+$0x380] =	vst v3;
	v3 =	vadd.f32 v36, v22  }
0x297: {  	v8 =	vmul.f32 $3.200000000e+01, v32;
	v42 =	vadd.f32 v39, v22;
	[tilespmem:s7+$0x200] =	vst v38  }
0x298: {  	v43 =	vmul.f32 $3.200000000e+01, v35;
	s3 =	sadd.s32 $0xA200, s18;
	[tilespmem:s7+$0x280] =	vst v3;
	v3 =	vadd.f32 v41, v22  }
0x299: {  	v6 =	vmul.f32 $3.200000000e+01, v37;
	s6 =	sor.u32 s0, s3;
	[tilespmem:s7+$0x300] =	vst v42;
	v44 =	vadd.f32 v8, v30  }
0x29a: {  	s15 =	sadd.s32 $0x2040, s8;
	s14 =	sadd.s32 $0x850, s20;
	v46 =	vmul.f32 $3.200000000e+01, v40;
	v45 =	vld [tilespmem:s6+$0x0];
	[tilespmem:s7+$0x380] =	vst v3;
	v3 =	vadd.f32 v43, v30  }
0x29b: {  	s2 =	sand.u32 $0x2E00, s15;
	s15 =	sor.u32 s26, s3;
	s28 =	sand.u32 $0x50, s14;
	v47 =	vld [tilespmem:s23+$0x12300];
	v48 =	vadd.f32 v6, v30;
	[tilespmem:s4+$0x200] =	vst v44  }
0x29c: {  	s25 =	sadd.s32 $0x860, s20;
	v49 =	vld [tilespmem:s15+$0x0];
	s7 =	sor.u32 s28, s2;
	s28 =	sadd.s32 $0x2080, s8;
	[tilespmem:s4+$0x280] =	vst v3;
	v3 =	vadd.f32 v46, v30  }
0x29d: {  	[tilespmem:s4+$0x300] =	vst v48;
	s2 =	sadd.s32 $0x20C0, s8;
	v50 =	vld [tilespmem:s7+$0x10300];
	s7 =	sand.u32 $0x60, s25;
	s25 =	sor.u32 s19, s3  }
0x29e: {  	s14 =	sand.u32 $0x2E00, s28;
	s3 =	sor.u32 s22, s3;
	v51 =	vld [tilespmem:s25+$0x0];
	[tilespmem:s4+$0x380] =	vst v3;
	s4 =	sadd.s32 $0x870, s20  }
0x29f: {  	s28 =	sand.u32 $0x2E00, s2;
	s7 =	sor.u32 s7, s14;
	v3 =	vmul.f32 $3.200000000e+01, v45;
	s4 =	sand.u32 $0x70, s4;
	v52 =	vld [tilespmem:s3+$0x0]  }
0x2a0: {  	v53 =	vld [tilespmem:s7+$0x10300];
	s4 =	sor.u32 s4, s28  }
0x2a1: {  	v6 =	vmul.f32 $3.200000000e+01, v49;
	v3 =	vadd.f32 v3, v47;
	v54 =	vld [tilespmem:s4+$0x10300]  }
0x2a2: {  	s2 =	sadd.s32 $0xA280, s18  }
0x2a3: {  	v5 =	vmul.f32 $3.200000000e+01, v51;
	[tilespmem:s6+$0x0] =	vst v3;
	s6 =	sor.u32 s0, s2;
	v3 =	vadd.f32 v6, v50  }
0x2a4: {  	v55 =	vld [tilespmem:s6+$0x0];
	v7 =	vmul.f32 $3.200000000e+01, v52  }
0x2a5: {  	s7 =	sor.u32 s26, s2;
	[tilespmem:s15+$0x0] =	vst v3;
	v3 =	vadd.f32 v5, v53  }
0x2a6: {  	v56 =	vld [tilespmem:s7+$0x0];
	v7 =	vadd.f32 v7, v54  }
0x2a7: {  	s14 =	sor.u32 s19, s2;
	[tilespmem:s25+$0x0] =	vst v3  }
0x2a8: {  	s28 =	sor.u32 s22, s2;
	v3 =	vld [tilespmem:s14+$0x0];
	[tilespmem:s3+$0x0] =	vst v7  }
0x2a9: {  	v6 =	vmul.f32 $3.200000000e+01, v55;
	v7 =	vld [tilespmem:s28+$0x0];
	_ =	sdelay $0x1  }
0x2aa: {  	v6 =	vadd.f32 v6, v47;
	v5 =	vmul.f32 $3.200000000e+01, v56  }
0x2ab: {  	s2 =	sadd.s32 $0xA300, s18  }
0x2ac: {  	s15 =	sor.u32 s0, s2;
	[tilespmem:s6+$0x0] =	vst v6;
	v5 =	vadd.f32 v5, v50;
	v3 =	vmul.f32 $3.200000000e+01, v3  }
0x2ad: {  	v6 =	vld [tilespmem:s15+$0x0];
	v7 =	vmul.f32 $3.200000000e+01, v7  }
0x2ae: {  	s25 =	sor.u32 s26, s2;
	[tilespmem:s7+$0x0] =	vst v5;
	v3 =	vadd.f32 v3, v53  }
0x2af: {  	v5 =	vld [tilespmem:s25+$0x0];
	v7 =	vadd.f32 v7, v54  }
0x2b0: {  	[tilespmem:s14+$0x0] =	vst v3;
	s14 =	sor.u32 s19, s2  }
0x2b1: {  	v3 =	vld [tilespmem:s14+$0x0];
	[tilespmem:s28+$0x0] =	vst v7;
	s28 =	sor.u32 s22, s2  }
0x2b2: {  	v6 =	vmul.f32 $3.200000000e+01, v6;
	v7 =	vld [tilespmem:s28+$0x0];
	_ =	sdelay $0x1  }
0x2b3: {  	v6 =	vadd.f32 v6, v47;
	v5 =	vmul.f32 $3.200000000e+01, v5  }
0x2b4: {  	s2 =	sadd.s32 $0xA380, s18  }
0x2b5: {  	[tilespmem:s15+$0x0] =	vst v6;
	s15 =	sor.u32 s0, s2;
	v5 =	vadd.f32 v5, v50;
	v3 =	vmul.f32 $3.200000000e+01, v3  }
0x2b6: {  	v6 =	vld [tilespmem:s15+$0x0];
	v7 =	vmul.f32 $3.200000000e+01, v7  }
0x2b7: {  	[tilespmem:s25+$0x0] =	vst v5;
	s25 =	sor.u32 s26, s2;
	v3 =	vadd.f32 v3, v53  }
0x2b8: {  	v5 =	vld [tilespmem:s25+$0x0];
	v7 =	vadd.f32 v7, v54  }
0x2b9: {  	[tilespmem:s14+$0x0] =	vst v3;
	s14 =	sor.u32 s19, s2  }
0x2ba: {  	s3 =	sor.u32 s22, s2;
	v3 =	vld [tilespmem:s14+$0x0];
	[tilespmem:s28+$0x0] =	vst v7  }
0x2bb: {  	v6 =	vmul.f32 $3.200000000e+01, v6;
	v7 =	vld [tilespmem:s3+$0x0];
	_ =	sdelay $0x1  }
0x2bc: {  	v6 =	vadd.f32 v6, v47;
	v5 =	vmul.f32 $3.200000000e+01, v5;
	_ =	sdelay $0x1  }
0x2bd: {  	s4 =	sadd.s32 $0xA400, s18;
	s2 =	sadd.s32 $0x3040, s8;
	s28 =	sadd.s32 $0xC50, s20;
	[tilespmem:s15+$0x0] =	vst v6;
	v4 =	vadd.f32 v5, v50;
	v3 =	vmul.f32 $3.200000000e+01, v3  }
0x2be: {  	s6 =	sand.u32 $0x50, s28;
	s15 =	sand.u32 $0x3E00, s2;
	v57 =	vld [tilespmem:s23+$0x13300];
	s23 =	sor.u32 s0, s4;
	v58 =	vmul.f32 $3.200000000e+01, v7  }
0x2bf: {  	s28 =	sadd.s32 $0x3080, s8;
	s6 =	sor.u32 s6, s15;
	v59 =	vld [tilespmem:s23+$0x0];
	[tilespmem:s25+$0x0] =	vst v4;
	v3 =	vadd.f32 v3, v53  }
0x2c0: {  	s2 =	sand.u32 $0x3E00, s28;
	v4 =	vld [tilespmem:s6+$0x10300];
	s6 =	sor.u32 s26, s4;
	v6 =	vadd.f32 v58, v54  }
0x2c1: {  	s28 =	sadd.s32 $0x30C0, s8;
	s15 =	sor.u32 s19, s4;
	s25 =	sadd.s32 $0xC60, s20;
	v60 =	vld [tilespmem:s6+$0x0];
	[tilespmem:s14+$0x0] =	vst v3  }
0x2c2: {  	s7 =	sand.u32 $0x60, s25;
	s25 =	sadd.s32 $0xC70, s20;
	s4 =	sor.u32 s22, s4;
	v3 =	vld [tilespmem:s15+$0x0];
	[tilespmem:s3+$0x0] =	vst v6  }
0x2c3: {  	s7 =	sor.u32 s7, s2;
	s2 =	sand.u32 $0x3E00, s28;
	s3 =	sand.u32 $0x70, s25;
	v6 =	vld [tilespmem:s4+$0x0]  }
0x2c4: {  	v61 =	vld [tilespmem:s7+$0x10300];
	s3 =	sor.u32 s3, s2  }
0x2c5: {  	v7 =	vmul.f32 $3.200000000e+01, v59;
	v62 =	vld [tilespmem:s3+$0x10300]  }
0x2c6: {  	v8 =	vmul.f32 $3.200000000e+01, v60  }
0x2c7: {  	v7 =	vadd.f32 v7, v57;
	v3 =	vmul.f32 $3.200000000e+01, v3  }
0x2c8: {  	s7 =	sadd.s32 $0xA480, s18;
	v8 =	vadd.f32 v8, v4;
	v6 =	vmul.f32 $3.200000000e+01, v6  }
0x2c9: {  	s14 =	sor.u32 s0, s7;
	[tilespmem:s23+$0x0] =	vst v7;
	v3 =	vadd.f32 v3, v61  }
0x2ca: {  	s20 =	sor.u32 s26, s7;
	v7 =	vld [tilespmem:s14+$0x0];
	[tilespmem:s6+$0x0] =	vst v8;
	v6 =	vadd.f32 v6, v62  }
0x2cb: {  	s23 =	sor.u32 s19, s7;
	v8 =	vld [tilespmem:s20+$0x0];
	[tilespmem:s15+$0x0] =	vst v3  }
0x2cc: {  	s3 =	sor.u32 s22, s7;
	v3 =	vld [tilespmem:s23+$0x0];
	[tilespmem:s4+$0x0] =	vst v6  }
0x2cd: {  	v6 =	vld [tilespmem:s3+$0x0];
	_ =	sdelay $0x1  }
0x2ce: {  	v7 =	vmul.f32 $3.200000000e+01, v7  }
0x2cf: {  	v8 =	vmul.f32 $3.200000000e+01, v8  }
0x2d0: {  	v7 =	vadd.f32 v7, v57;
	v3 =	vmul.f32 $3.200000000e+01, v3  }
0x2d1: {  	s25 =	sadd.s32 $0xA500, s18;
	v8 =	vadd.f32 v8, v4;
	v6 =	vmul.f32 $3.200000000e+01, v6  }
0x2d2: {  	s28 =	sor.u32 s0, s25;
	[tilespmem:s14+$0x0] =	vst v7;
	v3 =	vadd.f32 v3, v61  }
0x2d3: {  	s2 =	sor.u32 s26, s25;
	v7 =	vld [tilespmem:s28+$0x0];
	[tilespmem:s20+$0x0] =	vst v8;
	v6 =	vadd.f32 v6, v62  }
0x2d4: {  	s15 =	sor.u32 s19, s25;
	v8 =	vld [tilespmem:s2+$0x0];
	[tilespmem:s23+$0x0] =	vst v3  }
0x2d5: {  	s20 =	sor.u32 s22, s25;
	v3 =	vld [tilespmem:s15+$0x0];
	[tilespmem:s3+$0x0] =	vst v6  }
0x2d6: {  	v6 =	vld [tilespmem:s20+$0x0];
	_ =	sdelay $0x1  }
0x2d7: {  	v7 =	vmul.f32 $3.200000000e+01, v7  }
0x2d8: {  	v8 =	vmul.f32 $3.200000000e+01, v8  }
0x2d9: {  	v7 =	vadd.f32 v7, v57;
	v3 =	vmul.f32 $3.200000000e+01, v3  }
0x2da: {  	s23 =	sadd.s32 $0xA580, s18;
	v8 =	vadd.f32 v8, v4;
	v6 =	vmul.f32 $3.200000000e+01, v6  }
0x2db: {  	s0 =	sor.u32 s0, s23;
	[tilespmem:s28+$0x0] =	vst v7;
	v3 =	vadd.f32 v3, v61  }
0x2dc: {  	s25 =	sor.u32 s26, s23;
	v7 =	vld [tilespmem:s0+$0x0];
	[tilespmem:s2+$0x0] =	vst v8;
	v6 =	vadd.f32 v6, v62  }
0x2dd: {  	s26 =	sor.u32 s19, s23;
	v8 =	vld [tilespmem:s25+$0x0];
	[tilespmem:s15+$0x0] =	vst v3  }
0x2de: {  	s28 =	sor.u32 s22, s23;
	v3 =	vld [tilespmem:s26+$0x0];
	[tilespmem:s20+$0x0] =	vst v6  }
0x2df: {  	v6 =	vld [tilespmem:s28+$0x0];
	_ =	sdelay $0x1  }
0x2e0: {  	v7 =	vmul.f32 $3.200000000e+01, v7  }
0x2e1: {  	v8 =	vmul.f32 $3.200000000e+01, v8  }
0x2e2: {  	p1 =	slt.u32 s17, $0x3C0;
	v5 =	vadd.f32 v7, v57;
	v3 =	vmul.f32 $3.200000000e+01, v3  }
.Ltmp8:
0x2e3: {  	v4 =	vadd.f32 v8, v4;
	v6 =	vmul.f32 $3.200000000e+01, v6;
	(pc) =	sbr.rel @p1 .LBB2_19-.Ltmp8, $4  }
0x2e4: {  	[tilespmem:s0+$0x0] =	vst v5;
	v3 =	vadd.f32 v3, v61  }
0x2e5: {  	[tilespmem:s25+$0x0] =	vst v4;
	v63 =	vadd.f32 v6, v62  }
0x2e6: {  	[tilespmem:s26+$0x0] =	vst v3  }
0x2e7: {  	s8 =	sadd.s32 $0x100, s8;
	s20 =	smov.u32 s17;
	[tilespmem:s28+$0x0] =	vst v63  }
0x2e8: {  	s0 =	rddreg [dreg:$0x5]  }
0x2e9: {  	s2 =	rddreg [dreg:$0xc]  }
0x2ea: {  	s0 =	sadd.s32 s0, s2  }
0x2eb: {  	s0 =	sshll.u32 s0, $0x7  }
0x2ec: {  	s0 =	sand.u32 $0x1FFFF000, s0  }
0x2ed: {  	s28 =	simm.s32 $0x8200;
	s6 =	sadd.s32 s29, s0  }
0x2ee: {  	[hbm4b:s6+s5] =	stream.linear.scatter [tilespmem:s28], [sflag:$0xB], $0x200, $0x38;
	[tilespmem:$0x14200] =	vst v63  }
0x2ef: {  	s4 =	simm.s32 $0x8600;
	s3 =	sadd.s32 $0x40, s6  }
0x2f0: {  	[hbm4b:s3+s5] =	stream.linear.scatter [tilespmem:s4], [sflag:$0xB], $0x200, $0x38;
	[tilespmem:$0x14200] =	vst v63  }
0x2f1: {  	s8 =	simm.s32 $0x8A00;
	s7 =	sadd.s32 $0x80, s6  }
0x2f2: {  	[hbm4b:s7+s5] =	stream.linear.scatter [tilespmem:s8], [sflag:$0xB], $0x200, $0x38;
	[tilespmem:$0x14200] =	vst v63  }
0x2f3: {  	s15 =	simm.s32 $0x8E00;
	s14 =	sadd.s32 $0xC0, s6  }
0x2f4: {  	[hbm4b:s14+s5] =	stream.linear.scatter [tilespmem:s15], [sflag:$0xB], $0x200, $0x38;
	[tilespmem:$0x14200] =	vst v63  }
0x2f5: {  	s18 =	simm.s32 $0x9200;
	s17 =	sadd.s32 $0x100, s6  }
0x2f6: {  	[hbm4b:s17+s5] =	stream.linear.scatter [tilespmem:s18], [sflag:$0xB], $0x200, $0x38;
	[tilespmem:$0x14200] =	vst v63  }
0x2f7: {  	s20 =	simm.s32 $0x9600;
	s19 =	sadd.s32 $0x140, s6  }
0x2f8: {  	[hbm4b:s19+s5] =	stream.linear.scatter [tilespmem:s20], [sflag:$0xB], $0x200, $0x38;
	[tilespmem:$0x14200] =	vst v63  }
0x2f9: {  	s23 =	simm.s32 $0x9A00;
	s22 =	sadd.s32 $0x180, s6  }
0x2fa: {  	[hbm4b:s22+s5] =	stream.linear.scatter [tilespmem:s23], [sflag:$0xB], $0x200, $0x38;
	[tilespmem:$0x14200] =	vst v63  }
0x2fb: {  	s25 =	simm.s32 $0x9E00;
	s2 =	sadd.s32 $0x1C0, s6  }
0x2fc: {  	[hbm4b:s2+s5] =	stream.linear.scatter [tilespmem:s25], [sflag:$0xB], $0x200, $0x38;
	[tilespmem:$0x14200] =	vst v63  }
0x2fd: {  	s26 =	sadd.s32 s0, s16;
	s4 =	simm.s32 $0x8400  }
0x2fe: {  	[hbm4b:s26+s5] =	stream.linear.scatter [tilespmem:s4], [sflag:$0xB], $0x200, $0x38;
	[tilespmem:$0x14200] =	vst v63  }
0x2ff: {  	s6 =	sadd.s32 $0x40, s26;
	s7 =	simm.s32 $0x8800  }
0x300: {  	[hbm4b:s6+s5] =	stream.linear.scatter [tilespmem:s7], [sflag:$0xB], $0x200, $0x38;
	[tilespmem:$0x14200] =	vst v63  }
0x301: {  	s8 =	sadd.s32 $0x80, s26;
	s14 =	simm.s32 $0x8C00  }
0x302: {  	[hbm4b:s8+s5] =	stream.linear.scatter [tilespmem:s14], [sflag:$0xB], $0x200, $0x38;
	[tilespmem:$0x14200] =	vst v63  }
0x303: {  	s15 =	sadd.s32 $0xC0, s26;
	s17 =	simm.s32 $0x9000  }
0x304: {  	[hbm4b:s15+s5] =	stream.linear.scatter [tilespmem:s17], [sflag:$0xB], $0x200, $0x38;
	[tilespmem:$0x14200] =	vst v63  }
0x305: {  	s18 =	sadd.s32 $0x100, s26;
	s19 =	simm.s32 $0x9400  }
0x306: {  	[hbm4b:s18+s5] =	stream.linear.scatter [tilespmem:s19], [sflag:$0xB], $0x200, $0x38;
	[tilespmem:$0x14200] =	vst v63  }
0x307: {  	s20 =	sadd.s32 $0x140, s26;
	s22 =	simm.s32 $0x9800  }
0x308: {  	[hbm4b:s20+s5] =	stream.linear.scatter [tilespmem:s22], [sflag:$0xB], $0x200, $0x38;
	[tilespmem:$0x14200] =	vst v63  }
0x309: {  	s23 =	sadd.s32 $0x180, s26;
	s25 =	simm.s32 $0x9C00  }
0x30a: {  	[hbm4b:s23+s5] =	stream.linear.scatter [tilespmem:s25], [sflag:$0xB], $0x200, $0x38;
	[tilespmem:$0x14200] =	vst v63  }
0x30b: {  	s3 =	rddreg [dreg:$0x8];
	s2 =	sadd.s32 $0x1C0, s26;
	s26 =	simm.s32 $0xA000  }
0x30c: {  	[hbm4b:s2+s5] =	stream.linear.scatter [tilespmem:s26], [sflag:$0xB], $0x200, $0x38;
	[tilespmem:$0x14200] =	vst v63  }
0x30d: {  	s4 =	simm.s32 $0xA200;
	s2 =	sadd.s32 s0, s3  }
0x30e: {  	[hbm4b:s2+s5] =	stream.linear.scatter [tilespmem:s4], [sflag:$0xB], $0x200, $0x38;
	[tilespmem:$0x14200] =	vst v63  }
0x30f: {  	s7 =	simm.s32 $0xA600;
	s6 =	sadd.s32 $0x40, s2  }
0x310: {  	[hbm4b:s6+s5] =	stream.linear.scatter [tilespmem:s7], [sflag:$0xB], $0x200, $0x38;
	[tilespmem:$0x14200] =	vst v63  }
0x311: {  	s14 =	simm.s32 $0xAA00;
	s8 =	sadd.s32 $0x80, s2  }
0x312: {  	[hbm4b:s8+s5] =	stream.linear.scatter [tilespmem:s14], [sflag:$0xB], $0x200, $0x38;
	[tilespmem:$0x14200] =	vst v63  }
0x313: {  	s17 =	simm.s32 $0xAE00;
	s15 =	sadd.s32 $0xC0, s2  }
0x314: {  	[hbm4b:s15+s5] =	stream.linear.scatter [tilespmem:s17], [sflag:$0xB], $0x200, $0x38;
	[tilespmem:$0x14200] =	vst v63  }
0x315: {  	s19 =	simm.s32 $0xB200;
	s18 =	sadd.s32 $0x100, s2  }
0x316: {  	[hbm4b:s18+s5] =	stream.linear.scatter [tilespmem:s19], [sflag:$0xB], $0x200, $0x38;
	[tilespmem:$0x14200] =	vst v63  }
0x317: {  	s22 =	simm.s32 $0xB600;
	s20 =	sadd.s32 $0x140, s2  }
0x318: {  	[hbm4b:s20+s5] =	stream.linear.scatter [tilespmem:s22], [sflag:$0xB], $0x200, $0x38;
	[tilespmem:$0x14200] =	vst v63  }
0x319: {  	s25 =	simm.s32 $0xBA00;
	s23 =	sadd.s32 $0x180, s2  }
0x31a: {  	[hbm4b:s23+s5] =	stream.linear.scatter [tilespmem:s25], [sflag:$0xB], $0x200, $0x38;
	[tilespmem:$0x14200] =	vst v63  }
0x31b: {  	s26 =	simm.s32 $0xBE00;
	s3 =	rddreg [dreg:$0x9];
	s2 =	sadd.s32 $0x1C0, s2  }
0x31c: {  	[hbm4b:s2+s5] =	stream.linear.scatter [tilespmem:s26], [sflag:$0xB], $0x200, $0x38;
	[tilespmem:$0x14200] =	vst v63  }
0x31d: {  	s0 =	sadd.s32 s0, s3;
	s4 =	simm.s32 $0xA400  }
0x31e: {  	[hbm4b:s0+s5] =	stream.linear.scatter [tilespmem:s4], [sflag:$0xB], $0x200, $0x38;
	[tilespmem:$0x14200] =	vst v63  }
0x31f: {  	s6 =	sadd.s32 $0x40, s0;
	s7 =	simm.s32 $0xA800  }
0x320: {  	[hbm4b:s6+s5] =	stream.linear.scatter [tilespmem:s7], [sflag:$0xB], $0x200, $0x38;
	[tilespmem:$0x14200] =	vst v63  }
0x321: {  	s8 =	sadd.s32 $0x80, s0;
	s14 =	simm.s32 $0xAC00  }
0x322: {  	[hbm4b:s8+s5] =	stream.linear.scatter [tilespmem:s14], [sflag:$0xB], $0x200, $0x38;
	[tilespmem:$0x14200] =	vst v63  }
0x323: {  	s15 =	sadd.s32 $0xC0, s0;
	s17 =	simm.s32 $0xB000  }
0x324: {  	[hbm4b:s15+s5] =	stream.linear.scatter [tilespmem:s17], [sflag:$0xB], $0x200, $0x38;
	[tilespmem:$0x14200] =	vst v63  }
0x325: {  	s18 =	sadd.s32 $0x100, s0;
	s19 =	simm.s32 $0xB400  }
0x326: {  	[hbm4b:s18+s5] =	stream.linear.scatter [tilespmem:s19], [sflag:$0xB], $0x200, $0x38;
	[tilespmem:$0x14200] =	vst v63  }
0x327: {  	s20 =	sadd.s32 $0x140, s0;
	s22 =	simm.s32 $0xB800  }
0x328: {  	[hbm4b:s20+s5] =	stream.linear.scatter [tilespmem:s22], [sflag:$0xB], $0x200, $0x38;
	[tilespmem:$0x14200] =	vst v63  }
0x329: {  	s23 =	sadd.s32 $0x180, s0;
	s25 =	simm.s32 $0xBC00  }
0x32a: {  	[hbm4b:s23+s5] =	stream.linear.scatter [tilespmem:s25], [sflag:$0xB], $0x200, $0x38;
	[tilespmem:$0x14200] =	vst v63  }
0x32b: {  	s26 =	simm.s32 $0xC000;
	s0 =	sadd.s32 $0x1C0, s0  }
0x32c: {  	[hbm4b:s0+s5] =	stream.linear.scatter [tilespmem:s26], [sflag:$0xB], $0x200, $0x38;
	[tilespmem:$0x14200] =	vst v63  }
0x32d: {  	_ =	swait.ge [sflag:s24], $0x1000  }
0x32e: {  	[sflag:s24] =	ssyncset.done $0x0  }
0x32f: {  	[sflag:s24] =	ssyncadd.s32 $0xFFFFF000  }
0x330: {  	_ =	swait.ge [sflag:s24], $0x1000  }
0x331: {  	[sflag:s24] =	ssyncset.done $0x0  }
0x332: {  	[sflag:s24] =	ssyncadd.s32 $0xFFFFF000  }
0x333: {  	_ =	swait.ge [sflag:s24], $0x1000  }
.Ltmp9:
0x334: {  	[sflag:s24] =	ssyncset.done $0x0;
	(pc) =	sbr.rel @p0 .LBB2_24-.Ltmp9, $4  }
0x335: {  	[sflag:s24] =	ssyncadd.s32 $0xFFFFF000  }
0x336: {  	_ =	swait.ge [sflag:s24], $0x1000  }
0x337: {  	[sflag:s24] =	ssyncset.done $0x0  }
0x338: {  	[sflag:s24] =	ssyncadd.s32 $0xFFFFF000  }
0x339: {  	s0 =	sadd.s32 $0x5, s31  }
0x33a: {  	s2 =	sshll.u32 s0, $0x4  }
0x33b: {  	s2 =	sand.u32 $0x3FFFFFF0, s2  }
0x33c: {  	v3 =	vld [tilespmem:s2+$0x0];
	_ =	sdelay $0x4  }
0x33d: {  	v4 =	vshll.u32 v3, $0x3  }
0x33e: {  	v3 =	vand.u32 $0x7, v3;
	v4 =	vand.u32 $0xFFFFFFC0, v4  }
0x33f: {  	v3 =	vor.u32 v3, v4  }
0x340: {  	v4 =	vperm.xlane v3, v0;
	_ =	sdelay $0x1  }
0x341: {  	v4 =	vadd.s32 v1, v4;
	_ =	sdelay $0x3  }
0x342: {  	s15 =	simm.s32 $0x0;
	s3 =	rddreg [dreg:$0x2];
	s4 =	simm.s32 $0x4200  }
0x343: {  	[tilespmem:s4], [sflag:$0x2] =	stream.indirect_vreg.gather [hbm4b:s3+s15], $0x80, v4, vm0, $0xb8;
	[tilespmem:$0x14200] =	vst v63  }
0x344: {  	s17 =	simm.s32 $0x4A00;
	v3 =	vperm.xlane v3, v2  }
0x345: {  	[tilespmem:s17], [sflag:$0x2] =	stream.indirect_vreg.gather [hbm4b:s9+s15], $0x80, v4, vm0, $0xb8;
	[tilespmem:$0x14200] =	vst v63  }
0x346: {  	s18 =	simm.s32 $0x5200;
	v3 =	vadd.s32 v1, v3  }
0x347: {  	[tilespmem:s18], [sflag:$0x2] =	stream.indirect_vreg.gather [hbm4b:s10+s15], $0x80, v4, vm0, $0xb8;
	[tilespmem:$0x14200] =	vst v63  }
0x348: {  	s19 =	simm.s32 $0x5A00;
	s26 =	rddreg [dreg:$0x6];
	s0 =	sshll.u32 s0, $0xC  }
0x349: {  	[tilespmem:s19], [sflag:$0x2] =	stream.indirect_vreg.gather [hbm4b:s11+s15], $0x80, v4, vm0, $0xb8;
	[tilespmem:$0x14200] =	vst v63  }
0x34a: {  	s20 =	simm.s32 $0x6200;
	s22 =	simm.s32 $0x6A00;
	s0 =	sadd.s32 s26, s0  }
0x34b: {  	[tilespmem:s20], [sflag:$0x2] =	stream.indirect_vreg.gather [hbm4b:s3+s15], $0x80, v3, vm0, $0xb8;
	[tilespmem:$0x14200] =	vst v63  }
0x34c: {  	s23 =	simm.s32 $0x7200;
	s31 =	rddreg [dreg:$0x1];
	s0 =	sshrl.u32 s0, $0x3  }
0x34d: {  	[tilespmem:s22], [sflag:$0x2] =	stream.indirect_vreg.gather [hbm4b:s9+s15], $0x80, v3, vm0, $0xb8;
	[tilespmem:$0x14200] =	vst v63  }
0x34e: {  	s25 =	simm.s32 $0x7A00;
	s2 =	simm.s32 $0x10280;
	s0 =	sadd.s32 s31, s0  }
0x34f: {  	[tilespmem:s23], [sflag:$0x2] =	stream.indirect_vreg.gather [hbm4b:s10+s15], $0x80, v3, vm0, $0xb8;
	[tilespmem:$0x14200] =	vst v63  }
0x350: {  	s7 =	sadd.s32 $0x0, s0;
	s4 =	simm.s32 $0x10480;
	s3 =	simm.s32 $0x10  }
0x351: {  	[tilespmem:s25], [sflag:$0x2] =	stream.indirect_vreg.gather [hbm4b:s11+s15], $0x80, v3, vm0, $0xb8;
	[tilespmem:$0x14200] =	vst v63  }
.LBB2_22:
0x352: {  	[tilespmem:s2], [sflag:$0x6] =	stream.linear.gather [hbm4b:s7+s5], $0x80, $0x38;
	[tilespmem:$0x14200] =	vst v63  }
0x353: {  	s6 =	smov.u32 s3;
	s2 =	smov.u32 s4;
	p0 =	sne.s32 s3, $0x1F0  }
.Ltmp10:
0x354: {  	s3 =	sadd.s32 $0x10, s3;
	(pc) =	sbr.rel @p0 .LBB2_22-.Ltmp10, $2  }
0x355: {  	_ =	sdelay $0x2  }
0x356: {  	s4 =	sadd.s32 $0x200, s4;
	s7 =	sadd.s32 s6, s0  }
0x357: {  	[tilespmem:s2], [sflag:$0x6] =	stream.linear.gather [hbm4b:s7+s5], $0x80, $0x38;
	[tilespmem:$0x14200] =	vst v63  }
.LBB2_24:
0x358: {  	s0 =	simm.s32 $0x4  }
0x359: {  	_ =	swait.ge [sflag:s0], $0x4000  }
0x35a: {  	[sflag:s0] =	ssyncset.done $0x0  }
0x35b: {  	s31 =	simm.s32 $0x8;
	[sflag:s0] =	ssyncadd.s32 $0xFFFFC000  }
0x35c: {  	_ =	swait.ge [sflag:s31], $0x1000  }
0x35d: {  	[sflag:s31] =	ssyncset.done $0x0  }
0x35e: {  	s20 =	simm.s32 $0xFFFFFFC0;
	s2 =	simm.s32 $0x0;
	[sflag:s31] =	ssyncadd.s32 $0xFFFFF000  }
.LBB2_25:
0x35f: {  	s8 =	sadd.s32 $0x40, s20  }
0x360: {  	s0 =	sshll.u32 s8, $0x2  }
0x361: {  	s4 =	sshll.u32 s8, $0x3;
	s3 =	sand.u32 $0x3FFFFE00, s0  }
0x362: {  	s0 =	sand.u32 $0x40, s8;
	s17 =	sand.u32 $0x3FFFFC00, s4;
	s3 =	sadd.s32 $0x10380, s3  }
0x363: {  	s4 =	sadd.s32 $0xC200, s17;
	s6 =	sor.u32 s0, s3  }
0x364: {  	s26 =	sor.u32 s0, s4;
	v3 =	vld [tilespmem:s6+$0x0]  }
0x365: {  	v4 =	vld [tilespmem:s26+$0x0]  }
0x366: {  	v5 =	vld [tilespmem:s26+$0x80]  }
0x367: {  	s18 =	sor.u32 $0x10, s0;
	v6 =	vld [tilespmem:s26+$0x100]  }
0x368: {  	s15 =	sor.u32 s18, s3;
	v7 =	vld [tilespmem:s26+$0x180]  }
0x369: {  	s25 =	sor.u32 s18, s4;
	v8 =	vld [tilespmem:s15+$0x0]  }
0x36a: {  	v9 =	vld [tilespmem:s25+$0x0]  }
0x36b: {  	v10 =	vld [tilespmem:s25+$0x80]  }
0x36c: {  	v11 =	vld [tilespmem:s25+$0x100]  }
0x36d: {  	v12 =	vld [tilespmem:s25+$0x180]  }
0x36e: {  	s19 =	sand.u32 $0xE00, s2;
	s22 =	sadd.s32 $0x450, s20;
	v48 =	vld [tilespmem:s26+$0x200]  }
0x36f: {  	s7 =	sadd.s32 $0x1040, s2;
	s23 =	sor.u32 s0, s19;
	s19 =	sor.u32 $0x20, s0;
	v49 =	vld [tilespmem:s26+$0x280]  }
0x370: {  	s7 =	sand.u32 $0x1E00, s7;
	s31 =	sor.u32 s19, s3;
	v51 =	vld [tilespmem:s26+$0x300];
	s6 =	sand.u32 $0x50, s22  }
0x371: {  	v52 =	vld [tilespmem:s31+$0x0];
	s6 =	sor.u32 s6, s7;
	s7 =	sor.u32 s19, s4;
	v4 =	vmul.f32 $3.200000000e+01, v4  }
0x372: {  	v53 =	vld [tilespmem:s7+$0x0];
	v5 =	vmul.f32 $3.200000000e+01, v5  }
0x373: {  	v54 =	vld [tilespmem:s7+$0x80];
	v6 =	vmul.f32 $3.200000000e+01, v6;
	v4 =	vadd.f32 v4, v3  }
0x374: {  	s22 =	sor.u32 $0x30, s0;
	v55 =	vld [tilespmem:s7+$0x100];
	v7 =	vmul.f32 $3.200000000e+01, v7;
	v5 =	vadd.f32 v5, v3  }
0x375: {  	s3 =	sor.u32 s22, s3;
	v13 =	vld [tilespmem:s7+$0x180];
	v47 =	vmul.f32 $3.200000000e+01, v12;
	v42 =	vadd.f32 v6, v3;
	[tilespmem:s26+$0x0] =	vst v4  }
0x376: {  	s4 =	sor.u32 s22, s4;
	v14 =	vld [tilespmem:s3+$0x0];
	v43 =	vmul.f32 $3.200000000e+01, v9;
	v3 =	vadd.f32 v7, v3;
	[tilespmem:s26+$0x80] =	vst v5  }
0x377: {  	v15 =	vld [tilespmem:s4+$0x0];
	v44 =	vmul.f32 $3.200000000e+01, v10;
	v50 =	vadd.f32 v47, v8;
	[tilespmem:s26+$0x100] =	vst v42  }
0x378: {  	v16 =	vld [tilespmem:s4+$0x80];
	v10 =	vmul.f32 $3.200000000e+01, v53;
	[tilespmem:s26+$0x180] =	vst v3;
	v3 =	vadd.f32 v43, v8  }
0x379: {  	v17 =	vld [tilespmem:s4+$0x100];
	v45 =	vmul.f32 $3.200000000e+01, v11;
	v11 =	vmul.f32 $3.200000000e+01, v54;
	v4 =	vadd.f32 v44, v8;
	[tilespmem:s25+$0x180] =	vst v50  }
0x37a: {  	v58 =	vld [tilespmem:s4+$0x180];
	v12 =	vmul.f32 $3.200000000e+01, v55;
	v10 =	vadd.f32 v10, v52;
	[tilespmem:s25+$0x0] =	vst v3  }
0x37b: {  	v59 =	vld [tilespmem:s25+$0x200];
	v56 =	vadd.f32 v11, v52;
	[tilespmem:s25+$0x80] =	vst v4  }
0x37c: {  	v60 =	vld [tilespmem:s25+$0x280];
	v61 =	vmul.f32 $3.200000000e+01, v15;
	v12 =	vadd.f32 v12, v52;
	[tilespmem:s7+$0x0] =	vst v10  }
0x37d: {  	v62 =	vld [tilespmem:s25+$0x300];
	v63 =	vmul.f32 $3.200000000e+01, v16;
	v3 =	vadd.f32 v45, v8;
	[tilespmem:s7+$0x80] =	vst v56  }
0x37e: {  	v21 =	vmul.f32 $3.200000000e+01, v17;
	v11 =	vadd.f32 v61, v14;
	v46 =	vld [tilespmem:s23+$0x11380];
	[tilespmem:s7+$0x100] =	vst v12  }
0x37f: {  	v57 =	vmul.f32 $3.200000000e+01, v13;
	v13 =	vmul.f32 $3.200000000e+01, v58;
	v15 =	vadd.f32 v63, v14;
	[tilespmem:s25+$0x100] =	vst v3;
	v3 =	vld [tilespmem:s26+$0x380]  }
0x380: {  	v20 =	vld [tilespmem:s25+$0x380];
	v16 =	vadd.f32 v21, v14;
	[tilespmem:s4+$0x0] =	vst v11  }
0x381: {  	v23 =	vld [tilespmem:s7+$0x200];
	v9 =	vmul.f32 $3.200000000e+01, v48;
	v13 =	vadd.f32 v13, v14;
	[tilespmem:s4+$0x80] =	vst v15  }
0x382: {  	v5 =	vmul.f32 $3.200000000e+01, v49;
	v8 =	vadd.f32 v57, v52;
	[tilespmem:s4+$0x100] =	vst v16;
	v4 =	vld [tilespmem:s6+$0x10380]  }
0x383: {  	s14 =	sadd.s32 $0x1080, s2;
	v24 =	vld [tilespmem:s7+$0x280];
	v7 =	vmul.f32 $3.200000000e+01, v51;
	[tilespmem:s4+$0x180] =	vst v13;
	s6 =	sadd.s32 $0x460, s20;
	v9 =	vadd.f32 v9, v46  }
0x384: {  	v25 =	vld [tilespmem:s7+$0x300];
	[tilespmem:s7+$0x180] =	vst v8;
	v5 =	vadd.f32 v5, v46;
	s3 =	sand.u32 $0x60, s6;
	s6 =	sand.u32 $0x1E00, s14;
	v3 =	vmul.f32 $3.200000000e+01, v3  }
0x385: {  	v27 =	vld [tilespmem:s7+$0x380];
	v10 =	vmul.f32 $3.200000000e+01, v59;
	v7 =	vadd.f32 v7, v46;
	s3 =	sor.u32 s3, s6;
	[tilespmem:s26+$0x200] =	vst v9  }
0x386: {  	v26 =	vmul.f32 $3.200000000e+01, v60;
	[tilespmem:s26+$0x280] =	vst v5;
	v22 =	vld [tilespmem:s3+$0x10380];
	v3 =	vadd.f32 v3, v46  }
0x387: {  	s15 =	sadd.s32 $0x470, s20;
	s31 =	sadd.s32 $0x10C0, s2;
	v32 =	vld [tilespmem:s4+$0x200];
	v29 =	vmul.f32 $3.200000000e+01, v62;
	[tilespmem:s26+$0x300] =	vst v7;
	v28 =	vadd.f32 v10, v4  }
0x388: {  	v35 =	vld [tilespmem:s4+$0x280];
	v31 =	vmul.f32 $3.200000000e+01, v20;
	s6 =	sand.u32 $0x1E00, s31;
	s3 =	sand.u32 $0x70, s15;
	[tilespmem:s26+$0x380] =	vst v3;
	v3 =	vadd.f32 v26, v4  }
0x389: {  	v37 =	vld [tilespmem:s4+$0x300];
	v34 =	vmul.f32 $3.200000000e+01, v23;
	s3 =	sor.u32 s3, s6;
	v33 =	vadd.f32 v29, v4;
	[tilespmem:s25+$0x200] =	vst v28  }
0x38a: {  	v36 =	vmul.f32 $3.200000000e+01, v24;
	v30 =	vld [tilespmem:s3+$0x10380];
	[tilespmem:s25+$0x280] =	vst v3;
	v3 =	vadd.f32 v31, v4  }
0x38b: {  	v40 =	vld [tilespmem:s4+$0x380];
	v39 =	vmul.f32 $3.200000000e+01, v25;
	[tilespmem:s25+$0x300] =	vst v33;
	v38 =	vadd.f32 v34, v22  }
0x38c: {  	v41 =	vmul.f32 $3.200000000e+01, v27;
	[tilespmem:s25+$0x380] =	vst v3;
	v3 =	vadd.f32 v36, v22  }
0x38d: {  	v8 =	vmul.f32 $3.200000000e+01, v32;
	v42 =	vadd.f32 v39, v22;
	[tilespmem:s7+$0x200] =	vst v38  }
0x38e: {  	v43 =	vmul.f32 $3.200000000e+01, v35;
	s3 =	sadd.s32 $0xE200, s17;
	[tilespmem:s7+$0x280] =	vst v3;
	v3 =	vadd.f32 v41, v22  }
0x38f: {  	v6 =	vmul.f32 $3.200000000e+01, v37;
	s6 =	sor.u32 s0, s3;
	[tilespmem:s7+$0x300] =	vst v42;
	v44 =	vadd.f32 v8, v30  }
0x390: {  	s14 =	sadd.s32 $0x850, s20;
	s15 =	sadd.s32 $0x2040, s2;
	v46 =	vmul.f32 $3.200000000e+01, v40;
	v45 =	vld [tilespmem:s6+$0x0];
	[tilespmem:s7+$0x380] =	vst v3;
	v3 =	vadd.f32 v43, v30  }
0x391: {  	s14 =	sand.u32 $0x50, s14;
	v47 =	vld [tilespmem:s23+$0x12380];
	v48 =	vadd.f32 v6, v30;
	s25 =	sand.u32 $0x2E00, s15;
	s15 =	sor.u32 s18, s3;
	[tilespmem:s4+$0x200] =	vst v44  }
0x392: {  	s31 =	sadd.s32 $0x2080, s2;
	s26 =	sadd.s32 $0x860, s20;
	v49 =	vld [tilespmem:s15+$0x0];
	s7 =	sor.u32 s14, s25;
	[tilespmem:s4+$0x280] =	vst v3;
	v3 =	vadd.f32 v46, v30  }
0x393: {  	[tilespmem:s4+$0x300] =	vst v48;
	s14 =	sand.u32 $0x2E00, s31;
	s25 =	sor.u32 s19, s3;
	s31 =	sadd.s32 $0x20C0, s2;
	v50 =	vld [tilespmem:s7+$0x10380]  }
0x394: {  	s3 =	sor.u32 s22, s3;
	s7 =	sand.u32 $0x60, s26;
	v51 =	vld [tilespmem:s25+$0x0];
	s26 =	sadd.s32 $0x870, s20;
	[tilespmem:s4+$0x380] =	vst v3  }
0x395: {  	s7 =	sor.u32 s7, s14;
	v3 =	vmul.f32 $3.200000000e+01, v45;
	s4 =	sand.u32 $0x70, s26;
	s26 =	sand.u32 $0x2E00, s31;
	v52 =	vld [tilespmem:s3+$0x0]  }
0x396: {  	v53 =	vld [tilespmem:s7+$0x10380];
	s4 =	sor.u32 s4, s26  }
0x397: {  	v6 =	vmul.f32 $3.200000000e+01, v49;
	v3 =	vadd.f32 v3, v47;
	v54 =	vld [tilespmem:s4+$0x10380]  }
0x398: {  	s31 =	sadd.s32 $0xE280, s17  }
0x399: {  	v5 =	vmul.f32 $3.200000000e+01, v51;
	[tilespmem:s6+$0x0] =	vst v3;
	s6 =	sor.u32 s0, s31;
	v3 =	vadd.f32 v6, v50  }
0x39a: {  	v55 =	vld [tilespmem:s6+$0x0];
	v7 =	vmul.f32 $3.200000000e+01, v52  }
0x39b: {  	s7 =	sor.u32 s18, s31;
	[tilespmem:s15+$0x0] =	vst v3;
	v3 =	vadd.f32 v5, v53  }
0x39c: {  	v56 =	vld [tilespmem:s7+$0x0];
	v7 =	vadd.f32 v7, v54  }
0x39d: {  	s14 =	sor.u32 s19, s31;
	[tilespmem:s25+$0x0] =	vst v3  }
0x39e: {  	s26 =	sor.u32 s22, s31;
	v3 =	vld [tilespmem:s14+$0x0];
	[tilespmem:s3+$0x0] =	vst v7  }
0x39f: {  	v6 =	vmul.f32 $3.200000000e+01, v55;
	v7 =	vld [tilespmem:s26+$0x0];
	_ =	sdelay $0x1  }
0x3a0: {  	v6 =	vadd.f32 v6, v47;
	v5 =	vmul.f32 $3.200000000e+01, v56  }
0x3a1: {  	s31 =	sadd.s32 $0xE300, s17  }
0x3a2: {  	s15 =	sor.u32 s0, s31;
	[tilespmem:s6+$0x0] =	vst v6;
	v5 =	vadd.f32 v5, v50;
	v3 =	vmul.f32 $3.200000000e+01, v3  }
0x3a3: {  	v6 =	vld [tilespmem:s15+$0x0];
	v7 =	vmul.f32 $3.200000000e+01, v7  }
0x3a4: {  	s25 =	sor.u32 s18, s31;
	[tilespmem:s7+$0x0] =	vst v5;
	v3 =	vadd.f32 v3, v53  }
0x3a5: {  	v5 =	vld [tilespmem:s25+$0x0];
	v7 =	vadd.f32 v7, v54  }
0x3a6: {  	[tilespmem:s14+$0x0] =	vst v3;
	s14 =	sor.u32 s19, s31  }
0x3a7: {  	v3 =	vld [tilespmem:s14+$0x0];
	[tilespmem:s26+$0x0] =	vst v7;
	s26 =	sor.u32 s22, s31  }
0x3a8: {  	v6 =	vmul.f32 $3.200000000e+01, v6;
	v7 =	vld [tilespmem:s26+$0x0];
	_ =	sdelay $0x1  }
0x3a9: {  	v6 =	vadd.f32 v6, v47;
	v5 =	vmul.f32 $3.200000000e+01, v5  }
0x3aa: {  	s31 =	sadd.s32 $0xE380, s17  }
0x3ab: {  	[tilespmem:s15+$0x0] =	vst v6;
	s15 =	sor.u32 s0, s31;
	v5 =	vadd.f32 v5, v50;
	v3 =	vmul.f32 $3.200000000e+01, v3  }
0x3ac: {  	v6 =	vld [tilespmem:s15+$0x0];
	v7 =	vmul.f32 $3.200000000e+01, v7  }
0x3ad: {  	[tilespmem:s25+$0x0] =	vst v5;
	s25 =	sor.u32 s18, s31;
	v3 =	vadd.f32 v3, v53  }
0x3ae: {  	v5 =	vld [tilespmem:s25+$0x0];
	v7 =	vadd.f32 v7, v54  }
0x3af: {  	[tilespmem:s14+$0x0] =	vst v3;
	s14 =	sor.u32 s19, s31  }
0x3b0: {  	s3 =	sor.u32 s22, s31;
	v3 =	vld [tilespmem:s14+$0x0];
	[tilespmem:s26+$0x0] =	vst v7  }
0x3b1: {  	v6 =	vmul.f32 $3.200000000e+01, v6;
	v7 =	vld [tilespmem:s3+$0x0];
	_ =	sdelay $0x1  }
0x3b2: {  	v6 =	vadd.f32 v6, v47;
	v5 =	vmul.f32 $3.200000000e+01, v5;
	_ =	sdelay $0x1  }
0x3b3: {  	s4 =	sadd.s32 $0xE400, s17;
	s31 =	sadd.s32 $0x3040, s2;
	s26 =	sadd.s32 $0xC50, s20;
	[tilespmem:s15+$0x0] =	vst v6;
	v4 =	vadd.f32 v5, v50;
	v3 =	vmul.f32 $3.200000000e+01, v3  }
0x3b4: {  	s6 =	sand.u32 $0x50, s26;
	s15 =	sand.u32 $0x3E00, s31;
	v57 =	vld [tilespmem:s23+$0x13380];
	s23 =	sor.u32 s0, s4;
	v58 =	vmul.f32 $3.200000000e+01, v7  }
0x3b5: {  	s26 =	sadd.s32 $0x3080, s2;
	s6 =	sor.u32 s6, s15;
	v59 =	vld [tilespmem:s23+$0x0];
	[tilespmem:s25+$0x0] =	vst v4;
	v3 =	vadd.f32 v3, v53  }
0x3b6: {  	s31 =	sand.u32 $0x3E00, s26;
	v4 =	vld [tilespmem:s6+$0x10380];
	s6 =	sor.u32 s18, s4;
	v6 =	vadd.f32 v58, v54  }
0x3b7: {  	s26 =	sadd.s32 $0x30C0, s2;
	s15 =	sor.u32 s19, s4;
	s25 =	sadd.s32 $0xC60, s20;
	v60 =	vld [tilespmem:s6+$0x0];
	[tilespmem:s14+$0x0] =	vst v3  }
0x3b8: {  	s7 =	sand.u32 $0x60, s25;
	s25 =	sadd.s32 $0xC70, s20;
	s4 =	sor.u32 s22, s4;
	v3 =	vld [tilespmem:s15+$0x0];
	[tilespmem:s3+$0x0] =	vst v6  }
0x3b9: {  	s7 =	sor.u32 s7, s31;
	s31 =	sand.u32 $0x3E00, s26;
	s3 =	sand.u32 $0x70, s25;
	v6 =	vld [tilespmem:s4+$0x0]  }
0x3ba: {  	v61 =	vld [tilespmem:s7+$0x10380];
	s3 =	sor.u32 s3, s31  }
0x3bb: {  	v7 =	vmul.f32 $3.200000000e+01, v59;
	v62 =	vld [tilespmem:s3+$0x10380]  }
0x3bc: {  	v8 =	vmul.f32 $3.200000000e+01, v60  }
0x3bd: {  	v7 =	vadd.f32 v7, v57;
	v3 =	vmul.f32 $3.200000000e+01, v3  }
0x3be: {  	s7 =	sadd.s32 $0xE480, s17;
	v8 =	vadd.f32 v8, v4;
	v6 =	vmul.f32 $3.200000000e+01, v6  }
0x3bf: {  	s14 =	sor.u32 s0, s7;
	[tilespmem:s23+$0x0] =	vst v7;
	v3 =	vadd.f32 v3, v61  }
0x3c0: {  	s20 =	sor.u32 s18, s7;
	v7 =	vld [tilespmem:s14+$0x0];
	[tilespmem:s6+$0x0] =	vst v8;
	v6 =	vadd.f32 v6, v62  }
0x3c1: {  	s23 =	sor.u32 s19, s7;
	v8 =	vld [tilespmem:s20+$0x0];
	[tilespmem:s15+$0x0] =	vst v3  }
0x3c2: {  	s3 =	sor.u32 s22, s7;
	v3 =	vld [tilespmem:s23+$0x0];
	[tilespmem:s4+$0x0] =	vst v6  }
0x3c3: {  	v6 =	vld [tilespmem:s3+$0x0];
	_ =	sdelay $0x1  }
0x3c4: {  	v7 =	vmul.f32 $3.200000000e+01, v7  }
0x3c5: {  	v8 =	vmul.f32 $3.200000000e+01, v8  }
0x3c6: {  	v7 =	vadd.f32 v7, v57;
	v3 =	vmul.f32 $3.200000000e+01, v3  }
0x3c7: {  	s25 =	sadd.s32 $0xE500, s17;
	v8 =	vadd.f32 v8, v4;
	v6 =	vmul.f32 $3.200000000e+01, v6  }
0x3c8: {  	s26 =	sor.u32 s0, s25;
	[tilespmem:s14+$0x0] =	vst v7;
	v3 =	vadd.f32 v3, v61  }
0x3c9: {  	s31 =	sor.u32 s18, s25;
	v7 =	vld [tilespmem:s26+$0x0];
	[tilespmem:s20+$0x0] =	vst v8;
	v6 =	vadd.f32 v6, v62  }
0x3ca: {  	s15 =	sor.u32 s19, s25;
	v8 =	vld [tilespmem:s31+$0x0];
	[tilespmem:s23+$0x0] =	vst v3  }
0x3cb: {  	s20 =	sor.u32 s22, s25;
	v3 =	vld [tilespmem:s15+$0x0];
	[tilespmem:s3+$0x0] =	vst v6  }
0x3cc: {  	v6 =	vld [tilespmem:s20+$0x0];
	_ =	sdelay $0x1  }
0x3cd: {  	v7 =	vmul.f32 $3.200000000e+01, v7  }
0x3ce: {  	v8 =	vmul.f32 $3.200000000e+01, v8  }
0x3cf: {  	v7 =	vadd.f32 v7, v57;
	v3 =	vmul.f32 $3.200000000e+01, v3  }
0x3d0: {  	s23 =	sadd.s32 $0xE580, s17;
	v8 =	vadd.f32 v8, v4;
	v6 =	vmul.f32 $3.200000000e+01, v6  }
0x3d1: {  	s0 =	sor.u32 s0, s23;
	[tilespmem:s26+$0x0] =	vst v7;
	v3 =	vadd.f32 v3, v61  }
0x3d2: {  	s25 =	sor.u32 s18, s23;
	v7 =	vld [tilespmem:s0+$0x0];
	[tilespmem:s31+$0x0] =	vst v8;
	v6 =	vadd.f32 v6, v62  }
0x3d3: {  	s26 =	sor.u32 s19, s23;
	v8 =	vld [tilespmem:s25+$0x0];
	[tilespmem:s15+$0x0] =	vst v3  }
0x3d4: {  	s31 =	sor.u32 s22, s23;
	v3 =	vld [tilespmem:s26+$0x0];
	[tilespmem:s20+$0x0] =	vst v6  }
0x3d5: {  	v6 =	vld [tilespmem:s31+$0x0];
	_ =	sdelay $0x1  }
0x3d6: {  	v7 =	vmul.f32 $3.200000000e+01, v7  }
0x3d7: {  	v8 =	vmul.f32 $3.200000000e+01, v8  }
0x3d8: {  	p0 =	slt.u32 s8, $0x3C0;
	v5 =	vadd.f32 v7, v57;
	v3 =	vmul.f32 $3.200000000e+01, v3  }
.Ltmp11:
0x3d9: {  	v4 =	vadd.f32 v8, v4;
	v6 =	vmul.f32 $3.200000000e+01, v6;
	(pc) =	sbr.rel @p0 .LBB2_25-.Ltmp11, $4  }
0x3da: {  	[tilespmem:s0+$0x0] =	vst v5;
	v3 =	vadd.f32 v3, v61  }
0x3db: {  	[tilespmem:s25+$0x0] =	vst v4;
	v63 =	vadd.f32 v6, v62  }
0x3dc: {  	[tilespmem:s26+$0x0] =	vst v3  }
0x3dd: {  	s2 =	sadd.s32 $0x100, s2;
	s20 =	smov.u32 s8;
	[tilespmem:s31+$0x0] =	vst v63  }
0x3de: {  	s0 =	rddreg [dreg:$0x5]  }
0x3df: {  	s0 =	sadd.s32 s0, s1  }
0x3e0: {  	s0 =	sshll.u32 s0, $0x7  }
0x3e1: {  	s0 =	sand.u32 $0x1FFFF800, s0  }
0x3e2: {  	s14 =	simm.s32 $0xC200;
	s6 =	sadd.s32 s29, s0  }
0x3e3: {  	[hbm4b:s6+s5] =	stream.linear.scatter [tilespmem:s14], [sflag:$0xC], $0x200, $0x38;
	[tilespmem:$0x14200] =	vst v63  }
0x3e4: {  	s3 =	simm.s32 $0xC600;
	s2 =	sadd.s32 $0x40, s6  }
0x3e5: {  	[hbm4b:s2+s5] =	stream.linear.scatter [tilespmem:s3], [sflag:$0xC], $0x200, $0x38;
	[tilespmem:$0x14200] =	vst v63  }
0x3e6: {  	s15 =	simm.s32 $0xCA00;
	s7 =	sadd.s32 $0x80, s6  }
0x3e7: {  	[hbm4b:s7+s5] =	stream.linear.scatter [tilespmem:s15], [sflag:$0xC], $0x200, $0x38;
	[tilespmem:$0x14200] =	vst v63  }
0x3e8: {  	s17 =	simm.s32 $0xCE00;
	s8 =	sadd.s32 $0xC0, s6  }
0x3e9: {  	[hbm4b:s8+s5] =	stream.linear.scatter [tilespmem:s17], [sflag:$0xC], $0x200, $0x38;
	[tilespmem:$0x14200] =	vst v63  }
0x3ea: {  	s19 =	simm.s32 $0xD200;
	s18 =	sadd.s32 $0x100, s6  }
0x3eb: {  	[hbm4b:s18+s5] =	stream.linear.scatter [tilespmem:s19], [sflag:$0xC], $0x200, $0x38;
	[tilespmem:$0x14200] =	vst v63  }
0x3ec: {  	s22 =	simm.s32 $0xD600;
	s20 =	sadd.s32 $0x140, s6  }
0x3ed: {  	[hbm4b:s20+s5] =	stream.linear.scatter [tilespmem:s22], [sflag:$0xC], $0x200, $0x38;
	[tilespmem:$0x14200] =	vst v63  }
0x3ee: {  	s25 =	simm.s32 $0xDA00;
	s23 =	sadd.s32 $0x180, s6  }
0x3ef: {  	[hbm4b:s23+s5] =	stream.linear.scatter [tilespmem:s25], [sflag:$0xC], $0x200, $0x38;
	[tilespmem:$0x14200] =	vst v63  }
0x3f0: {  	s26 =	simm.s32 $0xDE00;
	s1 =	sadd.s32 $0x1C0, s6  }
0x3f1: {  	[hbm4b:s1+s5] =	stream.linear.scatter [tilespmem:s26], [sflag:$0xC], $0x200, $0x38;
	[tilespmem:$0x14200] =	vst v63  }
0x3f2: {  	s31 =	sadd.s32 s0, s16;
	s3 =	simm.s32 $0xC400  }
0x3f3: {  	[hbm4b:s31+s5] =	stream.linear.scatter [tilespmem:s3], [sflag:$0xC], $0x200, $0x38;
	[tilespmem:$0x14200] =	vst v63  }
0x3f4: {  	s4 =	sadd.s32 $0x40, s31;
	s6 =	simm.s32 $0xC800  }
0x3f5: {  	[hbm4b:s4+s5] =	stream.linear.scatter [tilespmem:s6], [sflag:$0xC], $0x200, $0x38;
	[tilespmem:$0x14200] =	vst v63  }
0x3f6: {  	s7 =	sadd.s32 $0x80, s31;
	s8 =	simm.s32 $0xCC00  }
0x3f7: {  	[hbm4b:s7+s5] =	stream.linear.scatter [tilespmem:s8], [sflag:$0xC], $0x200, $0x38;
	[tilespmem:$0x14200] =	vst v63  }
0x3f8: {  	s17 =	sadd.s32 $0xC0, s31;
	s18 =	simm.s32 $0xD000  }
0x3f9: {  	[hbm4b:s17+s5] =	stream.linear.scatter [tilespmem:s18], [sflag:$0xC], $0x200, $0x38;
	[tilespmem:$0x14200] =	vst v63  }
0x3fa: {  	s19 =	sadd.s32 $0x100, s31;
	s20 =	simm.s32 $0xD400  }
0x3fb: {  	[hbm4b:s19+s5] =	stream.linear.scatter [tilespmem:s20], [sflag:$0xC], $0x200, $0x38;
	[tilespmem:$0x14200] =	vst v63  }
0x3fc: {  	s22 =	sadd.s32 $0x140, s31;
	s23 =	simm.s32 $0xD800  }
0x3fd: {  	[hbm4b:s22+s5] =	stream.linear.scatter [tilespmem:s23], [sflag:$0xC], $0x200, $0x38;
	[tilespmem:$0x14200] =	vst v63  }
0x3fe: {  	s25 =	sadd.s32 $0x180, s31;
	s26 =	simm.s32 $0xDC00  }
0x3ff: {  	[hbm4b:s25+s5] =	stream.linear.scatter [tilespmem:s26], [sflag:$0xC], $0x200, $0x38;
	[tilespmem:$0x14200] =	vst v63  }
0x400: {  	s2 =	rddreg [dreg:$0x8];
	s1 =	sadd.s32 $0x1C0, s31;
	s31 =	simm.s32 $0xE000  }
0x401: {  	[hbm4b:s1+s5] =	stream.linear.scatter [tilespmem:s31], [sflag:$0xC], $0x200, $0x38;
	[tilespmem:$0x14200] =	vst v63  }
0x402: {  	s3 =	simm.s32 $0xE200;
	s1 =	sadd.s32 s0, s2  }
0x403: {  	[hbm4b:s1+s5] =	stream.linear.scatter [tilespmem:s3], [sflag:$0xC], $0x200, $0x38;
	[tilespmem:$0x14200] =	vst v63  }
0x404: {  	s6 =	simm.s32 $0xE600;
	s4 =	sadd.s32 $0x40, s1  }
0x405: {  	[hbm4b:s4+s5] =	stream.linear.scatter [tilespmem:s6], [sflag:$0xC], $0x200, $0x38;
	[tilespmem:$0x14200] =	vst v63  }
0x406: {  	s8 =	simm.s32 $0xEA00;
	s7 =	sadd.s32 $0x80, s1  }
0x407: {  	[hbm4b:s7+s5] =	stream.linear.scatter [tilespmem:s8], [sflag:$0xC], $0x200, $0x38;
	[tilespmem:$0x14200] =	vst v63  }
0x408: {  	s18 =	simm.s32 $0xEE00;
	s17 =	sadd.s32 $0xC0, s1  }
0x409: {  	[hbm4b:s17+s5] =	stream.linear.scatter [tilespmem:s18], [sflag:$0xC], $0x200, $0x38;
	[tilespmem:$0x14200] =	vst v63  }
0x40a: {  	s20 =	simm.s32 $0xF200;
	s19 =	sadd.s32 $0x100, s1  }
0x40b: {  	[hbm4b:s19+s5] =	stream.linear.scatter [tilespmem:s20], [sflag:$0xC], $0x200, $0x38;
	[tilespmem:$0x14200] =	vst v63  }
0x40c: {  	s23 =	simm.s32 $0xF600;
	s22 =	sadd.s32 $0x140, s1  }
0x40d: {  	[hbm4b:s22+s5] =	stream.linear.scatter [tilespmem:s23], [sflag:$0xC], $0x200, $0x38;
	[tilespmem:$0x14200] =	vst v63  }
0x40e: {  	s26 =	simm.s32 $0xFA00;
	s25 =	sadd.s32 $0x180, s1  }
0x40f: {  	[hbm4b:s25+s5] =	stream.linear.scatter [tilespmem:s26], [sflag:$0xC], $0x200, $0x38;
	[tilespmem:$0x14200] =	vst v63  }
0x410: {  	s31 =	simm.s32 $0xFE00;
	s2 =	rddreg [dreg:$0x9];
	s1 =	sadd.s32 $0x1C0, s1  }
0x411: {  	[hbm4b:s1+s5] =	stream.linear.scatter [tilespmem:s31], [sflag:$0xC], $0x200, $0x38;
	[tilespmem:$0x14200] =	vst v63  }
0x412: {  	s0 =	sadd.s32 s0, s2;
	s3 =	simm.s32 $0xE400  }
0x413: {  	[hbm4b:s0+s5] =	stream.linear.scatter [tilespmem:s3], [sflag:$0xC], $0x200, $0x38;
	[tilespmem:$0x14200] =	vst v63  }
0x414: {  	s4 =	sadd.s32 $0x40, s0;
	s6 =	simm.s32 $0xE800  }
0x415: {  	[hbm4b:s4+s5] =	stream.linear.scatter [tilespmem:s6], [sflag:$0xC], $0x200, $0x38;
	[tilespmem:$0x14200] =	vst v63  }
0x416: {  	s7 =	sadd.s32 $0x80, s0;
	s8 =	simm.s32 $0xEC00  }
0x417: {  	[hbm4b:s7+s5] =	stream.linear.scatter [tilespmem:s8], [sflag:$0xC], $0x200, $0x38;
	[tilespmem:$0x14200] =	vst v63  }
0x418: {  	s17 =	sadd.s32 $0xC0, s0;
	s18 =	simm.s32 $0xF000  }
0x419: {  	[hbm4b:s17+s5] =	stream.linear.scatter [tilespmem:s18], [sflag:$0xC], $0x200, $0x38;
	[tilespmem:$0x14200] =	vst v63  }
0x41a: {  	s30 =	sadd.s32 $0x1, s30;
	s19 =	sadd.s32 $0x100, s0;
	s20 =	simm.s32 $0xF400  }
0x41b: {  	[hbm4b:s19+s5] =	stream.linear.scatter [tilespmem:s20], [sflag:$0xC], $0x200, $0x38;
	[tilespmem:$0x14200] =	vst v63  }
0x41c: {  	p0 =	sne.s32 s30, $0x8;
	s22 =	sadd.s32 $0x140, s0;
	s23 =	simm.s32 $0xF800  }
0x41d: {  	[hbm4b:s22+s5] =	stream.linear.scatter [tilespmem:s23], [sflag:$0xC], $0x200, $0x38;
	[tilespmem:$0x14200] =	vst v63  }
.Ltmp12:
0x41e: {  	_ = 	snop;
	(pc) =	sbr.rel @p0 .LBB2_6-.Ltmp12, $4  }
0x41f: {  	s25 =	sadd.s32 $0x180, s0;
	s26 =	simm.s32 $0xFC00  }
0x420: {  	[hbm4b:s25+s5] =	stream.linear.scatter [tilespmem:s26], [sflag:$0xC], $0x200, $0x38;
	[tilespmem:$0x14200] =	vst v63  }
0x421: {  	s31 =	simm.s32 $0x10000;
	s0 =	sadd.s32 $0x1C0, s0  }
0x422: {  	[hbm4b:s0+s5] =	stream.linear.scatter [tilespmem:s31], [sflag:$0xC], $0x200, $0x38;
	[tilespmem:$0x14200] =	vst v63  }
0x423: {  	s0 =	simm.s32 $0xB  }
0x424: {  	_ =	swait.ge [sflag:s0], $0x1000  }
0x425: {  	[sflag:s0] =	ssyncset.done $0x0  }
0x426: {  	[sflag:s0] =	ssyncadd.s32 $0xFFFFF000  }
0x427: {  	_ =	swait.ge [sflag:s0], $0x1000  }
0x428: {  	[sflag:s0] =	ssyncset.done $0x0  }
0x429: {  	[sflag:s0] =	ssyncadd.s32 $0xFFFFF000  }
0x42a: {  	_ =	swait.ge [sflag:s0], $0x1000  }
0x42b: {  	[sflag:s0] =	ssyncset.done $0x0  }
0x42c: {  	[sflag:s0] =	ssyncadd.s32 $0xFFFFF000  }
0x42d: {  	_ =	swait.ge [sflag:s0], $0x1000  }
0x42e: {  	[sflag:s0] =	ssyncset.done $0x0  }
0x42f: {  	s1 =	simm.s32 $0xC;
	[sflag:s0] =	ssyncadd.s32 $0xFFFFF000  }
0x430: {  	_ =	swait.ge [sflag:s1], $0x1000  }
0x431: {  	[sflag:s1] =	ssyncset.done $0x0  }
0x432: {  	[sflag:s1] =	ssyncadd.s32 $0xFFFFF000  }
0x433: {  	_ =	swait.ge [sflag:s1], $0x1000  }
0x434: {  	[sflag:s1] =	ssyncset.done $0x0  }
0x435: {  	[sflag:s1] =	ssyncadd.s32 $0xFFFFF000  }
0x436: {  	_ =	swait.ge [sflag:s1], $0x1000  }
0x437: {  	[sflag:s1] =	ssyncset.done $0x0  }
0x438: {  	[sflag:s1] =	ssyncadd.s32 $0xFFFFF000  }
0x439: {  	_ =	swait.ge [sflag:s1], $0x1000  }
0x43a: {  	s2 =	rddreg [dreg:$0xb]  }
0x43b: {  	s31 =	rddreg [dreg:$0xa];
	s2 =	sadd.s32 $0x1, s2  }
0x43c: {  	p0 =	sne.s32 s2, s31  }
.Ltmp13:
0x43d: {  	_ = 	snop;
	(pc) =	sbr.rel @p0 .LBB2_1-.Ltmp13, $3  }
0x43e: {  	_ =	sdelay $0x1  }
0x43f: {  	[sflag:s1] =	ssyncset.done $0x0  }
0x440: {  	[sflag:s1] =	ssyncadd.s32 $0xFFFFF000  }
0x441: {  	_ =	sfence.sel $0x180000  }
0x442: {  	[bflag:$0x0] =	sbarrier.arrive $0xFFFF  }
0x443: {  	_ =	strace $0x90000047  }
0x444: {  	s0 =	stileid.u32;
	[bflag:$0x2] =	sbarrier.arrive $0xFFFF  }
0x445: {  	p0 =	sne.s32 s0, $0x0;
	s0 =	rddreg [dreg:$0x4]  }
0x446: {  	s0 =	sadd.s32 @!p0 $0x100000, s0  }
0x447: {  	[sflag:s0] =	ssyncadd.tile.s32 @!p0 $0x1;
	_ =	shalt  }
.Lfunc_end2:
_tile_overlayer_lowered:
.L_overlay_start_2:
0x448: {  	(tag) =	ssettag $0x2  }
0x449: {  	s0 =	rddreg [dreg:$0x0];
	s2 =	stileid.u32  }
0x44a: {  	s1 =	rddreg [dreg:$0x1];
	p0 =	sne.s32 s2, $0x0  }
0x44b: {  	s3 =	rddreg [dreg:$0x2];
	[bflag:$0x3] =	sbarrier.arrive $0xFFFF;
	s2 =	simm.s32 @!p0 $0x1C0D  }
0x44c: {  	[timem:s3], [sflag:s2] =	dma.local @!p0 [hbm:s0], s1  }
0x44d: {  	s0 =	simm.s32 @!p0 $0xD  }
0x44e: {  	_ =	swait.ge @!p0 [sflag:s0], s1  }
0x44f: {  	s1 =	ssub.s32 @!p0 $0x0, s1;
	[sflag:s0] =	ssyncset.done @!p0 $0x0  }
0x450: {  	[sflag:s0] =	ssyncadd.s32 @!p0 s1  }
0x451: {  	[bflag:$0x3] =	sbarrier.arrive $0xFFFF  }
0x452: {  	_ =	shalt  }

</sc_bundles>
